<compile_context>
chip_gen: v7x
topology: tpu7x:2x2x1
jax: 0.10.2.dev20260603
libtpu: 0.0.44.dev20260713+nightly
codegen_flags: <defaults>
</compile_context>

<pallas_src>
import functools

import jax
import jax.numpy as jnp
from jax import lax
from jax.experimental import pallas as pl
from jax.experimental.pallas import tpu as pltpu
from jax.experimental.pallas import tpu_sc as plsc

B = 16384
D = 64
NT = 6
CHUNK = 128
GRP0 = 3
BLK = 1024


def _sc_gather(idxs, tbls_in):
    N = len(tbls_in)
    NP = N // 2
    G0 = N // 2
    info = plsc.get_sparse_core_info()
    NC, NS = info.num_cores, info.num_subcores
    NW = NC * NS
    b_per_w = B // NW
    n_sub = b_per_w // CHUNK
    n_tasks = n_sub * 2

    mesh = plsc.VectorSubcoreMesh(core_axis_name="c", subcore_axis_name="s")

    @functools.partial(
        pl.kernel,
        mesh=mesh,
        out_type=[jax.ShapeDtypeStruct((B, 2 * D), jnp.float32)
                  for _ in range(NP)],
        scratch_types=[
            pltpu.VMEM((N, b_per_w), jnp.int32),
            pltpu.VMEM((N, CHUNK, D), jnp.float32),
            pltpu.SemaphoreType.DMA,
            pltpu.SemaphoreType.DMA,
            pltpu.SemaphoreType.DMA,
            pltpu.SemaphoreType.DMA,
        ],
        compiler_params=pltpu.CompilerParams(use_tc_tiling_on_sc=False),
    )
    def k(*refs):
        idx_hbm = list(refs[:N])
        tbls = list(refs[N:2 * N])
        outs = list(refs[2 * N:2 * N + NP])
        idx_v, bufs, sem_g0, sem_g1, sem_w0, sem_w1 = refs[2 * N + NP:]
        wid = lax.axis_index("s") * NC + lax.axis_index("c")
        base = wid * b_per_w
        sem_g = [sem_g0, sem_g1]
        sem_w = [sem_w0, sem_w1]
        idx_copies = [
            pltpu.async_copy(idx_hbm[t].at[pl.ds(base, b_per_w)],
                             idx_v.at[t], sem_g0)
            for t in range(N)
        ]
        for d in idx_copies:
            d.wait()

        def group_tables(grp):
            return range(G0) if grp == 0 else range(G0, N)

        def fire_task(i):
            c, grp = i // 2, i % 2
            ds = []
            for t in group_tables(grp):
                ds.append(pltpu.async_copy(
                    tbls[t].at[idx_v.at[t, pl.ds(c * CHUNK, CHUNK)]],
                    bufs.at[t], sem_g[grp]))
            return ds

        def fire_writes(i):
            c, grp = i // 2, i % 2
            off = base + c * CHUNK
            ds = []
            for t in group_tables(grp):
                ds.append(pltpu.async_copy(
                    bufs.at[t],
                    outs[t // 2].at[pl.ds(off, CHUNK),
                                    pl.ds((t % 2) * D, D)],
                    sem_w[grp]))
            return ds

        writes = {0: [], 1: []}
        gath = {0: [], 1: []}
        for i in range(n_tasks + 1):
            if i < n_tasks:
                s = i % 2
                for wdesc in writes[s]:
                    wdesc.wait()
                writes[s] = []
                gath[s] = fire_task(i)
            if i >= 1:
                sj = (i - 1) % 2
                for gd in gath[sj]:
                    gd.wait()
                gath[sj] = []
                writes[sj] = fire_writes(i - 1)
        for s in (0, 1):
            for wdesc in writes[s]:
                wdesc.wait()

    return k(*idxs, *tbls_in)


def _sc_gather_small(idxs, hab_t, sub_t, mon_t, hr_t):
    info = plsc.get_sparse_core_info()
    NC, NS = info.num_cores, info.num_subcores
    NW = NC * NS
    b_per_w = B // NW
    n_sub = b_per_w // CHUNK
    n_tasks = n_sub * 2

    mesh = plsc.VectorSubcoreMesh(core_axis_name="c", subcore_axis_name="s")

    @functools.partial(
        pl.kernel,
        mesh=mesh,
        out_type=[jax.ShapeDtypeStruct((B, 2 * D), jnp.float32)
                  for _ in range(2)],
        scratch_types=[
            pltpu.VMEM((4, b_per_w), jnp.int32),
            pltpu.VMEM((2, CHUNK, D), jnp.float32),
            pltpu.VMEM((b_per_w, 2 * D), jnp.float32),
            pltpu.VMEM((12, D), jnp.float32),
            pltpu.VMEM((24, D), jnp.float32),
            pltpu.SemaphoreType.DMA,
            pltpu.SemaphoreType.DMA,
            pltpu.SemaphoreType.DMA,
            pltpu.SemaphoreType.DMA,
        ],
        compiler_params=pltpu.CompilerParams(use_tc_tiling_on_sc=False),
    )
    def k(h_ref, s_ref, m_ref, hr_ref,
          ht_ref, st_ref, mt_ref, hrt_ref,
          o01, o23, idx_v, bufs, mh_buf, mt_v, hr_v,
          sem_g0, sem_g1, sem_w0, sem_w1):
        wid = lax.axis_index("s") * NC + lax.axis_index("c")
        base = wid * b_per_w
        sem_g = [sem_g0, sem_g1]
        sem_w = [sem_w0, sem_w1]
        idx_hbm = [h_ref, s_ref, m_ref, hr_ref]
        stage = [
            pltpu.async_copy(idx_hbm[t].at[pl.ds(base, b_per_w)],
                             idx_v.at[t], sem_g0)
            for t in range(4)
        ]
        stage.append(pltpu.async_copy(mt_ref, mt_v, sem_g0))
        stage.append(pltpu.async_copy(hrt_ref, hr_v, sem_g0))
        for d in stage:
            d.wait()

        def fire_task(i):
            c, t = i // 2, i % 2
            tref = ht_ref if t == 0 else st_ref
            return [pltpu.async_copy(
                tref.at[idx_v.at[t, pl.ds(c * CHUNK, CHUNK)]],
                bufs.at[t], sem_g[t])]

        def fire_writes(i):
            c, t = i // 2, i % 2
            off = base + c * CHUNK
            return [pltpu.async_copy(
                bufs.at[t],
                o01.at[pl.ds(off, CHUNK), pl.ds(t * D, D)],
                sem_w[t])]

        writes = {0: [], 1: []}
        gath = {0: [], 1: []}
        mh_done = [False]
        for i in range(n_tasks + 1):
            if i < n_tasks:
                s = i % 2
                for wdesc in writes[s]:
                    wdesc.wait()
                writes[s] = []
                gath[s] = fire_task(i)
            if not mh_done[0]:
                mh_done[0] = True

                @pl.loop(0, b_per_w // 16)
                def _(g):
                    mv = idx_v[2, pl.ds(g * 16, 16)]
                    hv = idx_v[3, pl.ds(g * 16, 16)]
                    for r in range(16):
                        j = g * 16 + r
                        m = mv[r]
                        h = hv[r]
                        for q in range(D // 16):
                            sl = pl.ds(q * 16, 16)
                            mh_buf[j, sl] = mt_v[m, sl]
                            mh_buf[j, pl.ds(D + q * 16, 16)] = hr_v[h, sl]
            if i >= 1:
                sj = (i - 1) % 2
                for gd in gath[sj]:
                    gd.wait()
                gath[sj] = []
                writes[sj] = fire_writes(i - 1)
        pltpu.sync_copy(mh_buf, o23.at[pl.ds(base, b_per_w)])
        for s in (0, 1):
            for wdesc in writes[s]:
                wdesc.wait()

    return k(*idxs, hab_t, sub_t, mon_t, hr_t)


def _asm_body(p0, p1, p2, lat_ref, lon_ref,
              w1_ref, b1_ref, w2_ref, b2_ref, out_ref):
    for t, p in enumerate((p0, p1, p2)):
        out_ref[:, t * 2 * D:(t + 1) * 2 * D] = p[...]
    h = jnp.maximum(
        lat_ref[...] * w1_ref[0:1, :] + lon_ref[...] * w1_ref[1:2, :]
        + b1_ref[...],
        0.0,
    )
    out_ref[:, NT * D:] = (
        jnp.dot(h, w2_ref[...], preferred_element_type=jnp.float32)
        + b2_ref[...]
    )


def _assemble(planes, latitude, longitude, W1, b1, W2, b2):
    plane_spec = pl.BlockSpec((BLK, 2 * D), lambda i: (i, 0))
    col_spec = pl.BlockSpec((BLK, 1), lambda i: (i, 0))
    w1_spec = pl.BlockSpec((2, 32), lambda i: (0, 0))
    b1_spec = pl.BlockSpec((1, 32), lambda i: (0, 0))
    w2_spec = pl.BlockSpec((32, D), lambda i: (0, 0))
    b2_spec = pl.BlockSpec((1, D), lambda i: (0, 0))
    return pl.pallas_call(
        _asm_body,
        grid=(B // BLK,),
        in_specs=[plane_spec] * 3 + [col_spec, col_spec,
                                     w1_spec, b1_spec, w2_spec, b2_spec],
        out_specs=pl.BlockSpec((BLK, (NT + 1) * D), lambda i: (i, 0)),
        out_shape=jax.ShapeDtypeStruct((B, (NT + 1) * D), jnp.float32),
    )(*planes,
      latitude.reshape(B, 1), longitude.reshape(B, 1),
      W1, b1.reshape(1, 32), W2, b2.reshape(1, D))


def kernel(habitat, substrate, month, hour, camera_model, camera_maker,
           latitude, longitude,
           habitat_table, substrate_table, month_table, hour_table,
           camera_model_table, camera_maker_table, W1, b1, W2, b2):
    idx = [x.astype(jnp.int32) for x in
           (habitat, substrate, month, hour, camera_model, camera_maker)]
    planes_small = _sc_gather_small(
        idx[:4], habitat_table, substrate_table, month_table, hour_table)
    planes_cam = _sc_gather(
        idx[4:], [camera_model_table, camera_maker_table])
    return _assemble(planes_small + planes_cam, latitude, longitude,
                     W1, b1, W2, b2)

# --- scband reference (transcript-rebuilt; emitter-appended) ---
"""Pipeline reference for scband-attribute-embedder-61718680044198 (READ-ONLY COPY).

The authoritative reference and input builder live on the scoring server;
editing this copy changes nothing except your own understanding.
"""

import jax, jax.numpy as jnp
import numpy as np

B = 16384
D = 64

def setup_inputs(seed: int = 0) -> dict:
    key = jax.random.key(seed)
    ks = jax.random.split(key, 18)
    inp = {}
    inp["habitat"] = jax.random.randint(ks[0], (B,), 0, 1000)
    inp["substrate"] = jax.random.randint(ks[1], (B,), 0, 1000)
    inp["month"] = jax.random.randint(ks[2], (B,), 0, 12)
    inp["hour"] = jax.random.randint(ks[3], (B,), 0, 24)
    inp["camera_model"] = jax.random.randint(ks[4], (B,), 0, 100000)
    inp["camera_maker"] = jax.random.randint(ks[5], (B,), 0, 1000)
    inp["latitude"] = jax.random.normal(ks[6], (B,), dtype=jnp.float32)
    inp["longitude"] = jax.random.normal(ks[7], (B,), dtype=jnp.float32)
    inp["habitat_table"] = jax.random.normal(ks[8], (1000, D), dtype=jnp.float32)
    inp["substrate_table"] = jax.random.normal(ks[9], (1000, D), dtype=jnp.float32)
    inp["month_table"] = jax.random.normal(ks[10], (12, D), dtype=jnp.float32)
    inp["hour_table"] = jax.random.normal(ks[11], (24, D), dtype=jnp.float32)
    inp["camera_model_table"] = jax.random.normal(ks[12], (100000, D), dtype=jnp.float32)
    inp["camera_maker_table"] = jax.random.normal(ks[13], (1000, D), dtype=jnp.float32)
    inp["W1"] = jax.random.normal(ks[14], (2, 32), dtype=jnp.float32) * 0.1
    inp["b1"] = jnp.zeros((32,), dtype=jnp.float32)
    inp["W2"] = jax.random.normal(ks[15], (32, D), dtype=jnp.float32) * 0.1
    inp["b2"] = jnp.zeros((D,), dtype=jnp.float32)
    return inp

def reference(habitat, substrate, month, hour, camera_model, camera_maker,
              latitude, longitude,
              habitat_table, substrate_table, month_table, hour_table,
              camera_model_table, camera_maker_table, W1, b1, W2, b2):
    h = jnp.take(habitat_table, habitat, axis=0)
    s = jnp.take(substrate_table, substrate, axis=0)
    m = jnp.take(month_table, month, axis=0)
    hr = jnp.take(hour_table, hour, axis=0)
    cmod = jnp.take(camera_model_table, camera_model, axis=0)
    cmak = jnp.take(camera_maker_table, camera_maker, axis=0)
    geo = jnp.stack([latitude, longitude], axis=1)
    g = jnp.maximum(geo @ W1 + b1, 0.0) @ W2 + b2
    return jnp.concatenate([h, s, m, hr, cmod, cmak, g], axis=1)

if __name__ == "__main__":
    import jax
    _d = setup_inputs()
    print(jax.jit(kernel)(*tuple(_d.values())))

</pallas_src>

<mosaic_0001>
#map = affine_map<(d0, d1) -> (0)>
#map1 = affine_map<(d0, d1) -> (0, 0)>
module attributes {stable_mosaic.version = 14 : i64} {
  func.func @k(%arg0: i32, %arg1: i32, %arg2: memref<16384xi32, #tpu.memory_space<hbm>>, %arg3: memref<16384xi32, #tpu.memory_space<hbm>>, %arg4: memref<100000x64xf32, #tpu.memory_space<hbm>>, %arg5: memref<1000x64xf32, #tpu.memory_space<hbm>>, %arg6: memref<16384x128xf32, #tpu.memory_space<hbm>>, %arg7: memref<2x512xi32, #tpu.memory_space<vmem>>, %arg8: memref<2x128x64xf32, #tpu.memory_space<vmem>>, %arg9: memref<!tpu.dma_semaphore, #tpu.memory_space<semaphore_mem>>, %arg10: memref<!tpu.dma_semaphore, #tpu.memory_space<semaphore_mem>>, %arg11: memref<!tpu.dma_semaphore, #tpu.memory_space<semaphore_mem>>, %arg12: memref<!tpu.dma_semaphore, #tpu.memory_space<semaphore_mem>>) attributes {dimension_semantics = [#tpu.dimension_semantics<core_parallel>, #tpu.dimension_semantics<subcore_parallel>], iteration_bounds = array<i64: 2, 16>, scalar_prefetch = 0 : i64, scratch_operands = 6 : i64, tpu.core_type = #tpu.core_type<sc_vector_subcore>, window_params = [{transform_indices = #map}, {transform_indices = #map}, {transform_indices = #map1}, {transform_indices = #map1}, {transform_indices = #map1}]} {
    %mul3A = arith.constant 2 : i32
    %mul3A_0 = arith.muli %arg1, %mul3A : i32
    %add3A = arith.addi %mul3A_0, %arg0 : i32
    %mul3A_1 = arith.constant 512 : i32
    %mul3A_2 = arith.muli %add3A, %mul3A_1 : i32
    %dma_start3A = arith.constant 0 : i32
    %dma_start3A_3 = arith.constant 0 : i32
    %dma_start3A_4 = tpu.memref_slice %arg7[%dma_start3A, %dma_start3A_3] : memref<2x512xi32, #tpu.memory_space<vmem>> -> memref<1x512xi32, #tpu.memory_space<vmem>>
    %dma_start3A_5 = tpu.memref_squeeze %dma_start3A_4 : memref<1x512xi32, #tpu.memory_space<vmem>> -> memref<512xi32, #tpu.memory_space<vmem>>
    %dma_start3A_6 = tpu.memref_slice %arg2[%mul3A_2] : memref<16384xi32, #tpu.memory_space<hbm>> -> memref<512xi32, #tpu.memory_space<hbm>>
    %dma_start3A_7 = arith.constant 0 : i32
    %dma_start3A_8 = tpu.memref_slice %arg7[%dma_start3A, %dma_start3A_7] : memref<2x512xi32, #tpu.memory_space<vmem>> -> memref<1x512xi32, #tpu.memory_space<vmem>>
    %dma_start3A_9 = tpu.memref_squeeze %dma_start3A_8 : memref<1x512xi32, #tpu.memory_space<vmem>> -> memref<512xi32, #tpu.memory_space<vmem>>
    %dma_start3A_10 = tpu.memref_slice %arg2[%mul3A_2] : memref<16384xi32, #tpu.memory_space<hbm>> -> memref<512xi32, #tpu.memory_space<hbm>>
    tpu.enqueue_dma source(%dma_start3A_10 : memref<512xi32, #tpu.memory_space<hbm>>) target(%dma_start3A_9 : memref<512xi32, #tpu.memory_space<vmem>>) target_semaphore(%arg9 : memref<!tpu.dma_semaphore, #tpu.memory_space<semaphore_mem>>)
    %dma_start3A_11 = arith.constant 1 : i32
    %dma_start3A_12 = arith.constant 0 : i32
    %dma_start3A_13 = tpu.memref_slice %arg7[%dma_start3A_11, %dma_start3A_12] : memref<2x512xi32, #tpu.memory_space<vmem>> -> memref<1x512xi32, #tpu.memory_space<vmem>>
    %dma_start3A_14 = tpu.memref_squeeze %dma_start3A_13 : memref<1x512xi32, #tpu.memory_space<vmem>> -> memref<512xi32, #tpu.memory_space<vmem>>
    %dma_start3A_15 = tpu.memref_slice %arg3[%mul3A_2] : memref<16384xi32, #tpu.memory_space<hbm>> -> memref<512xi32, #tpu.memory_space<hbm>>
    %dma_start3A_16 = arith.constant 0 : i32
    %dma_start3A_17 = tpu.memref_slice %arg7[%dma_start3A_11, %dma_start3A_16] : memref<2x512xi32, #tpu.memory_space<vmem>> -> memref<1x512xi32, #tpu.memory_space<vmem>>
    %dma_start3A_18 = tpu.memref_squeeze %dma_start3A_17 : memref<1x512xi32, #tpu.memory_space<vmem>> -> memref<512xi32, #tpu.memory_space<vmem>>
    %dma_start3A_19 = tpu.memref_slice %arg3[%mul3A_2] : memref<16384xi32, #tpu.memory_space<hbm>> -> memref<512xi32, #tpu.memory_space<hbm>>
    tpu.enqueue_dma source(%dma_start3A_19 : memref<512xi32, #tpu.memory_space<hbm>>) target(%dma_start3A_18 : memref<512xi32, #tpu.memory_space<vmem>>) target_semaphore(%arg9 : memref<!tpu.dma_semaphore, #tpu.memory_space<semaphore_mem>>)
    %dma_wait3A = arith.constant 0 : i32
    %dma_wait3A_20 = arith.constant 0 : i32
    %dma_wait3A_21 = tpu.memref_slice %arg7[%dma_wait3A, %dma_wait3A_20] : memref<2x512xi32, #tpu.memory_space<vmem>> -> memref<1x512xi32, #tpu.memory_space<vmem>>
    %dma_wait3A_22 = tpu.memref_squeeze %dma_wait3A_21 : memref<1x512xi32, #tpu.memory_space<vmem>> -> memref<512xi32, #tpu.memory_space<vmem>>
    %dma_wait3A_23 = tpu.memref_slice %arg2[%mul3A_2] : memref<16384xi32, #tpu.memory_space<hbm>> -> memref<512xi32, #tpu.memory_space<hbm>>
    %dma_wait3A_24 = arith.constant 0 : i32
    %dma_wait3A_25 = tpu.memref_slice %arg7[%dma_wait3A, %dma_wait3A_24] : memref<2x512xi32, #tpu.memory_space<vmem>> -> memref<1x512xi32, #tpu.memory_space<vmem>>
    %dma_wait3A_26 = tpu.memref_squeeze %dma_wait3A_25 : memref<1x512xi32, #tpu.memory_space<vmem>> -> memref<512xi32, #tpu.memory_space<vmem>>
    %dma_wait3A_27 = tpu.memref_slice %arg2[%mul3A_2] : memref<16384xi32, #tpu.memory_space<hbm>> -> memref<512xi32, #tpu.memory_space<hbm>>
    tpu.wait_dma2 semaphore(%arg9 : memref<!tpu.dma_semaphore, #tpu.memory_space<semaphore_mem>>) src(%dma_wait3A_27 : memref<512xi32, #tpu.memory_space<hbm>>) dst(%dma_wait3A_26 : memref<512xi32, #tpu.memory_space<vmem>>)
    %dma_wait3A_28 = arith.constant 1 : i32
    %dma_wait3A_29 = arith.constant 0 : i32
    %dma_wait3A_30 = tpu.memref_slice %arg7[%dma_wait3A_28, %dma_wait3A_29] : memref<2x512xi32, #tpu.memory_space<vmem>> -> memref<1x512xi32, #tpu.memory_space<vmem>>
    %dma_wait3A_31 = tpu.memref_squeeze %dma_wait3A_30 : memref<1x512xi32, #tpu.memory_space<vmem>> -> memref<512xi32, #tpu.memory_space<vmem>>
    %dma_wait3A_32 = tpu.memref_slice %arg3[%mul3A_2] : memref<16384xi32, #tpu.memory_space<hbm>> -> memref<512xi32, #tpu.memory_space<hbm>>
    %dma_wait3A_33 = arith.constant 0 : i32
    %dma_wait3A_34 = tpu.memref_slice %arg7[%dma_wait3A_28, %dma_wait3A_33] : memref<2x512xi32, #tpu.memory_space<vmem>> -> memref<1x512xi32, #tpu.memory_space<vmem>>
    %dma_wait3A_35 = tpu.memref_squeeze %dma_wait3A_34 : memref<1x512xi32, #tpu.memory_space<vmem>> -> memref<512xi32, #tpu.memory_space<vmem>>
    %dma_wait3A_36 = tpu.memref_slice %arg3[%mul3A_2] : memref<16384xi32, #tpu.memory_space<hbm>> -> memref<512xi32, #tpu.memory_space<hbm>>
    tpu.wait_dma2 semaphore(%arg9 : memref<!tpu.dma_semaphore, #tpu.memory_space<semaphore_mem>>) src(%dma_wait3A_36 : memref<512xi32, #tpu.memory_space<hbm>>) dst(%dma_wait3A_35 : memref<512xi32, #tpu.memory_space<vmem>>)
    %dma_start3A_37 = arith.constant 0 : i32
    %dma_start3A_38 = arith.constant 0 : i32
    %dma_start3A_39 = arith.constant 0 : i32
    %dma_start3A_40 = arith.constant 0 : i32
    %dma_start3A_41 = tpu.memref_slice %arg8[%dma_start3A_38, %dma_start3A_39, %dma_start3A_40] : memref<2x128x64xf32, #tpu.memory_space<vmem>> -> memref<1x128x64xf32, #tpu.memory_space<vmem>>
    %dma_start3A_42 = tpu.memref_squeeze %dma_start3A_41 : memref<1x128x64xf32, #tpu.memory_space<vmem>> -> memref<128x64xf32, #tpu.memory_space<vmem>>
    %dma_start3A_43 = arith.constant 0 : i32
    %dma_start3A_44 = tpu.memref_slice %arg7[%dma_start3A_37, %dma_start3A_43] : memref<2x512xi32, #tpu.memory_space<vmem>> -> memref<1x128xi32, #tpu.memory_space<vmem>>
    %dma_start3A_45 = tpu.memref_squeeze %dma_start3A_44 : memref<1x128xi32, #tpu.memory_space<vmem>> -> memref<128xi32, #tpu.memory_space<vmem>>
    %dma_start3A_46 = arith.constant 0 : i32
    %dma_start3A_47 = arith.constant 0 : i32
    %dma_start3A_48 = tpu.memref_slice %arg4[%dma_start3A_46, %dma_start3A_47] : memref<100000x64xf32, #tpu.memory_space<hbm>> -> memref<100000x64xf32, #tpu.memory_space<hbm>>
    tpu.enqueue_indirect_dma source(%dma_start3A_48 : memref<100000x64xf32, #tpu.memory_space<hbm>>) target(%dma_start3A_42 : memref<128x64xf32, #tpu.memory_space<vmem>>) offsets(%dma_start3A_45 : memref<128xi32, #tpu.memory_space<vmem>>) semaphore(%arg9 : memref<!tpu.dma_semaphore, #tpu.memory_space<semaphore_mem>>)
    %dma_start3A_49 = arith.constant 1 : i32
    %dma_start3A_50 = arith.constant 1 : i32
    %dma_start3A_51 = arith.constant 0 : i32
    %dma_start3A_52 = arith.constant 0 : i32
    %dma_start3A_53 = tpu.memref_slice %arg8[%dma_start3A_50, %dma_start3A_51, %dma_start3A_52] : memref<2x128x64xf32, #tpu.memory_space<vmem>> -> memref<1x128x64xf32, #tpu.memory_space<vmem>>
    %dma_start3A_54 = tpu.memref_squeeze %dma_start3A_53 : memref<1x128x64xf32, #tpu.memory_space<vmem>> -> memref<128x64xf32, #tpu.memory_space<vmem>>
    %dma_start3A_55 = arith.constant 0 : i32
    %dma_start3A_56 = tpu.memref_slice %arg7[%dma_start3A_49, %dma_start3A_55] : memref<2x512xi32, #tpu.memory_space<vmem>> -> memref<1x128xi32, #tpu.memory_space<vmem>>
    %dma_start3A_57 = tpu.memref_squeeze %dma_start3A_56 : memref<1x128xi32, #tpu.memory_space<vmem>> -> memref<128xi32, #tpu.memory_space<vmem>>
    %dma_start3A_58 = arith.constant 0 : i32
    %dma_start3A_59 = arith.constant 0 : i32
    %dma_start3A_60 = tpu.memref_slice %arg5[%dma_start3A_58, %dma_start3A_59] : memref<1000x64xf32, #tpu.memory_space<hbm>> -> memref<1000x64xf32, #tpu.memory_space<hbm>>
    tpu.enqueue_indirect_dma source(%dma_start3A_60 : memref<1000x64xf32, #tpu.memory_space<hbm>>) target(%dma_start3A_54 : memref<128x64xf32, #tpu.memory_space<vmem>>) offsets(%dma_start3A_57 : memref<128xi32, #tpu.memory_space<vmem>>) semaphore(%arg10 : memref<!tpu.dma_semaphore, #tpu.memory_space<semaphore_mem>>)
    %dma_wait3A_61 = arith.constant 0 : i32
    %dma_wait3A_62 = arith.constant 0 : i32
    %dma_wait3A_63 = arith.constant 0 : i32
    %dma_wait3A_64 = arith.constant 0 : i32
    %dma_wait3A_65 = tpu.memref_slice %arg8[%dma_wait3A_62, %dma_wait3A_63, %dma_wait3A_64] : memref<2x128x64xf32, #tpu.memory_space<vmem>> -> memref<1x128x64xf32, #tpu.memory_space<vmem>>
    %dma_wait3A_66 = tpu.memref_squeeze %dma_wait3A_65 : memref<1x128x64xf32, #tpu.memory_space<vmem>> -> memref<128x64xf32, #tpu.memory_space<vmem>>
    %dma_wait3A_67 = arith.constant 0 : i32
    %dma_wait3A_68 = tpu.memref_slice %arg7[%dma_wait3A_61, %dma_wait3A_67] : memref<2x512xi32, #tpu.memory_space<vmem>> -> memref<1x128xi32, #tpu.memory_space<vmem>>
    %dma_wait3A_69 = tpu.memref_squeeze %dma_wait3A_68 : memref<1x128xi32, #tpu.memory_space<vmem>> -> memref<128xi32, #tpu.memory_space<vmem>>
    %dma_wait3A_70 = arith.constant 0 : i32
    %dma_wait3A_71 = arith.constant 0 : i32
    %dma_wait3A_72 = tpu.memref_slice %arg4[%dma_wait3A_70, %dma_wait3A_71] : memref<100000x64xf32, #tpu.memory_space<hbm>> -> memref<100000x64xf32, #tpu.memory_space<hbm>>
    tpu.wait_indirect_dma semaphore(%arg9 : memref<!tpu.dma_semaphore, #tpu.memory_space<semaphore_mem>>) src(%dma_wait3A_72 : memref<100000x64xf32, #tpu.memory_space<hbm>>) dst(%dma_wait3A_66 : memref<128x64xf32, #tpu.memory_space<vmem>>)
    %add3A_73 = arith.constant 0 : i32
    %add3A_74 = arith.addi %mul3A_2, %add3A_73 : i32
    %dma_start3A_75 = arith.constant 0 : i32
    %dma_start3A_76 = arith.constant 0 : i32
    %dma_start3A_77 = arith.constant 0 : i32
    %dma_start3A_78 = tpu.memref_slice %arg8[%dma_start3A_75, %dma_start3A_76, %dma_start3A_77] : memref<2x128x64xf32, #tpu.memory_space<vmem>> -> memref<1x128x64xf32, #tpu.memory_space<vmem>>
    %dma_start3A_79 = tpu.memref_squeeze %dma_start3A_78 : memref<1x128x64xf32, #tpu.memory_space<vmem>> -> memref<128x64xf32, #tpu.memory_space<vmem>>
    %dma_start3A_80 = arith.constant 0 : i32
    %dma_start3A_81 = tpu.memref_slice %arg6[%add3A_74, %dma_start3A_80] : memref<16384x128xf32, #tpu.memory_space<hbm>> -> memref<128x64xf32, #tpu.memory_space<hbm>>
    %dma_start3A_82 = arith.constant 0 : i32
    %dma_start3A_83 = tpu.memref_slice %arg6[%add3A_74, %dma_start3A_82] : memref<16384x128xf32, #tpu.memory_space<hbm>> -> memref<128x64xf32, #tpu.memory_space<hbm>>
    %dma_start3A_84 = arith.constant 0 : i32
    %dma_start3A_85 = arith.constant 0 : i32
    %dma_start3A_86 = tpu.memref_slice %arg8[%dma_start3A_75, %dma_start3A_84, %dma_start3A_85] : memref<2x128x64xf32, #tpu.memory_space<vmem>> -> memref<1x128x64xf32, #tpu.memory_space<vmem>>
    %dma_start3A_87 = tpu.memref_squeeze %dma_start3A_86 : memref<1x128x64xf32, #tpu.memory_space<vmem>> -> memref<128x64xf32, #tpu.memory_space<vmem>>
    tpu.enqueue_dma source(%dma_start3A_87 : memref<128x64xf32, #tpu.memory_space<vmem>>) target(%dma_start3A_83 : memref<128x64xf32, #tpu.memory_space<hbm>>) target_semaphore(%arg11 : memref<!tpu.dma_semaphore, #tpu.memory_space<semaphore_mem>>)
    %dma_wait3A_88 = arith.constant 0 : i32
    %dma_wait3A_89 = arith.constant 0 : i32
    %dma_wait3A_90 = arith.constant 0 : i32
    %dma_wait3A_91 = tpu.memref_slice %arg8[%dma_wait3A_88, %dma_wait3A_89, %dma_wait3A_90] : memref<2x128x64xf32, #tpu.memory_space<vmem>> -> memref<1x128x64xf32, #tpu.memory_space<vmem>>
    %dma_wait3A_92 = tpu.memref_squeeze %dma_wait3A_91 : memref<1x128x64xf32, #tpu.memory_space<vmem>> -> memref<128x64xf32, #tpu.memory_space<vmem>>
    %dma_wait3A_93 = arith.constant 0 : i32
    %dma_wait3A_94 = tpu.memref_slice %arg6[%add3A_74, %dma_wait3A_93] : memref<16384x128xf32, #tpu.memory_space<hbm>> -> memref<128x64xf32, #tpu.memory_space<hbm>>
    %dma_wait3A_95 = arith.constant 0 : i32
    %dma_wait3A_96 = tpu.memref_slice %arg6[%add3A_74, %dma_wait3A_95] : memref<16384x128xf32, #tpu.memory_space<hbm>> -> memref<128x64xf32, #tpu.memory_space<hbm>>
    %dma_wait3A_97 = arith.constant 0 : i32
    %dma_wait3A_98 = arith.constant 0 : i32
    %dma_wait3A_99 = tpu.memref_slice %arg8[%dma_wait3A_88, %dma_wait3A_97, %dma_wait3A_98] : memref<2x128x64xf32, #tpu.memory_space<vmem>> -> memref<1x128x64xf32, #tpu.memory_space<vmem>>
    %dma_wait3A_100 = tpu.memref_squeeze %dma_wait3A_99 : memref<1x128x64xf32, #tpu.memory_space<vmem>> -> memref<128x64xf32, #tpu.memory_space<vmem>>
    tpu.wait_dma2 semaphore(%arg11 : memref<!tpu.dma_semaphore, #tpu.memory_space<semaphore_mem>>) src(%dma_wait3A_100 : memref<128x64xf32, #tpu.memory_space<vmem>>) dst(%dma_wait3A_96 : memref<128x64xf32, #tpu.memory_space<hbm>>)
    %dma_start3A_101 = arith.constant 0 : i32
    %dma_start3A_102 = arith.constant 0 : i32
    %dma_start3A_103 = arith.constant 0 : i32
    %dma_start3A_104 = arith.constant 0 : i32
    %dma_start3A_105 = tpu.memref_slice %arg8[%dma_start3A_102, %dma_start3A_103, %dma_start3A_104] : memref<2x128x64xf32, #tpu.memory_space<vmem>> -> memref<1x128x64xf32, #tpu.memory_space<vmem>>
    %dma_start3A_106 = tpu.memref_squeeze %dma_start3A_105 : memref<1x128x64xf32, #tpu.memory_space<vmem>> -> memref<128x64xf32, #tpu.memory_space<vmem>>
    %dma_start3A_107 = arith.constant 128 : i32
    %dma_start3A_108 = tpu.memref_slice %arg7[%dma_start3A_101, %dma_start3A_107] : memref<2x512xi32, #tpu.memory_space<vmem>> -> memref<1x128xi32, #tpu.memory_space<vmem>>
    %dma_start3A_109 = tpu.memref_squeeze %dma_start3A_108 : memref<1x128xi32, #tpu.memory_space<vmem>> -> memref<128xi32, #tpu.memory_space<vmem>>
    %dma_start3A_110 = arith.constant 0 : i32
    %dma_start3A_111 = arith.constant 0 : i32
    %dma_start3A_112 = tpu.memref_slice %arg4[%dma_start3A_110, %dma_start3A_111] : memref<100000x64xf32, #tpu.memory_space<hbm>> -> memref<100000x64xf32, #tpu.memory_space<hbm>>
    tpu.enqueue_indirect_dma source(%dma_start3A_112 : memref<100000x64xf32, #tpu.memory_space<hbm>>) target(%dma_start3A_106 : memref<128x64xf32, #tpu.memory_space<vmem>>) offsets(%dma_start3A_109 : memref<128xi32, #tpu.memory_space<vmem>>) semaphore(%arg9 : memref<!tpu.dma_semaphore, #tpu.memory_space<semaphore_mem>>)
    %dma_wait3A_113 = arith.constant 1 : i32
    %dma_wait3A_114 = arith.constant 1 : i32
    %dma_wait3A_115 = arith.constant 0 : i32
    %dma_wait3A_116 = arith.constant 0 : i32
    %dma_wait3A_117 = tpu.memref_slice %arg8[%dma_wait3A_114, %dma_wait3A_115, %dma_wait3A_116] : memref<2x128x64xf32, #tpu.memory_space<vmem>> -> memref<1x128x64xf32, #tpu.memory_space<vmem>>
    %dma_wait3A_118 = tpu.memref_squeeze %dma_wait3A_117 : memref<1x128x64xf32, #tpu.memory_space<vmem>> -> memref<128x64xf32, #tpu.memory_space<vmem>>
    %dma_wait3A_119 = arith.constant 0 : i32
    %dma_wait3A_120 = tpu.memref_slice %arg7[%dma_wait3A_113, %dma_wait3A_119] : memref<2x512xi32, #tpu.memory_space<vmem>> -> memref<1x128xi32, #tpu.memory_space<vmem>>
    %dma_wait3A_121 = tpu.memref_squeeze %dma_wait3A_120 : memref<1x128xi32, #tpu.memory_space<vmem>> -> memref<128xi32, #tpu.memory_space<vmem>>
    %dma_wait3A_122 = arith.constant 0 : i32
    %dma_wait3A_123 = arith.constant 0 : i32
    %dma_wait3A_124 = tpu.memref_slice %arg5[%dma_wait3A_122, %dma_wait3A_123] : memref<1000x64xf32, #tpu.memory_space<hbm>> -> memref<1000x64xf32, #tpu.memory_space<hbm>>
    tpu.wait_indirect_dma semaphore(%arg10 : memref<!tpu.dma_semaphore, #tpu.memory_space<semaphore_mem>>) src(%dma_wait3A_124 : memref<1000x64xf32, #tpu.memory_space<hbm>>) dst(%dma_wait3A_118 : memref<128x64xf32, #tpu.memory_space<vmem>>)
    %add3A_125 = arith.constant 0 : i32
    %add3A_126 = arith.addi %mul3A_2, %add3A_125 : i32
    %dma_start3A_127 = arith.constant 1 : i32
    %dma_start3A_128 = arith.constant 0 : i32
    %dma_start3A_129 = arith.constant 0 : i32
    %dma_start3A_130 = tpu.memref_slice %arg8[%dma_start3A_127, %dma_start3A_128, %dma_start3A_129] : memref<2x128x64xf32, #tpu.memory_space<vmem>> -> memref<1x128x64xf32, #tpu.memory_space<vmem>>
    %dma_start3A_131 = tpu.memref_squeeze %dma_start3A_130 : memref<1x128x64xf32, #tpu.memory_space<vmem>> -> memref<128x64xf32, #tpu.memory_space<vmem>>
    %dma_start3A_132 = arith.constant 64 : i32
    %dma_start3A_133 = tpu.memref_slice %arg6[%add3A_126, %dma_start3A_132] : memref<16384x128xf32, #tpu.memory_space<hbm>> -> memref<128x64xf32, #tpu.memory_space<hbm>>
    %dma_start3A_134 = arith.constant 64 : i32
    %dma_start3A_135 = tpu.memref_slice %arg6[%add3A_126, %dma_start3A_134] : memref<16384x128xf32, #tpu.memory_space<hbm>> -> memref<128x64xf32, #tpu.memory_space<hbm>>
    %dma_start3A_136 = arith.constant 0 : i32
    %dma_start3A_137 = arith.constant 0 : i32
    %dma_start3A_138 = tpu.memref_slice %arg8[%dma_start3A_127, %dma_start3A_136, %dma_start3A_137] : memref<2x128x64xf32, #tpu.memory_space<vmem>> -> memref<1x128x64xf32, #tpu.memory_space<vmem>>
    %dma_start3A_139 = tpu.memref_squeeze %dma_start3A_138 : memref<1x128x64xf32, #tpu.memory_space<vmem>> -> memref<128x64xf32, #tpu.memory_space<vmem>>
    tpu.enqueue_dma source(%dma_start3A_139 : memref<128x64xf32, #tpu.memory_space<vmem>>) target(%dma_start3A_135 : memref<128x64xf32, #tpu.memory_space<hbm>>) target_semaphore(%arg12 : memref<!tpu.dma_semaphore, #tpu.memory_space<semaphore_mem>>)
    %dma_wait3A_140 = arith.constant 1 : i32
    %dma_wait3A_141 = arith.constant 0 : i32
    %dma_wait3A_142 = arith.constant 0 : i32
    %dma_wait3A_143 = tpu.memref_slice %arg8[%dma_wait3A_140, %dma_wait3A_141, %dma_wait3A_142] : memref<2x128x64xf32, #tpu.memory_space<vmem>> -> memref<1x128x64xf32, #tpu.memory_space<vmem>>
    %dma_wait3A_144 = tpu.memref_squeeze %dma_wait3A_143 : memref<1x128x64xf32, #tpu.memory_space<vmem>> -> memref<128x64xf32, #tpu.memory_space<vmem>>
    %dma_wait3A_145 = arith.constant 64 : i32
    %dma_wait3A_146 = tpu.memref_slice %arg6[%add3A_126, %dma_wait3A_145] : memref<16384x128xf32, #tpu.memory_space<hbm>> -> memref<128x64xf32, #tpu.memory_space<hbm>>
    %dma_wait3A_147 = arith.constant 64 : i32
    %dma_wait3A_148 = tpu.memref_slice %arg6[%add3A_126, %dma_wait3A_147] : memref<16384x128xf32, #tpu.memory_space<hbm>> -> memref<128x64xf32, #tpu.memory_space<hbm>>
    %dma_wait3A_149 = arith.constant 0 : i32
    %dma_wait3A_150 = arith.constant 0 : i32
    %dma_wait3A_151 = tpu.memref_slice %arg8[%dma_wait3A_140, %dma_wait3A_149, %dma_wait3A_150] : memref<2x128x64xf32, #tpu.memory_space<vmem>> -> memref<1x128x64xf32, #tpu.memory_space<vmem>>
    %dma_wait3A_152 = tpu.memref_squeeze %dma_wait3A_151 : memref<1x128x64xf32, #tpu.memory_space<vmem>> -> memref<128x64xf32, #tpu.memory_space<vmem>>
    tpu.wait_dma2 semaphore(%arg12 : memref<!tpu.dma_semaphore, #tpu.memory_space<semaphore_mem>>) src(%dma_wait3A_152 : memref<128x64xf32, #tpu.memory_space<vmem>>) dst(%dma_wait3A_148 : memref<128x64xf32, #tpu.memory_space<hbm>>)
    %dma_start3A_153 = arith.constant 1 : i32
    %dma_start3A_154 = arith.constant 1 : i32
    %dma_start3A_155 = arith.constant 0 : i32
    %dma_start3A_156 = arith.constant 0 : i32
    %dma_start3A_157 = tpu.memref_slice %arg8[%dma_start3A_154, %dma_start3A_155, %dma_start3A_156] : memref<2x128x64xf32, #tpu.memory_space<vmem>> -> memref<1x128x64xf32, #tpu.memory_space<vmem>>
    %dma_start3A_158 = tpu.memref_squeeze %dma_start3A_157 : memref<1x128x64xf32, #tpu.memory_space<vmem>> -> memref<128x64xf32, #tpu.memory_space<vmem>>
    %dma_start3A_159 = arith.constant 128 : i32
    %dma_start3A_160 = tpu.memref_slice %arg7[%dma_start3A_153, %dma_start3A_159] : memref<2x512xi32, #tpu.memory_space<vmem>> -> memref<1x128xi32, #tpu.memory_space<vmem>>
    %dma_start3A_161 = tpu.memref_squeeze %dma_start3A_160 : memref<1x128xi32, #tpu.memory_space<vmem>> -> memref<128xi32, #tpu.memory_space<vmem>>
    %dma_start3A_162 = arith.constant 0 : i32
    %dma_start3A_163 = arith.constant 0 : i32
    %dma_start3A_164 = tpu.memref_slice %arg5[%dma_start3A_162, %dma_start3A_163] : memref<1000x64xf32, #tpu.memory_space<hbm>> -> memref<1000x64xf32, #tpu.memory_space<hbm>>
    tpu.enqueue_indirect_dma source(%dma_start3A_164 : memref<1000x64xf32, #tpu.memory_space<hbm>>) target(%dma_start3A_158 : memref<128x64xf32, #tpu.memory_space<vmem>>) offsets(%dma_start3A_161 : memref<128xi32, #tpu.memory_space<vmem>>) semaphore(%arg10 : memref<!tpu.dma_semaphore, #tpu.memory_space<semaphore_mem>>)
    %dma_wait3A_165 = arith.constant 0 : i32
    %dma_wait3A_166 = arith.constant 0 : i32
    %dma_wait3A_167 = arith.constant 0 : i32
    %dma_wait3A_168 = arith.constant 0 : i32
    %dma_wait3A_169 = tpu.memref_slice %arg8[%dma_wait3A_166, %dma_wait3A_167, %dma_wait3A_168] : memref<2x128x64xf32, #tpu.memory_space<vmem>> -> memref<1x128x64xf32, #tpu.memory_space<vmem>>
    %dma_wait3A_170 = tpu.memref_squeeze %dma_wait3A_169 : memref<1x128x64xf32, #tpu.memory_space<vmem>> -> memref<128x64xf32, #tpu.memory_space<vmem>>
    %dma_wait3A_171 = arith.constant 128 : i32
    %dma_wait3A_172 = tpu.memref_slice %arg7[%dma_wait3A_165, %dma_wait3A_171] : memref<2x512xi32, #tpu.memory_space<vmem>> -> memref<1x128xi32, #tpu.memory_space<vmem>>
    %dma_wait3A_173 = tpu.memref_squeeze %dma_wait3A_172 : memref<1x128xi32, #tpu.memory_space<vmem>> -> memref<128xi32, #tpu.memory_space<vmem>>
    %dma_wait3A_174 = arith.constant 0 : i32
    %dma_wait3A_175 = arith.constant 0 : i32
    %dma_wait3A_176 = tpu.memref_slice %arg4[%dma_wait3A_174, %dma_wait3A_175] : memref<100000x64xf32, #tpu.memory_space<hbm>> -> memref<100000x64xf32, #tpu.memory_space<hbm>>
    tpu.wait_indirect_dma semaphore(%arg9 : memref<!tpu.dma_semaphore, #tpu.memory_space<semaphore_mem>>) src(%dma_wait3A_176 : memref<100000x64xf32, #tpu.memory_space<hbm>>) dst(%dma_wait3A_170 : memref<128x64xf32, #tpu.memory_space<vmem>>)
    %add3A_177 = arith.constant 128 : i32
    %add3A_178 = arith.addi %mul3A_2, %add3A_177 : i32
    %dma_start3A_179 = arith.constant 0 : i32
    %dma_start3A_180 = arith.constant 0 : i32
    %dma_start3A_181 = arith.constant 0 : i32
    %dma_start3A_182 = tpu.memref_slice %arg8[%dma_start3A_179, %dma_start3A_180, %dma_start3A_181] : memref<2x128x64xf32, #tpu.memory_space<vmem>> -> memref<1x128x64xf32, #tpu.memory_space<vmem>>
    %dma_start3A_183 = tpu.memref_squeeze %dma_start3A_182 : memref<1x128x64xf32, #tpu.memory_space<vmem>> -> memref<128x64xf32, #tpu.memory_space<vmem>>
    %dma_start3A_184 = arith.constant 0 : i32
    %dma_start3A_185 = tpu.memref_slice %arg6[%add3A_178, %dma_start3A_184] : memref<16384x128xf32, #tpu.memory_space<hbm>> -> memref<128x64xf32, #tpu.memory_space<hbm>>
    %dma_start3A_186 = arith.constant 0 : i32
    %dma_start3A_187 = tpu.memref_slice %arg6[%add3A_178, %dma_start3A_186] : memref<16384x128xf32, #tpu.memory_space<hbm>> -> memref<128x64xf32, #tpu.memory_space<hbm>>
    %dma_start3A_188 = arith.constant 0 : i32
    %dma_start3A_189 = arith.constant 0 : i32
    %dma_start3A_190 = tpu.memref_slice %arg8[%dma_start3A_179, %dma_start3A_188, %dma_start3A_189] : memref<2x128x64xf32, #tpu.memory_space<vmem>> -> memref<1x128x64xf32, #tpu.memory_space<vmem>>
    %dma_start3A_191 = tpu.memref_squeeze %dma_start3A_190 : memref<1x128x64xf32, #tpu.memory_space<vmem>> -> memref<128x64xf32, #tpu.memory_space<vmem>>
    tpu.enqueue_dma source(%dma_start3A_191 : memref<128x64xf32, #tpu.memory_space<vmem>>) target(%dma_start3A_187 : memref<128x64xf32, #tpu.memory_space<hbm>>) target_semaphore(%arg11 : memref<!tpu.dma_semaphore, #tpu.memory_space<semaphore_mem>>)
    %dma_wait3A_192 = arith.constant 0 : i32
    %dma_wait3A_193 = arith.constant 0 : i32
    %dma_wait3A_194 = arith.constant 0 : i32
    %dma_wait3A_195 = tpu.memref_slice %arg8[%dma_wait3A_192, %dma_wait3A_193, %dma_wait3A_194] : memref<2x128x64xf32, #tpu.memory_space<vmem>> -> memref<1x128x64xf32, #tpu.memory_space<vmem>>
    %dma_wait3A_196 = tpu.memref_squeeze %dma_wait3A_195 : memref<1x128x64xf32, #tpu.memory_space<vmem>> -> memref<128x64xf32, #tpu.memory_space<vmem>>
    %dma_wait3A_197 = arith.constant 0 : i32
    %dma_wait3A_198 = tpu.memref_slice %arg6[%add3A_178, %dma_wait3A_197] : memref<16384x128xf32, #tpu.memory_space<hbm>> -> memref<128x64xf32, #tpu.memory_space<hbm>>
    %dma_wait3A_199 = arith.constant 0 : i32
    %dma_wait3A_200 = tpu.memref_slice %arg6[%add3A_178, %dma_wait3A_199] : memref<16384x128xf32, #tpu.memory_space<hbm>> -> memref<128x64xf32, #tpu.memory_space<hbm>>
    %dma_wait3A_201 = arith.constant 0 : i32
    %dma_wait3A_202 = arith.constant 0 : i32
    %dma_wait3A_203 = tpu.memref_slice %arg8[%dma_wait3A_192, %dma_wait3A_201, %dma_wait3A_202] : memref<2x128x64xf32, #tpu.memory_space<vmem>> -> memref<1x128x64xf32, #tpu.memory_space<vmem>>
    %dma_wait3A_204 = tpu.memref_squeeze %dma_wait3A_203 : memref<1x128x64xf32, #tpu.memory_space<vmem>> -> memref<128x64xf32, #tpu.memory_space<vmem>>
    tpu.wait_dma2 semaphore(%arg11 : memref<!tpu.dma_semaphore, #tpu.memory_space<semaphore_mem>>) src(%dma_wait3A_204 : memref<128x64xf32, #tpu.memory_space<vmem>>) dst(%dma_wait3A_200 : memref<128x64xf32, #tpu.memory_space<hbm>>)
    %dma_start3A_205 = arith.constant 0 : i32
    %dma_start3A_206 = arith.constant 0 : i32
    %dma_start3A_207 = arith.constant 0 : i32
    %dma_start3A_208 = arith.constant 0 : i32
    %dma_start3A_209 = tpu.memref_slice %arg8[%dma_start3A_206, %dma_start3A_207, %dma_start3A_208] : memref<2x128x64xf32, #tpu.memory_space<vmem>> -> memref<1x128x64xf32, #tpu.memory_space<vmem>>
    %dma_start3A_210 = tpu.memref_squeeze %dma_start3A_209 : memref<1x128x64xf32, #tpu.memory_space<vmem>> -> memref<128x64xf32, #tpu.memory_space<vmem>>
    %dma_start3A_211 = arith.constant 256 : i32
    %dma_start3A_212 = tpu.memref_slice %arg7[%dma_start3A_205, %dma_start3A_211] : memref<2x512xi32, #tpu.memory_space<vmem>> -> memref<1x128xi32, #tpu.memory_space<vmem>>
    %dma_start3A_213 = tpu.memref_squeeze %dma_start3A_212 : memref<1x128xi32, #tpu.memory_space<vmem>> -> memref<128xi32, #tpu.memory_space<vmem>>
    %dma_start3A_214 = arith.constant 0 : i32
    %dma_start3A_215 = arith.constant 0 : i32
    %dma_start3A_216 = tpu.memref_slice %arg4[%dma_start3A_214, %dma_start3A_215] : memref<100000x64xf32, #tpu.memory_space<hbm>> -> memref<100000x64xf32, #tpu.memory_space<hbm>>
    tpu.enqueue_indirect_dma source(%dma_start3A_216 : memref<100000x64xf32, #tpu.memory_space<hbm>>) target(%dma_start3A_210 : memref<128x64xf32, #tpu.memory_space<vmem>>) offsets(%dma_start3A_213 : memref<128xi32, #tpu.memory_space<vmem>>) semaphore(%arg9 : memref<!tpu.dma_semaphore, #tpu.memory_space<semaphore_mem>>)
    %dma_wait3A_217 = arith.constant 1 : i32
    %dma_wait3A_218 = arith.constant 1 : i32
    %dma_wait3A_219 = arith.constant 0 : i32
    %dma_wait3A_220 = arith.constant 0 : i32
    %dma_wait3A_221 = tpu.memref_slice %arg8[%dma_wait3A_218, %dma_wait3A_219, %dma_wait3A_220] : memref<2x128x64xf32, #tpu.memory_space<vmem>> -> memref<1x128x64xf32, #tpu.memory_space<vmem>>
    %dma_wait3A_222 = tpu.memref_squeeze %dma_wait3A_221 : memref<1x128x64xf32, #tpu.memory_space<vmem>> -> memref<128x64xf32, #tpu.memory_space<vmem>>
    %dma_wait3A_223 = arith.constant 128 : i32
    %dma_wait3A_224 = tpu.memref_slice %arg7[%dma_wait3A_217, %dma_wait3A_223] : memref<2x512xi32, #tpu.memory_space<vmem>> -> memref<1x128xi32, #tpu.memory_space<vmem>>
    %dma_wait3A_225 = tpu.memref_squeeze %dma_wait3A_224 : memref<1x128xi32, #tpu.memory_space<vmem>> -> memref<128xi32, #tpu.memory_space<vmem>>
    %dma_wait3A_226 = arith.constant 0 : i32
    %dma_wait3A_227 = arith.constant 0 : i32
    %dma_wait3A_228 = tpu.memref_slice %arg5[%dma_wait3A_226, %dma_wait3A_227] : memref<1000x64xf32, #tpu.memory_space<hbm>> -> memref<1000x64xf32, #tpu.memory_space<hbm>>
    tpu.wait_indirect_dma semaphore(%arg10 : memref<!tpu.dma_semaphore, #tpu.memory_space<semaphore_mem>>) src(%dma_wait3A_228 : memref<1000x64xf32, #tpu.memory_space<hbm>>) dst(%dma_wait3A_222 : memref<128x64xf32, #tpu.memory_space<vmem>>)
    %add3A_229 = arith.constant 128 : i32
    %add3A_230 = arith.addi %mul3A_2, %add3A_229 : i32
    %dma_start3A_231 = arith.constant 1 : i32
    %dma_start3A_232 = arith.constant 0 : i32
    %dma_start3A_233 = arith.constant 0 : i32
    %dma_start3A_234 = tpu.memref_slice %arg8[%dma_start3A_231, %dma_start3A_232, %dma_start3A_233] : memref<2x128x64xf32, #tpu.memory_space<vmem>> -> memref<1x128x64xf32, #tpu.memory_space<vmem>>
    %dma_start3A_235 = tpu.memref_squeeze %dma_start3A_234 : memref<1x128x64xf32, #tpu.memory_space<vmem>> -> memref<128x64xf32, #tpu.memory_space<vmem>>
    %dma_start3A_236 = arith.constant 64 : i32
    %dma_start3A_237 = tpu.memref_slice %arg6[%add3A_230, %dma_start3A_236] : memref<16384x128xf32, #tpu.memory_space<hbm>> -> memref<128x64xf32, #tpu.memory_space<hbm>>
    %dma_start3A_238 = arith.constant 64 : i32
    %dma_start3A_239 = tpu.memref_slice %arg6[%add3A_230, %dma_start3A_238] : memref<16384x128xf32, #tpu.memory_space<hbm>> -> memref<128x64xf32, #tpu.memory_space<hbm>>
    %dma_start3A_240 = arith.constant 0 : i32
    %dma_start3A_241 = arith.constant 0 : i32
    %dma_start3A_242 = tpu.memref_slice %arg8[%dma_start3A_231, %dma_start3A_240, %dma_start3A_241] : memref<2x128x64xf32, #tpu.memory_space<vmem>> -> memref<1x128x64xf32, #tpu.memory_space<vmem>>
    %dma_start3A_243 = tpu.memref_squeeze %dma_start3A_242 : memref<1x128x64xf32, #tpu.memory_space<vmem>> -> memref<128x64xf32, #tpu.memory_space<vmem>>
    tpu.enqueue_dma source(%dma_start3A_243 : memref<128x64xf32, #tpu.memory_space<vmem>>) target(%dma_start3A_239 : memref<128x64xf32, #tpu.memory_space<hbm>>) target_semaphore(%arg12 : memref<!tpu.dma_semaphore, #tpu.memory_space<semaphore_mem>>)
    %dma_wait3A_244 = arith.constant 1 : i32
    %dma_wait3A_245 = arith.constant 0 : i32
    %dma_wait3A_246 = arith.constant 0 : i32
    %dma_wait3A_247 = tpu.memref_slice %arg8[%dma_wait3A_244, %dma_wait3A_245, %dma_wait3A_246] : memref<2x128x64xf32, #tpu.memory_space<vmem>> -> memref<1x128x64xf32, #tpu.memory_space<vmem>>
    %dma_wait3A_248 = tpu.memref_squeeze %dma_wait3A_247 : memref<1x128x64xf32, #tpu.memory_space<vmem>> -> memref<128x64xf32, #tpu.memory_space<vmem>>
    %dma_wait3A_249 = arith.constant 64 : i32
    %dma_wait3A_250 = tpu.memref_slice %arg6[%add3A_230, %dma_wait3A_249] : memref<16384x128xf32, #tpu.memory_space<hbm>> -> memref<128x64xf32, #tpu.memory_space<hbm>>
    %dma_wait3A_251 = arith.constant 64 : i32
    %dma_wait3A_252 = tpu.memref_slice %arg6[%add3A_230, %dma_wait3A_251] : memref<16384x128xf32, #tpu.memory_space<hbm>> -> memref<128x64xf32, #tpu.memory_space<hbm>>
    %dma_wait3A_253 = arith.constant 0 : i32
    %dma_wait3A_254 = arith.constant 0 : i32
    %dma_wait3A_255 = tpu.memref_slice %arg8[%dma_wait3A_244, %dma_wait3A_253, %dma_wait3A_254] : memref<2x128x64xf32, #tpu.memory_space<vmem>> -> memref<1x128x64xf32, #tpu.memory_space<vmem>>
    %dma_wait3A_256 = tpu.memref_squeeze %dma_wait3A_255 : memref<1x128x64xf32, #tpu.memory_space<vmem>> -> memref<128x64xf32, #tpu.memory_space<vmem>>
    tpu.wait_dma2 semaphore(%arg12 : memref<!tpu.dma_semaphore, #tpu.memory_space<semaphore_mem>>) src(%dma_wait3A_256 : memref<128x64xf32, #tpu.memory_space<vmem>>) dst(%dma_wait3A_252 : memref<128x64xf32, #tpu.memory_space<hbm>>)
    %dma_start3A_257 = arith.constant 1 : i32
    %dma_start3A_258 = arith.constant 1 : i32
    %dma_start3A_259 = arith.constant 0 : i32
    %dma_start3A_260 = arith.constant 0 : i32
    %dma_start3A_261 = tpu.memref_slice %arg8[%dma_start3A_258, %dma_start3A_259, %dma_start3A_260] : memref<2x128x64xf32, #tpu.memory_space<vmem>> -> memref<1x128x64xf32, #tpu.memory_space<vmem>>
    %dma_start3A_262 = tpu.memref_squeeze %dma_start3A_261 : memref<1x128x64xf32, #tpu.memory_space<vmem>> -> memref<128x64xf32, #tpu.memory_space<vmem>>
    %dma_start3A_263 = arith.constant 256 : i32
    %dma_start3A_264 = tpu.memref_slice %arg7[%dma_start3A_257, %dma_start3A_263] : memref<2x512xi32, #tpu.memory_space<vmem>> -> memref<1x128xi32, #tpu.memory_space<vmem>>
    %dma_start3A_265 = tpu.memref_squeeze %dma_start3A_264 : memref<1x128xi32, #tpu.memory_space<vmem>> -> memref<128xi32, #tpu.memory_space<vmem>>
    %dma_start3A_266 = arith.constant 0 : i32
    %dma_start3A_267 = arith.constant 0 : i32
    %dma_start3A_268 = tpu.memref_slice %arg5[%dma_start3A_266, %dma_start3A_267] : memref<1000x64xf32, #tpu.memory_space<hbm>> -> memref<1000x64xf32, #tpu.memory_space<hbm>>
    tpu.enqueue_indirect_dma source(%dma_start3A_268 : memref<1000x64xf32, #tpu.memory_space<hbm>>) target(%dma_start3A_262 : memref<128x64xf32, #tpu.memory_space<vmem>>) offsets(%dma_start3A_265 : memref<128xi32, #tpu.memory_space<vmem>>) semaphore(%arg10 : memref<!tpu.dma_semaphore, #tpu.memory_space<semaphore_mem>>)
    %dma_wait3A_269 = arith.constant 0 : i32
    %dma_wait3A_270 = arith.constant 0 : i32
    %dma_wait3A_271 = arith.constant 0 : i32
    %dma_wait3A_272 = arith.constant 0 : i32
    %dma_wait3A_273 = tpu.memref_slice %arg8[%dma_wait3A_270, %dma_wait3A_271, %dma_wait3A_272] : memref<2x128x64xf32, #tpu.memory_space<vmem>> -> memref<1x128x64xf32, #tpu.memory_space<vmem>>
    %dma_wait3A_274 = tpu.memref_squeeze %dma_wait3A_273 : memref<1x128x64xf32, #tpu.memory_space<vmem>> -> memref<128x64xf32, #tpu.memory_space<vmem>>
    %dma_wait3A_275 = arith.constant 256 : i32
    %dma_wait3A_276 = tpu.memref_slice %arg7[%dma_wait3A_269, %dma_wait3A_275] : memref<2x512xi32, #tpu.memory_space<vmem>> -> memref<1x128xi32, #tpu.memory_space<vmem>>
    %dma_wait3A_277 = tpu.memref_squeeze %dma_wait3A_276 : memref<1x128xi32, #tpu.memory_space<vmem>> -> memref<128xi32, #tpu.memory_space<vmem>>
    %dma_wait3A_278 = arith.constant 0 : i32
    %dma_wait3A_279 = arith.constant 0 : i32
    %dma_wait3A_280 = tpu.memref_slice %arg4[%dma_wait3A_278, %dma_wait3A_279] : memref<100000x64xf32, #tpu.memory_space<hbm>> -> memref<100000x64xf32, #tpu.memory_space<hbm>>
    tpu.wait_indirect_dma semaphore(%arg9 : memref<!tpu.dma_semaphore, #tpu.memory_space<semaphore_mem>>) src(%dma_wait3A_280 : memref<100000x64xf32, #tpu.memory_space<hbm>>) dst(%dma_wait3A_274 : memref<128x64xf32, #tpu.memory_space<vmem>>)
    %add3A_281 = arith.constant 256 : i32
    %add3A_282 = arith.addi %mul3A_2, %add3A_281 : i32
    %dma_start3A_283 = arith.constant 0 : i32
    %dma_start3A_284 = arith.constant 0 : i32
    %dma_start3A_285 = arith.constant 0 : i32
    %dma_start3A_286 = tpu.memref_slice %arg8[%dma_start3A_283, %dma_start3A_284, %dma_start3A_285] : memref<2x128x64xf32, #tpu.memory_space<vmem>> -> memref<1x128x64xf32, #tpu.memory_space<vmem>>
    %dma_start3A_287 = tpu.memref_squeeze %dma_start3A_286 : memref<1x128x64xf32, #tpu.memory_space<vmem>> -> memref<128x64xf32, #tpu.memory_space<vmem>>
    %dma_start3A_288 = arith.constant 0 : i32
    %dma_start3A_289 = tpu.memref_slice %arg6[%add3A_282, %dma_start3A_288] : memref<16384x128xf32, #tpu.memory_space<hbm>> -> memref<128x64xf32, #tpu.memory_space<hbm>>
    %dma_start3A_290 = arith.constant 0 : i32
    %dma_start3A_291 = tpu.memref_slice %arg6[%add3A_282, %dma_start3A_290] : memref<16384x128xf32, #tpu.memory_space<hbm>> -> memref<128x64xf32, #tpu.memory_space<hbm>>
    %dma_start3A_292 = arith.constant 0 : i32
    %dma_start3A_293 = arith.constant 0 : i32
    %dma_start3A_294 = tpu.memref_slice %arg8[%dma_start3A_283, %dma_start3A_292, %dma_start3A_293] : memref<2x128x64xf32, #tpu.memory_space<vmem>> -> memref<1x128x64xf32, #tpu.memory_space<vmem>>
    %dma_start3A_295 = tpu.memref_squeeze %dma_start3A_294 : memref<1x128x64xf32, #tpu.memory_space<vmem>> -> memref<128x64xf32, #tpu.memory_space<vmem>>
    tpu.enqueue_dma source(%dma_start3A_295 : memref<128x64xf32, #tpu.memory_space<vmem>>) target(%dma_start3A_291 : memref<128x64xf32, #tpu.memory_space<hbm>>) target_semaphore(%arg11 : memref<!tpu.dma_semaphore, #tpu.memory_space<semaphore_mem>>)
    %dma_wait3A_296 = arith.constant 0 : i32
    %dma_wait3A_297 = arith.constant 0 : i32
    %dma_wait3A_298 = arith.constant 0 : i32
    %dma_wait3A_299 = tpu.memref_slice %arg8[%dma_wait3A_296, %dma_wait3A_297, %dma_wait3A_298] : memref<2x128x64xf32, #tpu.memory_space<vmem>> -> memref<1x128x64xf32, #tpu.memory_space<vmem>>
    %dma_wait3A_300 = tpu.memref_squeeze %dma_wait3A_299 : memref<1x128x64xf32, #tpu.memory_space<vmem>> -> memref<128x64xf32, #tpu.memory_space<vmem>>
    %dma_wait3A_301 = arith.constant 0 : i32
    %dma_wait3A_302 = tpu.memref_slice %arg6[%add3A_282, %dma_wait3A_301] : memref<16384x128xf32, #tpu.memory_space<hbm>> -> memref<128x64xf32, #tpu.memory_space<hbm>>
    %dma_wait3A_303 = arith.constant 0 : i32
    %dma_wait3A_304 = tpu.memref_slice %arg6[%add3A_282, %dma_wait3A_303] : memref<16384x128xf32, #tpu.memory_space<hbm>> -> memref<128x64xf32, #tpu.memory_space<hbm>>
    %dma_wait3A_305 = arith.constant 0 : i32
    %dma_wait3A_306 = arith.constant 0 : i32
    %dma_wait3A_307 = tpu.memref_slice %arg8[%dma_wait3A_296, %dma_wait3A_305, %dma_wait3A_306] : memref<2x128x64xf32, #tpu.memory_space<vmem>> -> memref<1x128x64xf32, #tpu.memory_space<vmem>>
    %dma_wait3A_308 = tpu.memref_squeeze %dma_wait3A_307 : memref<1x128x64xf32, #tpu.memory_space<vmem>> -> memref<128x64xf32, #tpu.memory_space<vmem>>
    tpu.wait_dma2 semaphore(%arg11 : memref<!tpu.dma_semaphore, #tpu.memory_space<semaphore_mem>>) src(%dma_wait3A_308 : memref<128x64xf32, #tpu.memory_space<vmem>>) dst(%dma_wait3A_304 : memref<128x64xf32, #tpu.memory_space<hbm>>)
    %dma_start3A_309 = arith.constant 0 : i32
    %dma_start3A_310 = arith.constant 0 : i32
    %dma_start3A_311 = arith.constant 0 : i32
    %dma_start3A_312 = arith.constant 0 : i32
    %dma_start3A_313 = tpu.memref_slice %arg8[%dma_start3A_310, %dma_start3A_311, %dma_start3A_312] : memref<2x128x64xf32, #tpu.memory_space<vmem>> -> memref<1x128x64xf32, #tpu.memory_space<vmem>>
    %dma_start3A_314 = tpu.memref_squeeze %dma_start3A_313 : memref<1x128x64xf32, #tpu.memory_space<vmem>> -> memref<128x64xf32, #tpu.memory_space<vmem>>
    %dma_start3A_315 = arith.constant 384 : i32
    %dma_start3A_316 = tpu.memref_slice %arg7[%dma_start3A_309, %dma_start3A_315] : memref<2x512xi32, #tpu.memory_space<vmem>> -> memref<1x128xi32, #tpu.memory_space<vmem>>
    %dma_start3A_317 = tpu.memref_squeeze %dma_start3A_316 : memref<1x128xi32, #tpu.memory_space<vmem>> -> memref<128xi32, #tpu.memory_space<vmem>>
    %dma_start3A_318 = arith.constant 0 : i32
    %dma_start3A_319 = arith.constant 0 : i32
    %dma_start3A_320 = tpu.memref_slice %arg4[%dma_start3A_318, %dma_start3A_319] : memref<100000x64xf32, #tpu.memory_space<hbm>> -> memref<100000x64xf32, #tpu.memory_space<hbm>>
    tpu.enqueue_indirect_dma source(%dma_start3A_320 : memref<100000x64xf32, #tpu.memory_space<hbm>>) target(%dma_start3A_314 : memref<128x64xf32, #tpu.memory_space<vmem>>) offsets(%dma_start3A_317 : memref<128xi32, #tpu.memory_space<vmem>>) semaphore(%arg9 : memref<!tpu.dma_semaphore, #tpu.memory_space<semaphore_mem>>)
    %dma_wait3A_321 = arith.constant 1 : i32
    %dma_wait3A_322 = arith.constant 1 : i32
    %dma_wait3A_323 = arith.constant 0 : i32
    %dma_wait3A_324 = arith.constant 0 : i32
    %dma_wait3A_325 = tpu.memref_slice %arg8[%dma_wait3A_322, %dma_wait3A_323, %dma_wait3A_324] : memref<2x128x64xf32, #tpu.memory_space<vmem>> -> memref<1x128x64xf32, #tpu.memory_space<vmem>>
    %dma_wait3A_326 = tpu.memref_squeeze %dma_wait3A_325 : memref<1x128x64xf32, #tpu.memory_space<vmem>> -> memref<128x64xf32, #tpu.memory_space<vmem>>
    %dma_wait3A_327 = arith.constant 256 : i32
    %dma_wait3A_328 = tpu.memref_slice %arg7[%dma_wait3A_321, %dma_wait3A_327] : memref<2x512xi32, #tpu.memory_space<vmem>> -> memref<1x128xi32, #tpu.memory_space<vmem>>
    %dma_wait3A_329 = tpu.memref_squeeze %dma_wait3A_328 : memref<1x128xi32, #tpu.memory_space<vmem>> -> memref<128xi32, #tpu.memory_space<vmem>>
    %dma_wait3A_330 = arith.constant 0 : i32
    %dma_wait3A_331 = arith.constant 0 : i32
    %dma_wait3A_332 = tpu.memref_slice %arg5[%dma_wait3A_330, %dma_wait3A_331] : memref<1000x64xf32, #tpu.memory_space<hbm>> -> memref<1000x64xf32, #tpu.memory_space<hbm>>
    tpu.wait_indirect_dma semaphore(%arg10 : memref<!tpu.dma_semaphore, #tpu.memory_space<semaphore_mem>>) src(%dma_wait3A_332 : memref<1000x64xf32, #tpu.memory_space<hbm>>) dst(%dma_wait3A_326 : memref<128x64xf32, #tpu.memory_space<vmem>>)
    %add3A_333 = arith.constant 256 : i32
    %add3A_334 = arith.addi %mul3A_2, %add3A_333 : i32
    %dma_start3A_335 = arith.constant 1 : i32
    %dma_start3A_336 = arith.constant 0 : i32
    %dma_start3A_337 = arith.constant 0 : i32
    %dma_start3A_338 = tpu.memref_slice %arg8[%dma_start3A_335, %dma_start3A_336, %dma_start3A_337] : memref<2x128x64xf32, #tpu.memory_space<vmem>> -> memref<1x128x64xf32, #tpu.memory_space<vmem>>
    %dma_start3A_339 = tpu.memref_squeeze %dma_start3A_338 : memref<1x128x64xf32, #tpu.memory_space<vmem>> -> memref<128x64xf32, #tpu.memory_space<vmem>>
    %dma_start3A_340 = arith.constant 64 : i32
    %dma_start3A_341 = tpu.memref_slice %arg6[%add3A_334, %dma_start3A_340] : memref<16384x128xf32, #tpu.memory_space<hbm>> -> memref<128x64xf32, #tpu.memory_space<hbm>>
    %dma_start3A_342 = arith.constant 64 : i32
    %dma_start3A_343 = tpu.memref_slice %arg6[%add3A_334, %dma_start3A_342] : memref<16384x128xf32, #tpu.memory_space<hbm>> -> memref<128x64xf32, #tpu.memory_space<hbm>>
    %dma_start3A_344 = arith.constant 0 : i32
    %dma_start3A_345 = arith.constant 0 : i32
    %dma_start3A_346 = tpu.memref_slice %arg8[%dma_start3A_335, %dma_start3A_344, %dma_start3A_345] : memref<2x128x64xf32, #tpu.memory_space<vmem>> -> memref<1x128x64xf32, #tpu.memory_space<vmem>>
    %dma_start3A_347 = tpu.memref_squeeze %dma_start3A_346 : memref<1x128x64xf32, #tpu.memory_space<vmem>> -> memref<128x64xf32, #tpu.memory_space<vmem>>
    tpu.enqueue_dma source(%dma_start3A_347 : memref<128x64xf32, #tpu.memory_space<vmem>>) target(%dma_start3A_343 : memref<128x64xf32, #tpu.memory_space<hbm>>) target_semaphore(%arg12 : memref<!tpu.dma_semaphore, #tpu.memory_space<semaphore_mem>>)
    %dma_wait3A_348 = arith.constant 1 : i32
    %dma_wait3A_349 = arith.constant 0 : i32
    %dma_wait3A_350 = arith.constant 0 : i32
    %dma_wait3A_351 = tpu.memref_slice %arg8[%dma_wait3A_348, %dma_wait3A_349, %dma_wait3A_350] : memref<2x128x64xf32, #tpu.memory_space<vmem>> -> memref<1x128x64xf32, #tpu.memory_space<vmem>>
    %dma_wait3A_352 = tpu.memref_squeeze %dma_wait3A_351 : memref<1x128x64xf32, #tpu.memory_space<vmem>> -> memref<128x64xf32, #tpu.memory_space<vmem>>
    %dma_wait3A_353 = arith.constant 64 : i32
    %dma_wait3A_354 = tpu.memref_slice %arg6[%add3A_334, %dma_wait3A_353] : memref<16384x128xf32, #tpu.memory_space<hbm>> -> memref<128x64xf32, #tpu.memory_space<hbm>>
    %dma_wait3A_355 = arith.constant 64 : i32
    %dma_wait3A_356 = tpu.memref_slice %arg6[%add3A_334, %dma_wait3A_355] : memref<16384x128xf32, #tpu.memory_space<hbm>> -> memref<128x64xf32, #tpu.memory_space<hbm>>
    %dma_wait3A_357 = arith.constant 0 : i32
    %dma_wait3A_358 = arith.constant 0 : i32
    %dma_wait3A_359 = tpu.memref_slice %arg8[%dma_wait3A_348, %dma_wait3A_357, %dma_wait3A_358] : memref<2x128x64xf32, #tpu.memory_space<vmem>> -> memref<1x128x64xf32, #tpu.memory_space<vmem>>
    %dma_wait3A_360 = tpu.memref_squeeze %dma_wait3A_359 : memref<1x128x64xf32, #tpu.memory_space<vmem>> -> memref<128x64xf32, #tpu.memory_space<vmem>>
    tpu.wait_dma2 semaphore(%arg12 : memref<!tpu.dma_semaphore, #tpu.memory_space<semaphore_mem>>) src(%dma_wait3A_360 : memref<128x64xf32, #tpu.memory_space<vmem>>) dst(%dma_wait3A_356 : memref<128x64xf32, #tpu.memory_space<hbm>>)
    %dma_start3A_361 = arith.constant 1 : i32
    %dma_start3A_362 = arith.constant 1 : i32
    %dma_start3A_363 = arith.constant 0 : i32
    %dma_start3A_364 = arith.constant 0 : i32
    %dma_start3A_365 = tpu.memref_slice %arg8[%dma_start3A_362, %dma_start3A_363, %dma_start3A_364] : memref<2x128x64xf32, #tpu.memory_space<vmem>> -> memref<1x128x64xf32, #tpu.memory_space<vmem>>
    %dma_start3A_366 = tpu.memref_squeeze %dma_start3A_365 : memref<1x128x64xf32, #tpu.memory_space<vmem>> -> memref<128x64xf32, #tpu.memory_space<vmem>>
    %dma_start3A_367 = arith.constant 384 : i32
    %dma_start3A_368 = tpu.memref_slice %arg7[%dma_start3A_361, %dma_start3A_367] : memref<2x512xi32, #tpu.memory_space<vmem>> -> memref<1x128xi32, #tpu.memory_space<vmem>>
    %dma_start3A_369 = tpu.memref_squeeze %dma_start3A_368 : memref<1x128xi32, #tpu.memory_space<vmem>> -> memref<128xi32, #tpu.memory_space<vmem>>
    %dma_start3A_370 = arith.constant 0 : i32
    %dma_start3A_371 = arith.constant 0 : i32
    %dma_start3A_372 = tpu.memref_slice %arg5[%dma_start3A_370, %dma_start3A_371] : memref<1000x64xf32, #tpu.memory_space<hbm>> -> memref<1000x64xf32, #tpu.memory_space<hbm>>
    tpu.enqueue_indirect_dma source(%dma_start3A_372 : memref<1000x64xf32, #tpu.memory_space<hbm>>) target(%dma_start3A_366 : memref<128x64xf32, #tpu.memory_space<vmem>>) offsets(%dma_start3A_369 : memref<128xi32, #tpu.memory_space<vmem>>) semaphore(%arg10 : memref<!tpu.dma_semaphore, #tpu.memory_space<semaphore_mem>>)
    %dma_wait3A_373 = arith.constant 0 : i32
    %dma_wait3A_374 = arith.constant 0 : i32
    %dma_wait3A_375 = arith.constant 0 : i32
    %dma_wait3A_376 = arith.constant 0 : i32
    %dma_wait3A_377 = tpu.memref_slice %arg8[%dma_wait3A_374, %dma_wait3A_375, %dma_wait3A_376] : memref<2x128x64xf32, #tpu.memory_space<vmem>> -> memref<1x128x64xf32, #tpu.memory_space<vmem>>
    %dma_wait3A_378 = tpu.memref_squeeze %dma_wait3A_377 : memref<1x128x64xf32, #tpu.memory_space<vmem>> -> memref<128x64xf32, #tpu.memory_space<vmem>>
    %dma_wait3A_379 = arith.constant 384 : i32
    %dma_wait3A_380 = tpu.memref_slice %arg7[%dma_wait3A_373, %dma_wait3A_379] : memref<2x512xi32, #tpu.memory_space<vmem>> -> memref<1x128xi32, #tpu.memory_space<vmem>>
    %dma_wait3A_381 = tpu.memref_squeeze %dma_wait3A_380 : memref<1x128xi32, #tpu.memory_space<vmem>> -> memref<128xi32, #tpu.memory_space<vmem>>
    %dma_wait3A_382 = arith.constant 0 : i32
    %dma_wait3A_383 = arith.constant 0 : i32
    %dma_wait3A_384 = tpu.memref_slice %arg4[%dma_wait3A_382, %dma_wait3A_383] : memref<100000x64xf32, #tpu.memory_space<hbm>> -> memref<100000x64xf32, #tpu.memory_space<hbm>>
    tpu.wait_indirect_dma semaphore(%arg9 : memref<!tpu.dma_semaphore, #tpu.memory_space<semaphore_mem>>) src(%dma_wait3A_384 : memref<100000x64xf32, #tpu.memory_space<hbm>>) dst(%dma_wait3A_378 : memref<128x64xf32, #tpu.memory_space<vmem>>)
    %add3A_385 = arith.constant 384 : i32
    %add3A_386 = arith.addi %mul3A_2, %add3A_385 : i32
    %dma_start3A_387 = arith.constant 0 : i32
    %dma_start3A_388 = arith.constant 0 : i32
    %dma_start3A_389 = arith.constant 0 : i32
    %dma_start3A_390 = tpu.memref_slice %arg8[%dma_start3A_387, %dma_start3A_388, %dma_start3A_389] : memref<2x128x64xf32, #tpu.memory_space<vmem>> -> memref<1x128x64xf32, #tpu.memory_space<vmem>>
    %dma_start3A_391 = tpu.memref_squeeze %dma_start3A_390 : memref<1x128x64xf32, #tpu.memory_space<vmem>> -> memref<128x64xf32, #tpu.memory_space<vmem>>
    %dma_start3A_392 = arith.constant 0 : i32
    %dma_start3A_393 = tpu.memref_slice %arg6[%add3A_386, %dma_start3A_392] : memref<16384x128xf32, #tpu.memory_space<hbm>> -> memref<128x64xf32, #tpu.memory_space<hbm>>
    %dma_start3A_394 = arith.constant 0 : i32
    %dma_start3A_395 = tpu.memref_slice %arg6[%add3A_386, %dma_start3A_394] : memref<16384x128xf32, #tpu.memory_space<hbm>> -> memref<128x64xf32, #tpu.memory_space<hbm>>
    %dma_start3A_396 = arith.constant 0 : i32
    %dma_start3A_397 = arith.constant 0 : i32
    %dma_start3A_398 = tpu.memref_slice %arg8[%dma_start3A_387, %dma_start3A_396, %dma_start3A_397] : memref<2x128x64xf32, #tpu.memory_space<vmem>> -> memref<1x128x64xf32, #tpu.memory_space<vmem>>
    %dma_start3A_399 = tpu.memref_squeeze %dma_start3A_398 : memref<1x128x64xf32, #tpu.memory_space<vmem>> -> memref<128x64xf32, #tpu.memory_space<vmem>>
    tpu.enqueue_dma source(%dma_start3A_399 : memref<128x64xf32, #tpu.memory_space<vmem>>) target(%dma_start3A_395 : memref<128x64xf32, #tpu.memory_space<hbm>>) target_semaphore(%arg11 : memref<!tpu.dma_semaphore, #tpu.memory_space<semaphore_mem>>)
    %dma_wait3A_400 = arith.constant 1 : i32
    %dma_wait3A_401 = arith.constant 1 : i32
    %dma_wait3A_402 = arith.constant 0 : i32
    %dma_wait3A_403 = arith.constant 0 : i32
    %dma_wait3A_404 = tpu.memref_slice %arg8[%dma_wait3A_401, %dma_wait3A_402, %dma_wait3A_403] : memref<2x128x64xf32, #tpu.memory_space<vmem>> -> memref<1x128x64xf32, #tpu.memory_space<vmem>>
    %dma_wait3A_405 = tpu.memref_squeeze %dma_wait3A_404 : memref<1x128x64xf32, #tpu.memory_space<vmem>> -> memref<128x64xf32, #tpu.memory_space<vmem>>
    %dma_wait3A_406 = arith.constant 384 : i32
    %dma_wait3A_407 = tpu.memref_slice %arg7[%dma_wait3A_400, %dma_wait3A_406] : memref<2x512xi32, #tpu.memory_space<vmem>> -> memref<1x128xi32, #tpu.memory_space<vmem>>
    %dma_wait3A_408 = tpu.memref_squeeze %dma_wait3A_407 : memref<1x128xi32, #tpu.memory_space<vmem>> -> memref<128xi32, #tpu.memory_space<vmem>>
    %dma_wait3A_409 = arith.constant 0 : i32
    %dma_wait3A_410 = arith.constant 0 : i32
    %dma_wait3A_411 = tpu.memref_slice %arg5[%dma_wait3A_409, %dma_wait3A_410] : memref<1000x64xf32, #tpu.memory_space<hbm>> -> memref<1000x64xf32, #tpu.memory_space<hbm>>
    tpu.wait_indirect_dma semaphore(%arg10 : memref<!tpu.dma_semaphore, #tpu.memory_space<semaphore_mem>>) src(%dma_wait3A_411 : memref<1000x64xf32, #tpu.memory_space<hbm>>) dst(%dma_wait3A_405 : memref<128x64xf32, #tpu.memory_space<vmem>>)
    %add3A_412 = arith.constant 384 : i32
    %add3A_413 = arith.addi %mul3A_2, %add3A_412 : i32
    %dma_start3A_414 = arith.constant 1 : i32
    %dma_start3A_415 = arith.constant 0 : i32
    %dma_start3A_416 = arith.constant 0 : i32
    %dma_start3A_417 = tpu.memref_slice %arg8[%dma_start3A_414, %dma_start3A_415, %dma_start3A_416] : memref<2x128x64xf32, #tpu.memory_space<vmem>> -> memref<1x128x64xf32, #tpu.memory_space<vmem>>
    %dma_start3A_418 = tpu.memref_squeeze %dma_start3A_417 : memref<1x128x64xf32, #tpu.memory_space<vmem>> -> memref<128x64xf32, #tpu.memory_space<vmem>>
    %dma_start3A_419 = arith.constant 64 : i32
    %dma_start3A_420 = tpu.memref_slice %arg6[%add3A_413, %dma_start3A_419] : memref<16384x128xf32, #tpu.memory_space<hbm>> -> memref<128x64xf32, #tpu.memory_space<hbm>>
    %dma_start3A_421 = arith.constant 64 : i32
    %dma_start3A_422 = tpu.memref_slice %arg6[%add3A_413, %dma_start3A_421] : memref<16384x128xf32, #tpu.memory_space<hbm>> -> memref<128x64xf32, #tpu.memory_space<hbm>>
    %dma_start3A_423 = arith.constant 0 : i32
    %dma_start3A_424 = arith.constant 0 : i32
    %dma_start3A_425 = tpu.memref_slice %arg8[%dma_start3A_414, %dma_start3A_423, %dma_start3A_424] : memref<2x128x64xf32, #tpu.memory_space<vmem>> -> memref<1x128x64xf32, #tpu.memory_space<vmem>>
    %dma_start3A_426 = tpu.memref_squeeze %dma_start3A_425 : memref<1x128x64xf32, #tpu.memory_space<vmem>> -> memref<128x64xf32, #tpu.memory_space<vmem>>
    tpu.enqueue_dma source(%dma_start3A_426 : memref<128x64xf32, #tpu.memory_space<vmem>>) target(%dma_start3A_422 : memref<128x64xf32, #tpu.memory_space<hbm>>) target_semaphore(%arg12 : memref<!tpu.dma_semaphore, #tpu.memory_space<semaphore_mem>>)
    %dma_wait3A_427 = arith.constant 0 : i32
    %dma_wait3A_428 = arith.constant 0 : i32
    %dma_wait3A_429 = arith.constant 0 : i32
    %dma_wait3A_430 = tpu.memref_slice %arg8[%dma_wait3A_427, %dma_wait3A_428, %dma_wait3A_429] : memref<2x128x64xf32, #tpu.memory_space<vmem>> -> memref<1x128x64xf32, #tpu.memory_space<vmem>>
    %dma_wait3A_431 = tpu.memref_squeeze %dma_wait3A_430 : memref<1x128x64xf32, #tpu.memory_space<vmem>> -> memref<128x64xf32, #tpu.memory_space<vmem>>
    %dma_wait3A_432 = arith.constant 0 : i32
    %dma_wait3A_433 = tpu.memref_slice %arg6[%add3A_386, %dma_wait3A_432] : memref<16384x128xf32, #tpu.memory_space<hbm>> -> memref<128x64xf32, #tpu.memory_space<hbm>>
    %dma_wait3A_434 = arith.constant 0 : i32
    %dma_wait3A_435 = tpu.memref_slice %arg6[%add3A_386, %dma_wait3A_434] : memref<16384x128xf32, #tpu.memory_space<hbm>> -> memref<128x64xf32, #tpu.memory_space<hbm>>
    %dma_wait3A_436 = arith.constant 0 : i32
    %dma_wait3A_437 = arith.constant 0 : i32
    %dma_wait3A_438 = tpu.memref_slice %arg8[%dma_wait3A_427, %dma_wait3A_436, %dma_wait3A_437] : memref<2x128x64xf32, #tpu.memory_space<vmem>> -> memref<1x128x64xf32, #tpu.memory_space<vmem>>
    %dma_wait3A_439 = tpu.memref_squeeze %dma_wait3A_438 : memref<1x128x64xf32, #tpu.memory_space<vmem>> -> memref<128x64xf32, #tpu.memory_space<vmem>>
    tpu.wait_dma2 semaphore(%arg11 : memref<!tpu.dma_semaphore, #tpu.memory_space<semaphore_mem>>) src(%dma_wait3A_439 : memref<128x64xf32, #tpu.memory_space<vmem>>) dst(%dma_wait3A_435 : memref<128x64xf32, #tpu.memory_space<hbm>>)
    %dma_wait3A_440 = arith.constant 1 : i32
    %dma_wait3A_441 = arith.constant 0 : i32
    %dma_wait3A_442 = arith.constant 0 : i32
    %dma_wait3A_443 = tpu.memref_slice %arg8[%dma_wait3A_440, %dma_wait3A_441, %dma_wait3A_442] : memref<2x128x64xf32, #tpu.memory_space<vmem>> -> memref<1x128x64xf32, #tpu.memory_space<vmem>>
    %dma_wait3A_444 = tpu.memref_squeeze %dma_wait3A_443 : memref<1x128x64xf32, #tpu.memory_space<vmem>> -> memref<128x64xf32, #tpu.memory_space<vmem>>
    %dma_wait3A_445 = arith.constant 64 : i32
    %dma_wait3A_446 = tpu.memref_slice %arg6[%add3A_413, %dma_wait3A_445] : memref<16384x128xf32, #tpu.memory_space<hbm>> -> memref<128x64xf32, #tpu.memory_space<hbm>>
    %dma_wait3A_447 = arith.constant 64 : i32
    %dma_wait3A_448 = tpu.memref_slice %arg6[%add3A_413, %dma_wait3A_447] : memref<16384x128xf32, #tpu.memory_space<hbm>> -> memref<128x64xf32, #tpu.memory_space<hbm>>
    %dma_wait3A_449 = arith.constant 0 : i32
    %dma_wait3A_450 = arith.constant 0 : i32
    %dma_wait3A_451 = tpu.memref_slice %arg8[%dma_wait3A_440, %dma_wait3A_449, %dma_wait3A_450] : memref<2x128x64xf32, #tpu.memory_space<vmem>> -> memref<1x128x64xf32, #tpu.memory_space<vmem>>
    %dma_wait3A_452 = tpu.memref_squeeze %dma_wait3A_451 : memref<1x128x64xf32, #tpu.memory_space<vmem>> -> memref<128x64xf32, #tpu.memory_space<vmem>>
    tpu.wait_dma2 semaphore(%arg12 : memref<!tpu.dma_semaphore, #tpu.memory_space<semaphore_mem>>) src(%dma_wait3A_452 : memref<128x64xf32, #tpu.memory_space<vmem>>) dst(%dma_wait3A_448 : memref<128x64xf32, #tpu.memory_space<hbm>>)
    return
  }
}

#map = affine_map<(d0, d1) -> (0)>
#map1 = affine_map<(d0, d1) -> (0, 0)>
module attributes {stable_mosaic.version = 14 : i64} {
  func.func @k(%arg0: i32, %arg1: i32, %arg2: memref<16384xi32, #tpu.memory_space<hbm>>, %arg3: memref<16384xi32, #tpu.memory_space<hbm>>, %arg4: memref<16384xi32, #tpu.memory_space<hbm>>, %arg5: memref<16384xi32, #tpu.memory_space<hbm>>, %arg6: memref<1000x64xf32, #tpu.memory_space<hbm>>, %arg7: memref<1000x64xf32, #tpu.memory_space<hbm>>, %arg8: memref<12x64xf32, #tpu.memory_space<hbm>>, %arg9: memref<24x64xf32, #tpu.memory_space<hbm>>, %arg10: memref<16384x128xf32, #tpu.memory_space<hbm>>, %arg11: memref<16384x128xf32, #tpu.memory_space<hbm>>, %arg12: memref<4x512xi32, #tpu.memory_space<vmem>>, %arg13: memref<2x128x64xf32, #tpu.memory_space<vmem>>, %arg14: memref<512x128xf32, #tpu.memory_space<vmem>>, %arg15: memref<12x64xf32, #tpu.memory_space<vmem>>, %arg16: memref<24x64xf32, #tpu.memory_space<vmem>>, %arg17: memref<!tpu.dma_semaphore, #tpu.memory_space<semaphore_mem>>, %arg18: memref<!tpu.dma_semaphore, #tpu.memory_space<semaphore_mem>>, %arg19: memref<!tpu.dma_semaphore, #tpu.memory_space<semaphore_mem>>, %arg20: memref<!tpu.dma_semaphore, #tpu.memory_space<semaphore_mem>>) attributes {dimension_semantics = [#tpu.dimension_semantics<core_parallel>, #tpu.dimension_semantics<subcore_parallel>], iteration_bounds = array<i64: 2, 16>, scalar_prefetch = 0 : i64, scratch_operands = 9 : i64, tpu.core_type = #tpu.core_type<sc_vector_subcore>, window_params = [{transform_indices = #map}, {transform_indices = #map}, {transform_indices = #map}, {transform_indices = #map}, {transform_indices = #map1}, {transform_indices = #map1}, {transform_indices = #map1}, {transform_indices = #map1}, {transform_indices = #map1}, {transform_indices = #map1}]} {
    %mul3A = arith.constant 2 : i32
    %mul3A_0 = arith.muli %arg1, %mul3A : i32
    %add3A = arith.addi %mul3A_0, %arg0 : i32
    %mul3A_1 = arith.constant 512 : i32
    %mul3A_2 = arith.muli %add3A, %mul3A_1 : i32
    %dma_start3A = arith.constant 0 : i32
    %dma_start3A_3 = arith.constant 0 : i32
    %dma_start3A_4 = tpu.memref_slice %arg12[%dma_start3A, %dma_start3A_3] : memref<4x512xi32, #tpu.memory_space<vmem>> -> memref<1x512xi32, #tpu.memory_space<vmem>>
    %dma_start3A_5 = tpu.memref_squeeze %dma_start3A_4 : memref<1x512xi32, #tpu.memory_space<vmem>> -> memref<512xi32, #tpu.memory_space<vmem>>
    %dma_start3A_6 = tpu.memref_slice %arg2[%mul3A_2] : memref<16384xi32, #tpu.memory_space<hbm>> -> memref<512xi32, #tpu.memory_space<hbm>>
    %dma_start3A_7 = arith.constant 0 : i32
    %dma_start3A_8 = tpu.memref_slice %arg12[%dma_start3A, %dma_start3A_7] : memref<4x512xi32, #tpu.memory_space<vmem>> -> memref<1x512xi32, #tpu.memory_space<vmem>>
    %dma_start3A_9 = tpu.memref_squeeze %dma_start3A_8 : memref<1x512xi32, #tpu.memory_space<vmem>> -> memref<512xi32, #tpu.memory_space<vmem>>
    %dma_start3A_10 = tpu.memref_slice %arg2[%mul3A_2] : memref<16384xi32, #tpu.memory_space<hbm>> -> memref<512xi32, #tpu.memory_space<hbm>>
    tpu.enqueue_dma source(%dma_start3A_10 : memref<512xi32, #tpu.memory_space<hbm>>) target(%dma_start3A_9 : memref<512xi32, #tpu.memory_space<vmem>>) target_semaphore(%arg17 : memref<!tpu.dma_semaphore, #tpu.memory_space<semaphore_mem>>)
    %dma_start3A_11 = arith.constant 1 : i32
    %dma_start3A_12 = arith.constant 0 : i32
    %dma_start3A_13 = tpu.memref_slice %arg12[%dma_start3A_11, %dma_start3A_12] : memref<4x512xi32, #tpu.memory_space<vmem>> -> memref<1x512xi32, #tpu.memory_space<vmem>>
    %dma_start3A_14 = tpu.memref_squeeze %dma_start3A_13 : memref<1x512xi32, #tpu.memory_space<vmem>> -> memref<512xi32, #tpu.memory_space<vmem>>
    %dma_start3A_15 = tpu.memref_slice %arg3[%mul3A_2] : memref<16384xi32, #tpu.memory_space<hbm>> -> memref<512xi32, #tpu.memory_space<hbm>>
    %dma_start3A_16 = arith.constant 0 : i32
    %dma_start3A_17 = tpu.memref_slice %arg12[%dma_start3A_11, %dma_start3A_16] : memref<4x512xi32, #tpu.memory_space<vmem>> -> memref<1x512xi32, #tpu.memory_space<vmem>>
    %dma_start3A_18 = tpu.memref_squeeze %dma_start3A_17 : memref<1x512xi32, #tpu.memory_space<vmem>> -> memref<512xi32, #tpu.memory_space<vmem>>
    %dma_start3A_19 = tpu.memref_slice %arg3[%mul3A_2] : memref<16384xi32, #tpu.memory_space<hbm>> -> memref<512xi32, #tpu.memory_space<hbm>>
    tpu.enqueue_dma source(%dma_start3A_19 : memref<512xi32, #tpu.memory_space<hbm>>) target(%dma_start3A_18 : memref<512xi32, #tpu.memory_space<vmem>>) target_semaphore(%arg17 : memref<!tpu.dma_semaphore, #tpu.memory_space<semaphore_mem>>)
    %dma_start3A_20 = arith.constant 2 : i32
    %dma_start3A_21 = arith.constant 0 : i32
    %dma_start3A_22 = tpu.memref_slice %arg12[%dma_start3A_20, %dma_start3A_21] : memref<4x512xi32, #tpu.memory_space<vmem>> -> memref<1x512xi32, #tpu.memory_space<vmem>>
    %dma_start3A_23 = tpu.memref_squeeze %dma_start3A_22 : memref<1x512xi32, #tpu.memory_space<vmem>> -> memref<512xi32, #tpu.memory_space<vmem>>
    %dma_start3A_24 = tpu.memref_slice %arg4[%mul3A_2] : memref<16384xi32, #tpu.memory_space<hbm>> -> memref<512xi32, #tpu.memory_space<hbm>>
    %dma_start3A_25 = arith.constant 0 : i32
    %dma_start3A_26 = tpu.memref_slice %arg12[%dma_start3A_20, %dma_start3A_25] : memref<4x512xi32, #tpu.memory_space<vmem>> -> memref<1x512xi32, #tpu.memory_space<vmem>>
    %dma_start3A_27 = tpu.memref_squeeze %dma_start3A_26 : memref<1x512xi32, #tpu.memory_space<vmem>> -> memref<512xi32, #tpu.memory_space<vmem>>
    %dma_start3A_28 = tpu.memref_slice %arg4[%mul3A_2] : memref<16384xi32, #tpu.memory_space<hbm>> -> memref<512xi32, #tpu.memory_space<hbm>>
    tpu.enqueue_dma source(%dma_start3A_28 : memref<512xi32, #tpu.memory_space<hbm>>) target(%dma_start3A_27 : memref<512xi32, #tpu.memory_space<vmem>>) target_semaphore(%arg17 : memref<!tpu.dma_semaphore, #tpu.memory_space<semaphore_mem>>)
    %dma_start3A_29 = arith.constant 3 : i32
    %dma_start3A_30 = arith.constant 0 : i32
    %dma_start3A_31 = tpu.memref_slice %arg12[%dma_start3A_29, %dma_start3A_30] : memref<4x512xi32, #tpu.memory_space<vmem>> -> memref<1x512xi32, #tpu.memory_space<vmem>>
    %dma_start3A_32 = tpu.memref_squeeze %dma_start3A_31 : memref<1x512xi32, #tpu.memory_space<vmem>> -> memref<512xi32, #tpu.memory_space<vmem>>
    %dma_start3A_33 = tpu.memref_slice %arg5[%mul3A_2] : memref<16384xi32, #tpu.memory_space<hbm>> -> memref<512xi32, #tpu.memory_space<hbm>>
    %dma_start3A_34 = arith.constant 0 : i32
    %dma_start3A_35 = tpu.memref_slice %arg12[%dma_start3A_29, %dma_start3A_34] : memref<4x512xi32, #tpu.memory_space<vmem>> -> memref<1x512xi32, #tpu.memory_space<vmem>>
    %dma_start3A_36 = tpu.memref_squeeze %dma_start3A_35 : memref<1x512xi32, #tpu.memory_space<vmem>> -> memref<512xi32, #tpu.memory_space<vmem>>
    %dma_start3A_37 = tpu.memref_slice %arg5[%mul3A_2] : memref<16384xi32, #tpu.memory_space<hbm>> -> memref<512xi32, #tpu.memory_space<hbm>>
    tpu.enqueue_dma source(%dma_start3A_37 : memref<512xi32, #tpu.memory_space<hbm>>) target(%dma_start3A_36 : memref<512xi32, #tpu.memory_space<vmem>>) target_semaphore(%arg17 : memref<!tpu.dma_semaphore, #tpu.memory_space<semaphore_mem>>)
    tpu.enqueue_dma source(%arg8 : memref<12x64xf32, #tpu.memory_space<hbm>>) target(%arg15 : memref<12x64xf32, #tpu.memory_space<vmem>>) target_semaphore(%arg17 : memref<!tpu.dma_semaphore, #tpu.memory_space<semaphore_mem>>)
    tpu.enqueue_dma source(%arg9 : memref<24x64xf32, #tpu.memory_space<hbm>>) target(%arg16 : memref<24x64xf32, #tpu.memory_space<vmem>>) target_semaphore(%arg17 : memref<!tpu.dma_semaphore, #tpu.memory_space<semaphore_mem>>)
    %dma_wait3A = arith.constant 0 : i32
    %dma_wait3A_38 = arith.constant 0 : i32
    %dma_wait3A_39 = tpu.memref_slice %arg12[%dma_wait3A, %dma_wait3A_38] : memref<4x512xi32, #tpu.memory_space<vmem>> -> memref<1x512xi32, #tpu.memory_space<vmem>>
    %dma_wait3A_40 = tpu.memref_squeeze %dma_wait3A_39 : memref<1x512xi32, #tpu.memory_space<vmem>> -> memref<512xi32, #tpu.memory_space<vmem>>
    %dma_wait3A_41 = tpu.memref_slice %arg2[%mul3A_2] : memref<16384xi32, #tpu.memory_space<hbm>> -> memref<512xi32, #tpu.memory_space<hbm>>
    %dma_wait3A_42 = arith.constant 0 : i32
    %dma_wait3A_43 = tpu.memref_slice %arg12[%dma_wait3A, %dma_wait3A_42] : memref<4x512xi32, #tpu.memory_space<vmem>> -> memref<1x512xi32, #tpu.memory_space<vmem>>
    %dma_wait3A_44 = tpu.memref_squeeze %dma_wait3A_43 : memref<1x512xi32, #tpu.memory_space<vmem>> -> memref<512xi32, #tpu.memory_space<vmem>>
    %dma_wait3A_45 = tpu.memref_slice %arg2[%mul3A_2] : memref<16384xi32, #tpu.memory_space<hbm>> -> memref<512xi32, #tpu.memory_space<hbm>>
    tpu.wait_dma2 semaphore(%arg17 : memref<!tpu.dma_semaphore, #tpu.memory_space<semaphore_mem>>) src(%dma_wait3A_45 : memref<512xi32, #tpu.memory_space<hbm>>) dst(%dma_wait3A_44 : memref<512xi32, #tpu.memory_space<vmem>>)
    %dma_wait3A_46 = arith.constant 1 : i32
    %dma_wait3A_47 = arith.constant 0 : i32
    %dma_wait3A_48 = tpu.memref_slice %arg12[%dma_wait3A_46, %dma_wait3A_47] : memref<4x512xi32, #tpu.memory_space<vmem>> -> memref<1x512xi32, #tpu.memory_space<vmem>>
    %dma_wait3A_49 = tpu.memref_squeeze %dma_wait3A_48 : memref<1x512xi32, #tpu.memory_space<vmem>> -> memref<512xi32, #tpu.memory_space<vmem>>
    %dma_wait3A_50 = tpu.memref_slice %arg3[%mul3A_2] : memref<16384xi32, #tpu.memory_space<hbm>> -> memref<512xi32, #tpu.memory_space<hbm>>
    %dma_wait3A_51 = arith.constant 0 : i32
    %dma_wait3A_52 = tpu.memref_slice %arg12[%dma_wait3A_46, %dma_wait3A_51] : memref<4x512xi32, #tpu.memory_space<vmem>> -> memref<1x512xi32, #tpu.memory_space<vmem>>
    %dma_wait3A_53 = tpu.memref_squeeze %dma_wait3A_52 : memref<1x512xi32, #tpu.memory_space<vmem>> -> memref<512xi32, #tpu.memory_space<vmem>>
    %dma_wait3A_54 = tpu.memref_slice %arg3[%mul3A_2] : memref<16384xi32, #tpu.memory_space<hbm>> -> memref<512xi32, #tpu.memory_space<hbm>>
    tpu.wait_dma2 semaphore(%arg17 : memref<!tpu.dma_semaphore, #tpu.memory_space<semaphore_mem>>) src(%dma_wait3A_54 : memref<512xi32, #tpu.memory_space<hbm>>) dst(%dma_wait3A_53 : memref<512xi32, #tpu.memory_space<vmem>>)
    %dma_wait3A_55 = arith.constant 2 : i32
    %dma_wait3A_56 = arith.constant 0 : i32
    %dma_wait3A_57 = tpu.memref_slice %arg12[%dma_wait3A_55, %dma_wait3A_56] : memref<4x512xi32, #tpu.memory_space<vmem>> -> memref<1x512xi32, #tpu.memory_space<vmem>>
    %dma_wait3A_58 = tpu.memref_squeeze %dma_wait3A_57 : memref<1x512xi32, #tpu.memory_space<vmem>> -> memref<512xi32, #tpu.memory_space<vmem>>
    %dma_wait3A_59 = tpu.memref_slice %arg4[%mul3A_2] : memref<16384xi32, #tpu.memory_space<hbm>> -> memref<512xi32, #tpu.memory_space<hbm>>
    %dma_wait3A_60 = arith.constant 0 : i32
    %dma_wait3A_61 = tpu.memref_slice %arg12[%dma_wait3A_55, %dma_wait3A_60] : memref<4x512xi32, #tpu.memory_space<vmem>> -> memref<1x512xi32, #tpu.memory_space<vmem>>
    %dma_wait3A_62 = tpu.memref_squeeze %dma_wait3A_61 : memref<1x512xi32, #tpu.memory_space<vmem>> -> memref<512xi32, #tpu.memory_space<vmem>>
    %dma_wait3A_63 = tpu.memref_slice %arg4[%mul3A_2] : memref<16384xi32, #tpu.memory_space<hbm>> -> memref<512xi32, #tpu.memory_space<hbm>>
    tpu.wait_dma2 semaphore(%arg17 : memref<!tpu.dma_semaphore, #tpu.memory_space<semaphore_mem>>) src(%dma_wait3A_63 : memref<512xi32, #tpu.memory_space<hbm>>) dst(%dma_wait3A_62 : memref<512xi32, #tpu.memory_space<vmem>>)
    %dma_wait3A_64 = arith.constant 3 : i32
    %dma_wait3A_65 = arith.constant 0 : i32
    %dma_wait3A_66 = tpu.memref_slice %arg12[%dma_wait3A_64, %dma_wait3A_65] : memref<4x512xi32, #tpu.memory_space<vmem>> -> memref<1x512xi32, #tpu.memory_space<vmem>>
    %dma_wait3A_67 = tpu.memref_squeeze %dma_wait3A_66 : memref<1x512xi32, #tpu.memory_space<vmem>> -> memref<512xi32, #tpu.memory_space<vmem>>
    %dma_wait3A_68 = tpu.memref_slice %arg5[%mul3A_2] : memref<16384xi32, #tpu.memory_space<hbm>> -> memref<512xi32, #tpu.memory_space<hbm>>
    %dma_wait3A_69 = arith.constant 0 : i32
    %dma_wait3A_70 = tpu.memref_slice %arg12[%dma_wait3A_64, %dma_wait3A_69] : memref<4x512xi32, #tpu.memory_space<vmem>> -> memref<1x512xi32, #tpu.memory_space<vmem>>
    %dma_wait3A_71 = tpu.memref_squeeze %dma_wait3A_70 : memref<1x512xi32, #tpu.memory_space<vmem>> -> memref<512xi32, #tpu.memory_space<vmem>>
    %dma_wait3A_72 = tpu.memref_slice %arg5[%mul3A_2] : memref<16384xi32, #tpu.memory_space<hbm>> -> memref<512xi32, #tpu.memory_space<hbm>>
    tpu.wait_dma2 semaphore(%arg17 : memref<!tpu.dma_semaphore, #tpu.memory_space<semaphore_mem>>) src(%dma_wait3A_72 : memref<512xi32, #tpu.memory_space<hbm>>) dst(%dma_wait3A_71 : memref<512xi32, #tpu.memory_space<vmem>>)
    tpu.wait_dma2 semaphore(%arg17 : memref<!tpu.dma_semaphore, #tpu.memory_space<semaphore_mem>>) src(%arg8 : memref<12x64xf32, #tpu.memory_space<hbm>>) dst(%arg15 : memref<12x64xf32, #tpu.memory_space<vmem>>)
    tpu.wait_dma2 semaphore(%arg17 : memref<!tpu.dma_semaphore, #tpu.memory_space<semaphore_mem>>) src(%arg9 : memref<24x64xf32, #tpu.memory_space<hbm>>) dst(%arg16 : memref<24x64xf32, #tpu.memory_space<vmem>>)
    %dma_start3A_73 = arith.constant 0 : i32
    %dma_start3A_74 = arith.constant 0 : i32
    %dma_start3A_75 = arith.constant 0 : i32
    %dma_start3A_76 = arith.constant 0 : i32
    %dma_start3A_77 = tpu.memref_slice %arg13[%dma_start3A_74, %dma_start3A_75, %dma_start3A_76] : memref<2x128x64xf32, #tpu.memory_space<vmem>> -> memref<1x128x64xf32, #tpu.memory_space<vmem>>
    %dma_start3A_78 = tpu.memref_squeeze %dma_start3A_77 : memref<1x128x64xf32, #tpu.memory_space<vmem>> -> memref<128x64xf32, #tpu.memory_space<vmem>>
    %dma_start3A_79 = arith.constant 0 : i32
    %dma_start3A_80 = tpu.memref_slice %arg12[%dma_start3A_73, %dma_start3A_79] : memref<4x512xi32, #tpu.memory_space<vmem>> -> memref<1x128xi32, #tpu.memory_space<vmem>>
    %dma_start3A_81 = tpu.memref_squeeze %dma_start3A_80 : memref<1x128xi32, #tpu.memory_space<vmem>> -> memref<128xi32, #tpu.memory_space<vmem>>
    %dma_start3A_82 = arith.constant 0 : i32
    %dma_start3A_83 = arith.constant 0 : i32
    %dma_start3A_84 = tpu.memref_slice %arg6[%dma_start3A_82, %dma_start3A_83] : memref<1000x64xf32, #tpu.memory_space<hbm>> -> memref<1000x64xf32, #tpu.memory_space<hbm>>
    tpu.enqueue_indirect_dma source(%dma_start3A_84 : memref<1000x64xf32, #tpu.memory_space<hbm>>) target(%dma_start3A_78 : memref<128x64xf32, #tpu.memory_space<vmem>>) offsets(%dma_start3A_81 : memref<128xi32, #tpu.memory_space<vmem>>) semaphore(%arg17 : memref<!tpu.dma_semaphore, #tpu.memory_space<semaphore_mem>>)
    %scan3A = arith.constant 0 : i32
    %scan3A_85 = arith.constant 32 : i32
    %scan3A_86 = arith.addi %scan3A, %scan3A_85 : i32
    %scan3A_87 = arith.constant 1 : i32
    scf.for %scan3A_493 = %scan3A to %scan3A_86 step %scan3A_87  : i32 {
      %mul3A_494 = arith.constant 1 : i32
      %mul3A_495 = arith.muli %scan3A_493, %mul3A_494 : i32
      %add3A_496 = arith.constant 0 : i32
      %add3A_497 = arith.addi %add3A_496, %mul3A_495 : i32
      %mul3A_498 = arith.constant 16 : i32
      %mul3A_499 = arith.muli %add3A_497, %mul3A_498 : i32
      %get3A = arith.constant 2 : i32
      %get3A_500 = arith.index_cast %get3A : i32 to index
      %get3A_501 = arith.index_cast %mul3A_499 : i32 to index
      %get3A_502 = tpu.vector_load %arg12[%get3A_500, %get3A_501] {strides = array<i32>} : memref<4x512xi32, #tpu.memory_space<vmem>>, vector<1x16xi32>,
      %get3A_503 = vector.shape_cast %get3A_502 : vector<1x16xi32> to vector<16xi32>
      %mul3A_504 = arith.constant 16 : i32
      %mul3A_505 = arith.muli %add3A_497, %mul3A_504 : i32
      %get3A_506 = arith.constant 3 : i32
      %get3A_507 = arith.index_cast %get3A_506 : i32 to index
      %get3A_508 = arith.index_cast %mul3A_505 : i32 to index
      %get3A_509 = tpu.vector_load %arg12[%get3A_507, %get3A_508] {strides = array<i32>} : memref<4x512xi32, #tpu.memory_space<vmem>>, vector<1x16xi32>,
      %get3A_510 = vector.shape_cast %get3A_509 : vector<1x16xi32> to vector<16xi32>
      %mul3A_511 = arith.constant 16 : i32
      %mul3A_512 = arith.muli %add3A_497, %mul3A_511 : i32
      %add3A_513 = arith.constant 0 : i32
      %add3A_514 = arith.addi %mul3A_512, %add3A_513 : i32
      %slice3A = vector.extract_strided_slice %get3A_503 {offsets = [0], sizes = [1], strides = [1]} : vector<16xi32> to vector<1xi32>
      %squeeze3A = vector.extract %slice3A[0] : i32 from vector<1xi32>
      %slice3A_515 = vector.extract_strided_slice %get3A_510 {offsets = [0], sizes = [1], strides = [1]} : vector<16xi32> to vector<1xi32>
      %squeeze3A_516 = vector.extract %slice3A_515[0] : i32 from vector<1xi32>
      %get3A_517 = arith.index_cast %squeeze3A : i32 to index
      %get3A_518 = arith.constant 0 : index
      %get3A_519 = tpu.vector_load %arg15[%get3A_517, %get3A_518] {strides = array<i32>} : memref<12x64xf32, #tpu.memory_space<vmem>>, vector<1x16xf32>,
      %get3A_520 = vector.shape_cast %get3A_519 : vector<1x16xf32> to vector<16xf32>
      %swap3A = arith.index_cast %add3A_514 : i32 to index
      %swap3A_521 = arith.constant 0 : index
      %swap3A_522 = tpu.vector_load %arg14[%swap3A, %swap3A_521] {strides = array<i32>} : memref<512x128xf32, #tpu.memory_space<vmem>>, vector<1x16xf32>,
      %swap3A_523 = vector.shape_cast %swap3A_522 : vector<1x16xf32> to vector<16xf32>
      %swap3A_524 = vector.shape_cast %get3A_520 : vector<16xf32> to vector<1x16xf32>
      tpu.vector_store %arg14[%swap3A, %swap3A_521], %swap3A_524 {strides = array<i32>} : memref<512x128xf32, #tpu.memory_space<vmem>>, vector<1x16xf32>,
      %get3A_525 = arith.index_cast %squeeze3A_516 : i32 to index
      %get3A_526 = arith.constant 0 : index
      %get3A_527 = tpu.vector_load %arg16[%get3A_525, %get3A_526] {strides = array<i32>} : memref<24x64xf32, #tpu.memory_space<vmem>>, vector<1x16xf32>,
      %get3A_528 = vector.shape_cast %get3A_527 : vector<1x16xf32> to vector<16xf32>
      %swap3A_529 = arith.index_cast %add3A_514 : i32 to index
      %swap3A_530 = arith.constant 64 : index
      %swap3A_531 = tpu.vector_load %arg14[%swap3A_529, %swap3A_530] {strides = array<i32>} : memref<512x128xf32, #tpu.memory_space<vmem>>, vector<1x16xf32>,
      %swap3A_532 = vector.shape_cast %swap3A_531 : vector<1x16xf32> to vector<16xf32>
      %swap3A_533 = vector.shape_cast %get3A_528 : vector<16xf32> to vector<1x16xf32>
      tpu.vector_store %arg14[%swap3A_529, %swap3A_530], %swap3A_533 {strides = array<i32>} : memref<512x128xf32, #tpu.memory_space<vmem>>, vector<1x16xf32>,
      %get3A_534 = arith.index_cast %squeeze3A : i32 to index
      %get3A_535 = arith.constant 16 : index
      %get3A_536 = tpu.vector_load %arg15[%get3A_534, %get3A_535] {strides = array<i32>} : memref<12x64xf32, #tpu.memory_space<vmem>>, vector<1x16xf32>,
      %get3A_537 = vector.shape_cast %get3A_536 : vector<1x16xf32> to vector<16xf32>
      %swap3A_538 = arith.index_cast %add3A_514 : i32 to index
      %swap3A_539 = arith.constant 16 : index
      %swap3A_540 = tpu.vector_load %arg14[%swap3A_538, %swap3A_539] {strides = array<i32>} : memref<512x128xf32, #tpu.memory_space<vmem>>, vector<1x16xf32>,
      %swap3A_541 = vector.shape_cast %swap3A_540 : vector<1x16xf32> to vector<16xf32>
      %swap3A_542 = vector.shape_cast %get3A_537 : vector<16xf32> to vector<1x16xf32>
      tpu.vector_store %arg14[%swap3A_538, %swap3A_539], %swap3A_542 {strides = array<i32>} : memref<512x128xf32, #tpu.memory_space<vmem>>, vector<1x16xf32>,
      %get3A_543 = arith.index_cast %squeeze3A_516 : i32 to index
      %get3A_544 = arith.constant 16 : index
      %get3A_545 = tpu.vector_load %arg16[%get3A_543, %get3A_544] {strides = array<i32>} : memref<24x64xf32, #tpu.memory_space<vmem>>, vector<1x16xf32>,
      %get3A_546 = vector.shape_cast %get3A_545 : vector<1x16xf32> to vector<16xf32>
      %swap3A_547 = arith.index_cast %add3A_514 : i32 to index
      %swap3A_548 = arith.constant 80 : index
      %swap3A_549 = tpu.vector_load %arg14[%swap3A_547, %swap3A_548] {strides = array<i32>} : memref<512x128xf32, #tpu.memory_space<vmem>>, vector<1x16xf32>,
      %swap3A_550 = vector.shape_cast %swap3A_549 : vector<1x16xf32> to vector<16xf32>
      %swap3A_551 = vector.shape_cast %get3A_546 : vector<16xf32> to vector<1x16xf32>
      tpu.vector_store %arg14[%swap3A_547, %swap3A_548], %swap3A_551 {strides = array<i32>} : memref<512x128xf32, #tpu.memory_space<vmem>>, vector<1x16xf32>,
      %get3A_552 = arith.index_cast %squeeze3A : i32 to index
      %get3A_553 = arith.constant 32 : index
      %get3A_554 = tpu.vector_load %arg15[%get3A_552, %get3A_553] {strides = array<i32>} : memref<12x64xf32, #tpu.memory_space<vmem>>, vector<1x16xf32>,
      %get3A_555 = vector.shape_cast %get3A_554 : vector<1x16xf32> to vector<16xf32>
      %swap3A_556 = arith.index_cast %add3A_514 : i32 to index
      %swap3A_557 = arith.constant 32 : index
      %swap3A_558 = tpu.vector_load %arg14[%swap3A_556, %swap3A_557] {strides = array<i32>} : memref<512x128xf32, #tpu.memory_space<vmem>>, vector<1x16xf32>,
      %swap3A_559 = vector.shape_cast %swap3A_558 : vector<1x16xf32> to vector<16xf32>
      %swap3A_560 = vector.shape_cast %get3A_555 : vector<16xf32> to vector<1x16xf32>
      tpu.vector_store %arg14[%swap3A_556, %swap3A_557], %swap3A_560 {strides = array<i32>} : memref<512x128xf32, #tpu.memory_space<vmem>>, vector<1x16xf32>,
      %get3A_561 = arith.index_cast %squeeze3A_516 : i32 to index
      %get3A_562 = arith.constant 32 : index
      %get3A_563 = tpu.vector_load %arg16[%get3A_561, %get3A_562] {strides = array<i32>} : memref<24x64xf32, #tpu.memory_space<vmem>>, vector<1x16xf32>,
      %get3A_564 = vector.shape_cast %get3A_563 : vector<1x16xf32> to vector<16xf32>
      %swap3A_565 = arith.index_cast %add3A_514 : i32 to index
      %swap3A_566 = arith.constant 96 : index
      %swap3A_567 = tpu.vector_load %arg14[%swap3A_565, %swap3A_566] {strides = array<i32>} : memref<512x128xf32, #tpu.memory_space<vmem>>, vector<1x16xf32>,
      %swap3A_568 = vector.shape_cast %swap3A_567 : vector<1x16xf32> to vector<16xf32>
      %swap3A_569 = vector.shape_cast %get3A_564 : vector<16xf32> to vector<1x16xf32>
      tpu.vector_store %arg14[%swap3A_565, %swap3A_566], %swap3A_569 {strides = array<i32>} : memref<512x128xf32, #tpu.memory_space<vmem>>, vector<1x16xf32>,
      %get3A_570 = arith.index_cast %squeeze3A : i32 to index
      %get3A_571 = arith.constant 48 : index
      %get3A_572 = tpu.vector_load %arg15[%get3A_570, %get3A_571] {strides = array<i32>} : memref<12x64xf32, #tpu.memory_space<vmem>>, vector<1x16xf32>,
      %get3A_573 = vector.shape_cast %get3A_572 : vector<1x16xf32> to vector<16xf32>
      %swap3A_574 = arith.index_cast %add3A_514 : i32 to index
      %swap3A_575 = arith.constant 48 : index
      %swap3A_576 = tpu.vector_load %arg14[%swap3A_574, %swap3A_575] {strides = array<i32>} : memref<512x128xf32, #tpu.memory_space<vmem>>, vector<1x16xf32>,
      %swap3A_577 = vector.shape_cast %swap3A_576 : vector<1x16xf32> to vector<16xf32>
      %swap3A_578 = vector.shape_cast %get3A_573 : vector<16xf32> to vector<1x16xf32>
      tpu.vector_store %arg14[%swap3A_574, %swap3A_575], %swap3A_578 {strides = array<i32>} : memref<512x128xf32, #tpu.memory_space<vmem>>, vector<1x16xf32>,
      %get3A_579 = arith.index_cast %squeeze3A_516 : i32 to index
      %get3A_580 = arith.constant 48 : index
      %get3A_581 = tpu.vector_load %arg16[%get3A_579, %get3A_580] {strides = array<i32>} : memref<24x64xf32, #tpu.memory_space<vmem>>, vector<1x16xf32>,
      %get3A_582 = vector.shape_cast %get3A_581 : vector<1x16xf32> to vector<16xf32>
      %swap3A_583 = arith.index_cast %add3A_514 : i32 to index
      %swap3A_584 = arith.constant 112 : index
      %swap3A_585 = tpu.vector_load %arg14[%swap3A_583, %swap3A_584] {strides = array<i32>} : memref<512x128xf32, #tpu.memory_space<vmem>>, vector<1x16xf32>,
      %swap3A_586 = vector.shape_cast %swap3A_585 : vector<1x16xf32> to vector<16xf32>
      %swap3A_587 = vector.shape_cast %get3A_582 : vector<16xf32> to vector<1x16xf32>
      tpu.vector_store %arg14[%swap3A_583, %swap3A_584], %swap3A_587 {strides = array<i32>} : memref<512x128xf32, #tpu.memory_space<vmem>>, vector<1x16xf32>,
      %mul3A_588 = arith.constant 16 : i32
      %mul3A_589 = arith.muli %add3A_497, %mul3A_588 : i32
      %add3A_590 = arith.constant 1 : i32
      %add3A_591 = arith.addi %mul3A_589, %add3A_590 : i32
      %slice3A_592 = vector.extract_strided_slice %get3A_503 {offsets = [1], sizes = [1], strides = [1]} : vector<16xi32> to vector<1xi32>
      %squeeze3A_593 = vector.extract %slice3A_592[0] : i32 from vector<1xi32>
      %slice3A_594 = vector.extract_strided_slice %get3A_510 {offsets = [1], sizes = [1], strides = [1]} : vector<16xi32> to vector<1xi32>
      %squeeze3A_595 = vector.extract %slice3A_594[0] : i32 from vector<1xi32>
      %get3A_596 = arith.index_cast %squeeze3A_593 : i32 to index
      %get3A_597 = arith.constant 0 : index
      %get3A_598 = tpu.vector_load %arg15[%get3A_596, %get3A_597] {strides = array<i32>} : memref<12x64xf32, #tpu.memory_space<vmem>>, vector<1x16xf32>,
      %get3A_599 = vector.shape_cast %get3A_598 : vector<1x16xf32> to vector<16xf32>
      %swap3A_600 = arith.index_cast %add3A_591 : i32 to index
      %swap3A_601 = arith.constant 0 : index
      %swap3A_602 = tpu.vector_load %arg14[%swap3A_600, %swap3A_601] {strides = array<i32>} : memref<512x128xf32, #tpu.memory_space<vmem>>, vector<1x16xf32>,
      %swap3A_603 = vector.shape_cast %swap3A_602 : vector<1x16xf32> to vector<16xf32>
      %swap3A_604 = vector.shape_cast %get3A_599 : vector<16xf32> to vector<1x16xf32>
      tpu.vector_store %arg14[%swap3A_600, %swap3A_601], %swap3A_604 {strides = array<i32>} : memref<512x128xf32, #tpu.memory_space<vmem>>, vector<1x16xf32>,
      %get3A_605 = arith.index_cast %squeeze3A_595 : i32 to index
      %get3A_606 = arith.constant 0 : index
      %get3A_607 = tpu.vector_load %arg16[%get3A_605, %get3A_606] {strides = array<i32>} : memref<24x64xf32, #tpu.memory_space<vmem>>, vector<1x16xf32>,
      %get3A_608 = vector.shape_cast %get3A_607 : vector<1x16xf32> to vector<16xf32>
      %swap3A_609 = arith.index_cast %add3A_591 : i32 to index
      %swap3A_610 = arith.constant 64 : index
      %swap3A_611 = tpu.vector_load %arg14[%swap3A_609, %swap3A_610] {strides = array<i32>} : memref<512x128xf32, #tpu.memory_space<vmem>>, vector<1x16xf32>,
      %swap3A_612 = vector.shape_cast %swap3A_611 : vector<1x16xf32> to vector<16xf32>
      %swap3A_613 = vector.shape_cast %get3A_608 : vector<16xf32> to vector<1x16xf32>
      tpu.vector_store %arg14[%swap3A_609, %swap3A_610], %swap3A_613 {strides = array<i32>} : memref<512x128xf32, #tpu.memory_space<vmem>>, vector<1x16xf32>,
      %get3A_614 = arith.index_cast %squeeze3A_593 : i32 to index
      %get3A_615 = arith.constant 16 : index
      %get3A_616 = tpu.vector_load %arg15[%get3A_614, %get3A_615] {strides = array<i32>} : memref<12x64xf32, #tpu.memory_space<vmem>>, vector<1x16xf32>,
      %get3A_617 = vector.shape_cast %get3A_616 : vector<1x16xf32> to vector<16xf32>
      %swap3A_618 = arith.index_cast %add3A_591 : i32 to index
      %swap3A_619 = arith.constant 16 : index
      %swap3A_620 = tpu.vector_load %arg14[%swap3A_618, %swap3A_619] {strides = array<i32>} : memref<512x128xf32, #tpu.memory_space<vmem>>, vector<1x16xf32>,
      %swap3A_621 = vector.shape_cast %swap3A_620 : vector<1x16xf32> to vector<16xf32>
      %swap3A_622 = vector.shape_cast %get3A_617 : vector<16xf32> to vector<1x16xf32>
      tpu.vector_store %arg14[%swap3A_618, %swap3A_619], %swap3A_622 {strides = array<i32>} : memref<512x128xf32, #tpu.memory_space<vmem>>, vector<1x16xf32>,
      %get3A_623 = arith.index_cast %squeeze3A_595 : i32 to index
      %get3A_624 = arith.constant 16 : index
      %get3A_625 = tpu.vector_load %arg16[%get3A_623, %get3A_624] {strides = array<i32>} : memref<24x64xf32, #tpu.memory_space<vmem>>, vector<1x16xf32>,
      %get3A_626 = vector.shape_cast %get3A_625 : vector<1x16xf32> to vector<16xf32>
      %swap3A_627 = arith.index_cast %add3A_591 : i32 to index
      %swap3A_628 = arith.constant 80 : index
      %swap3A_629 = tpu.vector_load %arg14[%swap3A_627, %swap3A_628] {strides = array<i32>} : memref<512x128xf32, #tpu.memory_space<vmem>>, vector<1x16xf32>,
      %swap3A_630 = vector.shape_cast %swap3A_629 : vector<1x16xf32> to vector<16xf32>
      %swap3A_631 = vector.shape_cast %get3A_626 : vector<16xf32> to vector<1x16xf32>
      tpu.vector_store %arg14[%swap3A_627, %swap3A_628], %swap3A_631 {strides = array<i32>} : memref<512x128xf32, #tpu.memory_space<vmem>>, vector<1x16xf32>,
      %get3A_632 = arith.index_cast %squeeze3A_593 : i32 to index
      %get3A_633 = arith.constant 32 : index
      %get3A_634 = tpu.vector_load %arg15[%get3A_632, %get3A_633] {strides = array<i32>} : memref<12x64xf32, #tpu.memory_space<vmem>>, vector<1x16xf32>,
      %get3A_635 = vector.shape_cast %get3A_634 : vector<1x16xf32> to vector<16xf32>
      %swap3A_636 = arith.index_cast %add3A_591 : i32 to index
      %swap3A_637 = arith.constant 32 : index
      %swap3A_638 = tpu.vector_load %arg14[%swap3A_636, %swap3A_637] {strides = array<i32>} : memref<512x128xf32, #tpu.memory_space<vmem>>, vector<1x16xf32>,
      %swap3A_639 = vector.shape_cast %swap3A_638 : vector<1x16xf32> to vector<16xf32>
      %swap3A_640 = vector.shape_cast %get3A_635 : vector<16xf32> to vector<1x16xf32>
      tpu.vector_store %arg14[%swap3A_636, %swap3A_637], %swap3A_640 {strides = array<i32>} : memref<512x128xf32, #tpu.memory_space<vmem>>, vector<1x16xf32>,
      %get3A_641 = arith.index_cast %squeeze3A_595 : i32 to index
      %get3A_642 = arith.constant 32 : index
      %get3A_643 = tpu.vector_load %arg16[%get3A_641, %get3A_642] {strides = array<i32>} : memref<24x64xf32, #tpu.memory_space<vmem>>, vector<1x16xf32>,
      %get3A_644 = vector.shape_cast %get3A_643 : vector<1x16xf32> to vector<16xf32>
      %swap3A_645 = arith.index_cast %add3A_591 : i32 to index
      %swap3A_646 = arith.constant 96 : index
      %swap3A_647 = tpu.vector_load %arg14[%swap3A_645, %swap3A_646] {strides = array<i32>} : memref<512x128xf32, #tpu.memory_space<vmem>>, vector<1x16xf32>,
      %swap3A_648 = vector.shape_cast %swap3A_647 : vector<1x16xf32> to vector<16xf32>
      %swap3A_649 = vector.shape_cast %get3A_644 : vector<16xf32> to vector<1x16xf32>
      tpu.vector_store %arg14[%swap3A_645, %swap3A_646], %swap3A_649 {strides = array<i32>} : memref<512x128xf32, #tpu.memory_space<vmem>>, vector<1x16xf32>,
      %get3A_650 = arith.index_cast %squeeze3A_593 : i32 to index
      %get3A_651 = arith.constant 48 : index
      %get3A_652 = tpu.vector_load %arg15[%get3A_650, %get3A_651] {strides = array<i32>} : memref<12x64xf32, #tpu.memory_space<vmem>>, vector<1x16xf32>,
      %get3A_653 = vector.shape_cast %get3A_652 : vector<1x16xf32> to vector<16xf32>
      %swap3A_654 = arith.index_cast %add3A_591 : i32 to index
      %swap3A_655 = arith.constant 48 : index
      %swap3A_656 = tpu.vector_load %arg14[%swap3A_654, %swap3A_655] {strides = array<i32>} : memref<512x128xf32, #tpu.memory_space<vmem>>, vector<1x16xf32>,
      %swap3A_657 = vector.shape_cast %swap3A_656 : vector<1x16xf32> to vector<16xf32>
      %swap3A_658 = vector.shape_cast %get3A_653 : vector<16xf32> to vector<1x16xf32>
      tpu.vector_store %arg14[%swap3A_654, %swap3A_655], %swap3A_658 {strides = array<i32>} : memref<512x128xf32, #tpu.memory_space<vmem>>, vector<1x16xf32>,
      %get3A_659 = arith.index_cast %squeeze3A_595 : i32 to index
      %get3A_660 = arith.constant 48 : index
      %get3A_661 = tpu.vector_load %arg16[%get3A_659, %get3A_660] {strides = array<i32>} : memref<24x64xf32, #tpu.memory_space<vmem>>, vector<1x16xf32>,
      %get3A_662 = vector.shape_cast %get3A_661 : vector<1x16xf32> to vector<16xf32>
      %swap3A_663 = arith.index_cast %add3A_591 : i32 to index
      %swap3A_664 = arith.constant 112 : index
      %swap3A_665 = tpu.vector_load %arg14[%swap3A_663, %swap3A_664] {strides = array<i32>} : memref<512x128xf32, #tpu.memory_space<vmem>>, vector<1x16xf32>,
      %swap3A_666 = vector.shape_cast %swap3A_665 : vector<1x16xf32> to vector<16xf32>
      %swap3A_667 = vector.shape_cast %get3A_662 : vector<16xf32> to vector<1x16xf32>
      tpu.vector_store %arg14[%swap3A_663, %swap3A_664], %swap3A_667 {strides = array<i32>} : memref<512x128xf32, #tpu.memory_space<vmem>>, vector<1x16xf32>,
      %mul3A_668 = arith.constant 16 : i32
      %mul3A_669 = arith.muli %add3A_497, %mul3A_668 : i32
      %add3A_670 = arith.constant 2 : i32
      %add3A_671 = arith.addi %mul3A_669, %add3A_670 : i32
      %slice3A_672 = vector.extract_strided_slice %get3A_503 {offsets = [2], sizes = [1], strides = [1]} : vector<16xi32> to vector<1xi32>
      %squeeze3A_673 = vector.extract %slice3A_672[0] : i32 from vector<1xi32>
      %slice3A_674 = vector.extract_strided_slice %get3A_510 {offsets = [2], sizes = [1], strides = [1]} : vector<16xi32> to vector<1xi32>
      %squeeze3A_675 = vector.extract %slice3A_674[0] : i32 from vector<1xi32>
      %get3A_676 = arith.index_cast %squeeze3A_673 : i32 to index
      %get3A_677 = arith.constant 0 : index
      %get3A_678 = tpu.vector_load %arg15[%get3A_676, %get3A_677] {strides = array<i32>} : memref<12x64xf32, #tpu.memory_space<vmem>>, vector<1x16xf32>,
      %get3A_679 = vector.shape_cast %get3A_678 : vector<1x16xf32> to vector<16xf32>
      %swap3A_680 = arith.index_cast %add3A_671 : i32 to index
      %swap3A_681 = arith.constant 0 : index
      %swap3A_682 = tpu.vector_load %arg14[%swap3A_680, %swap3A_681] {strides = array<i32>} : memref<512x128xf32, #tpu.memory_space<vmem>>, vector<1x16xf32>,
      %swap3A_683 = vector.shape_cast %swap3A_682 : vector<1x16xf32> to vector<16xf32>
      %swap3A_684 = vector.shape_cast %get3A_679 : vector<16xf32> to vector<1x16xf32>
      tpu.vector_store %arg14[%swap3A_680, %swap3A_681], %swap3A_684 {strides = array<i32>} : memref<512x128xf32, #tpu.memory_space<vmem>>, vector<1x16xf32>,
      %get3A_685 = arith.index_cast %squeeze3A_675 : i32 to index
      %get3A_686 = arith.constant 0 : index
      %get3A_687 = tpu.vector_load %arg16[%get3A_685, %get3A_686] {strides = array<i32>} : memref<24x64xf32, #tpu.memory_space<vmem>>, vector<1x16xf32>,
      %get3A_688 = vector.shape_cast %get3A_687 : vector<1x16xf32> to vector<16xf32>
      %swap3A_689 = arith.index_cast %add3A_671 : i32 to index
      %swap3A_690 = arith.constant 64 : index
      %swap3A_691 = tpu.vector_load %arg14[%swap3A_689, %swap3A_690] {strides = array<i32>} : memref<512x128xf32, #tpu.memory_space<vmem>>, vector<1x16xf32>,
      %swap3A_692 = vector.shape_cast %swap3A_691 : vector<1x16xf32> to vector<16xf32>
      %swap3A_693 = vector.shape_cast %get3A_688 : vector<16xf32> to vector<1x16xf32>
      tpu.vector_store %arg14[%swap3A_689, %swap3A_690], %swap3A_693 {strides = array<i32>} : memref<512x128xf32, #tpu.memory_space<vmem>>, vector<1x16xf32>,
      %get3A_694 = arith.index_cast %squeeze3A_673 : i32 to index
      %get3A_695 = arith.constant 16 : index
      %get3A_696 = tpu.vector_load %arg15[%get3A_694, %get3A_695] {strides = array<i32>} : memref<12x64xf32, #tpu.memory_space<vmem>>, vector<1x16xf32>,
      %get3A_697 = vector.shape_cast %get3A_696 : vector<1x16xf32> to vector<16xf32>
      %swap3A_698 = arith.index_cast %add3A_671 : i32 to index
      %swap3A_699 = arith.constant 16 : index
      %swap3A_700 = tpu.vector_load %arg14[%swap3A_698, %swap3A_699] {strides = array<i32>} : memref<512x128xf32, #tpu.memory_space<vmem>>, vector<1x16xf32>,
      %swap3A_701 = vector.shape_cast %swap3A_700 : vector<1x16xf32> to vector<16xf32>
      %swap3A_702 = vector.shape_cast %get3A_697 : vector<16xf32> to vector<1x16xf32>
      tpu.vector_store %arg14[%swap3A_698, %swap3A_699], %swap3A_702 {strides = array<i32>} : memref<512x128xf32, #tpu.memory_space<vmem>>, vector<1x16xf32>,
      %get3A_703 = arith.index_cast %squeeze3A_675 : i32 to index
      %get3A_704 = arith.constant 16 : index
      %get3A_705 = tpu.vector_load %arg16[%get3A_703, %get3A_704] {strides = array<i32>} : memref<24x64xf32, #tpu.memory_space<vmem>>, vector<1x16xf32>,
      %get3A_706 = vector.shape_cast %get3A_705 : vector<1x16xf32> to vector<16xf32>
      %swap3A_707 = arith.index_cast %add3A_671 : i32 to index
      %swap3A_708 = arith.constant 80 : index
      %swap3A_709 = tpu.vector_load %arg14[%swap3A_707, %swap3A_708] {strides = array<i32>} : memref<512x128xf32, #tpu.memory_space<vmem>>, vector<1x16xf32>,
      %swap3A_710 = vector.shape_cast %swap3A_709 : vector<1x16xf32> to vector<16xf32>
      %swap3A_711 = vector.shape_cast %get3A_706 : vector<16xf32> to vector<1x16xf32>
      tpu.vector_store %arg14[%swap3A_707, %swap3A_708], %swap3A_711 {strides = array<i32>} : memref<512x128xf32, #tpu.memory_space<vmem>>, vector<1x16xf32>,
      %get3A_712 = arith.index_cast %squeeze3A_673 : i32 to index
      %get3A_713 = arith.constant 32 : index
      %get3A_714 = tpu.vector_load %arg15[%get3A_712, %get3A_713] {strides = array<i32>} : memref<12x64xf32, #tpu.memory_space<vmem>>, vector<1x16xf32>,
      %get3A_715 = vector.shape_cast %get3A_714 : vector<1x16xf32> to vector<16xf32>
      %swap3A_716 = arith.index_cast %add3A_671 : i32 to index
      %swap3A_717 = arith.constant 32 : index
      %swap3A_718 = tpu.vector_load %arg14[%swap3A_716, %swap3A_717] {strides = array<i32>} : memref<512x128xf32, #tpu.memory_space<vmem>>, vector<1x16xf32>,
      %swap3A_719 = vector.shape_cast %swap3A_718 : vector<1x16xf32> to vector<16xf32>
      %swap3A_720 = vector.shape_cast %get3A_715 : vector<16xf32> to vector<1x16xf32>
      tpu.vector_store %arg14[%swap3A_716, %swap3A_717], %swap3A_720 {strides = array<i32>} : memref<512x128xf32, #tpu.memory_space<vmem>>, vector<1x16xf32>,
      %get3A_721 = arith.index_cast %squeeze3A_675 : i32 to index
      %get3A_722 = arith.constant 32 : index
      %get3A_723 = tpu.vector_load %arg16[%get3A_721, %get3A_722] {strides = array<i32>} : memref<24x64xf32, #tpu.memory_space<vmem>>, vector<1x16xf32>,
      %get3A_724 = vector.shape_cast %get3A_723 : vector<1x16xf32> to vector<16xf32>
      %swap3A_725 = arith.index_cast %add3A_671 : i32 to index
      %swap3A_726 = arith.constant 96 : index
      %swap3A_727 = tpu.vector_load %arg14[%swap3A_725, %swap3A_726] {strides = array<i32>} : memref<512x128xf32, #tpu.memory_space<vmem>>, vector<1x16xf32>,
      %swap3A_728 = vector.shape_cast %swap3A_727 : vector<1x16xf32> to vector<16xf32>
      %swap3A_729 = vector.shape_cast %get3A_724 : vector<16xf32> to vector<1x16xf32>
      tpu.vector_store %arg14[%swap3A_725, %swap3A_726], %swap3A_729 {strides = array<i32>} : memref<512x128xf32, #tpu.memory_space<vmem>>, vector<1x16xf32>,
      %get3A_730 = arith.index_cast %squeeze3A_673 : i32 to index
      %get3A_731 = arith.constant 48 : index
      %get3A_732 = tpu.vector_load %arg15[%get3A_730, %get3A_731] {strides = array<i32>} : memref<12x64xf32, #tpu.memory_space<vmem>>, vector<1x16xf32>,
      %get3A_733 = vector.shape_cast %get3A_732 : vector<1x16xf32> to vector<16xf32>
      %swap3A_734 = arith.index_cast %add3A_671 : i32 to index
      %swap3A_735 = arith.constant 48 : index
      %swap3A_736 = tpu.vector_load %arg14[%swap3A_734, %swap3A_735] {strides = array<i32>} : memref<512x128xf32, #tpu.memory_space<vmem>>, vector<1x16xf32>,
      %swap3A_737 = vector.shape_cast %swap3A_736 : vector<1x16xf32> to vector<16xf32>
      %swap3A_738 = vector.shape_cast %get3A_733 : vector<16xf32> to vector<1x16xf32>
      tpu.vector_store %arg14[%swap3A_734, %swap3A_735], %swap3A_738 {strides = array<i32>} : memref<512x128xf32, #tpu.memory_space<vmem>>, vector<1x16xf32>,
      %get3A_739 = arith.index_cast %squeeze3A_675 : i32 to index
      %get3A_740 = arith.constant 48 : index
      %get3A_741 = tpu.vector_load %arg16[%get3A_739, %get3A_740] {strides = array<i32>} : memref<24x64xf32, #tpu.memory_space<vmem>>, vector<1x16xf32>,
      %get3A_742 = vector.shape_cast %get3A_741 : vector<1x16xf32> to vector<16xf32>
      %swap3A_743 = arith.index_cast %add3A_671 : i32 to index
      %swap3A_744 = arith.constant 112 : index
      %swap3A_745 = tpu.vector_load %arg14[%swap3A_743, %swap3A_744] {strides = array<i32>} : memref<512x128xf32, #tpu.memory_space<vmem>>, vector<1x16xf32>,
      %swap3A_746 = vector.shape_cast %swap3A_745 : vector<1x16xf32> to vector<16xf32>
      %swap3A_747 = vector.shape_cast %get3A_742 : vector<16xf32> to vector<1x16xf32>
      tpu.vector_store %arg14[%swap3A_743, %swap3A_744], %swap3A_747 {strides = array<i32>} : memref<512x128xf32, #tpu.memory_space<vmem>>, vector<1x16xf32>,
      %mul3A_748 = arith.constant 16 : i32
      %mul3A_749 = arith.muli %add3A_497, %mul3A_748 : i32
      %add3A_750 = arith.constant 3 : i32
      %add3A_751 = arith.addi %mul3A_749, %add3A_750 : i32
      %slice3A_752 = vector.extract_strided_slice %get3A_503 {offsets = [3], sizes = [1], strides = [1]} : vector<16xi32> to vector<1xi32>
      %squeeze3A_753 = vector.extract %slice3A_752[0] : i32 from vector<1xi32>
      %slice3A_754 = vector.extract_strided_slice %get3A_510 {offsets = [3], sizes = [1], strides = [1]} : vector<16xi32> to vector<1xi32>
      %squeeze3A_755 = vector.extract %slice3A_754[0] : i32 from vector<1xi32>
      %get3A_756 = arith.index_cast %squeeze3A_753 : i32 to index
      %get3A_757 = arith.constant 0 : index
      %get3A_758 = tpu.vector_load %arg15[%get3A_756, %get3A_757] {strides = array<i32>} : memref<12x64xf32, #tpu.memory_space<vmem>>, vector<1x16xf32>,
      %get3A_759 = vector.shape_cast %get3A_758 : vector<1x16xf32> to vector<16xf32>
      %swap3A_760 = arith.index_cast %add3A_751 : i32 to index
      %swap3A_761 = arith.constant 0 : index
      %swap3A_762 = tpu.vector_load %arg14[%swap3A_760, %swap3A_761] {strides = array<i32>} : memref<512x128xf32, #tpu.memory_space<vmem>>, vector<1x16xf32>,
      %swap3A_763 = vector.shape_cast %swap3A_762 : vector<1x16xf32> to vector<16xf32>
      %swap3A_764 = vector.shape_cast %get3A_759 : vector<16xf32> to vector<1x16xf32>
      tpu.vector_store %arg14[%swap3A_760, %swap3A_761], %swap3A_764 {strides = array<i32>} : memref<512x128xf32, #tpu.memory_space<vmem>>, vector<1x16xf32>,
      %get3A_765 = arith.index_cast %squeeze3A_755 : i32 to index
      %get3A_766 = arith.constant 0 : index
      %get3A_767 = tpu.vector_load %arg16[%get3A_765, %get3A_766] {strides = array<i32>} : memref<24x64xf32, #tpu.memory_space<vmem>>, vector<1x16xf32>,
      %get3A_768 = vector.shape_cast %get3A_767 : vector<1x16xf32> to vector<16xf32>
      %swap3A_769 = arith.index_cast %add3A_751 : i32 to index
      %swap3A_770 = arith.constant 64 : index
      %swap3A_771 = tpu.vector_load %arg14[%swap3A_769, %swap3A_770] {strides = array<i32>} : memref<512x128xf32, #tpu.memory_space<vmem>>, vector<1x16xf32>,
      %swap3A_772 = vector.shape_cast %swap3A_771 : vector<1x16xf32> to vector<16xf32>
      %swap3A_773 = vector.shape_cast %get3A_768 : vector<16xf32> to vector<1x16xf32>
      tpu.vector_store %arg14[%swap3A_769, %swap3A_770], %swap3A_773 {strides = array<i32>} : memref<512x128xf32, #tpu.memory_space<vmem>>, vector<1x16xf32>,
      %get3A_774 = arith.index_cast %squeeze3A_753 : i32 to index
      %get3A_775 = arith.constant 16 : index
      %get3A_776 = tpu.vector_load %arg15[%get3A_774, %get3A_775] {strides = array<i32>} : memref<12x64xf32, #tpu.memory_space<vmem>>, vector<1x16xf32>,
      %get3A_777 = vector.shape_cast %get3A_776 : vector<1x16xf32> to vector<16xf32>
      %swap3A_778 = arith.index_cast %add3A_751 : i32 to index
      %swap3A_779 = arith.constant 16 : index
      %swap3A_780 = tpu.vector_load %arg14[%swap3A_778, %swap3A_779] {strides = array<i32>} : memref<512x128xf32, #tpu.memory_space<vmem>>, vector<1x16xf32>,
      %swap3A_781 = vector.shape_cast %swap3A_780 : vector<1x16xf32> to vector<16xf32>
      %swap3A_782 = vector.shape_cast %get3A_777 : vector<16xf32> to vector<1x16xf32>
      tpu.vector_store %arg14[%swap3A_778, %swap3A_779], %swap3A_782 {strides = array<i32>} : memref<512x128xf32, #tpu.memory_space<vmem>>, vector<1x16xf32>,
      %get3A_783 = arith.index_cast %squeeze3A_755 : i32 to index
      %get3A_784 = arith.constant 16 : index
      %get3A_785 = tpu.vector_load %arg16[%get3A_783, %get3A_784] {strides = array<i32>} : memref<24x64xf32, #tpu.memory_space<vmem>>, vector<1x16xf32>,
      %get3A_786 = vector.shape_cast %get3A_785 : vector<1x16xf32> to vector<16xf32>
      %swap3A_787 = arith.index_cast %add3A_751 : i32 to index
      %swap3A_788 = arith.constant 80 : index
      %swap3A_789 = tpu.vector_load %arg14[%swap3A_787, %swap3A_788] {strides = array<i32>} : memref<512x128xf32, #tpu.memory_space<vmem>>, vector<1x16xf32>,
      %swap3A_790 = vector.shape_cast %swap3A_789 : vector<1x16xf32> to vector<16xf32>
      %swap3A_791 = vector.shape_cast %get3A_786 : vector<16xf32> to vector<1x16xf32>
      tpu.vector_store %arg14[%swap3A_787, %swap3A_788], %swap3A_791 {strides = array<i32>} : memref<512x128xf32, #tpu.memory_space<vmem>>, vector<1x16xf32>,
      %get3A_792 = arith.index_cast %squeeze3A_753 : i32 to index
      %get3A_793 = arith.constant 32 : index
      %get3A_794 = tpu.vector_load %arg15[%get3A_792, %get3A_793] {strides = array<i32>} : memref<12x64xf32, #tpu.memory_space<vmem>>, vector<1x16xf32>,
      %get3A_795 = vector.shape_cast %get3A_794 : vector<1x16xf32> to vector<16xf32>
      %swap3A_796 = arith.index_cast %add3A_751 : i32 to index
      %swap3A_797 = arith.constant 32 : index
      %swap3A_798 = tpu.vector_load %arg14[%swap3A_796, %swap3A_797] {strides = array<i32>} : memref<512x128xf32, #tpu.memory_space<vmem>>, vector<1x16xf32>,
      %swap3A_799 = vector.shape_cast %swap3A_798 : vector<1x16xf32> to vector<16xf32>
      %swap3A_800 = vector.shape_cast %get3A_795 : vector<16xf32> to vector<1x16xf32>
      tpu.vector_store %arg14[%swap3A_796, %swap3A_797], %swap3A_800 {strides = array<i32>} : memref<512x128xf32, #tpu.memory_space<vmem>>, vector<1x16xf32>,
      %get3A_801 = arith.index_cast %squeeze3A_755 : i32 to index
      %get3A_802 = arith.constant 32 : index
      %get3A_803 = tpu.vector_load %arg16[%get3A_801, %get3A_802] {strides = array<i32>} : memref<24x64xf32, #tpu.memory_space<vmem>>, vector<1x16xf32>,
      %get3A_804 = vector.shape_cast %get3A_803 : vector<1x16xf32> to vector<16xf32>
      %swap3A_805 = arith.index_cast %add3A_751 : i32 to index
      %swap3A_806 = arith.constant 96 : index
      %swap3A_807 = tpu.vector_load %arg14[%swap3A_805, %swap3A_806] {strides = array<i32>} : memref<512x128xf32, #tpu.memory_space<vmem>>, vector<1x16xf32>,
      %swap3A_808 = vector.shape_cast %swap3A_807 : vector<1x16xf32> to vector<16xf32>
      %swap3A_809 = vector.shape_cast %get3A_804 : vector<16xf32> to vector<1x16xf32>
      tpu.vector_store %arg14[%swap3A_805, %swap3A_806], %swap3A_809 {strides = array<i32>} : memref<512x128xf32, #tpu.memory_space<vmem>>, vector<1x16xf32>,
      %get3A_810 = arith.index_cast %squeeze3A_753 : i32 to index
      %get3A_811 = arith.constant 48 : index
      %get3A_812 = tpu.vector_load %arg15[%get3A_810, %get3A_811] {strides = array<i32>} : memref<12x64xf32, #tpu.memory_space<vmem>>, vector<1x16xf32>,
      %get3A_813 = vector.shape_cast %get3A_812 : vector<1x16xf32> to vector<16xf32>
      %swap3A_814 = arith.index_cast %add3A_751 : i32 to index
      %swap3A_815 = arith.constant 48 : index
      %swap3A_816 = tpu.vector_load %arg14[%swap3A_814, %swap3A_815] {strides = array<i32>} : memref<512x128xf32, #tpu.memory_space<vmem>>, vector<1x16xf32>,
      %swap3A_817 = vector.shape_cast %swap3A_816 : vector<1x16xf32> to vector<16xf32>
      %swap3A_818 = vector.shape_cast %get3A_813 : vector<16xf32> to vector<1x16xf32>
      tpu.vector_store %arg14[%swap3A_814, %swap3A_815], %swap3A_818 {strides = array<i32>} : memref<512x128xf32, #tpu.memory_space<vmem>>, vector<1x16xf32>,
      %get3A_819 = arith.index_cast %squeeze3A_755 : i32 to index
      %get3A_820 = arith.constant 48 : index
      %get3A_821 = tpu.vector_load %arg16[%get3A_819, %get3A_820] {strides = array<i32>} : memref<24x64xf32, #tpu.memory_space<vmem>>, vector<1x16xf32>,
      %get3A_822 = vector.shape_cast %get3A_821 : vector<1x16xf32> to vector<16xf32>
      %swap3A_823 = arith.index_cast %add3A_751 : i32 to index
      %swap3A_824 = arith.constant 112 : index
      %swap3A_825 = tpu.vector_load %arg14[%swap3A_823, %swap3A_824] {strides = array<i32>} : memref<512x128xf32, #tpu.memory_space<vmem>>, vector<1x16xf32>,
      %swap3A_826 = vector.shape_cast %swap3A_825 : vector<1x16xf32> to vector<16xf32>
      %swap3A_827 = vector.shape_cast %get3A_822 : vector<16xf32> to vector<1x16xf32>
      tpu.vector_store %arg14[%swap3A_823, %swap3A_824], %swap3A_827 {strides = array<i32>} : memref<512x128xf32, #tpu.memory_space<vmem>>, vector<1x16xf32>,
      %mul3A_828 = arith.constant 16 : i32
      %mul3A_829 = arith.muli %add3A_497, %mul3A_828 : i32
      %add3A_830 = arith.constant 4 : i32
      %add3A_831 = arith.addi %mul3A_829, %add3A_830 : i32
      %slice3A_832 = vector.extract_strided_slice %get3A_503 {offsets = [4], sizes = [1], strides = [1]} : vector<16xi32> to vector<1xi32>
      %squeeze3A_833 = vector.extract %slice3A_832[0] : i32 from vector<1xi32>
      %slice3A_834 = vector.extract_strided_slice %get3A_510 {offsets = [4], sizes = [1], strides = [1]} : vector<16xi32> to vector<1xi32>
      %squeeze3A_835 = vector.extract %slice3A_834[0] : i32 from vector<1xi32>
      %get3A_836 = arith.index_cast %squeeze3A_833 : i32 to index
      %get3A_837 = arith.constant 0 : index
      %get3A_838 = tpu.vector_load %arg15[%get3A_836, %get3A_837] {strides = array<i32>} : memref<12x64xf32, #tpu.memory_space<vmem>>, vector<1x16xf32>,
      %get3A_839 = vector.shape_cast %get3A_838 : vector<1x16xf32> to vector<16xf32>
      %swap3A_840 = arith.index_cast %add3A_831 : i32 to index
      %swap3A_841 = arith.constant 0 : index
      %swap3A_842 = tpu.vector_load %arg14[%swap3A_840, %swap3A_841] {strides = array<i32>} : memref<512x128xf32, #tpu.memory_space<vmem>>, vector<1x16xf32>,
      %swap3A_843 = vector.shape_cast %swap3A_842 : vector<1x16xf32> to vector<16xf32>
      %swap3A_844 = vector.shape_cast %get3A_839 : vector<16xf32> to vector<1x16xf32>
      tpu.vector_store %arg14[%swap3A_840, %swap3A_841], %swap3A_844 {strides = array<i32>} : memref<512x128xf32, #tpu.memory_space<vmem>>, vector<1x16xf32>,
      %get3A_845 = arith.index_cast %squeeze3A_835 : i32 to index
      %get3A_846 = arith.constant 0 : index
      %get3A_847 = tpu.vector_load %arg16[%get3A_845, %get3A_846] {strides = array<i32>} : memref<24x64xf32, #tpu.memory_space<vmem>>, vector<1x16xf32>,
      %get3A_848 = vector.shape_cast %get3A_847 : vector<1x16xf32> to vector<16xf32>
      %swap3A_849 = arith.index_cast %add3A_831 : i32 to index
      %swap3A_850 = arith.constant 64 : index
      %swap3A_851 = tpu.vector_load %arg14[%swap3A_849, %swap3A_850] {strides = array<i32>} : memref<512x128xf32, #tpu.memory_space<vmem>>, vector<1x16xf32>,
      %swap3A_852 = vector.shape_cast %swap3A_851 : vector<1x16xf32> to vector<16xf32>
      %swap3A_853 = vector.shape_cast %get3A_848 : vector<16xf32> to vector<1x16xf32>
      tpu.vector_store %arg14[%swap3A_849, %swap3A_850], %swap3A_853 {strides = array<i32>} : memref<512x128xf32, #tpu.memory_space<vmem>>, vector<1x16xf32>,
      %get3A_854 = arith.index_cast %squeeze3A_833 : i32 to index
      %get3A_855 = arith.constant 16 : index
      %get3A_856 = tpu.vector_load %arg15[%get3A_854, %get3A_855] {strides = array<i32>} : memref<12x64xf32, #tpu.memory_space<vmem>>, vector<1x16xf32>,
      %get3A_857 = vector.shape_cast %get3A_856 : vector<1x16xf32> to vector<16xf32>
      %swap3A_858 = arith.index_cast %add3A_831 : i32 to index
      %swap3A_859 = arith.constant 16 : index
      %swap3A_860 = tpu.vector_load %arg14[%swap3A_858, %swap3A_859] {strides = array<i32>} : memref<512x128xf32, #tpu.memory_space<vmem>>, vector<1x16xf32>,
      %swap3A_861 = vector.shape_cast %swap3A_860 : vector<1x16xf32> to vector<16xf32>
      %swap3A_862 = vector.shape_cast %get3A_857 : vector<16xf32> to vector<1x16xf32>
      tpu.vector_store %arg14[%swap3A_858, %swap3A_859], %swap3A_862 {strides = array<i32>} : memref<512x128xf32, #tpu.memory_space<vmem>>, vector<1x16xf32>,
      %get3A_863 = arith.index_cast %squeeze3A_835 : i32 to index
      %get3A_864 = arith.constant 16 : index
      %get3A_865 = tpu.vector_load %arg16[%get3A_863, %get3A_864] {strides = array<i32>} : memref<24x64xf32, #tpu.memory_space<vmem>>, vector<1x16xf32>,
      %get3A_866 = vector.shape_cast %get3A_865 : vector<1x16xf32> to vector<16xf32>
      %swap3A_867 = arith.index_cast %add3A_831 : i32 to index
      %swap3A_868 = arith.constant 80 : index
      %swap3A_869 = tpu.vector_load %arg14[%swap3A_867, %swap3A_868] {strides = array<i32>} : memref<512x128xf32, #tpu.memory_space<vmem>>, vector<1x16xf32>,
      %swap3A_870 = vector.shape_cast %swap3A_869 : vector<1x16xf32> to vector<16xf32>
      %swap3A_871 = vector.shape_cast %get3A_866 : vector<16xf32> to vector<1x16xf32>
      tpu.vector_store %arg14[%swap3A_867, %swap3A_868], %swap3A_871 {strides = array<i32>} : memref<512x128xf32, #tpu.memory_space<vmem>>, vector<1x16xf32>,
      %get3A_872 = arith.index_cast %squeeze3A_833 : i32 to index
      %get3A_873 = arith.constant 32 : index
      %get3A_874 = tpu.vector_load %arg15[%get3A_872, %get3A_873] {strides = array<i32>} : memref<12x64xf32, #tpu.memory_space<vmem>>, vector<1x16xf32>,
      %get3A_875 = vector.shape_cast %get3A_874 : vector<1x16xf32> to vector<16xf32>
      %swap3A_876 = arith.index_cast %add3A_831 : i32 to index
      %swap3A_877 = arith.constant 32 : index
      %swap3A_878 = tpu.vector_load %arg14[%swap3A_876, %swap3A_877] {strides = array<i32>} : memref<512x128xf32, #tpu.memory_space<vmem>>, vector<1x16xf32>,
      %swap3A_879 = vector.shape_cast %swap3A_878 : vector<1x16xf32> to vector<16xf32>
      %swap3A_880 = vector.shape_cast %get3A_875 : vector<16xf32> to vector<1x16xf32>
      tpu.vector_store %arg14[%swap3A_876, %swap3A_877], %swap3A_880 {strides = array<i32>} : memref<512x128xf32, #tpu.memory_space<vmem>>, vector<1x16xf32>,
      %get3A_881 = arith.index_cast %squeeze3A_835 : i32 to index
      %get3A_882 = arith.constant 32 : index
      %get3A_883 = tpu.vector_load %arg16[%get3A_881, %get3A_882] {strides = array<i32>} : memref<24x64xf32, #tpu.memory_space<vmem>>, vector<1x16xf32>,
      %get3A_884 = vector.shape_cast %get3A_883 : vector<1x16xf32> to vector<16xf32>
      %swap3A_885 = arith.index_cast %add3A_831 : i32 to index
      %swap3A_886 = arith.constant 96 : index
      %swap3A_887 = tpu.vector_load %arg14[%swap3A_885, %swap3A_886] {strides = array<i32>} : memref<512x128xf32, #tpu.memory_space<vmem>>, vector<1x16xf32>,
      %swap3A_888 = vector.shape_cast %swap3A_887 : vector<1x16xf32> to vector<16xf32>
      %swap3A_889 = vector.shape_cast %get3A_884 : vector<16xf32> to vector<1x16xf32>
      tpu.vector_store %arg14[%swap3A_885, %swap3A_886], %swap3A_889 {strides = array<i32>} : memref<512x128xf32, #tpu.memory_space<vmem>>, vector<1x16xf32>,
      %get3A_890 = arith.index_cast %squeeze3A_833 : i32 to index
      %get3A_891 = arith.constant 48 : index
      %get3A_892 = tpu.vector_load %arg15[%get3A_890, %get3A_891] {strides = array<i32>} : memref<12x64xf32, #tpu.memory_space<vmem>>, vector<1x16xf32>,
      %get3A_893 = vector.shape_cast %get3A_892 : vector<1x16xf32> to vector<16xf32>
      %swap3A_894 = arith.index_cast %add3A_831 : i32 to index
      %swap3A_895 = arith.constant 48 : index
      %swap3A_896 = tpu.vector_load %arg14[%swap3A_894, %swap3A_895] {strides = array<i32>} : memref<512x128xf32, #tpu.memory_space<vmem>>, vector<1x16xf32>,
      %swap3A_897 = vector.shape_cast %swap3A_896 : vector<1x16xf32> to vector<16xf32>
      %swap3A_898 = vector.shape_cast %get3A_893 : vector<16xf32> to vector<1x16xf32>
      tpu.vector_store %arg14[%swap3A_894, %swap3A_895], %swap3A_898 {strides = array<i32>} : memref<512x128xf32, #tpu.memory_space<vmem>>, vector<1x16xf32>,
      %get3A_899 = arith.index_cast %squeeze3A_835 : i32 to index
      %get3A_900 = arith.constant 48 : index
      %get3A_901 = tpu.vector_load %arg16[%get3A_899, %get3A_900] {strides = array<i32>} : memref<24x64xf32, #tpu.memory_space<vmem>>, vector<1x16xf32>,
      %get3A_902 = vector.shape_cast %get3A_901 : vector<1x16xf32> to vector<16xf32>
      %swap3A_903 = arith.index_cast %add3A_831 : i32 to index
      %swap3A_904 = arith.constant 112 : index
      %swap3A_905 = tpu.vector_load %arg14[%swap3A_903, %swap3A_904] {strides = array<i32>} : memref<512x128xf32, #tpu.memory_space<vmem>>, vector<1x16xf32>,
      %swap3A_906 = vector.shape_cast %swap3A_905 : vector<1x16xf32> to vector<16xf32>
      %swap3A_907 = vector.shape_cast %get3A_902 : vector<16xf32> to vector<1x16xf32>
      tpu.vector_store %arg14[%swap3A_903, %swap3A_904], %swap3A_907 {strides = array<i32>} : memref<512x128xf32, #tpu.memory_space<vmem>>, vector<1x16xf32>,
      %mul3A_908 = arith.constant 16 : i32
      %mul3A_909 = arith.muli %add3A_497, %mul3A_908 : i32
      %add3A_910 = arith.constant 5 : i32
      %add3A_911 = arith.addi %mul3A_909, %add3A_910 : i32
      %slice3A_912 = vector.extract_strided_slice %get3A_503 {offsets = [5], sizes = [1], strides = [1]} : vector<16xi32> to vector<1xi32>
      %squeeze3A_913 = vector.extract %slice3A_912[0] : i32 from vector<1xi32>
      %slice3A_914 = vector.extract_strided_slice %get3A_510 {offsets = [5], sizes = [1], strides = [1]} : vector<16xi32> to vector<1xi32>
      %squeeze3A_915 = vector.extract %slice3A_914[0] : i32 from vector<1xi32>
      %get3A_916 = arith.index_cast %squeeze3A_913 : i32 to index
      %get3A_917 = arith.constant 0 : index
      %get3A_918 = tpu.vector_load %arg15[%get3A_916, %get3A_917] {strides = array<i32>} : memref<12x64xf32, #tpu.memory_space<vmem>>, vector<1x16xf32>,
      %get3A_919 = vector.shape_cast %get3A_918 : vector<1x16xf32> to vector<16xf32>
      %swap3A_920 = arith.index_cast %add3A_911 : i32 to index
      %swap3A_921 = arith.constant 0 : index
      %swap3A_922 = tpu.vector_load %arg14[%swap3A_920, %swap3A_921] {strides = array<i32>} : memref<512x128xf32, #tpu.memory_space<vmem>>, vector<1x16xf32>,
      %swap3A_923 = vector.shape_cast %swap3A_922 : vector<1x16xf32> to vector<16xf32>
      %swap3A_924 = vector.shape_cast %get3A_919 : vector<16xf32> to vector<1x16xf32>
      tpu.vector_store %arg14[%swap3A_920, %swap3A_921], %swap3A_924 {strides = array<i32>} : memref<512x128xf32, #tpu.memory_space<vmem>>, vector<1x16xf32>,
      %get3A_925 = arith.index_cast %squeeze3A_915 : i32 to index
      %get3A_926 = arith.constant 0 : index
      %get3A_927 = tpu.vector_load %arg16[%get3A_925, %get3A_926] {strides = array<i32>} : memref<24x64xf32, #tpu.memory_space<vmem>>, vector<1x16xf32>,
      %get3A_928 = vector.shape_cast %get3A_927 : vector<1x16xf32> to vector<16xf32>
      %swap3A_929 = arith.index_cast %add3A_911 : i32 to index
      %swap3A_930 = arith.constant 64 : index
      %swap3A_931 = tpu.vector_load %arg14[%swap3A_929, %swap3A_930] {strides = array<i32>} : memref<512x128xf32, #tpu.memory_space<vmem>>, vector<1x16xf32>,
      %swap3A_932 = vector.shape_cast %swap3A_931 : vector<1x16xf32> to vector<16xf32>
      %swap3A_933 = vector.shape_cast %get3A_928 : vector<16xf32> to vector<1x16xf32>
      tpu.vector_store %arg14[%swap3A_929, %swap3A_930], %swap3A_933 {strides = array<i32>} : memref<512x128xf32, #tpu.memory_space<vmem>>, vector<1x16xf32>,
      %get3A_934 = arith.index_cast %squeeze3A_913 : i32 to index
      %get3A_935 = arith.constant 16 : index
      %get3A_936 = tpu.vector_load %arg15[%get3A_934, %get3A_935] {strides = array<i32>} : memref<12x64xf32, #tpu.memory_space<vmem>>, vector<1x16xf32>,
      %get3A_937 = vector.shape_cast %get3A_936 : vector<1x16xf32> to vector<16xf32>
      %swap3A_938 = arith.index_cast %add3A_911 : i32 to index
      %swap3A_939 = arith.constant 16 : index
      %swap3A_940 = tpu.vector_load %arg14[%swap3A_938, %swap3A_939] {strides = array<i32>} : memref<512x128xf32, #tpu.memory_space<vmem>>, vector<1x16xf32>,
      %swap3A_941 = vector.shape_cast %swap3A_940 : vector<1x16xf32> to vector<16xf32>
      %swap3A_942 = vector.shape_cast %get3A_937 : vector<16xf32> to vector<1x16xf32>
      tpu.vector_store %arg14[%swap3A_938, %swap3A_939], %swap3A_942 {strides = array<i32>} : memref<512x128xf32, #tpu.memory_space<vmem>>, vector<1x16xf32>,
      %get3A_943 = arith.index_cast %squeeze3A_915 : i32 to index
      %get3A_944 = arith.constant 16 : index
      %get3A_945 = tpu.vector_load %arg16[%get3A_943, %get3A_944] {strides = array<i32>} : memref<24x64xf32, #tpu.memory_space<vmem>>, vector<1x16xf32>,
      %get3A_946 = vector.shape_cast %get3A_945 : vector<1x16xf32> to vector<16xf32>
      %swap3A_947 = arith.index_cast %add3A_911 : i32 to index
      %swap3A_948 = arith.constant 80 : index
      %swap3A_949 = tpu.vector_load %arg14[%swap3A_947, %swap3A_948] {strides = array<i32>} : memref<512x128xf32, #tpu.memory_space<vmem>>, vector<1x16xf32>,
      %swap3A_950 = vector.shape_cast %swap3A_949 : vector<1x16xf32> to vector<16xf32>
      %swap3A_951 = vector.shape_cast %get3A_946 : vector<16xf32> to vector<1x16xf32>
      tpu.vector_store %arg14[%swap3A_947, %swap3A_948], %swap3A_951 {strides = array<i32>} : memref<512x128xf32, #tpu.memory_space<vmem>>, vector<1x16xf32>,
      %get3A_952 = arith.index_cast %squeeze3A_913 : i32 to index
      %get3A_953 = arith.constant 32 : index
      %get3A_954 = tpu.vector_load %arg15[%get3A_952, %get3A_953] {strides = array<i32>} : memref<12x64xf32, #tpu.memory_space<vmem>>, vector<1x16xf32>,
      %get3A_955 = vector.shape_cast %get3A_954 : vector<1x16xf32> to vector<16xf32>
      %swap3A_956 = arith.index_cast %add3A_911 : i32 to index
      %swap3A_957 = arith.constant 32 : index
      %swap3A_958 = tpu.vector_load %arg14[%swap3A_956, %swap3A_957] {strides = array<i32>} : memref<512x128xf32, #tpu.memory_space<vmem>>, vector<1x16xf32>,
      %swap3A_959 = vector.shape_cast %swap3A_958 : vector<1x16xf32> to vector<16xf32>
      %swap3A_960 = vector.shape_cast %get3A_955 : vector<16xf32> to vector<1x16xf32>
      tpu.vector_store %arg14[%swap3A_956, %swap3A_957], %swap3A_960 {strides = array<i32>} : memref<512x128xf32, #tpu.memory_space<vmem>>, vector<1x16xf32>,
      %get3A_961 = arith.index_cast %squeeze3A_915 : i32 to index
      %get3A_962 = arith.constant 32 : index
      %get3A_963 = tpu.vector_load %arg16[%get3A_961, %get3A_962] {strides = array<i32>} : memref<24x64xf32, #tpu.memory_space<vmem>>, vector<1x16xf32>,
      %get3A_964 = vector.shape_cast %get3A_963 : vector<1x16xf32> to vector<16xf32>
      %swap3A_965 = arith.index_cast %add3A_911 : i32 to index
      %swap3A_966 = arith.constant 96 : index
      %swap3A_967 = tpu.vector_load %arg14[%swap3A_965, %swap3A_966] {strides = array<i32>} : memref<512x128xf32, #tpu.memory_space<vmem>>, vector<1x16xf32>,
      %swap3A_968 = vector.shape_cast %swap3A_967 : vector<1x16xf32> to vector<16xf32>
      %swap3A_969 = vector.shape_cast %get3A_964 : vector<16xf32> to vector<1x16xf32>
      tpu.vector_store %arg14[%swap3A_965, %swap3A_966], %swap3A_969 {strides = array<i32>} : memref<512x128xf32, #tpu.memory_space<vmem>>, vector<1x16xf32>,
      %get3A_970 = arith.index_cast %squeeze3A_913 : i32 to index
      %get3A_971 = arith.constant 48 : index
      %get3A_972 = tpu.vector_load %arg15[%get3A_970, %get3A_971] {strides = array<i32>} : memref<12x64xf32, #tpu.memory_space<vmem>>, vector<1x16xf32>,
      %get3A_973 = vector.shape_cast %get3A_972 : vector<1x16xf32> to vector<16xf32>
      %swap3A_974 = arith.index_cast %add3A_911 : i32 to index
      %swap3A_975 = arith.constant 48 : index
      %swap3A_976 = tpu.vector_load %arg14[%swap3A_974, %swap3A_975] {strides = array<i32>} : memref<512x128xf32, #tpu.memory_space<vmem>>, vector<1x16xf32>,
      %swap3A_977 = vector.shape_cast %swap3A_976 : vector<1x16xf32> to vector<16xf32>
      %swap3A_978 = vector.shape_cast %get3A_973 : vector<16xf32> to vector<1x16xf32>
      tpu.vector_store %arg14[%swap3A_974, %swap3A_975], %swap3A_978 {strides = array<i32>} : memref<512x128xf32, #tpu.memory_space<vmem>>, vector<1x16xf32>,
      %get3A_979 = arith.index_cast %squeeze3A_915 : i32 to index
      %get3A_980 = arith.constant 48 : index
      %get3A_981 = tpu.vector_load %arg16[%get3A_979, %get3A_980] {strides = array<i32>} : memref<24x64xf32, #tpu.memory_space<vmem>>, vector<1x16xf32>,
      %get3A_982 = vector.shape_cast %get3A_981 : vector<1x16xf32> to vector<16xf32>
      %swap3A_983 = arith.index_cast %add3A_911 : i32 to index
      %swap3A_984 = arith.constant 112 : index
      %swap3A_985 = tpu.vector_load %arg14[%swap3A_983, %swap3A_984] {strides = array<i32>} : memref<512x128xf32, #tpu.memory_space<vmem>>, vector<1x16xf32>,
      %swap3A_986 = vector.shape_cast %swap3A_985 : vector<1x16xf32> to vector<16xf32>
      %swap3A_987 = vector.shape_cast %get3A_982 : vector<16xf32> to vector<1x16xf32>
      tpu.vector_store %arg14[%swap3A_983, %swap3A_984], %swap3A_987 {strides = array<i32>} : memref<512x128xf32, #tpu.memory_space<vmem>>, vector<1x16xf32>,
      %mul3A_988 = arith.constant 16 : i32
      %mul3A_989 = arith.muli %add3A_497, %mul3A_988 : i32
      %add3A_990 = arith.constant 6 : i32
      %add3A_991 = arith.addi %mul3A_989, %add3A_990 : i32
      %slice3A_992 = vector.extract_strided_slice %get3A_503 {offsets = [6], sizes = [1], strides = [1]} : vector<16xi32> to vector<1xi32>
      %squeeze3A_993 = vector.extract %slice3A_992[0] : i32 from vector<1xi32>
      %slice3A_994 = vector.extract_strided_slice %get3A_510 {offsets = [6], sizes = [1], strides = [1]} : vector<16xi32> to vector<1xi32>
      %squeeze3A_995 = vector.extract %slice3A_994[0] : i32 from vector<1xi32>
      %get3A_996 = arith.index_cast %squeeze3A_993 : i32 to index
      %get3A_997 = arith.constant 0 : index
      %get3A_998 = tpu.vector_load %arg15[%get3A_996, %get3A_997] {strides = array<i32>} : memref<12x64xf32, #tpu.memory_space<vmem>>, vector<1x16xf32>,
      %get3A_999 = vector.shape_cast %get3A_998 : vector<1x16xf32> to vector<16xf32>
      %swap3A_1000 = arith.index_cast %add3A_991 : i32 to index
      %swap3A_1001 = arith.constant 0 : index
      %swap3A_1002 = tpu.vector_load %arg14[%swap3A_1000, %swap3A_1001] {strides = array<i32>} : memref<512x128xf32, #tpu.memory_space<vmem>>, vector<1x16xf32>,
      %swap3A_1003 = vector.shape_cast %swap3A_1002 : vector<1x16xf32> to vector<16xf32>
      %swap3A_1004 = vector.shape_cast %get3A_999 : vector<16xf32> to vector<1x16xf32>
      tpu.vector_store %arg14[%swap3A_1000, %swap3A_1001], %swap3A_1004 {strides = array<i32>} : memref<512x128xf32, #tpu.memory_space<vmem>>, vector<1x16xf32>,
      %get3A_1005 = arith.index_cast %squeeze3A_995 : i32 to index
      %get3A_1006 = arith.constant 0 : index
      %get3A_1007 = tpu.vector_load %arg16[%get3A_1005, %get3A_1006] {strides = array<i32>} : memref<24x64xf32, #tpu.memory_space<vmem>>, vector<1x16xf32>,
      %get3A_1008 = vector.shape_cast %get3A_1007 : vector<1x16xf32> to vector<16xf32>
      %swap3A_1009 = arith.index_cast %add3A_991 : i32 to index
      %swap3A_1010 = arith.constant 64 : index
      %swap3A_1011 = tpu.vector_load %arg14[%swap3A_1009, %swap3A_1010] {strides = array<i32>} : memref<512x128xf32, #tpu.memory_space<vmem>>, vector<1x16xf32>,
      %swap3A_1012 = vector.shape_cast %swap3A_1011 : vector<1x16xf32> to vector<16xf32>
      %swap3A_1013 = vector.shape_cast %get3A_1008 : vector<16xf32> to vector<1x16xf32>
      tpu.vector_store %arg14[%swap3A_1009, %swap3A_1010], %swap3A_1013 {strides = array<i32>} : memref<512x128xf32, #tpu.memory_space<vmem>>, vector<1x16xf32>,
      %get3A_1014 = arith.index_cast %squeeze3A_993 : i32 to index
      %get3A_1015 = arith.constant 16 : index
      %get3A_1016 = tpu.vector_load %arg15[%get3A_1014, %get3A_1015] {strides = array<i32>} : memref<12x64xf32, #tpu.memory_space<vmem>>, vector<1x16xf32>,
      %get3A_1017 = vector.shape_cast %get3A_1016 : vector<1x16xf32> to vector<16xf32>
      %swap3A_1018 = arith.index_cast %add3A_991 : i32 to index
      %swap3A_1019 = arith.constant 16 : index
      %swap3A_1020 = tpu.vector_load %arg14[%swap3A_1018, %swap3A_1019] {strides = array<i32>} : memref<512x128xf32, #tpu.memory_space<vmem>>, vector<1x16xf32>,
      %swap3A_1021 = vector.shape_cast %swap3A_1020 : vector<1x16xf32> to vector<16xf32>
      %swap3A_1022 = vector.shape_cast %get3A_1017 : vector<16xf32> to vector<1x16xf32>
      tpu.vector_store %arg14[%swap3A_1018, %swap3A_1019], %swap3A_1022 {strides = array<i32>} : memref<512x128xf32, #tpu.memory_space<vmem>>, vector<1x16xf32>,
      %get3A_1023 = arith.index_cast %squeeze3A_995 : i32 to index
      %get3A_1024 = arith.constant 16 : index
      %get3A_1025 = tpu.vector_load %arg16[%get3A_1023, %get3A_1024] {strides = array<i32>} : memref<24x64xf32, #tpu.memory_space<vmem>>, vector<1x16xf32>,
      %get3A_1026 = vector.shape_cast %get3A_1025 : vector<1x16xf32> to vector<16xf32>
      %swap3A_1027 = arith.index_cast %add3A_991 : i32 to index
      %swap3A_1028 = arith.constant 80 : index
      %swap3A_1029 = tpu.vector_load %arg14[%swap3A_1027, %swap3A_1028] {strides = array<i32>} : memref<512x128xf32, #tpu.memory_space<vmem>>, vector<1x16xf32>,
      %swap3A_1030 = vector.shape_cast %swap3A_1029 : vector<1x16xf32> to vector<16xf32>
      %swap3A_1031 = vector.shape_cast %get3A_1026 : vector<16xf32> to vector<1x16xf32>
      tpu.vector_store %arg14[%swap3A_1027, %swap3A_1028], %swap3A_1031 {strides = array<i32>} : memref<512x128xf32, #tpu.memory_space<vmem>>, vector<1x16xf32>,
      %get3A_1032 = arith.index_cast %squeeze3A_993 : i32 to index
      %get3A_1033 = arith.constant 32 : index
      %get3A_1034 = tpu.vector_load %arg15[%get3A_1032, %get3A_1033] {strides = array<i32>} : memref<12x64xf32, #tpu.memory_space<vmem>>, vector<1x16xf32>,
      %get3A_1035 = vector.shape_cast %get3A_1034 : vector<1x16xf32> to vector<16xf32>
      %swap3A_1036 = arith.index_cast %add3A_991 : i32 to index
      %swap3A_1037 = arith.constant 32 : index
      %swap3A_1038 = tpu.vector_load %arg14[%swap3A_1036, %swap3A_1037] {strides = array<i32>} : memref<512x128xf32, #tpu.memory_space<vmem>>, vector<1x16xf32>,
      %swap3A_1039 = vector.shape_cast %swap3A_1038 : vector<1x16xf32> to vector<16xf32>
      %swap3A_1040 = vector.shape_cast %get3A_1035 : vector<16xf32> to vector<1x16xf32>
      tpu.vector_store %arg14[%swap3A_1036, %swap3A_1037], %swap3A_1040 {strides = array<i32>} : memref<512x128xf32, #tpu.memory_space<vmem>>, vector<1x16xf32>,
      %get3A_1041 = arith.index_cast %squeeze3A_995 : i32 to index
      %get3A_1042 = arith.constant 32 : index
      %get3A_1043 = tpu.vector_load %arg16[%get3A_1041, %get3A_1042] {strides = array<i32>} : memref<24x64xf32, #tpu.memory_space<vmem>>, vector<1x16xf32>,
      %get3A_1044 = vector.shape_cast %get3A_1043 : vector<1x16xf32> to vector<16xf32>
      %swap3A_1045 = arith.index_cast %add3A_991 : i32 to index
      %swap3A_1046 = arith.constant 96 : index
      %swap3A_1047 = tpu.vector_load %arg14[%swap3A_1045, %swap3A_1046] {strides = array<i32>} : memref<512x128xf32, #tpu.memory_space<vmem>>, vector<1x16xf32>,
      %swap3A_1048 = vector.shape_cast %swap3A_1047 : vector<1x16xf32> to vector<16xf32>
      %swap3A_1049 = vector.shape_cast %get3A_1044 : vector<16xf32> to vector<1x16xf32>
      tpu.vector_store %arg14[%swap3A_1045, %swap3A_1046], %swap3A_1049 {strides = array<i32>} : memref<512x128xf32, #tpu.memory_space<vmem>>, vector<1x16xf32>,
      %get3A_1050 = arith.index_cast %squeeze3A_993 : i32 to index
      %get3A_1051 = arith.constant 48 : index
      %get3A_1052 = tpu.vector_load %arg15[%get3A_1050, %get3A_1051] {strides = array<i32>} : memref<12x64xf32, #tpu.memory_space<vmem>>, vector<1x16xf32>,
      %get3A_1053 = vector.shape_cast %get3A_1052 : vector<1x16xf32> to vector<16xf32>
      %swap3A_1054 = arith.index_cast %add3A_991 : i32 to index
      %swap3A_1055 = arith.constant 48 : index
      %swap3A_1056 = tpu.vector_load %arg14[%swap3A_1054, %swap3A_1055] {strides = array<i32>} : memref<512x128xf32, #tpu.memory_space<vmem>>, vector<1x16xf32>,
      %swap3A_1057 = vector.shape_cast %swap3A_1056 : vector<1x16xf32> to vector<16xf32>
      %swap3A_1058 = vector.shape_cast %get3A_1053 : vector<16xf32> to vector<1x16xf32>
      tpu.vector_store %arg14[%swap3A_1054, %swap3A_1055], %swap3A_1058 {strides = array<i32>} : memref<512x128xf32, #tpu.memory_space<vmem>>, vector<1x16xf32>,
      %get3A_1059 = arith.index_cast %squeeze3A_995 : i32 to index
      %get3A_1060 = arith.constant 48 : index
      %get3A_1061 = tpu.vector_load %arg16[%get3A_1059, %get3A_1060] {strides = array<i32>} : memref<24x64xf32, #tpu.memory_space<vmem>>, vector<1x16xf32>,
      %get3A_1062 = vector.shape_cast %get3A_1061 : vector<1x16xf32> to vector<16xf32>
      %swap3A_1063 = arith.index_cast %add3A_991 : i32 to index
      %swap3A_1064 = arith.constant 112 : index
      %swap3A_1065 = tpu.vector_load %arg14[%swap3A_1063, %swap3A_1064] {strides = array<i32>} : memref<512x128xf32, #tpu.memory_space<vmem>>, vector<1x16xf32>,
      %swap3A_1066 = vector.shape_cast %swap3A_1065 : vector<1x16xf32> to vector<16xf32>
      %swap3A_1067 = vector.shape_cast %get3A_1062 : vector<16xf32> to vector<1x16xf32>
      tpu.vector_store %arg14[%swap3A_1063, %swap3A_1064], %swap3A_1067 {strides = array<i32>} : memref<512x128xf32, #tpu.memory_space<vmem>>, vector<1x16xf32>,
      %mul3A_1068 = arith.constant 16 : i32
      %mul3A_1069 = arith.muli %add3A_497, %mul3A_1068 : i32
      %add3A_1070 = arith.constant 7 : i32
      %add3A_1071 = arith.addi %mul3A_1069, %add3A_1070 : i32
      %slice3A_1072 = vector.extract_strided_slice %get3A_503 {offsets = [7], sizes = [1], strides = [1]} : vector<16xi32> to vector<1xi32>
      %squeeze3A_1073 = vector.extract %slice3A_1072[0] : i32 from vector<1xi32>
      %slice3A_1074 = vector.extract_strided_slice %get3A_510 {offsets = [7], sizes = [1], strides = [1]} : vector<16xi32> to vector<1xi32>
      %squeeze3A_1075 = vector.extract %slice3A_1074[0] : i32 from vector<1xi32>
      %get3A_1076 = arith.index_cast %squeeze3A_1073 : i32 to index
      %get3A_1077 = arith.constant 0 : index
      %get3A_1078 = tpu.vector_load %arg15[%get3A_1076, %get3A_1077] {strides = array<i32>} : memref<12x64xf32, #tpu.memory_space<vmem>>, vector<1x16xf32>,
      %get3A_1079 = vector.shape_cast %get3A_1078 : vector<1x16xf32> to vector<16xf32>
      %swap3A_1080 = arith.index_cast %add3A_1071 : i32 to index
      %swap3A_1081 = arith.constant 0 : index
      %swap3A_1082 = tpu.vector_load %arg14[%swap3A_1080, %swap3A_1081] {strides = array<i32>} : memref<512x128xf32, #tpu.memory_space<vmem>>, vector<1x16xf32>,
      %swap3A_1083 = vector.shape_cast %swap3A_1082 : vector<1x16xf32> to vector<16xf32>
      %swap3A_1084 = vector.shape_cast %get3A_1079 : vector<16xf32> to vector<1x16xf32>
      tpu.vector_store %arg14[%swap3A_1080, %swap3A_1081], %swap3A_1084 {strides = array<i32>} : memref<512x128xf32, #tpu.memory_space<vmem>>, vector<1x16xf32>,
      %get3A_1085 = arith.index_cast %squeeze3A_1075 : i32 to index
      %get3A_1086 = arith.constant 0 : index
      %get3A_1087 = tpu.vector_load %arg16[%get3A_1085, %get3A_1086] {strides = array<i32>} : memref<24x64xf32, #tpu.memory_space<vmem>>, vector<1x16xf32>,
      %get3A_1088 = vector.shape_cast %get3A_1087 : vector<1x16xf32> to vector<16xf32>
      %swap3A_1089 = arith.index_cast %add3A_1071 : i32 to index
      %swap3A_1090 = arith.constant 64 : index
      %swap3A_1091 = tpu.vector_load %arg14[%swap3A_1089, %swap3A_1090] {strides = array<i32>} : memref<512x128xf32, #tpu.memory_space<vmem>>, vector<1x16xf32>,
      %swap3A_1092 = vector.shape_cast %swap3A_1091 : vector<1x16xf32> to vector<16xf32>
      %swap3A_1093 = vector.shape_cast %get3A_1088 : vector<16xf32> to vector<1x16xf32>
      tpu.vector_store %arg14[%swap3A_1089, %swap3A_1090], %swap3A_1093 {strides = array<i32>} : memref<512x128xf32, #tpu.memory_space<vmem>>, vector<1x16xf32>,
      %get3A_1094 = arith.index_cast %squeeze3A_1073 : i32 to index
      %get3A_1095 = arith.constant 16 : index
      %get3A_1096 = tpu.vector_load %arg15[%get3A_1094, %get3A_1095] {strides = array<i32>} : memref<12x64xf32, #tpu.memory_space<vmem>>, vector<1x16xf32>,
      %get3A_1097 = vector.shape_cast %get3A_1096 : vector<1x16xf32> to vector<16xf32>
      %swap3A_1098 = arith.index_cast %add3A_1071 : i32 to index
      %swap3A_1099 = arith.constant 16 : index
      %swap3A_1100 = tpu.vector_load %arg14[%swap3A_1098, %swap3A_1099] {strides = array<i32>} : memref<512x128xf32, #tpu.memory_space<vmem>>, vector<1x16xf32>,
      %swap3A_1101 = vector.shape_cast %swap3A_1100 : vector<1x16xf32> to vector<16xf32>
      %swap3A_1102 = vector.shape_cast %get3A_1097 : vector<16xf32> to vector<1x16xf32>
      tpu.vector_store %arg14[%swap3A_1098, %swap3A_1099], %swap3A_1102 {strides = array<i32>} : memref<512x128xf32, #tpu.memory_space<vmem>>, vector<1x16xf32>,
      %get3A_1103 = arith.index_cast %squeeze3A_1075 : i32 to index
      %get3A_1104 = arith.constant 16 : index
      %get3A_1105 = tpu.vector_load %arg16[%get3A_1103, %get3A_1104] {strides = array<i32>} : memref<24x64xf32, #tpu.memory_space<vmem>>, vector<1x16xf32>,
      %get3A_1106 = vector.shape_cast %get3A_1105 : vector<1x16xf32> to vector<16xf32>
      %swap3A_1107 = arith.index_cast %add3A_1071 : i32 to index
      %swap3A_1108 = arith.constant 80 : index
      %swap3A_1109 = tpu.vector_load %arg14[%swap3A_1107, %swap3A_1108] {strides = array<i32>} : memref<512x128xf32, #tpu.memory_space<vmem>>, vector<1x16xf32>,
      %swap3A_1110 = vector.shape_cast %swap3A_1109 : vector<1x16xf32> to vector<16xf32>
      %swap3A_1111 = vector.shape_cast %get3A_1106 : vector<16xf32> to vector<1x16xf32>
      tpu.vector_store %arg14[%swap3A_1107, %swap3A_1108], %swap3A_1111 {strides = array<i32>} : memref<512x128xf32, #tpu.memory_space<vmem>>, vector<1x16xf32>,
      %get3A_1112 = arith.index_cast %squeeze3A_1073 : i32 to index
      %get3A_1113 = arith.constant 32 : index
      %get3A_1114 = tpu.vector_load %arg15[%get3A_1112, %get3A_1113] {strides = array<i32>} : memref<12x64xf32, #tpu.memory_space<vmem>>, vector<1x16xf32>,
      %get3A_1115 = vector.shape_cast %get3A_1114 : vector<1x16xf32> to vector<16xf32>
      %swap3A_1116 = arith.index_cast %add3A_1071 : i32 to index
      %swap3A_1117 = arith.constant 32 : index
      %swap3A_1118 = tpu.vector_load %arg14[%swap3A_1116, %swap3A_1117] {strides = array<i32>} : memref<512x128xf32, #tpu.memory_space<vmem>>, vector<1x16xf32>,
      %swap3A_1119 = vector.shape_cast %swap3A_1118 : vector<1x16xf32> to vector<16xf32>
      %swap3A_1120 = vector.shape_cast %get3A_1115 : vector<16xf32> to vector<1x16xf32>
      tpu.vector_store %arg14[%swap3A_1116, %swap3A_1117], %swap3A_1120 {strides = array<i32>} : memref<512x128xf32, #tpu.memory_space<vmem>>, vector<1x16xf32>,
      %get3A_1121 = arith.index_cast %squeeze3A_1075 : i32 to index
      %get3A_1122 = arith.constant 32 : index
      %get3A_1123 = tpu.vector_load %arg16[%get3A_1121, %get3A_1122] {strides = array<i32>} : memref<24x64xf32, #tpu.memory_space<vmem>>, vector<1x16xf32>,
      %get3A_1124 = vector.shape_cast %get3A_1123 : vector<1x16xf32> to vector<16xf32>
      %swap3A_1125 = arith.index_cast %add3A_1071 : i32 to index
      %swap3A_1126 = arith.constant 96 : index
      %swap3A_1127 = tpu.vector_load %arg14[%swap3A_1125, %swap3A_1126] {strides = array<i32>} : memref<512x128xf32, #tpu.memory_space<vmem>>, vector<1x16xf32>,
      %swap3A_1128 = vector.shape_cast %swap3A_1127 : vector<1x16xf32> to vector<16xf32>
      %swap3A_1129 = vector.shape_cast %get3A_1124 : vector<16xf32> to vector<1x16xf32>
      tpu.vector_store %arg14[%swap3A_1125, %swap3A_1126], %swap3A_1129 {strides = array<i32>} : memref<512x128xf32, #tpu.memory_space<vmem>>, vector<1x16xf32>,
      %get3A_1130 = arith.index_cast %squeeze3A_1073 : i32 to index
      %get3A_1131 = arith.constant 48 : index
      %get3A_1132 = tpu.vector_load %arg15[%get3A_1130, %get3A_1131] {strides = array<i32>} : memref<12x64xf32, #tpu.memory_space<vmem>>, vector<1x16xf32>,
      %get3A_1133 = vector.shape_cast %get3A_1132 : vector<1x16xf32> to vector<16xf32>
      %swap3A_1134 = arith.index_cast %add3A_1071 : i32 to index
      %swap3A_1135 = arith.constant 48 : index
      %swap3A_1136 = tpu.vector_load %arg14[%swap3A_1134, %swap3A_1135] {strides = array<i32>} : memref<512x128xf32, #tpu.memory_space<vmem>>, vector<1x16xf32>,
      %swap3A_1137 = vector.shape_cast %swap3A_1136 : vector<1x16xf32> to vector<16xf32>
      %swap3A_1138 = vector.shape_cast %get3A_1133 : vector<16xf32> to vector<1x16xf32>
      tpu.vector_store %arg14[%swap3A_1134, %swap3A_1135], %swap3A_1138 {strides = array<i32>} : memref<512x128xf32, #tpu.memory_space<vmem>>, vector<1x16xf32>,
      %get3A_1139 = arith.index_cast %squeeze3A_1075 : i32 to index
      %get3A_1140 = arith.constant 48 : index
      %get3A_1141 = tpu.vector_load %arg16[%get3A_1139, %get3A_1140] {strides = array<i32>} : memref<24x64xf32, #tpu.memory_space<vmem>>, vector<1x16xf32>,
      %get3A_1142 = vector.shape_cast %get3A_1141 : vector<1x16xf32> to vector<16xf32>
      %swap3A_1143 = arith.index_cast %add3A_1071 : i32 to index
      %swap3A_1144 = arith.constant 112 : index
      %swap3A_1145 = tpu.vector_load %arg14[%swap3A_1143, %swap3A_1144] {strides = array<i32>} : memref<512x128xf32, #tpu.memory_space<vmem>>, vector<1x16xf32>,
      %swap3A_1146 = vector.shape_cast %swap3A_1145 : vector<1x16xf32> to vector<16xf32>
      %swap3A_1147 = vector.shape_cast %get3A_1142 : vector<16xf32> to vector<1x16xf32>
      tpu.vector_store %arg14[%swap3A_1143, %swap3A_1144], %swap3A_1147 {strides = array<i32>} : memref<512x128xf32, #tpu.memory_space<vmem>>, vector<1x16xf32>,
      %mul3A_1148 = arith.constant 16 : i32
      %mul3A_1149 = arith.muli %add3A_497, %mul3A_1148 : i32
      %add3A_1150 = arith.constant 8 : i32
      %add3A_1151 = arith.addi %mul3A_1149, %add3A_1150 : i32
      %slice3A_1152 = vector.extract_strided_slice %get3A_503 {offsets = [8], sizes = [1], strides = [1]} : vector<16xi32> to vector<1xi32>
      %squeeze3A_1153 = vector.extract %slice3A_1152[0] : i32 from vector<1xi32>
      %slice3A_1154 = vector.extract_strided_slice %get3A_510 {offsets = [8], sizes = [1], strides = [1]} : vector<16xi32> to vector<1xi32>
      %squeeze3A_1155 = vector.extract %slice3A_1154[0] : i32 from vector<1xi32>
      %get3A_1156 = arith.index_cast %squeeze3A_1153 : i32 to index
      %get3A_1157 = arith.constant 0 : index
      %get3A_1158 = tpu.vector_load %arg15[%get3A_1156, %get3A_1157] {strides = array<i32>} : memref<12x64xf32, #tpu.memory_space<vmem>>, vector<1x16xf32>,
      %get3A_1159 = vector.shape_cast %get3A_1158 : vector<1x16xf32> to vector<16xf32>
      %swap3A_1160 = arith.index_cast %add3A_1151 : i32 to index
      %swap3A_1161 = arith.constant 0 : index
      %swap3A_1162 = tpu.vector_load %arg14[%swap3A_1160, %swap3A_1161] {strides = array<i32>} : memref<512x128xf32, #tpu.memory_space<vmem>>, vector<1x16xf32>,
      %swap3A_1163 = vector.shape_cast %swap3A_1162 : vector<1x16xf32> to vector<16xf32>
      %swap3A_1164 = vector.shape_cast %get3A_1159 : vector<16xf32> to vector<1x16xf32>
      tpu.vector_store %arg14[%swap3A_1160, %swap3A_1161], %swap3A_1164 {strides = array<i32>} : memref<512x128xf32, #tpu.memory_space<vmem>>, vector<1x16xf32>,
      %get3A_1165 = arith.index_cast %squeeze3A_1155 : i32 to index
      %get3A_1166 = arith.constant 0 : index
      %get3A_1167 = tpu.vector_load %arg16[%get3A_1165, %get3A_1166] {strides = array<i32>} : memref<24x64xf32, #tpu.memory_space<vmem>>, vector<1x16xf32>,
      %get3A_1168 = vector.shape_cast %get3A_1167 : vector<1x16xf32> to vector<16xf32>
      %swap3A_1169 = arith.index_cast %add3A_1151 : i32 to index
      %swap3A_1170 = arith.constant 64 : index
      %swap3A_1171 = tpu.vector_load %arg14[%swap3A_1169, %swap3A_1170] {strides = array<i32>} : memref<512x128xf32, #tpu.memory_space<vmem>>, vector<1x16xf32>,
      %swap3A_1172 = vector.shape_cast %swap3A_1171 : vector<1x16xf32> to vector<16xf32>
      %swap3A_1173 = vector.shape_cast %get3A_1168 : vector<16xf32> to vector<1x16xf32>
      tpu.vector_store %arg14[%swap3A_1169, %swap3A_1170], %swap3A_1173 {strides = array<i32>} : memref<512x128xf32, #tpu.memory_space<vmem>>, vector<1x16xf32>,
      %get3A_1174 = arith.index_cast %squeeze3A_1153 : i32 to index
      %get3A_1175 = arith.constant 16 : index
      %get3A_1176 = tpu.vector_load %arg15[%get3A_1174, %get3A_1175] {strides = array<i32>} : memref<12x64xf32, #tpu.memory_space<vmem>>, vector<1x16xf32>,
      %get3A_1177 = vector.shape_cast %get3A_1176 : vector<1x16xf32> to vector<16xf32>
      %swap3A_1178 = arith.index_cast %add3A_1151 : i32 to index
      %swap3A_1179 = arith.constant 16 : index
      %swap3A_1180 = tpu.vector_load %arg14[%swap3A_1178, %swap3A_1179] {strides = array<i32>} : memref<512x128xf32, #tpu.memory_space<vmem>>, vector<1x16xf32>,
      %swap3A_1181 = vector.shape_cast %swap3A_1180 : vector<1x16xf32> to vector<16xf32>
      %swap3A_1182 = vector.shape_cast %get3A_1177 : vector<16xf32> to vector<1x16xf32>
      tpu.vector_store %arg14[%swap3A_1178, %swap3A_1179], %swap3A_1182 {strides = array<i32>} : memref<512x128xf32, #tpu.memory_space<vmem>>, vector<1x16xf32>,
      %get3A_1183 = arith.index_cast %squeeze3A_1155 : i32 to index
      %get3A_1184 = arith.constant 16 : index
      %get3A_1185 = tpu.vector_load %arg16[%get3A_1183, %get3A_1184] {strides = array<i32>} : memref<24x64xf32, #tpu.memory_space<vmem>>, vector<1x16xf32>,
      %get3A_1186 = vector.shape_cast %get3A_1185 : vector<1x16xf32> to vector<16xf32>
      %swap3A_1187 = arith.index_cast %add3A_1151 : i32 to index
      %swap3A_1188 = arith.constant 80 : index
      %swap3A_1189 = tpu.vector_load %arg14[%swap3A_1187, %swap3A_1188] {strides = array<i32>} : memref<512x128xf32, #tpu.memory_space<vmem>>, vector<1x16xf32>,
      %swap3A_1190 = vector.shape_cast %swap3A_1189 : vector<1x16xf32> to vector<16xf32>
      %swap3A_1191 = vector.shape_cast %get3A_1186 : vector<16xf32> to vector<1x16xf32>
      tpu.vector_store %arg14[%swap3A_1187, %swap3A_1188], %swap3A_1191 {strides = array<i32>} : memref<512x128xf32, #tpu.memory_space<vmem>>, vector<1x16xf32>,
      %get3A_1192 = arith.index_cast %squeeze3A_1153 : i32 to index
      %get3A_1193 = arith.constant 32 : index
      %get3A_1194 = tpu.vector_load %arg15[%get3A_1192, %get3A_1193] {strides = array<i32>} : memref<12x64xf32, #tpu.memory_space<vmem>>, vector<1x16xf32>,
      %get3A_1195 = vector.shape_cast %get3A_1194 : vector<1x16xf32> to vector<16xf32>
      %swap3A_1196 = arith.index_cast %add3A_1151 : i32 to index
      %swap3A_1197 = arith.constant 32 : index
      %swap3A_1198 = tpu.vector_load %arg14[%swap3A_1196, %swap3A_1197] {strides = array<i32>} : memref<512x128xf32, #tpu.memory_space<vmem>>, vector<1x16xf32>,
      %swap3A_1199 = vector.shape_cast %swap3A_1198 : vector<1x16xf32> to vector<16xf32>
      %swap3A_1200 = vector.shape_cast %get3A_1195 : vector<16xf32> to vector<1x16xf32>
      tpu.vector_store %arg14[%swap3A_1196, %swap3A_1197], %swap3A_1200 {strides = array<i32>} : memref<512x128xf32, #tpu.memory_space<vmem>>, vector<1x16xf32>,
      %get3A_1201 = arith.index_cast %squeeze3A_1155 : i32 to index
      %get3A_1202 = arith.constant 32 : index
      %get3A_1203 = tpu.vector_load %arg16[%get3A_1201, %get3A_1202] {strides = array<i32>} : memref<24x64xf32, #tpu.memory_space<vmem>>, vector<1x16xf32>,
      %get3A_1204 = vector.shape_cast %get3A_1203 : vector<1x16xf32> to vector<16xf32>
      %swap3A_1205 = arith.index_cast %add3A_1151 : i32 to index
      %swap3A_1206 = arith.constant 96 : index
      %swap3A_1207 = tpu.vector_load %arg14[%swap3A_1205, %swap3A_1206] {strides = array<i32>} : memref<512x128xf32, #tpu.memory_space<vmem>>, vector<1x16xf32>,
      %swap3A_1208 = vector.shape_cast %swap3A_1207 : vector<1x16xf32> to vector<16xf32>
      %swap3A_1209 = vector.shape_cast %get3A_1204 : vector<16xf32> to vector<1x16xf32>
      tpu.vector_store %arg14[%swap3A_1205, %swap3A_1206], %swap3A_1209 {strides = array<i32>} : memref<512x128xf32, #tpu.memory_space<vmem>>, vector<1x16xf32>,
      %get3A_1210 = arith.index_cast %squeeze3A_1153 : i32 to index
      %get3A_1211 = arith.constant 48 : index
      %get3A_1212 = tpu.vector_load %arg15[%get3A_1210, %get3A_1211] {strides = array<i32>} : memref<12x64xf32, #tpu.memory_space<vmem>>, vector<1x16xf32>,
      %get3A_1213 = vector.shape_cast %get3A_1212 : vector<1x16xf32> to vector<16xf32>
      %swap3A_1214 = arith.index_cast %add3A_1151 : i32 to index
      %swap3A_1215 = arith.constant 48 : index
      %swap3A_1216 = tpu.vector_load %arg14[%swap3A_1214, %swap3A_1215] {strides = array<i32>} : memref<512x128xf32, #tpu.memory_space<vmem>>, vector<1x16xf32>,
      %swap3A_1217 = vector.shape_cast %swap3A_1216 : vector<1x16xf32> to vector<16xf32>
      %swap3A_1218 = vector.shape_cast %get3A_1213 : vector<16xf32> to vector<1x16xf32>
      tpu.vector_store %arg14[%swap3A_1214, %swap3A_1215], %swap3A_1218 {strides = array<i32>} : memref<512x128xf32, #tpu.memory_space<vmem>>, vector<1x16xf32>,
      %get3A_1219 = arith.index_cast %squeeze3A_1155 : i32 to index
      %get3A_1220 = arith.constant 48 : index
      %get3A_1221 = tpu.vector_load %arg16[%get3A_1219, %get3A_1220] {strides = array<i32>} : memref<24x64xf32, #tpu.memory_space<vmem>>, vector<1x16xf32>,
      %get3A_1222 = vector.shape_cast %get3A_1221 : vector<1x16xf32> to vector<16xf32>
      %swap3A_1223 = arith.index_cast %add3A_1151 : i32 to index
      %swap3A_1224 = arith.constant 112 : index
      %swap3A_1225 = tpu.vector_load %arg14[%swap3A_1223, %swap3A_1224] {strides = array<i32>} : memref<512x128xf32, #tpu.memory_space<vmem>>, vector<1x16xf32>,
      %swap3A_1226 = vector.shape_cast %swap3A_1225 : vector<1x16xf32> to vector<16xf32>
      %swap3A_1227 = vector.shape_cast %get3A_1222 : vector<16xf32> to vector<1x16xf32>
      tpu.vector_store %arg14[%swap3A_1223, %swap3A_1224], %swap3A_1227 {strides = array<i32>} : memref<512x128xf32, #tpu.memory_space<vmem>>, vector<1x16xf32>,
      %mul3A_1228 = arith.constant 16 : i32
      %mul3A_1229 = arith.muli %add3A_497, %mul3A_1228 : i32
      %add3A_1230 = arith.constant 9 : i32
      %add3A_1231 = arith.addi %mul3A_1229, %add3A_1230 : i32
      %slice3A_1232 = vector.extract_strided_slice %get3A_503 {offsets = [9], sizes = [1], strides = [1]} : vector<16xi32> to vector<1xi32>
      %squeeze3A_1233 = vector.extract %slice3A_1232[0] : i32 from vector<1xi32>
      %slice3A_1234 = vector.extract_strided_slice %get3A_510 {offsets = [9], sizes = [1], strides = [1]} : vector<16xi32> to vector<1xi32>
      %squeeze3A_1235 = vector.extract %slice3A_1234[0] : i32 from vector<1xi32>
      %get3A_1236 = arith.index_cast %squeeze3A_1233 : i32 to index
      %get3A_1237 = arith.constant 0 : index
      %get3A_1238 = tpu.vector_load %arg15[%get3A_1236, %get3A_1237] {strides = array<i32>} : memref<12x64xf32, #tpu.memory_space<vmem>>, vector<1x16xf32>,
      %get3A_1239 = vector.shape_cast %get3A_1238 : vector<1x16xf32> to vector<16xf32>
      %swap3A_1240 = arith.index_cast %add3A_1231 : i32 to index
      %swap3A_1241 = arith.constant 0 : index
      %swap3A_1242 = tpu.vector_load %arg14[%swap3A_1240, %swap3A_1241] {strides = array<i32>} : memref<512x128xf32, #tpu.memory_space<vmem>>, vector<1x16xf32>,
      %swap3A_1243 = vector.shape_cast %swap3A_1242 : vector<1x16xf32> to vector<16xf32>
      %swap3A_1244 = vector.shape_cast %get3A_1239 : vector<16xf32> to vector<1x16xf32>
      tpu.vector_store %arg14[%swap3A_1240, %swap3A_1241], %swap3A_1244 {strides = array<i32>} : memref<512x128xf32, #tpu.memory_space<vmem>>, vector<1x16xf32>,
      %get3A_1245 = arith.index_cast %squeeze3A_1235 : i32 to index
      %get3A_1246 = arith.constant 0 : index
      %get3A_1247 = tpu.vector_load %arg16[%get3A_1245, %get3A_1246] {strides = array<i32>} : memref<24x64xf32, #tpu.memory_space<vmem>>, vector<1x16xf32>,
      %get3A_1248 = vector.shape_cast %get3A_1247 : vector<1x16xf32> to vector<16xf32>
      %swap3A_1249 = arith.index_cast %add3A_1231 : i32 to index
      %swap3A_1250 = arith.constant 64 : index
      %swap3A_1251 = tpu.vector_load %arg14[%swap3A_1249, %swap3A_1250] {strides = array<i32>} : memref<512x128xf32, #tpu.memory_space<vmem>>, vector<1x16xf32>,
      %swap3A_1252 = vector.shape_cast %swap3A_1251 : vector<1x16xf32> to vector<16xf32>
      %swap3A_1253 = vector.shape_cast %get3A_1248 : vector<16xf32> to vector<1x16xf32>
      tpu.vector_store %arg14[%swap3A_1249, %swap3A_1250], %swap3A_1253 {strides = array<i32>} : memref<512x128xf32, #tpu.memory_space<vmem>>, vector<1x16xf32>,
      %get3A_1254 = arith.index_cast %squeeze3A_1233 : i32 to index
      %get3A_1255 = arith.constant 16 : index
      %get3A_1256 = tpu.vector_load %arg15[%get3A_1254, %get3A_1255] {strides = array<i32>} : memref<12x64xf32, #tpu.memory_space<vmem>>, vector<1x16xf32>,
      %get3A_1257 = vector.shape_cast %get3A_1256 : vector<1x16xf32> to vector<16xf32>
      %swap3A_1258 = arith.index_cast %add3A_1231 : i32 to index
      %swap3A_1259 = arith.constant 16 : index
      %swap3A_1260 = tpu.vector_load %arg14[%swap3A_1258, %swap3A_1259] {strides = array<i32>} : memref<512x128xf32, #tpu.memory_space<vmem>>, vector<1x16xf32>,
      %swap3A_1261 = vector.shape_cast %swap3A_1260 : vector<1x16xf32> to vector<16xf32>
      %swap3A_1262 = vector.shape_cast %get3A_1257 : vector<16xf32> to vector<1x16xf32>
      tpu.vector_store %arg14[%swap3A_1258, %swap3A_1259], %swap3A_1262 {strides = array<i32>} : memref<512x128xf32, #tpu.memory_space<vmem>>, vector<1x16xf32>,
      %get3A_1263 = arith.index_cast %squeeze3A_1235 : i32 to index
      %get3A_1264 = arith.constant 16 : index
      %get3A_1265 = tpu.vector_load %arg16[%get3A_1263, %get3A_1264] {strides = array<i32>} : memref<24x64xf32, #tpu.memory_space<vmem>>, vector<1x16xf32>,
      %get3A_1266 = vector.shape_cast %get3A_1265 : vector<1x16xf32> to vector<16xf32>
      %swap3A_1267 = arith.index_cast %add3A_1231 : i32 to index
      %swap3A_1268 = arith.constant 80 : index
      %swap3A_1269 = tpu.vector_load %arg14[%swap3A_1267, %swap3A_1268] {strides = array<i32>} : memref<512x128xf32, #tpu.memory_space<vmem>>, vector<1x16xf32>,
      %swap3A_1270 = vector.shape_cast %swap3A_1269 : vector<1x16xf32> to vector<16xf32>
      %swap3A_1271 = vector.shape_cast %get3A_1266 : vector<16xf32> to vector<1x16xf32>
      tpu.vector_store %arg14[%swap3A_1267, %swap3A_1268], %swap3A_1271 {strides = array<i32>} : memref<512x128xf32, #tpu.memory_space<vmem>>, vector<1x16xf32>,
      %get3A_1272 = arith.index_cast %squeeze3A_1233 : i32 to index
      %get3A_1273 = arith.constant 32 : index
      %get3A_1274 = tpu.vector_load %arg15[%get3A_1272, %get3A_1273] {strides = array<i32>} : memref<12x64xf32, #tpu.memory_space<vmem>>, vector<1x16xf32>,
      %get3A_1275 = vector.shape_cast %get3A_1274 : vector<1x16xf32> to vector<16xf32>
      %swap3A_1276 = arith.index_cast %add3A_1231 : i32 to index
      %swap3A_1277 = arith.constant 32 : index
      %swap3A_1278 = tpu.vector_load %arg14[%swap3A_1276, %swap3A_1277] {strides = array<i32>} : memref<512x128xf32, #tpu.memory_space<vmem>>, vector<1x16xf32>,
      %swap3A_1279 = vector.shape_cast %swap3A_1278 : vector<1x16xf32> to vector<16xf32>
      %swap3A_1280 = vector.shape_cast %get3A_1275 : vector<16xf32> to vector<1x16xf32>
      tpu.vector_store %arg14[%swap3A_1276, %swap3A_1277], %swap3A_1280 {strides = array<i32>} : memref<512x128xf32, #tpu.memory_space<vmem>>, vector<1x16xf32>,
      %get3A_1281 = arith.index_cast %squeeze3A_1235 : i32 to index
      %get3A_1282 = arith.constant 32 : index
      %get3A_1283 = tpu.vector_load %arg16[%get3A_1281, %get3A_1282] {strides = array<i32>} : memref<24x64xf32, #tpu.memory_space<vmem>>, vector<1x16xf32>,
      %get3A_1284 = vector.shape_cast %get3A_1283 : vector<1x16xf32> to vector<16xf32>
      %swap3A_1285 = arith.index_cast %add3A_1231 : i32 to index
      %swap3A_1286 = arith.constant 96 : index
      %swap3A_1287 = tpu.vector_load %arg14[%swap3A_1285, %swap3A_1286] {strides = array<i32>} : memref<512x128xf32, #tpu.memory_space<vmem>>, vector<1x16xf32>,
      %swap3A_1288 = vector.shape_cast %swap3A_1287 : vector<1x16xf32> to vector<16xf32>
      %swap3A_1289 = vector.shape_cast %get3A_1284 : vector<16xf32> to vector<1x16xf32>
      tpu.vector_store %arg14[%swap3A_1285, %swap3A_1286], %swap3A_1289 {strides = array<i32>} : memref<512x128xf32, #tpu.memory_space<vmem>>, vector<1x16xf32>,
      %get3A_1290 = arith.index_cast %squeeze3A_1233 : i32 to index
      %get3A_1291 = arith.constant 48 : index
      %get3A_1292 = tpu.vector_load %arg15[%get3A_1290, %get3A_1291] {strides = array<i32>} : memref<12x64xf32, #tpu.memory_space<vmem>>, vector<1x16xf32>,
      %get3A_1293 = vector.shape_cast %get3A_1292 : vector<1x16xf32> to vector<16xf32>
      %swap3A_1294 = arith.index_cast %add3A_1231 : i32 to index
      %swap3A_1295 = arith.constant 48 : index
      %swap3A_1296 = tpu.vector_load %arg14[%swap3A_1294, %swap3A_1295] {strides = array<i32>} : memref<512x128xf32, #tpu.memory_space<vmem>>, vector<1x16xf32>,
      %swap3A_1297 = vector.shape_cast %swap3A_1296 : vector<1x16xf32> to vector<16xf32>
      %swap3A_1298 = vector.shape_cast %get3A_1293 : vector<16xf32> to vector<1x16xf32>
      tpu.vector_store %arg14[%swap3A_1294, %swap3A_1295], %swap3A_1298 {strides = array<i32>} : memref<512x128xf32, #tpu.memory_space<vmem>>, vector<1x16xf32>,
      %get3A_1299 = arith.index_cast %squeeze3A_1235 : i32 to index
      %get3A_1300 = arith.constant 48 : index
      %get3A_1301 = tpu.vector_load %arg16[%get3A_1299, %get3A_1300] {strides = array<i32>} : memref<24x64xf32, #tpu.memory_space<vmem>>, vector<1x16xf32>,
      %get3A_1302 = vector.shape_cast %get3A_1301 : vector<1x16xf32> to vector<16xf32>
      %swap3A_1303 = arith.index_cast %add3A_1231 : i32 to index
      %swap3A_1304 = arith.constant 112 : index
      %swap3A_1305 = tpu.vector_load %arg14[%swap3A_1303, %swap3A_1304] {strides = array<i32>} : memref<512x128xf32, #tpu.memory_space<vmem>>, vector<1x16xf32>,
      %swap3A_1306 = vector.shape_cast %swap3A_1305 : vector<1x16xf32> to vector<16xf32>
      %swap3A_1307 = vector.shape_cast %get3A_1302 : vector<16xf32> to vector<1x16xf32>
      tpu.vector_store %arg14[%swap3A_1303, %swap3A_1304], %swap3A_1307 {strides = array<i32>} : memref<512x128xf32, #tpu.memory_space<vmem>>, vector<1x16xf32>,
      %mul3A_1308 = arith.constant 16 : i32
      %mul3A_1309 = arith.muli %add3A_497, %mul3A_1308 : i32
      %add3A_1310 = arith.constant 10 : i32
      %add3A_1311 = arith.addi %mul3A_1309, %add3A_1310 : i32
      %slice3A_1312 = vector.extract_strided_slice %get3A_503 {offsets = [10], sizes = [1], strides = [1]} : vector<16xi32> to vector<1xi32>
      %squeeze3A_1313 = vector.extract %slice3A_1312[0] : i32 from vector<1xi32>
      %slice3A_1314 = vector.extract_strided_slice %get3A_510 {offsets = [10], sizes = [1], strides = [1]} : vector<16xi32> to vector<1xi32>
      %squeeze3A_1315 = vector.extract %slice3A_1314[0] : i32 from vector<1xi32>
      %get3A_1316 = arith.index_cast %squeeze3A_1313 : i32 to index
      %get3A_1317 = arith.constant 0 : index
      %get3A_1318 = tpu.vector_load %arg15[%get3A_1316, %get3A_1317] {strides = array<i32>} : memref<12x64xf32, #tpu.memory_space<vmem>>, vector<1x16xf32>,
      %get3A_1319 = vector.shape_cast %get3A_1318 : vector<1x16xf32> to vector<16xf32>
      %swap3A_1320 = arith.index_cast %add3A_1311 : i32 to index
      %swap3A_1321 = arith.constant 0 : index
      %swap3A_1322 = tpu.vector_load %arg14[%swap3A_1320, %swap3A_1321] {strides = array<i32>} : memref<512x128xf32, #tpu.memory_space<vmem>>, vector<1x16xf32>,
      %swap3A_1323 = vector.shape_cast %swap3A_1322 : vector<1x16xf32> to vector<16xf32>
      %swap3A_1324 = vector.shape_cast %get3A_1319 : vector<16xf32> to vector<1x16xf32>
      tpu.vector_store %arg14[%swap3A_1320, %swap3A_1321], %swap3A_1324 {strides = array<i32>} : memref<512x128xf32, #tpu.memory_space<vmem>>, vector<1x16xf32>,
      %get3A_1325 = arith.index_cast %squeeze3A_1315 : i32 to index
      %get3A_1326 = arith.constant 0 : index
      %get3A_1327 = tpu.vector_load %arg16[%get3A_1325, %get3A_1326] {strides = array<i32>} : memref<24x64xf32, #tpu.memory_space<vmem>>, vector<1x16xf32>,
      %get3A_1328 = vector.shape_cast %get3A_1327 : vector<1x16xf32> to vector<16xf32>
      %swap3A_1329 = arith.index_cast %add3A_1311 : i32 to index
      %swap3A_1330 = arith.constant 64 : index
      %swap3A_1331 = tpu.vector_load %arg14[%swap3A_1329, %swap3A_1330] {strides = array<i32>} : memref<512x128xf32, #tpu.memory_space<vmem>>, vector<1x16xf32>,
      %swap3A_1332 = vector.shape_cast %swap3A_1331 : vector<1x16xf32> to vector<16xf32>
      %swap3A_1333 = vector.shape_cast %get3A_1328 : vector<16xf32> to vector<1x16xf32>
      tpu.vector_store %arg14[%swap3A_1329, %swap3A_1330], %swap3A_1333 {strides = array<i32>} : memref<512x128xf32, #tpu.memory_space<vmem>>, vector<1x16xf32>,
      %get3A_1334 = arith.index_cast %squeeze3A_1313 : i32 to index
      %get3A_1335 = arith.constant 16 : index
      %get3A_1336 = tpu.vector_load %arg15[%get3A_1334, %get3A_1335] {strides = array<i32>} : memref<12x64xf32, #tpu.memory_space<vmem>>, vector<1x16xf32>,
      %get3A_1337 = vector.shape_cast %get3A_1336 : vector<1x16xf32> to vector<16xf32>
      %swap3A_1338 = arith.index_cast %add3A_1311 : i32 to index
      %swap3A_1339 = arith.constant 16 : index
      %swap3A_1340 = tpu.vector_load %arg14[%swap3A_1338, %swap3A_1339] {strides = array<i32>} : memref<512x128xf32, #tpu.memory_space<vmem>>, vector<1x16xf32>,
      %swap3A_1341 = vector.shape_cast %swap3A_1340 : vector<1x16xf32> to vector<16xf32>
      %swap3A_1342 = vector.shape_cast %get3A_1337 : vector<16xf32> to vector<1x16xf32>
      tpu.vector_store %arg14[%swap3A_1338, %swap3A_1339], %swap3A_1342 {strides = array<i32>} : memref<512x128xf32, #tpu.memory_space<vmem>>, vector<1x16xf32>,
      %get3A_1343 = arith.index_cast %squeeze3A_1315 : i32 to index
      %get3A_1344 = arith.constant 16 : index
      %get3A_1345 = tpu.vector_load %arg16[%get3A_1343, %get3A_1344] {strides = array<i32>} : memref<24x64xf32, #tpu.memory_space<vmem>>, vector<1x16xf32>,
      %get3A_1346 = vector.shape_cast %get3A_1345 : vector<1x16xf32> to vector<16xf32>
      %swap3A_1347 = arith.index_cast %add3A_1311 : i32 to index
      %swap3A_1348 = arith.constant 80 : index
      %swap3A_1349 = tpu.vector_load %arg14[%swap3A_1347, %swap3A_1348] {strides = array<i32>} : memref<512x128xf32, #tpu.memory_space<vmem>>, vector<1x16xf32>,
      %swap3A_1350 = vector.shape_cast %swap3A_1349 : vector<1x16xf32> to vector<16xf32>
      %swap3A_1351 = vector.shape_cast %get3A_1346 : vector<16xf32> to vector<1x16xf32>
      tpu.vector_store %arg14[%swap3A_1347, %swap3A_1348], %swap3A_1351 {strides = array<i32>} : memref<512x128xf32, #tpu.memory_space<vmem>>, vector<1x16xf32>,
      %get3A_1352 = arith.index_cast %squeeze3A_1313 : i32 to index
      %get3A_1353 = arith.constant 32 : index
      %get3A_1354 = tpu.vector_load %arg15[%get3A_1352, %get3A_1353] {strides = array<i32>} : memref<12x64xf32, #tpu.memory_space<vmem>>, vector<1x16xf32>,
      %get3A_1355 = vector.shape_cast %get3A_1354 : vector<1x16xf32> to vector<16xf32>
      %swap3A_1356 = arith.index_cast %add3A_1311 : i32 to index
      %swap3A_1357 = arith.constant 32 : index
      %swap3A_1358 = tpu.vector_load %arg14[%swap3A_1356, %swap3A_1357] {strides = array<i32>} : memref<512x128xf32, #tpu.memory_space<vmem>>, vector<1x16xf32>,
      %swap3A_1359 = vector.shape_cast %swap3A_1358 : vector<1x16xf32> to vector<16xf32>
      %swap3A_1360 = vector.shape_cast %get3A_1355 : vector<16xf32> to vector<1x16xf32>
      tpu.vector_store %arg14[%swap3A_1356, %swap3A_1357], %swap3A_1360 {strides = array<i32>} : memref<512x128xf32, #tpu.memory_space<vmem>>, vector<1x16xf32>,
      %get3A_1361 = arith.index_cast %squeeze3A_1315 : i32 to index
      %get3A_1362 = arith.constant 32 : index
      %get3A_1363 = tpu.vector_load %arg16[%get3A_1361, %get3A_1362] {strides = array<i32>} : memref<24x64xf32, #tpu.memory_space<vmem>>, vector<1x16xf32>,
      %get3A_1364 = vector.shape_cast %get3A_1363 : vector<1x16xf32> to vector<16xf32>
      %swap3A_1365 = arith.index_cast %add3A_1311 : i32 to index
      %swap3A_1366 = arith.constant 96 : index
      %swap3A_1367 = tpu.vector_load %arg14[%swap3A_1365, %swap3A_1366] {strides = array<i32>} : memref<512x128xf32, #tpu.memory_space<vmem>>, vector<1x16xf32>,
      %swap3A_1368 = vector.shape_cast %swap3A_1367 : vector<1x16xf32> to vector<16xf32>
      %swap3A_1369 = vector.shape_cast %get3A_1364 : vector<16xf32> to vector<1x16xf32>
      tpu.vector_store %arg14[%swap3A_1365, %swap3A_1366], %swap3A_1369 {strides = array<i32>} : memref<512x128xf32, #tpu.memory_space<vmem>>, vector<1x16xf32>,
      %get3A_1370 = arith.index_cast %squeeze3A_1313 : i32 to index
      %get3A_1371 = arith.constant 48 : index
      %get3A_1372 = tpu.vector_load %arg15[%get3A_1370, %get3A_1371] {strides = array<i32>} : memref<12x64xf32, #tpu.memory_space<vmem>>, vector<1x16xf32>,
      %get3A_1373 = vector.shape_cast %get3A_1372 : vector<1x16xf32> to vector<16xf32>
      %swap3A_1374 = arith.index_cast %add3A_1311 : i32 to index
      %swap3A_1375 = arith.constant 48 : index
      %swap3A_1376 = tpu.vector_load %arg14[%swap3A_1374, %swap3A_1375] {strides = array<i32>} : memref<512x128xf32, #tpu.memory_space<vmem>>, vector<1x16xf32>,
      %swap3A_1377 = vector.shape_cast %swap3A_1376 : vector<1x16xf32> to vector<16xf32>
      %swap3A_1378 = vector.shape_cast %get3A_1373 : vector<16xf32> to vector<1x16xf32>
      tpu.vector_store %arg14[%swap3A_1374, %swap3A_1375], %swap3A_1378 {strides = array<i32>} : memref<512x128xf32, #tpu.memory_space<vmem>>, vector<1x16xf32>,
      %get3A_1379 = arith.index_cast %squeeze3A_1315 : i32 to index
      %get3A_1380 = arith.constant 48 : index
      %get3A_1381 = tpu.vector_load %arg16[%get3A_1379, %get3A_1380] {strides = array<i32>} : memref<24x64xf32, #tpu.memory_space<vmem>>, vector<1x16xf32>,
      %get3A_1382 = vector.shape_cast %get3A_1381 : vector<1x16xf32> to vector<16xf32>
      %swap3A_1383 = arith.index_cast %add3A_1311 : i32 to index
      %swap3A_1384 = arith.constant 112 : index
      %swap3A_1385 = tpu.vector_load %arg14[%swap3A_1383, %swap3A_1384] {strides = array<i32>} : memref<512x128xf32, #tpu.memory_space<vmem>>, vector<1x16xf32>,
      %swap3A_1386 = vector.shape_cast %swap3A_1385 : vector<1x16xf32> to vector<16xf32>
      %swap3A_1387 = vector.shape_cast %get3A_1382 : vector<16xf32> to vector<1x16xf32>
      tpu.vector_store %arg14[%swap3A_1383, %swap3A_1384], %swap3A_1387 {strides = array<i32>} : memref<512x128xf32, #tpu.memory_space<vmem>>, vector<1x16xf32>,
      %mul3A_1388 = arith.constant 16 : i32
      %mul3A_1389 = arith.muli %add3A_497, %mul3A_1388 : i32
      %add3A_1390 = arith.constant 11 : i32
      %add3A_1391 = arith.addi %mul3A_1389, %add3A_1390 : i32
      %slice3A_1392 = vector.extract_strided_slice %get3A_503 {offsets = [11], sizes = [1], strides = [1]} : vector<16xi32> to vector<1xi32>
      %squeeze3A_1393 = vector.extract %slice3A_1392[0] : i32 from vector<1xi32>
      %slice3A_1394 = vector.extract_strided_slice %get3A_510 {offsets = [11], sizes = [1], strides = [1]} : vector<16xi32> to vector<1xi32>
      %squeeze3A_1395 = vector.extract %slice3A_1394[0] : i32 from vector<1xi32>
      %get3A_1396 = arith.index_cast %squeeze3A_1393 : i32 to index
      %get3A_1397 = arith.constant 0 : index
      %get3A_1398 = tpu.vector_load %arg15[%get3A_1396, %get3A_1397] {strides = array<i32>} : memref<12x64xf32, #tpu.memory_space<vmem>>, vector<1x16xf32>,
      %get3A_1399 = vector.shape_cast %get3A_1398 : vector<1x16xf32> to vector<16xf32>
      %swap3A_1400 = arith.index_cast %add3A_1391 : i32 to index
      %swap3A_1401 = arith.constant 0 : index
      %swap3A_1402 = tpu.vector_load %arg14[%swap3A_1400, %swap3A_1401] {strides = array<i32>} : memref<512x128xf32, #tpu.memory_space<vmem>>, vector<1x16xf32>,
      %swap3A_1403 = vector.shape_cast %swap3A_1402 : vector<1x16xf32> to vector<16xf32>
      %swap3A_1404 = vector.shape_cast %get3A_1399 : vector<16xf32> to vector<1x16xf32>
      tpu.vector_store %arg14[%swap3A_1400, %swap3A_1401], %swap3A_1404 {strides = array<i32>} : memref<512x128xf32, #tpu.memory_space<vmem>>, vector<1x16xf32>,
      %get3A_1405 = arith.index_cast %squeeze3A_1395 : i32 to index
      %get3A_1406 = arith.constant 0 : index
      %get3A_1407 = tpu.vector_load %arg16[%get3A_1405, %get3A_1406] {strides = array<i32>} : memref<24x64xf32, #tpu.memory_space<vmem>>, vector<1x16xf32>,
      %get3A_1408 = vector.shape_cast %get3A_1407 : vector<1x16xf32> to vector<16xf32>
      %swap3A_1409 = arith.index_cast %add3A_1391 : i32 to index
      %swap3A_1410 = arith.constant 64 : index
      %swap3A_1411 = tpu.vector_load %arg14[%swap3A_1409, %swap3A_1410] {strides = array<i32>} : memref<512x128xf32, #tpu.memory_space<vmem>>, vector<1x16xf32>,
      %swap3A_1412 = vector.shape_cast %swap3A_1411 : vector<1x16xf32> to vector<16xf32>
      %swap3A_1413 = vector.shape_cast %get3A_1408 : vector<16xf32> to vector<1x16xf32>
      tpu.vector_store %arg14[%swap3A_1409, %swap3A_1410], %swap3A_1413 {strides = array<i32>} : memref<512x128xf32, #tpu.memory_space<vmem>>, vector<1x16xf32>,
      %get3A_1414 = arith.index_cast %squeeze3A_1393 : i32 to index
      %get3A_1415 = arith.constant 16 : index
      %get3A_1416 = tpu.vector_load %arg15[%get3A_1414, %get3A_1415] {strides = array<i32>} : memref<12x64xf32, #tpu.memory_space<vmem>>, vector<1x16xf32>,
      %get3A_1417 = vector.shape_cast %get3A_1416 : vector<1x16xf32> to vector<16xf32>
      %swap3A_1418 = arith.index_cast %add3A_1391 : i32 to index
      %swap3A_1419 = arith.constant 16 : index
      %swap3A_1420 = tpu.vector_load %arg14[%swap3A_1418, %swap3A_1419] {strides = array<i32>} : memref<512x128xf32, #tpu.memory_space<vmem>>, vector<1x16xf32>,
      %swap3A_1421 = vector.shape_cast %swap3A_1420 : vector<1x16xf32> to vector<16xf32>
      %swap3A_1422 = vector.shape_cast %get3A_1417 : vector<16xf32> to vector<1x16xf32>
      tpu.vector_store %arg14[%swap3A_1418, %swap3A_1419], %swap3A_1422 {strides = array<i32>} : memref<512x128xf32, #tpu.memory_space<vmem>>, vector<1x16xf32>,
      %get3A_1423 = arith.index_cast %squeeze3A_1395 : i32 to index
      %get3A_1424 = arith.constant 16 : index
      %get3A_1425 = tpu.vector_load %arg16[%get3A_1423, %get3A_1424] {strides = array<i32>} : memref<24x64xf32, #tpu.memory_space<vmem>>, vector<1x16xf32>,
      %get3A_1426 = vector.shape_cast %get3A_1425 : vector<1x16xf32> to vector<16xf32>
      %swap3A_1427 = arith.index_cast %add3A_1391 : i32 to index
      %swap3A_1428 = arith.constant 80 : index
      %swap3A_1429 = tpu.vector_load %arg14[%swap3A_1427, %swap3A_1428] {strides = array<i32>} : memref<512x128xf32, #tpu.memory_space<vmem>>, vector<1x16xf32>,
      %swap3A_1430 = vector.shape_cast %swap3A_1429 : vector<1x16xf32> to vector<16xf32>
      %swap3A_1431 = vector.shape_cast %get3A_1426 : vector<16xf32> to vector<1x16xf32>
      tpu.vector_store %arg14[%swap3A_1427, %swap3A_1428], %swap3A_1431 {strides = array<i32>} : memref<512x128xf32, #tpu.memory_space<vmem>>, vector<1x16xf32>,
      %get3A_1432 = arith.index_cast %squeeze3A_1393 : i32 to index
      %get3A_1433 = arith.constant 32 : index
      %get3A_1434 = tpu.vector_load %arg15[%get3A_1432, %get3A_1433] {strides = array<i32>} : memref<12x64xf32, #tpu.memory_space<vmem>>, vector<1x16xf32>,
      %get3A_1435 = vector.shape_cast %get3A_1434 : vector<1x16xf32> to vector<16xf32>
      %swap3A_1436 = arith.index_cast %add3A_1391 : i32 to index
      %swap3A_1437 = arith.constant 32 : index
      %swap3A_1438 = tpu.vector_load %arg14[%swap3A_1436, %swap3A_1437] {strides = array<i32>} : memref<512x128xf32, #tpu.memory_space<vmem>>, vector<1x16xf32>,
      %swap3A_1439 = vector.shape_cast %swap3A_1438 : vector<1x16xf32> to vector<16xf32>
      %swap3A_1440 = vector.shape_cast %get3A_1435 : vector<16xf32> to vector<1x16xf32>
      tpu.vector_store %arg14[%swap3A_1436, %swap3A_1437], %swap3A_1440 {strides = array<i32>} : memref<512x128xf32, #tpu.memory_space<vmem>>, vector<1x16xf32>,
      %get3A_1441 = arith.index_cast %squeeze3A_1395 : i32 to index
      %get3A_1442 = arith.constant 32 : index
      %get3A_1443 = tpu.vector_load %arg16[%get3A_1441, %get3A_1442] {strides = array<i32>} : memref<24x64xf32, #tpu.memory_space<vmem>>, vector<1x16xf32>,
      %get3A_1444 = vector.shape_cast %get3A_1443 : vector<1x16xf32> to vector<16xf32>
      %swap3A_1445 = arith.index_cast %add3A_1391 : i32 to index
      %swap3A_1446 = arith.constant 96 : index
      %swap3A_1447 = tpu.vector_load %arg14[%swap3A_1445, %swap3A_1446] {strides = array<i32>} : memref<512x128xf32, #tpu.memory_space<vmem>>, vector<1x16xf32>,
      %swap3A_1448 = vector.shape_cast %swap3A_1447 : vector<1x16xf32> to vector<16xf32>
      %swap3A_1449 = vector.shape_cast %get3A_1444 : vector<16xf32> to vector<1x16xf32>
      tpu.vector_store %arg14[%swap3A_1445, %swap3A_1446], %swap3A_1449 {strides = array<i32>} : memref<512x128xf32, #tpu.memory_space<vmem>>, vector<1x16xf32>,
      %get3A_1450 = arith.index_cast %squeeze3A_1393 : i32 to index
      %get3A_1451 = arith.constant 48 : index
      %get3A_1452 = tpu.vector_load %arg15[%get3A_1450, %get3A_1451] {strides = array<i32>} : memref<12x64xf32, #tpu.memory_space<vmem>>, vector<1x16xf32>,
      %get3A_1453 = vector.shape_cast %get3A_1452 : vector<1x16xf32> to vector<16xf32>
      %swap3A_1454 = arith.index_cast %add3A_1391 : i32 to index
      %swap3A_1455 = arith.constant 48 : index
      %swap3A_1456 = tpu.vector_load %arg14[%swap3A_1454, %swap3A_1455] {strides = array<i32>} : memref<512x128xf32, #tpu.memory_space<vmem>>, vector<1x16xf32>,
      %swap3A_1457 = vector.shape_cast %swap3A_1456 : vector<1x16xf32> to vector<16xf32>
      %swap3A_1458 = vector.shape_cast %get3A_1453 : vector<16xf32> to vector<1x16xf32>
      tpu.vector_store %arg14[%swap3A_1454, %swap3A_1455], %swap3A_1458 {strides = array<i32>} : memref<512x128xf32, #tpu.memory_space<vmem>>, vector<1x16xf32>,
      %get3A_1459 = arith.index_cast %squeeze3A_1395 : i32 to index
      %get3A_1460 = arith.constant 48 : index
      %get3A_1461 = tpu.vector_load %arg16[%get3A_1459, %get3A_1460] {strides = array<i32>} : memref<24x64xf32, #tpu.memory_space<vmem>>, vector<1x16xf32>,
      %get3A_1462 = vector.shape_cast %get3A_1461 : vector<1x16xf32> to vector<16xf32>
      %swap3A_1463 = arith.index_cast %add3A_1391 : i32 to index
      %swap3A_1464 = arith.constant 112 : index
      %swap3A_1465 = tpu.vector_load %arg14[%swap3A_1463, %swap3A_1464] {strides = array<i32>} : memref<512x128xf32, #tpu.memory_space<vmem>>, vector<1x16xf32>,
      %swap3A_1466 = vector.shape_cast %swap3A_1465 : vector<1x16xf32> to vector<16xf32>
      %swap3A_1467 = vector.shape_cast %get3A_1462 : vector<16xf32> to vector<1x16xf32>
      tpu.vector_store %arg14[%swap3A_1463, %swap3A_1464], %swap3A_1467 {strides = array<i32>} : memref<512x128xf32, #tpu.memory_space<vmem>>, vector<1x16xf32>,
      %mul3A_1468 = arith.constant 16 : i32
      %mul3A_1469 = arith.muli %add3A_497, %mul3A_1468 : i32
      %add3A_1470 = arith.constant 12 : i32
      %add3A_1471 = arith.addi %mul3A_1469, %add3A_1470 : i32
      %slice3A_1472 = vector.extract_strided_slice %get3A_503 {offsets = [12], sizes = [1], strides = [1]} : vector<16xi32> to vector<1xi32>
      %squeeze3A_1473 = vector.extract %slice3A_1472[0] : i32 from vector<1xi32>
      %slice3A_1474 = vector.extract_strided_slice %get3A_510 {offsets = [12], sizes = [1], strides = [1]} : vector<16xi32> to vector<1xi32>
      %squeeze3A_1475 = vector.extract %slice3A_1474[0] : i32 from vector<1xi32>
      %get3A_1476 = arith.index_cast %squeeze3A_1473 : i32 to index
      %get3A_1477 = arith.constant 0 : index
      %get3A_1478 = tpu.vector_load %arg15[%get3A_1476, %get3A_1477] {strides = array<i32>} : memref<12x64xf32, #tpu.memory_space<vmem>>, vector<1x16xf32>,
      %get3A_1479 = vector.shape_cast %get3A_1478 : vector<1x16xf32> to vector<16xf32>
      %swap3A_1480 = arith.index_cast %add3A_1471 : i32 to index
      %swap3A_1481 = arith.constant 0 : index
      %swap3A_1482 = tpu.vector_load %arg14[%swap3A_1480, %swap3A_1481] {strides = array<i32>} : memref<512x128xf32, #tpu.memory_space<vmem>>, vector<1x16xf32>,
      %swap3A_1483 = vector.shape_cast %swap3A_1482 : vector<1x16xf32> to vector<16xf32>
      %swap3A_1484 = vector.shape_cast %get3A_1479 : vector<16xf32> to vector<1x16xf32>
      tpu.vector_store %arg14[%swap3A_1480, %swap3A_1481], %swap3A_1484 {strides = array<i32>} : memref<512x128xf32, #tpu.memory_space<vmem>>, vector<1x16xf32>,
      %get3A_1485 = arith.index_cast %squeeze3A_1475 : i32 to index
      %get3A_1486 = arith.constant 0 : index
      %get3A_1487 = tpu.vector_load %arg16[%get3A_1485, %get3A_1486] {strides = array<i32>} : memref<24x64xf32, #tpu.memory_space<vmem>>, vector<1x16xf32>,
      %get3A_1488 = vector.shape_cast %get3A_1487 : vector<1x16xf32> to vector<16xf32>
      %swap3A_1489 = arith.index_cast %add3A_1471 : i32 to index
      %swap3A_1490 = arith.constant 64 : index
      %swap3A_1491 = tpu.vector_load %arg14[%swap3A_1489, %swap3A_1490] {strides = array<i32>} : memref<512x128xf32, #tpu.memory_space<vmem>>, vector<1x16xf32>,
      %swap3A_1492 = vector.shape_cast %swap3A_1491 : vector<1x16xf32> to vector<16xf32>
      %swap3A_1493 = vector.shape_cast %get3A_1488 : vector<16xf32> to vector<1x16xf32>
      tpu.vector_store %arg14[%swap3A_1489, %swap3A_1490], %swap3A_1493 {strides = array<i32>} : memref<512x128xf32, #tpu.memory_space<vmem>>, vector<1x16xf32>,
      %get3A_1494 = arith.index_cast %squeeze3A_1473 : i32 to index
      %get3A_1495 = arith.constant 16 : index
      %get3A_1496 = tpu.vector_load %arg15[%get3A_1494, %get3A_1495] {strides = array<i32>} : memref<12x64xf32, #tpu.memory_space<vmem>>, vector<1x16xf32>,
      %get3A_1497 = vector.shape_cast %get3A_1496 : vector<1x16xf32> to vector<16xf32>
      %swap3A_1498 = arith.index_cast %add3A_1471 : i32 to index
      %swap3A_1499 = arith.constant 16 : index
      %swap3A_1500 = tpu.vector_load %arg14[%swap3A_1498, %swap3A_1499] {strides = array<i32>} : memref<512x128xf32, #tpu.memory_space<vmem>>, vector<1x16xf32>,
      %swap3A_1501 = vector.shape_cast %swap3A_1500 : vector<1x16xf32> to vector<16xf32>
      %swap3A_1502 = vector.shape_cast %get3A_1497 : vector<16xf32> to vector<1x16xf32>
      tpu.vector_store %arg14[%swap3A_1498, %swap3A_1499], %swap3A_1502 {strides = array<i32>} : memref<512x128xf32, #tpu.memory_space<vmem>>, vector<1x16xf32>,
      %get3A_1503 = arith.index_cast %squeeze3A_1475 : i32 to index
      %get3A_1504 = arith.constant 16 : index
      %get3A_1505 = tpu.vector_load %arg16[%get3A_1503, %get3A_1504] {strides = array<i32>} : memref<24x64xf32, #tpu.memory_space<vmem>>, vector<1x16xf32>,
      %get3A_1506 = vector.shape_cast %get3A_1505 : vector<1x16xf32> to vector<16xf32>
      %swap3A_1507 = arith.index_cast %add3A_1471 : i32 to index
      %swap3A_1508 = arith.constant 80 : index
      %swap3A_1509 = tpu.vector_load %arg14[%swap3A_1507, %swap3A_1508] {strides = array<i32>} : memref<512x128xf32, #tpu.memory_space<vmem>>, vector<1x16xf32>,
      %swap3A_1510 = vector.shape_cast %swap3A_1509 : vector<1x16xf32> to vector<16xf32>
      %swap3A_1511 = vector.shape_cast %get3A_1506 : vector<16xf32> to vector<1x16xf32>
      tpu.vector_store %arg14[%swap3A_1507, %swap3A_1508], %swap3A_1511 {strides = array<i32>} : memref<512x128xf32, #tpu.memory_space<vmem>>, vector<1x16xf32>,
      %get3A_1512 = arith.index_cast %squeeze3A_1473 : i32 to index
      %get3A_1513 = arith.constant 32 : index
      %get3A_1514 = tpu.vector_load %arg15[%get3A_1512, %get3A_1513] {strides = array<i32>} : memref<12x64xf32, #tpu.memory_space<vmem>>, vector<1x16xf32>,
      %get3A_1515 = vector.shape_cast %get3A_1514 : vector<1x16xf32> to vector<16xf32>
      %swap3A_1516 = arith.index_cast %add3A_1471 : i32 to index
      %swap3A_1517 = arith.constant 32 : index
      %swap3A_1518 = tpu.vector_load %arg14[%swap3A_1516, %swap3A_1517] {strides = array<i32>} : memref<512x128xf32, #tpu.memory_space<vmem>>, vector<1x16xf32>,
      %swap3A_1519 = vector.shape_cast %swap3A_1518 : vector<1x16xf32> to vector<16xf32>
      %swap3A_1520 = vector.shape_cast %get3A_1515 : vector<16xf32> to vector<1x16xf32>
      tpu.vector_store %arg14[%swap3A_1516, %swap3A_1517], %swap3A_1520 {strides = array<i32>} : memref<512x128xf32, #tpu.memory_space<vmem>>, vector<1x16xf32>,
      %get3A_1521 = arith.index_cast %squeeze3A_1475 : i32 to index
      %get3A_1522 = arith.constant 32 : index
      %get3A_1523 = tpu.vector_load %arg16[%get3A_1521, %get3A_1522] {strides = array<i32>} : memref<24x64xf32, #tpu.memory_space<vmem>>, vector<1x16xf32>,
      %get3A_1524 = vector.shape_cast %get3A_1523 : vector<1x16xf32> to vector<16xf32>
      %swap3A_1525 = arith.index_cast %add3A_1471 : i32 to index
      %swap3A_1526 = arith.constant 96 : index
      %swap3A_1527 = tpu.vector_load %arg14[%swap3A_1525, %swap3A_1526] {strides = array<i32>} : memref<512x128xf32, #tpu.memory_space<vmem>>, vector<1x16xf32>,
      %swap3A_1528 = vector.shape_cast %swap3A_1527 : vector<1x16xf32> to vector<16xf32>
      %swap3A_1529 = vector.shape_cast %get3A_1524 : vector<16xf32> to vector<1x16xf32>
      tpu.vector_store %arg14[%swap3A_1525, %swap3A_1526], %swap3A_1529 {strides = array<i32>} : memref<512x128xf32, #tpu.memory_space<vmem>>, vector<1x16xf32>,
      %get3A_1530 = arith.index_cast %squeeze3A_1473 : i32 to index
      %get3A_1531 = arith.constant 48 : index
      %get3A_1532 = tpu.vector_load %arg15[%get3A_1530, %get3A_1531] {strides = array<i32>} : memref<12x64xf32, #tpu.memory_space<vmem>>, vector<1x16xf32>,
      %get3A_1533 = vector.shape_cast %get3A_1532 : vector<1x16xf32> to vector<16xf32>
      %swap3A_1534 = arith.index_cast %add3A_1471 : i32 to index
      %swap3A_1535 = arith.constant 48 : index
      %swap3A_1536 = tpu.vector_load %arg14[%swap3A_1534, %swap3A_1535] {strides = array<i32>} : memref<512x128xf32, #tpu.memory_space<vmem>>, vector<1x16xf32>,
      %swap3A_1537 = vector.shape_cast %swap3A_1536 : vector<1x16xf32> to vector<16xf32>
      %swap3A_1538 = vector.shape_cast %get3A_1533 : vector<16xf32> to vector<1x16xf32>
      tpu.vector_store %arg14[%swap3A_1534, %swap3A_1535], %swap3A_1538 {strides = array<i32>} : memref<512x128xf32, #tpu.memory_space<vmem>>, vector<1x16xf32>,
      %get3A_1539 = arith.index_cast %squeeze3A_1475 : i32 to index
      %get3A_1540 = arith.constant 48 : index
      %get3A_1541 = tpu.vector_load %arg16[%get3A_1539, %get3A_1540] {strides = array<i32>} : memref<24x64xf32, #tpu.memory_space<vmem>>, vector<1x16xf32>,
      %get3A_1542 = vector.shape_cast %get3A_1541 : vector<1x16xf32> to vector<16xf32>
      %swap3A_1543 = arith.index_cast %add3A_1471 : i32 to index
      %swap3A_1544 = arith.constant 112 : index
      %swap3A_1545 = tpu.vector_load %arg14[%swap3A_1543, %swap3A_1544] {strides = array<i32>} : memref<512x128xf32, #tpu.memory_space<vmem>>, vector<1x16xf32>,
      %swap3A_1546 = vector.shape_cast %swap3A_1545 : vector<1x16xf32> to vector<16xf32>
      %swap3A_1547 = vector.shape_cast %get3A_1542 : vector<16xf32> to vector<1x16xf32>
      tpu.vector_store %arg14[%swap3A_1543, %swap3A_1544], %swap3A_1547 {strides = array<i32>} : memref<512x128xf32, #tpu.memory_space<vmem>>, vector<1x16xf32>,
      %mul3A_1548 = arith.constant 16 : i32
      %mul3A_1549 = arith.muli %add3A_497, %mul3A_1548 : i32
      %add3A_1550 = arith.constant 13 : i32
      %add3A_1551 = arith.addi %mul3A_1549, %add3A_1550 : i32
      %slice3A_1552 = vector.extract_strided_slice %get3A_503 {offsets = [13], sizes = [1], strides = [1]} : vector<16xi32> to vector<1xi32>
      %squeeze3A_1553 = vector.extract %slice3A_1552[0] : i32 from vector<1xi32>
      %slice3A_1554 = vector.extract_strided_slice %get3A_510 {offsets = [13], sizes = [1], strides = [1]} : vector<16xi32> to vector<1xi32>
      %squeeze3A_1555 = vector.extract %slice3A_1554[0] : i32 from vector<1xi32>
      %get3A_1556 = arith.index_cast %squeeze3A_1553 : i32 to index
      %get3A_1557 = arith.constant 0 : index
      %get3A_1558 = tpu.vector_load %arg15[%get3A_1556, %get3A_1557] {strides = array<i32>} : memref<12x64xf32, #tpu.memory_space<vmem>>, vector<1x16xf32>,
      %get3A_1559 = vector.shape_cast %get3A_1558 : vector<1x16xf32> to vector<16xf32>
      %swap3A_1560 = arith.index_cast %add3A_1551 : i32 to index
      %swap3A_1561 = arith.constant 0 : index
      %swap3A_1562 = tpu.vector_load %arg14[%swap3A_1560, %swap3A_1561] {strides = array<i32>} : memref<512x128xf32, #tpu.memory_space<vmem>>, vector<1x16xf32>,
      %swap3A_1563 = vector.shape_cast %swap3A_1562 : vector<1x16xf32> to vector<16xf32>
      %swap3A_1564 = vector.shape_cast %get3A_1559 : vector<16xf32> to vector<1x16xf32>
      tpu.vector_store %arg14[%swap3A_1560, %swap3A_1561], %swap3A_1564 {strides = array<i32>} : memref<512x128xf32, #tpu.memory_space<vmem>>, vector<1x16xf32>,
      %get3A_1565 = arith.index_cast %squeeze3A_1555 : i32 to index
      %get3A_1566 = arith.constant 0 : index
      %get3A_1567 = tpu.vector_load %arg16[%get3A_1565, %get3A_1566] {strides = array<i32>} : memref<24x64xf32, #tpu.memory_space<vmem>>, vector<1x16xf32>,
      %get3A_1568 = vector.shape_cast %get3A_1567 : vector<1x16xf32> to vector<16xf32>
      %swap3A_1569 = arith.index_cast %add3A_1551 : i32 to index
      %swap3A_1570 = arith.constant 64 : index
      %swap3A_1571 = tpu.vector_load %arg14[%swap3A_1569, %swap3A_1570] {strides = array<i32>} : memref<512x128xf32, #tpu.memory_space<vmem>>, vector<1x16xf32>,
      %swap3A_1572 = vector.shape_cast %swap3A_1571 : vector<1x16xf32> to vector<16xf32>
      %swap3A_1573 = vector.shape_cast %get3A_1568 : vector<16xf32> to vector<1x16xf32>
      tpu.vector_store %arg14[%swap3A_1569, %swap3A_1570], %swap3A_1573 {strides = array<i32>} : memref<512x128xf32, #tpu.memory_space<vmem>>, vector<1x16xf32>,
      %get3A_1574 = arith.index_cast %squeeze3A_1553 : i32 to index
      %get3A_1575 = arith.constant 16 : index
      %get3A_1576 = tpu.vector_load %arg15[%get3A_1574, %get3A_1575] {strides = array<i32>} : memref<12x64xf32, #tpu.memory_space<vmem>>, vector<1x16xf32>,
      %get3A_1577 = vector.shape_cast %get3A_1576 : vector<1x16xf32> to vector<16xf32>
      %swap3A_1578 = arith.index_cast %add3A_1551 : i32 to index
      %swap3A_1579 = arith.constant 16 : index
      %swap3A_1580 = tpu.vector_load %arg14[%swap3A_1578, %swap3A_1579] {strides = array<i32>} : memref<512x128xf32, #tpu.memory_space<vmem>>, vector<1x16xf32>,
      %swap3A_1581 = vector.shape_cast %swap3A_1580 : vector<1x16xf32> to vector<16xf32>
      %swap3A_1582 = vector.shape_cast %get3A_1577 : vector<16xf32> to vector<1x16xf32>
      tpu.vector_store %arg14[%swap3A_1578, %swap3A_1579], %swap3A_1582 {strides = array<i32>} : memref<512x128xf32, #tpu.memory_space<vmem>>, vector<1x16xf32>,
      %get3A_1583 = arith.index_cast %squeeze3A_1555 : i32 to index
      %get3A_1584 = arith.constant 16 : index
      %get3A_1585 = tpu.vector_load %arg16[%get3A_1583, %get3A_1584] {strides = array<i32>} : memref<24x64xf32, #tpu.memory_space<vmem>>, vector<1x16xf32>,
      %get3A_1586 = vector.shape_cast %get3A_1585 : vector<1x16xf32> to vector<16xf32>
      %swap3A_1587 = arith.index_cast %add3A_1551 : i32 to index
      %swap3A_1588 = arith.constant 80 : index
      %swap3A_1589 = tpu.vector_load %arg14[%swap3A_1587, %swap3A_1588] {strides = array<i32>} : memref<512x128xf32, #tpu.memory_space<vmem>>, vector<1x16xf32>,
      %swap3A_1590 = vector.shape_cast %swap3A_1589 : vector<1x16xf32> to vector<16xf32>
      %swap3A_1591 = vector.shape_cast %get3A_1586 : vector<16xf32> to vector<1x16xf32>
      tpu.vector_store %arg14[%swap3A_1587, %swap3A_1588], %swap3A_1591 {strides = array<i32>} : memref<512x128xf32, #tpu.memory_space<vmem>>, vector<1x16xf32>,
      %get3A_1592 = arith.index_cast %squeeze3A_1553 : i32 to index
      %get3A_1593 = arith.constant 32 : index
      %get3A_1594 = tpu.vector_load %arg15[%get3A_1592, %get3A_1593] {strides = array<i32>} : memref<12x64xf32, #tpu.memory_space<vmem>>, vector<1x16xf32>,
      %get3A_1595 = vector.shape_cast %get3A_1594 : vector<1x16xf32> to vector<16xf32>
      %swap3A_1596 = arith.index_cast %add3A_1551 : i32 to index
      %swap3A_1597 = arith.constant 32 : index
      %swap3A_1598 = tpu.vector_load %arg14[%swap3A_1596, %swap3A_1597] {strides = array<i32>} : memref<512x128xf32, #tpu.memory_space<vmem>>, vector<1x16xf32>,
      %swap3A_1599 = vector.shape_cast %swap3A_1598 : vector<1x16xf32> to vector<16xf32>
      %swap3A_1600 = vector.shape_cast %get3A_1595 : vector<16xf32> to vector<1x16xf32>
      tpu.vector_store %arg14[%swap3A_1596, %swap3A_1597], %swap3A_1600 {strides = array<i32>} : memref<512x128xf32, #tpu.memory_space<vmem>>, vector<1x16xf32>,
      %get3A_1601 = arith.index_cast %squeeze3A_1555 : i32 to index
      %get3A_1602 = arith.constant 32 : index
      %get3A_1603 = tpu.vector_load %arg16[%get3A_1601, %get3A_1602] {strides = array<i32>} : memref<24x64xf32, #tpu.memory_space<vmem>>, vector<1x16xf32>,
      %get3A_1604 = vector.shape_cast %get3A_1603 : vector<1x16xf32> to vector<16xf32>
      %swap3A_1605 = arith.index_cast %add3A_1551 : i32 to index
      %swap3A_1606 = arith.constant 96 : index
      %swap3A_1607 = tpu.vector_load %arg14[%swap3A_1605, %swap3A_1606] {strides = array<i32>} : memref<512x128xf32, #tpu.memory_space<vmem>>, vector<1x16xf32>,
      %swap3A_1608 = vector.shape_cast %swap3A_1607 : vector<1x16xf32> to vector<16xf32>
      %swap3A_1609 = vector.shape_cast %get3A_1604 : vector<16xf32> to vector<1x16xf32>
      tpu.vector_store %arg14[%swap3A_1605, %swap3A_1606], %swap3A_1609 {strides = array<i32>} : memref<512x128xf32, #tpu.memory_space<vmem>>, vector<1x16xf32>,
      %get3A_1610 = arith.index_cast %squeeze3A_1553 : i32 to index
      %get3A_1611 = arith.constant 48 : index
      %get3A_1612 = tpu.vector_load %arg15[%get3A_1610, %get3A_1611] {strides = array<i32>} : memref<12x64xf32, #tpu.memory_space<vmem>>, vector<1x16xf32>,
      %get3A_1613 = vector.shape_cast %get3A_1612 : vector<1x16xf32> to vector<16xf32>
      %swap3A_1614 = arith.index_cast %add3A_1551 : i32 to index
      %swap3A_1615 = arith.constant 48 : index
      %swap3A_1616 = tpu.vector_load %arg14[%swap3A_1614, %swap3A_1615] {strides = array<i32>} : memref<512x128xf32, #tpu.memory_space<vmem>>, vector<1x16xf32>,
      %swap3A_1617 = vector.shape_cast %swap3A_1616 : vector<1x16xf32> to vector<16xf32>
      %swap3A_1618 = vector.shape_cast %get3A_1613 : vector<16xf32> to vector<1x16xf32>
      tpu.vector_store %arg14[%swap3A_1614, %swap3A_1615], %swap3A_1618 {strides = array<i32>} : memref<512x128xf32, #tpu.memory_space<vmem>>, vector<1x16xf32>,
      %get3A_1619 = arith.index_cast %squeeze3A_1555 : i32 to index
      %get3A_1620 = arith.constant 48 : index
      %get3A_1621 = tpu.vector_load %arg16[%get3A_1619, %get3A_1620] {strides = array<i32>} : memref<24x64xf32, #tpu.memory_space<vmem>>, vector<1x16xf32>,
      %get3A_1622 = vector.shape_cast %get3A_1621 : vector<1x16xf32> to vector<16xf32>
      %swap3A_1623 = arith.index_cast %add3A_1551 : i32 to index
      %swap3A_1624 = arith.constant 112 : index
      %swap3A_1625 = tpu.vector_load %arg14[%swap3A_1623, %swap3A_1624] {strides = array<i32>} : memref<512x128xf32, #tpu.memory_space<vmem>>, vector<1x16xf32>,
      %swap3A_1626 = vector.shape_cast %swap3A_1625 : vector<1x16xf32> to vector<16xf32>
      %swap3A_1627 = vector.shape_cast %get3A_1622 : vector<16xf32> to vector<1x16xf32>
      tpu.vector_store %arg14[%swap3A_1623, %swap3A_1624], %swap3A_1627 {strides = array<i32>} : memref<512x128xf32, #tpu.memory_space<vmem>>, vector<1x16xf32>,
      %mul3A_1628 = arith.constant 16 : i32
      %mul3A_1629 = arith.muli %add3A_497, %mul3A_1628 : i32
      %add3A_1630 = arith.constant 14 : i32
      %add3A_1631 = arith.addi %mul3A_1629, %add3A_1630 : i32
      %slice3A_1632 = vector.extract_strided_slice %get3A_503 {offsets = [14], sizes = [1], strides = [1]} : vector<16xi32> to vector<1xi32>
      %squeeze3A_1633 = vector.extract %slice3A_1632[0] : i32 from vector<1xi32>
      %slice3A_1634 = vector.extract_strided_slice %get3A_510 {offsets = [14], sizes = [1], strides = [1]} : vector<16xi32> to vector<1xi32>
      %squeeze3A_1635 = vector.extract %slice3A_1634[0] : i32 from vector<1xi32>
      %get3A_1636 = arith.index_cast %squeeze3A_1633 : i32 to index
      %get3A_1637 = arith.constant 0 : index
      %get3A_1638 = tpu.vector_load %arg15[%get3A_1636, %get3A_1637] {strides = array<i32>} : memref<12x64xf32, #tpu.memory_space<vmem>>, vector<1x16xf32>,
      %get3A_1639 = vector.shape_cast %get3A_1638 : vector<1x16xf32> to vector<16xf32>
      %swap3A_1640 = arith.index_cast %add3A_1631 : i32 to index
      %swap3A_1641 = arith.constant 0 : index
      %swap3A_1642 = tpu.vector_load %arg14[%swap3A_1640, %swap3A_1641] {strides = array<i32>} : memref<512x128xf32, #tpu.memory_space<vmem>>, vector<1x16xf32>,
      %swap3A_1643 = vector.shape_cast %swap3A_1642 : vector<1x16xf32> to vector<16xf32>
      %swap3A_1644 = vector.shape_cast %get3A_1639 : vector<16xf32> to vector<1x16xf32>
      tpu.vector_store %arg14[%swap3A_1640, %swap3A_1641], %swap3A_1644 {strides = array<i32>} : memref<512x128xf32, #tpu.memory_space<vmem>>, vector<1x16xf32>,
      %get3A_1645 = arith.index_cast %squeeze3A_1635 : i32 to index
      %get3A_1646 = arith.constant 0 : index
      %get3A_1647 = tpu.vector_load %arg16[%get3A_1645, %get3A_1646] {strides = array<i32>} : memref<24x64xf32, #tpu.memory_space<vmem>>, vector<1x16xf32>,
      %get3A_1648 = vector.shape_cast %get3A_1647 : vector<1x16xf32> to vector<16xf32>
      %swap3A_1649 = arith.index_cast %add3A_1631 : i32 to index
      %swap3A_1650 = arith.constant 64 : index
      %swap3A_1651 = tpu.vector_load %arg14[%swap3A_1649, %swap3A_1650] {strides = array<i32>} : memref<512x128xf32, #tpu.memory_space<vmem>>, vector<1x16xf32>,
      %swap3A_1652 = vector.shape_cast %swap3A_1651 : vector<1x16xf32> to vector<16xf32>
      %swap3A_1653 = vector.shape_cast %get3A_1648 : vector<16xf32> to vector<1x16xf32>
      tpu.vector_store %arg14[%swap3A_1649, %swap3A_1650], %swap3A_1653 {strides = array<i32>} : memref<512x128xf32, #tpu.memory_space<vmem>>, vector<1x16xf32>,
      %get3A_1654 = arith.index_cast %squeeze3A_1633 : i32 to index
      %get3A_1655 = arith.constant 16 : index
      %get3A_1656 = tpu.vector_load %arg15[%get3A_1654, %get3A_1655] {strides = array<i32>} : memref<12x64xf32, #tpu.memory_space<vmem>>, vector<1x16xf32>,
      %get3A_1657 = vector.shape_cast %get3A_1656 : vector<1x16xf32> to vector<16xf32>
      %swap3A_1658 = arith.index_cast %add3A_1631 : i32 to index
      %swap3A_1659 = arith.constant 16 : index
      %swap3A_1660 = tpu.vector_load %arg14[%swap3A_1658, %swap3A_1659] {strides = array<i32>} : memref<512x128xf32, #tpu.memory_space<vmem>>, vector<1x16xf32>,
      %swap3A_1661 = vector.shape_cast %swap3A_1660 : vector<1x16xf32> to vector<16xf32>
      %swap3A_1662 = vector.shape_cast %get3A_1657 : vector<16xf32> to vector<1x16xf32>
      tpu.vector_store %arg14[%swap3A_1658, %swap3A_1659], %swap3A_1662 {strides = array<i32>} : memref<512x128xf32, #tpu.memory_space<vmem>>, vector<1x16xf32>,
      %get3A_1663 = arith.index_cast %squeeze3A_1635 : i32 to index
      %get3A_1664 = arith.constant 16 : index
      %get3A_1665 = tpu.vector_load %arg16[%get3A_1663, %get3A_1664] {strides = array<i32>} : memref<24x64xf32, #tpu.memory_space<vmem>>, vector<1x16xf32>,
      %get3A_1666 = vector.shape_cast %get3A_1665 : vector<1x16xf32> to vector<16xf32>
      %swap3A_1667 = arith.index_cast %add3A_1631 : i32 to index
      %swap3A_1668 = arith.constant 80 : index
      %swap3A_1669 = tpu.vector_load %arg14[%swap3A_1667, %swap3A_1668] {strides = array<i32>} : memref<512x128xf32, #tpu.memory_space<vmem>>, vector<1x16xf32>,
      %swap3A_1670 = vector.shape_cast %swap3A_1669 : vector<1x16xf32> to vector<16xf32>
      %swap3A_1671 = vector.shape_cast %get3A_1666 : vector<16xf32> to vector<1x16xf32>
      tpu.vector_store %arg14[%swap3A_1667, %swap3A_1668], %swap3A_1671 {strides = array<i32>} : memref<512x128xf32, #tpu.memory_space<vmem>>, vector<1x16xf32>,
      %get3A_1672 = arith.index_cast %squeeze3A_1633 : i32 to index
      %get3A_1673 = arith.constant 32 : index
      %get3A_1674 = tpu.vector_load %arg15[%get3A_1672, %get3A_1673] {strides = array<i32>} : memref<12x64xf32, #tpu.memory_space<vmem>>, vector<1x16xf32>,
      %get3A_1675 = vector.shape_cast %get3A_1674 : vector<1x16xf32> to vector<16xf32>
      %swap3A_1676 = arith.index_cast %add3A_1631 : i32 to index
      %swap3A_1677 = arith.constant 32 : index
      %swap3A_1678 = tpu.vector_load %arg14[%swap3A_1676, %swap3A_1677] {strides = array<i32>} : memref<512x128xf32, #tpu.memory_space<vmem>>, vector<1x16xf32>,
      %swap3A_1679 = vector.shape_cast %swap3A_1678 : vector<1x16xf32> to vector<16xf32>
      %swap3A_1680 = vector.shape_cast %get3A_1675 : vector<16xf32> to vector<1x16xf32>
      tpu.vector_store %arg14[%swap3A_1676, %swap3A_1677], %swap3A_1680 {strides = array<i32>} : memref<512x128xf32, #tpu.memory_space<vmem>>, vector<1x16xf32>,
      %get3A_1681 = arith.index_cast %squeeze3A_1635 : i32 to index
      %get3A_1682 = arith.constant 32 : index
      %get3A_1683 = tpu.vector_load %arg16[%get3A_1681, %get3A_1682] {strides = array<i32>} : memref<24x64xf32, #tpu.memory_space<vmem>>, vector<1x16xf32>,
      %get3A_1684 = vector.shape_cast %get3A_1683 : vector<1x16xf32> to vector<16xf32>
      %swap3A_1685 = arith.index_cast %add3A_1631 : i32 to index
      %swap3A_1686 = arith.constant 96 : index
      %swap3A_1687 = tpu.vector_load %arg14[%swap3A_1685, %swap3A_1686] {strides = array<i32>} : memref<512x128xf32, #tpu.memory_space<vmem>>, vector<1x16xf32>,
      %swap3A_1688 = vector.shape_cast %swap3A_1687 : vector<1x16xf32> to vector<16xf32>
      %swap3A_1689 = vector.shape_cast %get3A_1684 : vector<16xf32> to vector<1x16xf32>
      tpu.vector_store %arg14[%swap3A_1685, %swap3A_1686], %swap3A_1689 {strides = array<i32>} : memref<512x128xf32, #tpu.memory_space<vmem>>, vector<1x16xf32>,
      %get3A_1690 = arith.index_cast %squeeze3A_1633 : i32 to index
      %get3A_1691 = arith.constant 48 : index
      %get3A_1692 = tpu.vector_load %arg15[%get3A_1690, %get3A_1691] {strides = array<i32>} : memref<12x64xf32, #tpu.memory_space<vmem>>, vector<1x16xf32>,
      %get3A_1693 = vector.shape_cast %get3A_1692 : vector<1x16xf32> to vector<16xf32>
      %swap3A_1694 = arith.index_cast %add3A_1631 : i32 to index
      %swap3A_1695 = arith.constant 48 : index
      %swap3A_1696 = tpu.vector_load %arg14[%swap3A_1694, %swap3A_1695] {strides = array<i32>} : memref<512x128xf32, #tpu.memory_space<vmem>>, vector<1x16xf32>,
      %swap3A_1697 = vector.shape_cast %swap3A_1696 : vector<1x16xf32> to vector<16xf32>
      %swap3A_1698 = vector.shape_cast %get3A_1693 : vector<16xf32> to vector<1x16xf32>
      tpu.vector_store %arg14[%swap3A_1694, %swap3A_1695], %swap3A_1698 {strides = array<i32>} : memref<512x128xf32, #tpu.memory_space<vmem>>, vector<1x16xf32>,
      %get3A_1699 = arith.index_cast %squeeze3A_1635 : i32 to index
      %get3A_1700 = arith.constant 48 : index
      %get3A_1701 = tpu.vector_load %arg16[%get3A_1699, %get3A_1700] {strides = array<i32>} : memref<24x64xf32, #tpu.memory_space<vmem>>, vector<1x16xf32>,
      %get3A_1702 = vector.shape_cast %get3A_1701 : vector<1x16xf32> to vector<16xf32>
      %swap3A_1703 = arith.index_cast %add3A_1631 : i32 to index
      %swap3A_1704 = arith.constant 112 : index
      %swap3A_1705 = tpu.vector_load %arg14[%swap3A_1703, %swap3A_1704] {strides = array<i32>} : memref<512x128xf32, #tpu.memory_space<vmem>>, vector<1x16xf32>,
      %swap3A_1706 = vector.shape_cast %swap3A_1705 : vector<1x16xf32> to vector<16xf32>
      %swap3A_1707 = vector.shape_cast %get3A_1702 : vector<16xf32> to vector<1x16xf32>
      tpu.vector_store %arg14[%swap3A_1703, %swap3A_1704], %swap3A_1707 {strides = array<i32>} : memref<512x128xf32, #tpu.memory_space<vmem>>, vector<1x16xf32>,
      %mul3A_1708 = arith.constant 16 : i32
      %mul3A_1709 = arith.muli %add3A_497, %mul3A_1708 : i32
      %add3A_1710 = arith.constant 15 : i32
      %add3A_1711 = arith.addi %mul3A_1709, %add3A_1710 : i32
      %slice3A_1712 = vector.extract_strided_slice %get3A_503 {offsets = [15], sizes = [1], strides = [1]} : vector<16xi32> to vector<1xi32>
      %squeeze3A_1713 = vector.extract %slice3A_1712[0] : i32 from vector<1xi32>
      %slice3A_1714 = vector.extract_strided_slice %get3A_510 {offsets = [15], sizes = [1], strides = [1]} : vector<16xi32> to vector<1xi32>
      %squeeze3A_1715 = vector.extract %slice3A_1714[0] : i32 from vector<1xi32>
      %get3A_1716 = arith.index_cast %squeeze3A_1713 : i32 to index
      %get3A_1717 = arith.constant 0 : index
      %get3A_1718 = tpu.vector_load %arg15[%get3A_1716, %get3A_1717] {strides = array<i32>} : memref<12x64xf32, #tpu.memory_space<vmem>>, vector<1x16xf32>,
      %get3A_1719 = vector.shape_cast %get3A_1718 : vector<1x16xf32> to vector<16xf32>
      %swap3A_1720 = arith.index_cast %add3A_1711 : i32 to index
      %swap3A_1721 = arith.constant 0 : index
      %swap3A_1722 = tpu.vector_load %arg14[%swap3A_1720, %swap3A_1721] {strides = array<i32>} : memref<512x128xf32, #tpu.memory_space<vmem>>, vector<1x16xf32>,
      %swap3A_1723 = vector.shape_cast %swap3A_1722 : vector<1x16xf32> to vector<16xf32>
      %swap3A_1724 = vector.shape_cast %get3A_1719 : vector<16xf32> to vector<1x16xf32>
      tpu.vector_store %arg14[%swap3A_1720, %swap3A_1721], %swap3A_1724 {strides = array<i32>} : memref<512x128xf32, #tpu.memory_space<vmem>>, vector<1x16xf32>,
      %get3A_1725 = arith.index_cast %squeeze3A_1715 : i32 to index
      %get3A_1726 = arith.constant 0 : index
      %get3A_1727 = tpu.vector_load %arg16[%get3A_1725, %get3A_1726] {strides = array<i32>} : memref<24x64xf32, #tpu.memory_space<vmem>>, vector<1x16xf32>,
      %get3A_1728 = vector.shape_cast %get3A_1727 : vector<1x16xf32> to vector<16xf32>
      %swap3A_1729 = arith.index_cast %add3A_1711 : i32 to index
      %swap3A_1730 = arith.constant 64 : index
      %swap3A_1731 = tpu.vector_load %arg14[%swap3A_1729, %swap3A_1730] {strides = array<i32>} : memref<512x128xf32, #tpu.memory_space<vmem>>, vector<1x16xf32>,
      %swap3A_1732 = vector.shape_cast %swap3A_1731 : vector<1x16xf32> to vector<16xf32>
      %swap3A_1733 = vector.shape_cast %get3A_1728 : vector<16xf32> to vector<1x16xf32>
      tpu.vector_store %arg14[%swap3A_1729, %swap3A_1730], %swap3A_1733 {strides = array<i32>} : memref<512x128xf32, #tpu.memory_space<vmem>>, vector<1x16xf32>,
      %get3A_1734 = arith.index_cast %squeeze3A_1713 : i32 to index
      %get3A_1735 = arith.constant 16 : index
      %get3A_1736 = tpu.vector_load %arg15[%get3A_1734, %get3A_1735] {strides = array<i32>} : memref<12x64xf32, #tpu.memory_space<vmem>>, vector<1x16xf32>,
      %get3A_1737 = vector.shape_cast %get3A_1736 : vector<1x16xf32> to vector<16xf32>
      %swap3A_1738 = arith.index_cast %add3A_1711 : i32 to index
      %swap3A_1739 = arith.constant 16 : index
      %swap3A_1740 = tpu.vector_load %arg14[%swap3A_1738, %swap3A_1739] {strides = array<i32>} : memref<512x128xf32, #tpu.memory_space<vmem>>, vector<1x16xf32>,
      %swap3A_1741 = vector.shape_cast %swap3A_1740 : vector<1x16xf32> to vector<16xf32>
      %swap3A_1742 = vector.shape_cast %get3A_1737 : vector<16xf32> to vector<1x16xf32>
      tpu.vector_store %arg14[%swap3A_1738, %swap3A_1739], %swap3A_1742 {strides = array<i32>} : memref<512x128xf32, #tpu.memory_space<vmem>>, vector<1x16xf32>,
      %get3A_1743 = arith.index_cast %squeeze3A_1715 : i32 to index
      %get3A_1744 = arith.constant 16 : index
      %get3A_1745 = tpu.vector_load %arg16[%get3A_1743, %get3A_1744] {strides = array<i32>} : memref<24x64xf32, #tpu.memory_space<vmem>>, vector<1x16xf32>,
      %get3A_1746 = vector.shape_cast %get3A_1745 : vector<1x16xf32> to vector<16xf32>
      %swap3A_1747 = arith.index_cast %add3A_1711 : i32 to index
      %swap3A_1748 = arith.constant 80 : index
      %swap3A_1749 = tpu.vector_load %arg14[%swap3A_1747, %swap3A_1748] {strides = array<i32>} : memref<512x128xf32, #tpu.memory_space<vmem>>, vector<1x16xf32>,
      %swap3A_1750 = vector.shape_cast %swap3A_1749 : vector<1x16xf32> to vector<16xf32>
      %swap3A_1751 = vector.shape_cast %get3A_1746 : vector<16xf32> to vector<1x16xf32>
      tpu.vector_store %arg14[%swap3A_1747, %swap3A_1748], %swap3A_1751 {strides = array<i32>} : memref<512x128xf32, #tpu.memory_space<vmem>>, vector<1x16xf32>,
      %get3A_1752 = arith.index_cast %squeeze3A_1713 : i32 to index
      %get3A_1753 = arith.constant 32 : index
      %get3A_1754 = tpu.vector_load %arg15[%get3A_1752, %get3A_1753] {strides = array<i32>} : memref<12x64xf32, #tpu.memory_space<vmem>>, vector<1x16xf32>,
      %get3A_1755 = vector.shape_cast %get3A_1754 : vector<1x16xf32> to vector<16xf32>
      %swap3A_1756 = arith.index_cast %add3A_1711 : i32 to index
      %swap3A_1757 = arith.constant 32 : index
      %swap3A_1758 = tpu.vector_load %arg14[%swap3A_1756, %swap3A_1757] {strides = array<i32>} : memref<512x128xf32, #tpu.memory_space<vmem>>, vector<1x16xf32>,
      %swap3A_1759 = vector.shape_cast %swap3A_1758 : vector<1x16xf32> to vector<16xf32>
      %swap3A_1760 = vector.shape_cast %get3A_1755 : vector<16xf32> to vector<1x16xf32>
      tpu.vector_store %arg14[%swap3A_1756, %swap3A_1757], %swap3A_1760 {strides = array<i32>} : memref<512x128xf32, #tpu.memory_space<vmem>>, vector<1x16xf32>,
      %get3A_1761 = arith.index_cast %squeeze3A_1715 : i32 to index
      %get3A_1762 = arith.constant 32 : index
      %get3A_1763 = tpu.vector_load %arg16[%get3A_1761, %get3A_1762] {strides = array<i32>} : memref<24x64xf32, #tpu.memory_space<vmem>>, vector<1x16xf32>,
      %get3A_1764 = vector.shape_cast %get3A_1763 : vector<1x16xf32> to vector<16xf32>
      %swap3A_1765 = arith.index_cast %add3A_1711 : i32 to index
      %swap3A_1766 = arith.constant 96 : index
      %swap3A_1767 = tpu.vector_load %arg14[%swap3A_1765, %swap3A_1766] {strides = array<i32>} : memref<512x128xf32, #tpu.memory_space<vmem>>, vector<1x16xf32>,
      %swap3A_1768 = vector.shape_cast %swap3A_1767 : vector<1x16xf32> to vector<16xf32>
      %swap3A_1769 = vector.shape_cast %get3A_1764 : vector<16xf32> to vector<1x16xf32>
      tpu.vector_store %arg14[%swap3A_1765, %swap3A_1766], %swap3A_1769 {strides = array<i32>} : memref<512x128xf32, #tpu.memory_space<vmem>>, vector<1x16xf32>,
      %get3A_1770 = arith.index_cast %squeeze3A_1713 : i32 to index
      %get3A_1771 = arith.constant 48 : index
      %get3A_1772 = tpu.vector_load %arg15[%get3A_1770, %get3A_1771] {strides = array<i32>} : memref<12x64xf32, #tpu.memory_space<vmem>>, vector<1x16xf32>,
      %get3A_1773 = vector.shape_cast %get3A_1772 : vector<1x16xf32> to vector<16xf32>
      %swap3A_1774 = arith.index_cast %add3A_1711 : i32 to index
      %swap3A_1775 = arith.constant 48 : index
      %swap3A_1776 = tpu.vector_load %arg14[%swap3A_1774, %swap3A_1775] {strides = array<i32>} : memref<512x128xf32, #tpu.memory_space<vmem>>, vector<1x16xf32>,
      %swap3A_1777 = vector.shape_cast %swap3A_1776 : vector<1x16xf32> to vector<16xf32>
      %swap3A_1778 = vector.shape_cast %get3A_1773 : vector<16xf32> to vector<1x16xf32>
      tpu.vector_store %arg14[%swap3A_1774, %swap3A_1775], %swap3A_1778 {strides = array<i32>} : memref<512x128xf32, #tpu.memory_space<vmem>>, vector<1x16xf32>,
      %get3A_1779 = arith.index_cast %squeeze3A_1715 : i32 to index
      %get3A_1780 = arith.constant 48 : index
      %get3A_1781 = tpu.vector_load %arg16[%get3A_1779, %get3A_1780] {strides = array<i32>} : memref<24x64xf32, #tpu.memory_space<vmem>>, vector<1x16xf32>,
      %get3A_1782 = vector.shape_cast %get3A_1781 : vector<1x16xf32> to vector<16xf32>
      %swap3A_1783 = arith.index_cast %add3A_1711 : i32 to index
      %swap3A_1784 = arith.constant 112 : index
      %swap3A_1785 = tpu.vector_load %arg14[%swap3A_1783, %swap3A_1784] {strides = array<i32>} : memref<512x128xf32, #tpu.memory_space<vmem>>, vector<1x16xf32>,
      %swap3A_1786 = vector.shape_cast %swap3A_1785 : vector<1x16xf32> to vector<16xf32>
      %swap3A_1787 = vector.shape_cast %get3A_1782 : vector<16xf32> to vector<1x16xf32>
      tpu.vector_store %arg14[%swap3A_1783, %swap3A_1784], %swap3A_1787 {strides = array<i32>} : memref<512x128xf32, #tpu.memory_space<vmem>>, vector<1x16xf32>,
    }
    %scan3A_88 = arith.constant 32 : i32
    %dma_start3A_89 = arith.constant 1 : i32
    %dma_start3A_90 = arith.constant 1 : i32
    %dma_start3A_91 = arith.constant 0 : i32
    %dma_start3A_92 = arith.constant 0 : i32
    %dma_start3A_93 = tpu.memref_slice %arg13[%dma_start3A_90, %dma_start3A_91, %dma_start3A_92] : memref<2x128x64xf32, #tpu.memory_space<vmem>> -> memref<1x128x64xf32, #tpu.memory_space<vmem>>
    %dma_start3A_94 = tpu.memref_squeeze %dma_start3A_93 : memref<1x128x64xf32, #tpu.memory_space<vmem>> -> memref<128x64xf32, #tpu.memory_space<vmem>>
    %dma_start3A_95 = arith.constant 0 : i32
    %dma_start3A_96 = tpu.memref_slice %arg12[%dma_start3A_89, %dma_start3A_95] : memref<4x512xi32, #tpu.memory_space<vmem>> -> memref<1x128xi32, #tpu.memory_space<vmem>>
    %dma_start3A_97 = tpu.memref_squeeze %dma_start3A_96 : memref<1x128xi32, #tpu.memory_space<vmem>> -> memref<128xi32, #tpu.memory_space<vmem>>
    %dma_start3A_98 = arith.constant 0 : i32
    %dma_start3A_99 = arith.constant 0 : i32
    %dma_start3A_100 = tpu.memref_slice %arg7[%dma_start3A_98, %dma_start3A_99] : memref<1000x64xf32, #tpu.memory_space<hbm>> -> memref<1000x64xf32, #tpu.memory_space<hbm>>
    tpu.enqueue_indirect_dma source(%dma_start3A_100 : memref<1000x64xf32, #tpu.memory_space<hbm>>) target(%dma_start3A_94 : memref<128x64xf32, #tpu.memory_space<vmem>>) offsets(%dma_start3A_97 : memref<128xi32, #tpu.memory_space<vmem>>) semaphore(%arg18 : memref<!tpu.dma_semaphore, #tpu.memory_space<semaphore_mem>>)
    %dma_wait3A_101 = arith.constant 0 : i32
    %dma_wait3A_102 = arith.constant 0 : i32
    %dma_wait3A_103 = arith.constant 0 : i32
    %dma_wait3A_104 = arith.constant 0 : i32
    %dma_wait3A_105 = tpu.memref_slice %arg13[%dma_wait3A_102, %dma_wait3A_103, %dma_wait3A_104] : memref<2x128x64xf32, #tpu.memory_space<vmem>> -> memref<1x128x64xf32, #tpu.memory_space<vmem>>
    %dma_wait3A_106 = tpu.memref_squeeze %dma_wait3A_105 : memref<1x128x64xf32, #tpu.memory_space<vmem>> -> memref<128x64xf32, #tpu.memory_space<vmem>>
    %dma_wait3A_107 = arith.constant 0 : i32
    %dma_wait3A_108 = tpu.memref_slice %arg12[%dma_wait3A_101, %dma_wait3A_107] : memref<4x512xi32, #tpu.memory_space<vmem>> -> memref<1x128xi32, #tpu.memory_space<vmem>>
    %dma_wait3A_109 = tpu.memref_squeeze %dma_wait3A_108 : memref<1x128xi32, #tpu.memory_space<vmem>> -> memref<128xi32, #tpu.memory_space<vmem>>
    %dma_wait3A_110 = arith.constant 0 : i32
    %dma_wait3A_111 = arith.constant 0 : i32
    %dma_wait3A_112 = tpu.memref_slice %arg6[%dma_wait3A_110, %dma_wait3A_111] : memref<1000x64xf32, #tpu.memory_space<hbm>> -> memref<1000x64xf32, #tpu.memory_space<hbm>>
    tpu.wait_indirect_dma semaphore(%arg17 : memref<!tpu.dma_semaphore, #tpu.memory_space<semaphore_mem>>) src(%dma_wait3A_112 : memref<1000x64xf32, #tpu.memory_space<hbm>>) dst(%dma_wait3A_106 : memref<128x64xf32, #tpu.memory_space<vmem>>)
    %add3A_113 = arith.constant 0 : i32
    %add3A_114 = arith.addi %mul3A_2, %add3A_113 : i32
    %dma_start3A_115 = arith.constant 0 : i32
    %dma_start3A_116 = arith.constant 0 : i32
    %dma_start3A_117 = arith.constant 0 : i32
    %dma_start3A_118 = tpu.memref_slice %arg13[%dma_start3A_115, %dma_start3A_116, %dma_start3A_117] : memref<2x128x64xf32, #tpu.memory_space<vmem>> -> memref<1x128x64xf32, #tpu.memory_space<vmem>>
    %dma_start3A_119 = tpu.memref_squeeze %dma_start3A_118 : memref<1x128x64xf32, #tpu.memory_space<vmem>> -> memref<128x64xf32, #tpu.memory_space<vmem>>
    %dma_start3A_120 = arith.constant 0 : i32
    %dma_start3A_121 = tpu.memref_slice %arg10[%add3A_114, %dma_start3A_120] : memref<16384x128xf32, #tpu.memory_space<hbm>> -> memref<128x64xf32, #tpu.memory_space<hbm>>
    %dma_start3A_122 = arith.constant 0 : i32
    %dma_start3A_123 = tpu.memref_slice %arg10[%add3A_114, %dma_start3A_122] : memref<16384x128xf32, #tpu.memory_space<hbm>> -> memref<128x64xf32, #tpu.memory_space<hbm>>
    %dma_start3A_124 = arith.constant 0 : i32
    %dma_start3A_125 = arith.constant 0 : i32
    %dma_start3A_126 = tpu.memref_slice %arg13[%dma_start3A_115, %dma_start3A_124, %dma_start3A_125] : memref<2x128x64xf32, #tpu.memory_space<vmem>> -> memref<1x128x64xf32, #tpu.memory_space<vmem>>
    %dma_start3A_127 = tpu.memref_squeeze %dma_start3A_126 : memref<1x128x64xf32, #tpu.memory_space<vmem>> -> memref<128x64xf32, #tpu.memory_space<vmem>>
    tpu.enqueue_dma source(%dma_start3A_127 : memref<128x64xf32, #tpu.memory_space<vmem>>) target(%dma_start3A_123 : memref<128x64xf32, #tpu.memory_space<hbm>>) target_semaphore(%arg19 : memref<!tpu.dma_semaphore, #tpu.memory_space<semaphore_mem>>)
    %dma_wait3A_128 = arith.constant 0 : i32
    %dma_wait3A_129 = arith.constant 0 : i32
    %dma_wait3A_130 = arith.constant 0 : i32
    %dma_wait3A_131 = tpu.memref_slice %arg13[%dma_wait3A_128, %dma_wait3A_129, %dma_wait3A_130] : memref<2x128x64xf32, #tpu.memory_space<vmem>> -> memref<1x128x64xf32, #tpu.memory_space<vmem>>
    %dma_wait3A_132 = tpu.memref_squeeze %dma_wait3A_131 : memref<1x128x64xf32, #tpu.memory_space<vmem>> -> memref<128x64xf32, #tpu.memory_space<vmem>>
    %dma_wait3A_133 = arith.constant 0 : i32
    %dma_wait3A_134 = tpu.memref_slice %arg10[%add3A_114, %dma_wait3A_133] : memref<16384x128xf32, #tpu.memory_space<hbm>> -> memref<128x64xf32, #tpu.memory_space<hbm>>
    %dma_wait3A_135 = arith.constant 0 : i32
    %dma_wait3A_136 = tpu.memref_slice %arg10[%add3A_114, %dma_wait3A_135] : memref<16384x128xf32, #tpu.memory_space<hbm>> -> memref<128x64xf32, #tpu.memory_space<hbm>>
    %dma_wait3A_137 = arith.constant 0 : i32
    %dma_wait3A_138 = arith.constant 0 : i32
    %dma_wait3A_139 = tpu.memref_slice %arg13[%dma_wait3A_128, %dma_wait3A_137, %dma_wait3A_138] : memref<2x128x64xf32, #tpu.memory_space<vmem>> -> memref<1x128x64xf32, #tpu.memory_space<vmem>>
    %dma_wait3A_140 = tpu.memref_squeeze %dma_wait3A_139 : memref<1x128x64xf32, #tpu.memory_space<vmem>> -> memref<128x64xf32, #tpu.memory_space<vmem>>
    tpu.wait_dma2 semaphore(%arg19 : memref<!tpu.dma_semaphore, #tpu.memory_space<semaphore_mem>>) src(%dma_wait3A_140 : memref<128x64xf32, #tpu.memory_space<vmem>>) dst(%dma_wait3A_136 : memref<128x64xf32, #tpu.memory_space<hbm>>)
    %dma_start3A_141 = arith.constant 0 : i32
    %dma_start3A_142 = arith.constant 0 : i32
    %dma_start3A_143 = arith.constant 0 : i32
    %dma_start3A_144 = arith.constant 0 : i32
    %dma_start3A_145 = tpu.memref_slice %arg13[%dma_start3A_142, %dma_start3A_143, %dma_start3A_144] : memref<2x128x64xf32, #tpu.memory_space<vmem>> -> memref<1x128x64xf32, #tpu.memory_space<vmem>>
    %dma_start3A_146 = tpu.memref_squeeze %dma_start3A_145 : memref<1x128x64xf32, #tpu.memory_space<vmem>> -> memref<128x64xf32, #tpu.memory_space<vmem>>
    %dma_start3A_147 = arith.constant 128 : i32
    %dma_start3A_148 = tpu.memref_slice %arg12[%dma_start3A_141, %dma_start3A_147] : memref<4x512xi32, #tpu.memory_space<vmem>> -> memref<1x128xi32, #tpu.memory_space<vmem>>
    %dma_start3A_149 = tpu.memref_squeeze %dma_start3A_148 : memref<1x128xi32, #tpu.memory_space<vmem>> -> memref<128xi32, #tpu.memory_space<vmem>>
    %dma_start3A_150 = arith.constant 0 : i32
    %dma_start3A_151 = arith.constant 0 : i32
    %dma_start3A_152 = tpu.memref_slice %arg6[%dma_start3A_150, %dma_start3A_151] : memref<1000x64xf32, #tpu.memory_space<hbm>> -> memref<1000x64xf32, #tpu.memory_space<hbm>>
    tpu.enqueue_indirect_dma source(%dma_start3A_152 : memref<1000x64xf32, #tpu.memory_space<hbm>>) target(%dma_start3A_146 : memref<128x64xf32, #tpu.memory_space<vmem>>) offsets(%dma_start3A_149 : memref<128xi32, #tpu.memory_space<vmem>>) semaphore(%arg17 : memref<!tpu.dma_semaphore, #tpu.memory_space<semaphore_mem>>)
    %dma_wait3A_153 = arith.constant 1 : i32
    %dma_wait3A_154 = arith.constant 1 : i32
    %dma_wait3A_155 = arith.constant 0 : i32
    %dma_wait3A_156 = arith.constant 0 : i32
    %dma_wait3A_157 = tpu.memref_slice %arg13[%dma_wait3A_154, %dma_wait3A_155, %dma_wait3A_156] : memref<2x128x64xf32, #tpu.memory_space<vmem>> -> memref<1x128x64xf32, #tpu.memory_space<vmem>>
    %dma_wait3A_158 = tpu.memref_squeeze %dma_wait3A_157 : memref<1x128x64xf32, #tpu.memory_space<vmem>> -> memref<128x64xf32, #tpu.memory_space<vmem>>
    %dma_wait3A_159 = arith.constant 0 : i32
    %dma_wait3A_160 = tpu.memref_slice %arg12[%dma_wait3A_153, %dma_wait3A_159] : memref<4x512xi32, #tpu.memory_space<vmem>> -> memref<1x128xi32, #tpu.memory_space<vmem>>
    %dma_wait3A_161 = tpu.memref_squeeze %dma_wait3A_160 : memref<1x128xi32, #tpu.memory_space<vmem>> -> memref<128xi32, #tpu.memory_space<vmem>>
    %dma_wait3A_162 = arith.constant 0 : i32
    %dma_wait3A_163 = arith.constant 0 : i32
    %dma_wait3A_164 = tpu.memref_slice %arg7[%dma_wait3A_162, %dma_wait3A_163] : memref<1000x64xf32, #tpu.memory_space<hbm>> -> memref<1000x64xf32, #tpu.memory_space<hbm>>
    tpu.wait_indirect_dma semaphore(%arg18 : memref<!tpu.dma_semaphore, #tpu.memory_space<semaphore_mem>>) src(%dma_wait3A_164 : memref<1000x64xf32, #tpu.memory_space<hbm>>) dst(%dma_wait3A_158 : memref<128x64xf32, #tpu.memory_space<vmem>>)
    %add3A_165 = arith.constant 0 : i32
    %add3A_166 = arith.addi %mul3A_2, %add3A_165 : i32
    %dma_start3A_167 = arith.constant 1 : i32
    %dma_start3A_168 = arith.constant 0 : i32
    %dma_start3A_169 = arith.constant 0 : i32
    %dma_start3A_170 = tpu.memref_slice %arg13[%dma_start3A_167, %dma_start3A_168, %dma_start3A_169] : memref<2x128x64xf32, #tpu.memory_space<vmem>> -> memref<1x128x64xf32, #tpu.memory_space<vmem>>
    %dma_start3A_171 = tpu.memref_squeeze %dma_start3A_170 : memref<1x128x64xf32, #tpu.memory_space<vmem>> -> memref<128x64xf32, #tpu.memory_space<vmem>>
    %dma_start3A_172 = arith.constant 64 : i32
    %dma_start3A_173 = tpu.memref_slice %arg10[%add3A_166, %dma_start3A_172] : memref<16384x128xf32, #tpu.memory_space<hbm>> -> memref<128x64xf32, #tpu.memory_space<hbm>>
    %dma_start3A_174 = arith.constant 64 : i32
    %dma_start3A_175 = tpu.memref_slice %arg10[%add3A_166, %dma_start3A_174] : memref<16384x128xf32, #tpu.memory_space<hbm>> -> memref<128x64xf32, #tpu.memory_space<hbm>>
    %dma_start3A_176 = arith.constant 0 : i32
    %dma_start3A_177 = arith.constant 0 : i32
    %dma_start3A_178 = tpu.memref_slice %arg13[%dma_start3A_167, %dma_start3A_176, %dma_start3A_177] : memref<2x128x64xf32, #tpu.memory_space<vmem>> -> memref<1x128x64xf32, #tpu.memory_space<vmem>>
    %dma_start3A_179 = tpu.memref_squeeze %dma_start3A_178 : memref<1x128x64xf32, #tpu.memory_space<vmem>> -> memref<128x64xf32, #tpu.memory_space<vmem>>
    tpu.enqueue_dma source(%dma_start3A_179 : memref<128x64xf32, #tpu.memory_space<vmem>>) target(%dma_start3A_175 : memref<128x64xf32, #tpu.memory_space<hbm>>) target_semaphore(%arg20 : memref<!tpu.dma_semaphore, #tpu.memory_space<semaphore_mem>>)
    %dma_wait3A_180 = arith.constant 1 : i32
    %dma_wait3A_181 = arith.constant 0 : i32
    %dma_wait3A_182 = arith.constant 0 : i32
    %dma_wait3A_183 = tpu.memref_slice %arg13[%dma_wait3A_180, %dma_wait3A_181, %dma_wait3A_182] : memref<2x128x64xf32, #tpu.memory_space<vmem>> -> memref<1x128x64xf32, #tpu.memory_space<vmem>>
    %dma_wait3A_184 = tpu.memref_squeeze %dma_wait3A_183 : memref<1x128x64xf32, #tpu.memory_space<vmem>> -> memref<128x64xf32, #tpu.memory_space<vmem>>
    %dma_wait3A_185 = arith.constant 64 : i32
    %dma_wait3A_186 = tpu.memref_slice %arg10[%add3A_166, %dma_wait3A_185] : memref<16384x128xf32, #tpu.memory_space<hbm>> -> memref<128x64xf32, #tpu.memory_space<hbm>>
    %dma_wait3A_187 = arith.constant 64 : i32
    %dma_wait3A_188 = tpu.memref_slice %arg10[%add3A_166, %dma_wait3A_187] : memref<16384x128xf32, #tpu.memory_space<hbm>> -> memref<128x64xf32, #tpu.memory_space<hbm>>
    %dma_wait3A_189 = arith.constant 0 : i32
    %dma_wait3A_190 = arith.constant 0 : i32
    %dma_wait3A_191 = tpu.memref_slice %arg13[%dma_wait3A_180, %dma_wait3A_189, %dma_wait3A_190] : memref<2x128x64xf32, #tpu.memory_space<vmem>> -> memref<1x128x64xf32, #tpu.memory_space<vmem>>
    %dma_wait3A_192 = tpu.memref_squeeze %dma_wait3A_191 : memref<1x128x64xf32, #tpu.memory_space<vmem>> -> memref<128x64xf32, #tpu.memory_space<vmem>>
    tpu.wait_dma2 semaphore(%arg20 : memref<!tpu.dma_semaphore, #tpu.memory_space<semaphore_mem>>) src(%dma_wait3A_192 : memref<128x64xf32, #tpu.memory_space<vmem>>) dst(%dma_wait3A_188 : memref<128x64xf32, #tpu.memory_space<hbm>>)
    %dma_start3A_193 = arith.constant 1 : i32
    %dma_start3A_194 = arith.constant 1 : i32
    %dma_start3A_195 = arith.constant 0 : i32
    %dma_start3A_196 = arith.constant 0 : i32
    %dma_start3A_197 = tpu.memref_slice %arg13[%dma_start3A_194, %dma_start3A_195, %dma_start3A_196] : memref<2x128x64xf32, #tpu.memory_space<vmem>> -> memref<1x128x64xf32, #tpu.memory_space<vmem>>
    %dma_start3A_198 = tpu.memref_squeeze %dma_start3A_197 : memref<1x128x64xf32, #tpu.memory_space<vmem>> -> memref<128x64xf32, #tpu.memory_space<vmem>>
    %dma_start3A_199 = arith.constant 128 : i32
    %dma_start3A_200 = tpu.memref_slice %arg12[%dma_start3A_193, %dma_start3A_199] : memref<4x512xi32, #tpu.memory_space<vmem>> -> memref<1x128xi32, #tpu.memory_space<vmem>>
    %dma_start3A_201 = tpu.memref_squeeze %dma_start3A_200 : memref<1x128xi32, #tpu.memory_space<vmem>> -> memref<128xi32, #tpu.memory_space<vmem>>
    %dma_start3A_202 = arith.constant 0 : i32
    %dma_start3A_203 = arith.constant 0 : i32
    %dma_start3A_204 = tpu.memref_slice %arg7[%dma_start3A_202, %dma_start3A_203] : memref<1000x64xf32, #tpu.memory_space<hbm>> -> memref<1000x64xf32, #tpu.memory_space<hbm>>
    tpu.enqueue_indirect_dma source(%dma_start3A_204 : memref<1000x64xf32, #tpu.memory_space<hbm>>) target(%dma_start3A_198 : memref<128x64xf32, #tpu.memory_space<vmem>>) offsets(%dma_start3A_201 : memref<128xi32, #tpu.memory_space<vmem>>) semaphore(%arg18 : memref<!tpu.dma_semaphore, #tpu.memory_space<semaphore_mem>>)
    %dma_wait3A_205 = arith.constant 0 : i32
    %dma_wait3A_206 = arith.constant 0 : i32
    %dma_wait3A_207 = arith.constant 0 : i32
    %dma_wait3A_208 = arith.constant 0 : i32
    %dma_wait3A_209 = tpu.memref_slice %arg13[%dma_wait3A_206, %dma_wait3A_207, %dma_wait3A_208] : memref<2x128x64xf32, #tpu.memory_space<vmem>> -> memref<1x128x64xf32, #tpu.memory_space<vmem>>
    %dma_wait3A_210 = tpu.memref_squeeze %dma_wait3A_209 : memref<1x128x64xf32, #tpu.memory_space<vmem>> -> memref<128x64xf32, #tpu.memory_space<vmem>>
    %dma_wait3A_211 = arith.constant 128 : i32
    %dma_wait3A_212 = tpu.memref_slice %arg12[%dma_wait3A_205, %dma_wait3A_211] : memref<4x512xi32, #tpu.memory_space<vmem>> -> memref<1x128xi32, #tpu.memory_space<vmem>>
    %dma_wait3A_213 = tpu.memref_squeeze %dma_wait3A_212 : memref<1x128xi32, #tpu.memory_space<vmem>> -> memref<128xi32, #tpu.memory_space<vmem>>
    %dma_wait3A_214 = arith.constant 0 : i32
    %dma_wait3A_215 = arith.constant 0 : i32
    %dma_wait3A_216 = tpu.memref_slice %arg6[%dma_wait3A_214, %dma_wait3A_215] : memref<1000x64xf32, #tpu.memory_space<hbm>> -> memref<1000x64xf32, #tpu.memory_space<hbm>>
    tpu.wait_indirect_dma semaphore(%arg17 : memref<!tpu.dma_semaphore, #tpu.memory_space<semaphore_mem>>) src(%dma_wait3A_216 : memref<1000x64xf32, #tpu.memory_space<hbm>>) dst(%dma_wait3A_210 : memref<128x64xf32, #tpu.memory_space<vmem>>)
    %add3A_217 = arith.constant 128 : i32
    %add3A_218 = arith.addi %mul3A_2, %add3A_217 : i32
    %dma_start3A_219 = arith.constant 0 : i32
    %dma_start3A_220 = arith.constant 0 : i32
    %dma_start3A_221 = arith.constant 0 : i32
    %dma_start3A_222 = tpu.memref_slice %arg13[%dma_start3A_219, %dma_start3A_220, %dma_start3A_221] : memref<2x128x64xf32, #tpu.memory_space<vmem>> -> memref<1x128x64xf32, #tpu.memory_space<vmem>>
    %dma_start3A_223 = tpu.memref_squeeze %dma_start3A_222 : memref<1x128x64xf32, #tpu.memory_space<vmem>> -> memref<128x64xf32, #tpu.memory_space<vmem>>
    %dma_start3A_224 = arith.constant 0 : i32
    %dma_start3A_225 = tpu.memref_slice %arg10[%add3A_218, %dma_start3A_224] : memref<16384x128xf32, #tpu.memory_space<hbm>> -> memref<128x64xf32, #tpu.memory_space<hbm>>
    %dma_start3A_226 = arith.constant 0 : i32
    %dma_start3A_227 = tpu.memref_slice %arg10[%add3A_218, %dma_start3A_226] : memref<16384x128xf32, #tpu.memory_space<hbm>> -> memref<128x64xf32, #tpu.memory_space<hbm>>
    %dma_start3A_228 = arith.constant 0 : i32
    %dma_start3A_229 = arith.constant 0 : i32
    %dma_start3A_230 = tpu.memref_slice %arg13[%dma_start3A_219, %dma_start3A_228, %dma_start3A_229] : memref<2x128x64xf32, #tpu.memory_space<vmem>> -> memref<1x128x64xf32, #tpu.memory_space<vmem>>
    %dma_start3A_231 = tpu.memref_squeeze %dma_start3A_230 : memref<1x128x64xf32, #tpu.memory_space<vmem>> -> memref<128x64xf32, #tpu.memory_space<vmem>>
    tpu.enqueue_dma source(%dma_start3A_231 : memref<128x64xf32, #tpu.memory_space<vmem>>) target(%dma_start3A_227 : memref<128x64xf32, #tpu.memory_space<hbm>>) target_semaphore(%arg19 : memref<!tpu.dma_semaphore, #tpu.memory_space<semaphore_mem>>)
    %dma_wait3A_232 = arith.constant 0 : i32
    %dma_wait3A_233 = arith.constant 0 : i32
    %dma_wait3A_234 = arith.constant 0 : i32
    %dma_wait3A_235 = tpu.memref_slice %arg13[%dma_wait3A_232, %dma_wait3A_233, %dma_wait3A_234] : memref<2x128x64xf32, #tpu.memory_space<vmem>> -> memref<1x128x64xf32, #tpu.memory_space<vmem>>
    %dma_wait3A_236 = tpu.memref_squeeze %dma_wait3A_235 : memref<1x128x64xf32, #tpu.memory_space<vmem>> -> memref<128x64xf32, #tpu.memory_space<vmem>>
    %dma_wait3A_237 = arith.constant 0 : i32
    %dma_wait3A_238 = tpu.memref_slice %arg10[%add3A_218, %dma_wait3A_237] : memref<16384x128xf32, #tpu.memory_space<hbm>> -> memref<128x64xf32, #tpu.memory_space<hbm>>
    %dma_wait3A_239 = arith.constant 0 : i32
    %dma_wait3A_240 = tpu.memref_slice %arg10[%add3A_218, %dma_wait3A_239] : memref<16384x128xf32, #tpu.memory_space<hbm>> -> memref<128x64xf32, #tpu.memory_space<hbm>>
    %dma_wait3A_241 = arith.constant 0 : i32
    %dma_wait3A_242 = arith.constant 0 : i32
    %dma_wait3A_243 = tpu.memref_slice %arg13[%dma_wait3A_232, %dma_wait3A_241, %dma_wait3A_242] : memref<2x128x64xf32, #tpu.memory_space<vmem>> -> memref<1x128x64xf32, #tpu.memory_space<vmem>>
    %dma_wait3A_244 = tpu.memref_squeeze %dma_wait3A_243 : memref<1x128x64xf32, #tpu.memory_space<vmem>> -> memref<128x64xf32, #tpu.memory_space<vmem>>
    tpu.wait_dma2 semaphore(%arg19 : memref<!tpu.dma_semaphore, #tpu.memory_space<semaphore_mem>>) src(%dma_wait3A_244 : memref<128x64xf32, #tpu.memory_space<vmem>>) dst(%dma_wait3A_240 : memref<128x64xf32, #tpu.memory_space<hbm>>)
    %dma_start3A_245 = arith.constant 0 : i32
    %dma_start3A_246 = arith.constant 0 : i32
    %dma_start3A_247 = arith.constant 0 : i32
    %dma_start3A_248 = arith.constant 0 : i32
    %dma_start3A_249 = tpu.memref_slice %arg13[%dma_start3A_246, %dma_start3A_247, %dma_start3A_248] : memref<2x128x64xf32, #tpu.memory_space<vmem>> -> memref<1x128x64xf32, #tpu.memory_space<vmem>>
    %dma_start3A_250 = tpu.memref_squeeze %dma_start3A_249 : memref<1x128x64xf32, #tpu.memory_space<vmem>> -> memref<128x64xf32, #tpu.memory_space<vmem>>
    %dma_start3A_251 = arith.constant 256 : i32
    %dma_start3A_252 = tpu.memref_slice %arg12[%dma_start3A_245, %dma_start3A_251] : memref<4x512xi32, #tpu.memory_space<vmem>> -> memref<1x128xi32, #tpu.memory_space<vmem>>
    %dma_start3A_253 = tpu.memref_squeeze %dma_start3A_252 : memref<1x128xi32, #tpu.memory_space<vmem>> -> memref<128xi32, #tpu.memory_space<vmem>>
    %dma_start3A_254 = arith.constant 0 : i32
    %dma_start3A_255 = arith.constant 0 : i32
    %dma_start3A_256 = tpu.memref_slice %arg6[%dma_start3A_254, %dma_start3A_255] : memref<1000x64xf32, #tpu.memory_space<hbm>> -> memref<1000x64xf32, #tpu.memory_space<hbm>>
    tpu.enqueue_indirect_dma source(%dma_start3A_256 : memref<1000x64xf32, #tpu.memory_space<hbm>>) target(%dma_start3A_250 : memref<128x64xf32, #tpu.memory_space<vmem>>) offsets(%dma_start3A_253 : memref<128xi32, #tpu.memory_space<vmem>>) semaphore(%arg17 : memref<!tpu.dma_semaphore, #tpu.memory_space<semaphore_mem>>)
    %dma_wait3A_257 = arith.constant 1 : i32
    %dma_wait3A_258 = arith.constant 1 : i32
    %dma_wait3A_259 = arith.constant 0 : i32
    %dma_wait3A_260 = arith.constant 0 : i32
    %dma_wait3A_261 = tpu.memref_slice %arg13[%dma_wait3A_258, %dma_wait3A_259, %dma_wait3A_260] : memref<2x128x64xf32, #tpu.memory_space<vmem>> -> memref<1x128x64xf32, #tpu.memory_space<vmem>>
    %dma_wait3A_262 = tpu.memref_squeeze %dma_wait3A_261 : memref<1x128x64xf32, #tpu.memory_space<vmem>> -> memref<128x64xf32, #tpu.memory_space<vmem>>
    %dma_wait3A_263 = arith.constant 128 : i32
    %dma_wait3A_264 = tpu.memref_slice %arg12[%dma_wait3A_257, %dma_wait3A_263] : memref<4x512xi32, #tpu.memory_space<vmem>> -> memref<1x128xi32, #tpu.memory_space<vmem>>
    %dma_wait3A_265 = tpu.memref_squeeze %dma_wait3A_264 : memref<1x128xi32, #tpu.memory_space<vmem>> -> memref<128xi32, #tpu.memory_space<vmem>>
    %dma_wait3A_266 = arith.constant 0 : i32
    %dma_wait3A_267 = arith.constant 0 : i32
    %dma_wait3A_268 = tpu.memref_slice %arg7[%dma_wait3A_266, %dma_wait3A_267] : memref<1000x64xf32, #tpu.memory_space<hbm>> -> memref<1000x64xf32, #tpu.memory_space<hbm>>
    tpu.wait_indirect_dma semaphore(%arg18 : memref<!tpu.dma_semaphore, #tpu.memory_space<semaphore_mem>>) src(%dma_wait3A_268 : memref<1000x64xf32, #tpu.memory_space<hbm>>) dst(%dma_wait3A_262 : memref<128x64xf32, #tpu.memory_space<vmem>>)
    %add3A_269 = arith.constant 128 : i32
    %add3A_270 = arith.addi %mul3A_2, %add3A_269 : i32
    %dma_start3A_271 = arith.constant 1 : i32
    %dma_start3A_272 = arith.constant 0 : i32
    %dma_start3A_273 = arith.constant 0 : i32
    %dma_start3A_274 = tpu.memref_slice %arg13[%dma_start3A_271, %dma_start3A_272, %dma_start3A_273] : memref<2x128x64xf32, #tpu.memory_space<vmem>> -> memref<1x128x64xf32, #tpu.memory_space<vmem>>
    %dma_start3A_275 = tpu.memref_squeeze %dma_start3A_274 : memref<1x128x64xf32, #tpu.memory_space<vmem>> -> memref<128x64xf32, #tpu.memory_space<vmem>>
    %dma_start3A_276 = arith.constant 64 : i32
    %dma_start3A_277 = tpu.memref_slice %arg10[%add3A_270, %dma_start3A_276] : memref<16384x128xf32, #tpu.memory_space<hbm>> -> memref<128x64xf32, #tpu.memory_space<hbm>>
    %dma_start3A_278 = arith.constant 64 : i32
    %dma_start3A_279 = tpu.memref_slice %arg10[%add3A_270, %dma_start3A_278] : memref<16384x128xf32, #tpu.memory_space<hbm>> -> memref<128x64xf32, #tpu.memory_space<hbm>>
    %dma_start3A_280 = arith.constant 0 : i32
    %dma_start3A_281 = arith.constant 0 : i32
    %dma_start3A_282 = tpu.memref_slice %arg13[%dma_start3A_271, %dma_start3A_280, %dma_start3A_281] : memref<2x128x64xf32, #tpu.memory_space<vmem>> -> memref<1x128x64xf32, #tpu.memory_space<vmem>>
    %dma_start3A_283 = tpu.memref_squeeze %dma_start3A_282 : memref<1x128x64xf32, #tpu.memory_space<vmem>> -> memref<128x64xf32, #tpu.memory_space<vmem>>
    tpu.enqueue_dma source(%dma_start3A_283 : memref<128x64xf32, #tpu.memory_space<vmem>>) target(%dma_start3A_279 : memref<128x64xf32, #tpu.memory_space<hbm>>) target_semaphore(%arg20 : memref<!tpu.dma_semaphore, #tpu.memory_space<semaphore_mem>>)
    %dma_wait3A_284 = arith.constant 1 : i32
    %dma_wait3A_285 = arith.constant 0 : i32
    %dma_wait3A_286 = arith.constant 0 : i32
    %dma_wait3A_287 = tpu.memref_slice %arg13[%dma_wait3A_284, %dma_wait3A_285, %dma_wait3A_286] : memref<2x128x64xf32, #tpu.memory_space<vmem>> -> memref<1x128x64xf32, #tpu.memory_space<vmem>>
    %dma_wait3A_288 = tpu.memref_squeeze %dma_wait3A_287 : memref<1x128x64xf32, #tpu.memory_space<vmem>> -> memref<128x64xf32, #tpu.memory_space<vmem>>
    %dma_wait3A_289 = arith.constant 64 : i32
    %dma_wait3A_290 = tpu.memref_slice %arg10[%add3A_270, %dma_wait3A_289] : memref<16384x128xf32, #tpu.memory_space<hbm>> -> memref<128x64xf32, #tpu.memory_space<hbm>>
    %dma_wait3A_291 = arith.constant 64 : i32
    %dma_wait3A_292 = tpu.memref_slice %arg10[%add3A_270, %dma_wait3A_291] : memref<16384x128xf32, #tpu.memory_space<hbm>> -> memref<128x64xf32, #tpu.memory_space<hbm>>
    %dma_wait3A_293 = arith.constant 0 : i32
    %dma_wait3A_294 = arith.constant 0 : i32
    %dma_wait3A_295 = tpu.memref_slice %arg13[%dma_wait3A_284, %dma_wait3A_293, %dma_wait3A_294] : memref<2x128x64xf32, #tpu.memory_space<vmem>> -> memref<1x128x64xf32, #tpu.memory_space<vmem>>
    %dma_wait3A_296 = tpu.memref_squeeze %dma_wait3A_295 : memref<1x128x64xf32, #tpu.memory_space<vmem>> -> memref<128x64xf32, #tpu.memory_space<vmem>>
    tpu.wait_dma2 semaphore(%arg20 : memref<!tpu.dma_semaphore, #tpu.memory_space<semaphore_mem>>) src(%dma_wait3A_296 : memref<128x64xf32, #tpu.memory_space<vmem>>) dst(%dma_wait3A_292 : memref<128x64xf32, #tpu.memory_space<hbm>>)
    %dma_start3A_297 = arith.constant 1 : i32
    %dma_start3A_298 = arith.constant 1 : i32
    %dma_start3A_299 = arith.constant 0 : i32
    %dma_start3A_300 = arith.constant 0 : i32
    %dma_start3A_301 = tpu.memref_slice %arg13[%dma_start3A_298, %dma_start3A_299, %dma_start3A_300] : memref<2x128x64xf32, #tpu.memory_space<vmem>> -> memref<1x128x64xf32, #tpu.memory_space<vmem>>
    %dma_start3A_302 = tpu.memref_squeeze %dma_start3A_301 : memref<1x128x64xf32, #tpu.memory_space<vmem>> -> memref<128x64xf32, #tpu.memory_space<vmem>>
    %dma_start3A_303 = arith.constant 256 : i32
    %dma_start3A_304 = tpu.memref_slice %arg12[%dma_start3A_297, %dma_start3A_303] : memref<4x512xi32, #tpu.memory_space<vmem>> -> memref<1x128xi32, #tpu.memory_space<vmem>>
    %dma_start3A_305 = tpu.memref_squeeze %dma_start3A_304 : memref<1x128xi32, #tpu.memory_space<vmem>> -> memref<128xi32, #tpu.memory_space<vmem>>
    %dma_start3A_306 = arith.constant 0 : i32
    %dma_start3A_307 = arith.constant 0 : i32
    %dma_start3A_308 = tpu.memref_slice %arg7[%dma_start3A_306, %dma_start3A_307] : memref<1000x64xf32, #tpu.memory_space<hbm>> -> memref<1000x64xf32, #tpu.memory_space<hbm>>
    tpu.enqueue_indirect_dma source(%dma_start3A_308 : memref<1000x64xf32, #tpu.memory_space<hbm>>) target(%dma_start3A_302 : memref<128x64xf32, #tpu.memory_space<vmem>>) offsets(%dma_start3A_305 : memref<128xi32, #tpu.memory_space<vmem>>) semaphore(%arg18 : memref<!tpu.dma_semaphore, #tpu.memory_space<semaphore_mem>>)
    %dma_wait3A_309 = arith.constant 0 : i32
    %dma_wait3A_310 = arith.constant 0 : i32
    %dma_wait3A_311 = arith.constant 0 : i32
    %dma_wait3A_312 = arith.constant 0 : i32
    %dma_wait3A_313 = tpu.memref_slice %arg13[%dma_wait3A_310, %dma_wait3A_311, %dma_wait3A_312] : memref<2x128x64xf32, #tpu.memory_space<vmem>> -> memref<1x128x64xf32, #tpu.memory_space<vmem>>
    %dma_wait3A_314 = tpu.memref_squeeze %dma_wait3A_313 : memref<1x128x64xf32, #tpu.memory_space<vmem>> -> memref<128x64xf32, #tpu.memory_space<vmem>>
    %dma_wait3A_315 = arith.constant 256 : i32
    %dma_wait3A_316 = tpu.memref_slice %arg12[%dma_wait3A_309, %dma_wait3A_315] : memref<4x512xi32, #tpu.memory_space<vmem>> -> memref<1x128xi32, #tpu.memory_space<vmem>>
    %dma_wait3A_317 = tpu.memref_squeeze %dma_wait3A_316 : memref<1x128xi32, #tpu.memory_space<vmem>> -> memref<128xi32, #tpu.memory_space<vmem>>
    %dma_wait3A_318 = arith.constant 0 : i32
    %dma_wait3A_319 = arith.constant 0 : i32
    %dma_wait3A_320 = tpu.memref_slice %arg6[%dma_wait3A_318, %dma_wait3A_319] : memref<1000x64xf32, #tpu.memory_space<hbm>> -> memref<1000x64xf32, #tpu.memory_space<hbm>>
    tpu.wait_indirect_dma semaphore(%arg17 : memref<!tpu.dma_semaphore, #tpu.memory_space<semaphore_mem>>) src(%dma_wait3A_320 : memref<1000x64xf32, #tpu.memory_space<hbm>>) dst(%dma_wait3A_314 : memref<128x64xf32, #tpu.memory_space<vmem>>)
    %add3A_321 = arith.constant 256 : i32
    %add3A_322 = arith.addi %mul3A_2, %add3A_321 : i32
    %dma_start3A_323 = arith.constant 0 : i32
    %dma_start3A_324 = arith.constant 0 : i32
    %dma_start3A_325 = arith.constant 0 : i32
    %dma_start3A_326 = tpu.memref_slice %arg13[%dma_start3A_323, %dma_start3A_324, %dma_start3A_325] : memref<2x128x64xf32, #tpu.memory_space<vmem>> -> memref<1x128x64xf32, #tpu.memory_space<vmem>>
    %dma_start3A_327 = tpu.memref_squeeze %dma_start3A_326 : memref<1x128x64xf32, #tpu.memory_space<vmem>> -> memref<128x64xf32, #tpu.memory_space<vmem>>
    %dma_start3A_328 = arith.constant 0 : i32
    %dma_start3A_329 = tpu.memref_slice %arg10[%add3A_322, %dma_start3A_328] : memref<16384x128xf32, #tpu.memory_space<hbm>> -> memref<128x64xf32, #tpu.memory_space<hbm>>
    %dma_start3A_330 = arith.constant 0 : i32
    %dma_start3A_331 = tpu.memref_slice %arg10[%add3A_322, %dma_start3A_330] : memref<16384x128xf32, #tpu.memory_space<hbm>> -> memref<128x64xf32, #tpu.memory_space<hbm>>
    %dma_start3A_332 = arith.constant 0 : i32
    %dma_start3A_333 = arith.constant 0 : i32
    %dma_start3A_334 = tpu.memref_slice %arg13[%dma_start3A_323, %dma_start3A_332, %dma_start3A_333] : memref<2x128x64xf32, #tpu.memory_space<vmem>> -> memref<1x128x64xf32, #tpu.memory_space<vmem>>
    %dma_start3A_335 = tpu.memref_squeeze %dma_start3A_334 : memref<1x128x64xf32, #tpu.memory_space<vmem>> -> memref<128x64xf32, #tpu.memory_space<vmem>>
    tpu.enqueue_dma source(%dma_start3A_335 : memref<128x64xf32, #tpu.memory_space<vmem>>) target(%dma_start3A_331 : memref<128x64xf32, #tpu.memory_space<hbm>>) target_semaphore(%arg19 : memref<!tpu.dma_semaphore, #tpu.memory_space<semaphore_mem>>)
    %dma_wait3A_336 = arith.constant 0 : i32
    %dma_wait3A_337 = arith.constant 0 : i32
    %dma_wait3A_338 = arith.constant 0 : i32
    %dma_wait3A_339 = tpu.memref_slice %arg13[%dma_wait3A_336, %dma_wait3A_337, %dma_wait3A_338] : memref<2x128x64xf32, #tpu.memory_space<vmem>> -> memref<1x128x64xf32, #tpu.memory_space<vmem>>
    %dma_wait3A_340 = tpu.memref_squeeze %dma_wait3A_339 : memref<1x128x64xf32, #tpu.memory_space<vmem>> -> memref<128x64xf32, #tpu.memory_space<vmem>>
    %dma_wait3A_341 = arith.constant 0 : i32
    %dma_wait3A_342 = tpu.memref_slice %arg10[%add3A_322, %dma_wait3A_341] : memref<16384x128xf32, #tpu.memory_space<hbm>> -> memref<128x64xf32, #tpu.memory_space<hbm>>
    %dma_wait3A_343 = arith.constant 0 : i32
    %dma_wait3A_344 = tpu.memref_slice %arg10[%add3A_322, %dma_wait3A_343] : memref<16384x128xf32, #tpu.memory_space<hbm>> -> memref<128x64xf32, #tpu.memory_space<hbm>>
    %dma_wait3A_345 = arith.constant 0 : i32
    %dma_wait3A_346 = arith.constant 0 : i32
    %dma_wait3A_347 = tpu.memref_slice %arg13[%dma_wait3A_336, %dma_wait3A_345, %dma_wait3A_346] : memref<2x128x64xf32, #tpu.memory_space<vmem>> -> memref<1x128x64xf32, #tpu.memory_space<vmem>>
    %dma_wait3A_348 = tpu.memref_squeeze %dma_wait3A_347 : memref<1x128x64xf32, #tpu.memory_space<vmem>> -> memref<128x64xf32, #tpu.memory_space<vmem>>
    tpu.wait_dma2 semaphore(%arg19 : memref<!tpu.dma_semaphore, #tpu.memory_space<semaphore_mem>>) src(%dma_wait3A_348 : memref<128x64xf32, #tpu.memory_space<vmem>>) dst(%dma_wait3A_344 : memref<128x64xf32, #tpu.memory_space<hbm>>)
    %dma_start3A_349 = arith.constant 0 : i32
    %dma_start3A_350 = arith.constant 0 : i32
    %dma_start3A_351 = arith.constant 0 : i32
    %dma_start3A_352 = arith.constant 0 : i32
    %dma_start3A_353 = tpu.memref_slice %arg13[%dma_start3A_350, %dma_start3A_351, %dma_start3A_352] : memref<2x128x64xf32, #tpu.memory_space<vmem>> -> memref<1x128x64xf32, #tpu.memory_space<vmem>>
    %dma_start3A_354 = tpu.memref_squeeze %dma_start3A_353 : memref<1x128x64xf32, #tpu.memory_space<vmem>> -> memref<128x64xf32, #tpu.memory_space<vmem>>
    %dma_start3A_355 = arith.constant 384 : i32
    %dma_start3A_356 = tpu.memref_slice %arg12[%dma_start3A_349, %dma_start3A_355] : memref<4x512xi32, #tpu.memory_space<vmem>> -> memref<1x128xi32, #tpu.memory_space<vmem>>
    %dma_start3A_357 = tpu.memref_squeeze %dma_start3A_356 : memref<1x128xi32, #tpu.memory_space<vmem>> -> memref<128xi32, #tpu.memory_space<vmem>>
    %dma_start3A_358 = arith.constant 0 : i32
    %dma_start3A_359 = arith.constant 0 : i32
    %dma_start3A_360 = tpu.memref_slice %arg6[%dma_start3A_358, %dma_start3A_359] : memref<1000x64xf32, #tpu.memory_space<hbm>> -> memref<1000x64xf32, #tpu.memory_space<hbm>>
    tpu.enqueue_indirect_dma source(%dma_start3A_360 : memref<1000x64xf32, #tpu.memory_space<hbm>>) target(%dma_start3A_354 : memref<128x64xf32, #tpu.memory_space<vmem>>) offsets(%dma_start3A_357 : memref<128xi32, #tpu.memory_space<vmem>>) semaphore(%arg17 : memref<!tpu.dma_semaphore, #tpu.memory_space<semaphore_mem>>)
    %dma_wait3A_361 = arith.constant 1 : i32
    %dma_wait3A_362 = arith.constant 1 : i32
    %dma_wait3A_363 = arith.constant 0 : i32
    %dma_wait3A_364 = arith.constant 0 : i32
    %dma_wait3A_365 = tpu.memref_slice %arg13[%dma_wait3A_362, %dma_wait3A_363, %dma_wait3A_364] : memref<2x128x64xf32, #tpu.memory_space<vmem>> -> memref<1x128x64xf32, #tpu.memory_space<vmem>>
    %dma_wait3A_366 = tpu.memref_squeeze %dma_wait3A_365 : memref<1x128x64xf32, #tpu.memory_space<vmem>> -> memref<128x64xf32, #tpu.memory_space<vmem>>
    %dma_wait3A_367 = arith.constant 256 : i32
    %dma_wait3A_368 = tpu.memref_slice %arg12[%dma_wait3A_361, %dma_wait3A_367] : memref<4x512xi32, #tpu.memory_space<vmem>> -> memref<1x128xi32, #tpu.memory_space<vmem>>
    %dma_wait3A_369 = tpu.memref_squeeze %dma_wait3A_368 : memref<1x128xi32, #tpu.memory_space<vmem>> -> memref<128xi32, #tpu.memory_space<vmem>>
    %dma_wait3A_370 = arith.constant 0 : i32
    %dma_wait3A_371 = arith.constant 0 : i32
    %dma_wait3A_372 = tpu.memref_slice %arg7[%dma_wait3A_370, %dma_wait3A_371] : memref<1000x64xf32, #tpu.memory_space<hbm>> -> memref<1000x64xf32, #tpu.memory_space<hbm>>
    tpu.wait_indirect_dma semaphore(%arg18 : memref<!tpu.dma_semaphore, #tpu.memory_space<semaphore_mem>>) src(%dma_wait3A_372 : memref<1000x64xf32, #tpu.memory_space<hbm>>) dst(%dma_wait3A_366 : memref<128x64xf32, #tpu.memory_space<vmem>>)
    %add3A_373 = arith.constant 256 : i32
    %add3A_374 = arith.addi %mul3A_2, %add3A_373 : i32
    %dma_start3A_375 = arith.constant 1 : i32
    %dma_start3A_376 = arith.constant 0 : i32
    %dma_start3A_377 = arith.constant 0 : i32
    %dma_start3A_378 = tpu.memref_slice %arg13[%dma_start3A_375, %dma_start3A_376, %dma_start3A_377] : memref<2x128x64xf32, #tpu.memory_space<vmem>> -> memref<1x128x64xf32, #tpu.memory_space<vmem>>
    %dma_start3A_379 = tpu.memref_squeeze %dma_start3A_378 : memref<1x128x64xf32, #tpu.memory_space<vmem>> -> memref<128x64xf32, #tpu.memory_space<vmem>>
    %dma_start3A_380 = arith.constant 64 : i32
    %dma_start3A_381 = tpu.memref_slice %arg10[%add3A_374, %dma_start3A_380] : memref<16384x128xf32, #tpu.memory_space<hbm>> -> memref<128x64xf32, #tpu.memory_space<hbm>>
    %dma_start3A_382 = arith.constant 64 : i32
    %dma_start3A_383 = tpu.memref_slice %arg10[%add3A_374, %dma_start3A_382] : memref<16384x128xf32, #tpu.memory_space<hbm>> -> memref<128x64xf32, #tpu.memory_space<hbm>>
    %dma_start3A_384 = arith.constant 0 : i32
    %dma_start3A_385 = arith.constant 0 : i32
    %dma_start3A_386 = tpu.memref_slice %arg13[%dma_start3A_375, %dma_start3A_384, %dma_start3A_385] : memref<2x128x64xf32, #tpu.memory_space<vmem>> -> memref<1x128x64xf32, #tpu.memory_space<vmem>>
    %dma_start3A_387 = tpu.memref_squeeze %dma_start3A_386 : memref<1x128x64xf32, #tpu.memory_space<vmem>> -> memref<128x64xf32, #tpu.memory_space<vmem>>
    tpu.enqueue_dma source(%dma_start3A_387 : memref<128x64xf32, #tpu.memory_space<vmem>>) target(%dma_start3A_383 : memref<128x64xf32, #tpu.memory_space<hbm>>) target_semaphore(%arg20 : memref<!tpu.dma_semaphore, #tpu.memory_space<semaphore_mem>>)
    %dma_wait3A_388 = arith.constant 1 : i32
    %dma_wait3A_389 = arith.constant 0 : i32
    %dma_wait3A_390 = arith.constant 0 : i32
    %dma_wait3A_391 = tpu.memref_slice %arg13[%dma_wait3A_388, %dma_wait3A_389, %dma_wait3A_390] : memref<2x128x64xf32, #tpu.memory_space<vmem>> -> memref<1x128x64xf32, #tpu.memory_space<vmem>>
    %dma_wait3A_392 = tpu.memref_squeeze %dma_wait3A_391 : memref<1x128x64xf32, #tpu.memory_space<vmem>> -> memref<128x64xf32, #tpu.memory_space<vmem>>
    %dma_wait3A_393 = arith.constant 64 : i32
    %dma_wait3A_394 = tpu.memref_slice %arg10[%add3A_374, %dma_wait3A_393] : memref<16384x128xf32, #tpu.memory_space<hbm>> -> memref<128x64xf32, #tpu.memory_space<hbm>>
    %dma_wait3A_395 = arith.constant 64 : i32
    %dma_wait3A_396 = tpu.memref_slice %arg10[%add3A_374, %dma_wait3A_395] : memref<16384x128xf32, #tpu.memory_space<hbm>> -> memref<128x64xf32, #tpu.memory_space<hbm>>
    %dma_wait3A_397 = arith.constant 0 : i32
    %dma_wait3A_398 = arith.constant 0 : i32
    %dma_wait3A_399 = tpu.memref_slice %arg13[%dma_wait3A_388, %dma_wait3A_397, %dma_wait3A_398] : memref<2x128x64xf32, #tpu.memory_space<vmem>> -> memref<1x128x64xf32, #tpu.memory_space<vmem>>
    %dma_wait3A_400 = tpu.memref_squeeze %dma_wait3A_399 : memref<1x128x64xf32, #tpu.memory_space<vmem>> -> memref<128x64xf32, #tpu.memory_space<vmem>>
    tpu.wait_dma2 semaphore(%arg20 : memref<!tpu.dma_semaphore, #tpu.memory_space<semaphore_mem>>) src(%dma_wait3A_400 : memref<128x64xf32, #tpu.memory_space<vmem>>) dst(%dma_wait3A_396 : memref<128x64xf32, #tpu.memory_space<hbm>>)
    %dma_start3A_401 = arith.constant 1 : i32
    %dma_start3A_402 = arith.constant 1 : i32
    %dma_start3A_403 = arith.constant 0 : i32
    %dma_start3A_404 = arith.constant 0 : i32
    %dma_start3A_405 = tpu.memref_slice %arg13[%dma_start3A_402, %dma_start3A_403, %dma_start3A_404] : memref<2x128x64xf32, #tpu.memory_space<vmem>> -> memref<1x128x64xf32, #tpu.memory_space<vmem>>
    %dma_start3A_406 = tpu.memref_squeeze %dma_start3A_405 : memref<1x128x64xf32, #tpu.memory_space<vmem>> -> memref<128x64xf32, #tpu.memory_space<vmem>>
    %dma_start3A_407 = arith.constant 384 : i32
    %dma_start3A_408 = tpu.memref_slice %arg12[%dma_start3A_401, %dma_start3A_407] : memref<4x512xi32, #tpu.memory_space<vmem>> -> memref<1x128xi32, #tpu.memory_space<vmem>>
    %dma_start3A_409 = tpu.memref_squeeze %dma_start3A_408 : memref<1x128xi32, #tpu.memory_space<vmem>> -> memref<128xi32, #tpu.memory_space<vmem>>
    %dma_start3A_410 = arith.constant 0 : i32
    %dma_start3A_411 = arith.constant 0 : i32
    %dma_start3A_412 = tpu.memref_slice %arg7[%dma_start3A_410, %dma_start3A_411] : memref<1000x64xf32, #tpu.memory_space<hbm>> -> memref<1000x64xf32, #tpu.memory_space<hbm>>
    tpu.enqueue_indirect_dma source(%dma_start3A_412 : memref<1000x64xf32, #tpu.memory_space<hbm>>) target(%dma_start3A_406 : memref<128x64xf32, #tpu.memory_space<vmem>>) offsets(%dma_start3A_409 : memref<128xi32, #tpu.memory_space<vmem>>) semaphore(%arg18 : memref<!tpu.dma_semaphore, #tpu.memory_space<semaphore_mem>>)
    %dma_wait3A_413 = arith.constant 0 : i32
    %dma_wait3A_414 = arith.constant 0 : i32
    %dma_wait3A_415 = arith.constant 0 : i32
    %dma_wait3A_416 = arith.constant 0 : i32
    %dma_wait3A_417 = tpu.memref_slice %arg13[%dma_wait3A_414, %dma_wait3A_415, %dma_wait3A_416] : memref<2x128x64xf32, #tpu.memory_space<vmem>> -> memref<1x128x64xf32, #tpu.memory_space<vmem>>
    %dma_wait3A_418 = tpu.memref_squeeze %dma_wait3A_417 : memref<1x128x64xf32, #tpu.memory_space<vmem>> -> memref<128x64xf32, #tpu.memory_space<vmem>>
    %dma_wait3A_419 = arith.constant 384 : i32
    %dma_wait3A_420 = tpu.memref_slice %arg12[%dma_wait3A_413, %dma_wait3A_419] : memref<4x512xi32, #tpu.memory_space<vmem>> -> memref<1x128xi32, #tpu.memory_space<vmem>>
    %dma_wait3A_421 = tpu.memref_squeeze %dma_wait3A_420 : memref<1x128xi32, #tpu.memory_space<vmem>> -> memref<128xi32, #tpu.memory_space<vmem>>
    %dma_wait3A_422 = arith.constant 0 : i32
    %dma_wait3A_423 = arith.constant 0 : i32
    %dma_wait3A_424 = tpu.memref_slice %arg6[%dma_wait3A_422, %dma_wait3A_423] : memref<1000x64xf32, #tpu.memory_space<hbm>> -> memref<1000x64xf32, #tpu.memory_space<hbm>>
    tpu.wait_indirect_dma semaphore(%arg17 : memref<!tpu.dma_semaphore, #tpu.memory_space<semaphore_mem>>) src(%dma_wait3A_424 : memref<1000x64xf32, #tpu.memory_space<hbm>>) dst(%dma_wait3A_418 : memref<128x64xf32, #tpu.memory_space<vmem>>)
    %add3A_425 = arith.constant 384 : i32
    %add3A_426 = arith.addi %mul3A_2, %add3A_425 : i32
    %dma_start3A_427 = arith.constant 0 : i32
    %dma_start3A_428 = arith.constant 0 : i32
    %dma_start3A_429 = arith.constant 0 : i32
    %dma_start3A_430 = tpu.memref_slice %arg13[%dma_start3A_427, %dma_start3A_428, %dma_start3A_429] : memref<2x128x64xf32, #tpu.memory_space<vmem>> -> memref<1x128x64xf32, #tpu.memory_space<vmem>>
    %dma_start3A_431 = tpu.memref_squeeze %dma_start3A_430 : memref<1x128x64xf32, #tpu.memory_space<vmem>> -> memref<128x64xf32, #tpu.memory_space<vmem>>
    %dma_start3A_432 = arith.constant 0 : i32
    %dma_start3A_433 = tpu.memref_slice %arg10[%add3A_426, %dma_start3A_432] : memref<16384x128xf32, #tpu.memory_space<hbm>> -> memref<128x64xf32, #tpu.memory_space<hbm>>
    %dma_start3A_434 = arith.constant 0 : i32
    %dma_start3A_435 = tpu.memref_slice %arg10[%add3A_426, %dma_start3A_434] : memref<16384x128xf32, #tpu.memory_space<hbm>> -> memref<128x64xf32, #tpu.memory_space<hbm>>
    %dma_start3A_436 = arith.constant 0 : i32
    %dma_start3A_437 = arith.constant 0 : i32
    %dma_start3A_438 = tpu.memref_slice %arg13[%dma_start3A_427, %dma_start3A_436, %dma_start3A_437] : memref<2x128x64xf32, #tpu.memory_space<vmem>> -> memref<1x128x64xf32, #tpu.memory_space<vmem>>
    %dma_start3A_439 = tpu.memref_squeeze %dma_start3A_438 : memref<1x128x64xf32, #tpu.memory_space<vmem>> -> memref<128x64xf32, #tpu.memory_space<vmem>>
    tpu.enqueue_dma source(%dma_start3A_439 : memref<128x64xf32, #tpu.memory_space<vmem>>) target(%dma_start3A_435 : memref<128x64xf32, #tpu.memory_space<hbm>>) target_semaphore(%arg19 : memref<!tpu.dma_semaphore, #tpu.memory_space<semaphore_mem>>)
    %dma_wait3A_440 = arith.constant 1 : i32
    %dma_wait3A_441 = arith.constant 1 : i32
    %dma_wait3A_442 = arith.constant 0 : i32
    %dma_wait3A_443 = arith.constant 0 : i32
    %dma_wait3A_444 = tpu.memref_slice %arg13[%dma_wait3A_441, %dma_wait3A_442, %dma_wait3A_443] : memref<2x128x64xf32, #tpu.memory_space<vmem>> -> memref<1x128x64xf32, #tpu.memory_space<vmem>>
    %dma_wait3A_445 = tpu.memref_squeeze %dma_wait3A_444 : memref<1x128x64xf32, #tpu.memory_space<vmem>> -> memref<128x64xf32, #tpu.memory_space<vmem>>
    %dma_wait3A_446 = arith.constant 384 : i32
    %dma_wait3A_447 = tpu.memref_slice %arg12[%dma_wait3A_440, %dma_wait3A_446] : memref<4x512xi32, #tpu.memory_space<vmem>> -> memref<1x128xi32, #tpu.memory_space<vmem>>
    %dma_wait3A_448 = tpu.memref_squeeze %dma_wait3A_447 : memref<1x128xi32, #tpu.memory_space<vmem>> -> memref<128xi32, #tpu.memory_space<vmem>>
    %dma_wait3A_449 = arith.constant 0 : i32
    %dma_wait3A_450 = arith.constant 0 : i32
    %dma_wait3A_451 = tpu.memref_slice %arg7[%dma_wait3A_449, %dma_wait3A_450] : memref<1000x64xf32, #tpu.memory_space<hbm>> -> memref<1000x64xf32, #tpu.memory_space<hbm>>
    tpu.wait_indirect_dma semaphore(%arg18 : memref<!tpu.dma_semaphore, #tpu.memory_space<semaphore_mem>>) src(%dma_wait3A_451 : memref<1000x64xf32, #tpu.memory_space<hbm>>) dst(%dma_wait3A_445 : memref<128x64xf32, #tpu.memory_space<vmem>>)
    %add3A_452 = arith.constant 384 : i32
    %add3A_453 = arith.addi %mul3A_2, %add3A_452 : i32
    %dma_start3A_454 = arith.constant 1 : i32
    %dma_start3A_455 = arith.constant 0 : i32
    %dma_start3A_456 = arith.constant 0 : i32
    %dma_start3A_457 = tpu.memref_slice %arg13[%dma_start3A_454, %dma_start3A_455, %dma_start3A_456] : memref<2x128x64xf32, #tpu.memory_space<vmem>> -> memref<1x128x64xf32, #tpu.memory_space<vmem>>
    %dma_start3A_458 = tpu.memref_squeeze %dma_start3A_457 : memref<1x128x64xf32, #tpu.memory_space<vmem>> -> memref<128x64xf32, #tpu.memory_space<vmem>>
    %dma_start3A_459 = arith.constant 64 : i32
    %dma_start3A_460 = tpu.memref_slice %arg10[%add3A_453, %dma_start3A_459] : memref<16384x128xf32, #tpu.memory_space<hbm>> -> memref<128x64xf32, #tpu.memory_space<hbm>>
    %dma_start3A_461 = arith.constant 64 : i32
    %dma_start3A_462 = tpu.memref_slice %arg10[%add3A_453, %dma_start3A_461] : memref<16384x128xf32, #tpu.memory_space<hbm>> -> memref<128x64xf32, #tpu.memory_space<hbm>>
    %dma_start3A_463 = arith.constant 0 : i32
    %dma_start3A_464 = arith.constant 0 : i32
    %dma_start3A_465 = tpu.memref_slice %arg13[%dma_start3A_454, %dma_start3A_463, %dma_start3A_464] : memref<2x128x64xf32, #tpu.memory_space<vmem>> -> memref<1x128x64xf32, #tpu.memory_space<vmem>>
    %dma_start3A_466 = tpu.memref_squeeze %dma_start3A_465 : memref<1x128x64xf32, #tpu.memory_space<vmem>> -> memref<128x64xf32, #tpu.memory_space<vmem>>
    tpu.enqueue_dma source(%dma_start3A_466 : memref<128x64xf32, #tpu.memory_space<vmem>>) target(%dma_start3A_462 : memref<128x64xf32, #tpu.memory_space<hbm>>) target_semaphore(%arg20 : memref<!tpu.dma_semaphore, #tpu.memory_space<semaphore_mem>>)
    "tpu.region"() ({
      %run_scoped3A = tpu.sem_alloc : memref<!tpu.dma_semaphore, #tpu.memory_space<semaphore_mem>>
      %dma_start3A_493 = arith.constant 0 : i32
      %dma_start3A_494 = tpu.memref_slice %arg11[%mul3A_2, %dma_start3A_493] : memref<16384x128xf32, #tpu.memory_space<hbm>> -> memref<512x128xf32, #tpu.memory_space<hbm>>
      %dma_start3A_495 = arith.constant 0 : i32
      %dma_start3A_496 = tpu.memref_slice %arg11[%mul3A_2, %dma_start3A_495] : memref<16384x128xf32, #tpu.memory_space<hbm>> -> memref<512x128xf32, #tpu.memory_space<hbm>>
      tpu.enqueue_dma source(%arg14 : memref<512x128xf32, #tpu.memory_space<vmem>>) target(%dma_start3A_496 : memref<512x128xf32, #tpu.memory_space<hbm>>) target_semaphore(%run_scoped3A : memref<!tpu.dma_semaphore, #tpu.memory_space<semaphore_mem>>)
      %dma_wait3A_497 = arith.constant 0 : i32
      %dma_wait3A_498 = tpu.memref_slice %arg11[%mul3A_2, %dma_wait3A_497] : memref<16384x128xf32, #tpu.memory_space<hbm>> -> memref<512x128xf32, #tpu.memory_space<hbm>>
      %dma_wait3A_499 = arith.constant 0 : i32
      %dma_wait3A_500 = tpu.memref_slice %arg11[%mul3A_2, %dma_wait3A_499] : memref<16384x128xf32, #tpu.memory_space<hbm>> -> memref<512x128xf32, #tpu.memory_space<hbm>>
      tpu.wait_dma2 semaphore(%run_scoped3A : memref<!tpu.dma_semaphore, #tpu.memory_space<semaphore_mem>>) src(%arg14 : memref<512x128xf32, #tpu.memory_space<vmem>>) dst(%dma_wait3A_500 : memref<512x128xf32, #tpu.memory_space<hbm>>)
      tpu.yield
    }) : () -> ()
    %dma_wait3A_467 = arith.constant 0 : i32
    %dma_wait3A_468 = arith.constant 0 : i32
    %dma_wait3A_469 = arith.constant 0 : i32
    %dma_wait3A_470 = tpu.memref_slice %arg13[%dma_wait3A_467, %dma_wait3A_468, %dma_wait3A_469] : memref<2x128x64xf32, #tpu.memory_space<vmem>> -> memref<1x128x64xf32, #tpu.memory_space<vmem>>
    %dma_wait3A_471 = tpu.memref_squeeze %dma_wait3A_470 : memref<1x128x64xf32, #tpu.memory_space<vmem>> -> memref<128x64xf32, #tpu.memory_space<vmem>>
    %dma_wait3A_472 = arith.constant 0 : i32
    %dma_wait3A_473 = tpu.memref_slice %arg10[%add3A_426, %dma_wait3A_472] : memref<16384x128xf32, #tpu.memory_space<hbm>> -> memref<128x64xf32, #tpu.memory_space<hbm>>
    %dma_wait3A_474 = arith.constant 0 : i32
    %dma_wait3A_475 = tpu.memref_slice %arg10[%add3A_426, %dma_wait3A_474] : memref<16384x128xf32, #tpu.memory_space<hbm>> -> memref<128x64xf32, #tpu.memory_space<hbm>>
    %dma_wait3A_476 = arith.constant 0 : i32
    %dma_wait3A_477 = arith.constant 0 : i32
    %dma_wait3A_478 = tpu.memref_slice %arg13[%dma_wait3A_467, %dma_wait3A_476, %dma_wait3A_477] : memref<2x128x64xf32, #tpu.memory_space<vmem>> -> memref<1x128x64xf32, #tpu.memory_space<vmem>>
    %dma_wait3A_479 = tpu.memref_squeeze %dma_wait3A_478 : memref<1x128x64xf32, #tpu.memory_space<vmem>> -> memref<128x64xf32, #tpu.memory_space<vmem>>
    tpu.wait_dma2 semaphore(%arg19 : memref<!tpu.dma_semaphore, #tpu.memory_space<semaphore_mem>>) src(%dma_wait3A_479 : memref<128x64xf32, #tpu.memory_space<vmem>>) dst(%dma_wait3A_475 : memref<128x64xf32, #tpu.memory_space<hbm>>)
    %dma_wait3A_480 = arith.constant 1 : i32
    %dma_wait3A_481 = arith.constant 0 : i32
    %dma_wait3A_482 = arith.constant 0 : i32
    %dma_wait3A_483 = tpu.memref_slice %arg13[%dma_wait3A_480, %dma_wait3A_481, %dma_wait3A_482] : memref<2x128x64xf32, #tpu.memory_space<vmem>> -> memref<1x128x64xf32, #tpu.memory_space<vmem>>
    %dma_wait3A_484 = tpu.memref_squeeze %dma_wait3A_483 : memref<1x128x64xf32, #tpu.memory_space<vmem>> -> memref<128x64xf32, #tpu.memory_space<vmem>>
    %dma_wait3A_485 = arith.constant 64 : i32
    %dma_wait3A_486 = tpu.memref_slice %arg10[%add3A_453, %dma_wait3A_485] : memref<16384x128xf32, #tpu.memory_space<hbm>> -> memref<128x64xf32, #tpu.memory_space<hbm>>
    %dma_wait3A_487 = arith.constant 64 : i32
    %dma_wait3A_488 = tpu.memref_slice %arg10[%add3A_453, %dma_wait3A_487] : memref<16384x128xf32, #tpu.memory_space<hbm>> -> memref<128x64xf32, #tpu.memory_space<hbm>>
    %dma_wait3A_489 = arith.constant 0 : i32
    %dma_wait3A_490 = arith.constant 0 : i32
    %dma_wait3A_491 = tpu.memref_slice %arg13[%dma_wait3A_480, %dma_wait3A_489, %dma_wait3A_490] : memref<2x128x64xf32, #tpu.memory_space<vmem>> -> memref<1x128x64xf32, #tpu.memory_space<vmem>>
    %dma_wait3A_492 = tpu.memref_squeeze %dma_wait3A_491 : memref<1x128x64xf32, #tpu.memory_space<vmem>> -> memref<128x64xf32, #tpu.memory_space<vmem>>
    tpu.wait_dma2 semaphore(%arg20 : memref<!tpu.dma_semaphore, #tpu.memory_space<semaphore_mem>>) src(%dma_wait3A_492 : memref<128x64xf32, #tpu.memory_space<vmem>>) dst(%dma_wait3A_488 : memref<128x64xf32, #tpu.memory_space<hbm>>)
    return
  }
}

module attributes {stable_mosaic.version = 14 : i64} {
  func.func @_asm_body(%arg0: i32, %arg1: memref<1024x128xf32, #tpu.memory_space<vmem>>, %arg2: memref<1024x128xf32, #tpu.memory_space<vmem>>, %arg3: memref<1024x128xf32, #tpu.memory_space<vmem>>, %arg4: memref<1024x1xf32, #tpu.memory_space<vmem>>, %arg5: memref<1024x1xf32, #tpu.memory_space<vmem>>, %arg6: memref<2x32xf32, #tpu.memory_space<vmem>>, %arg7: memref<1x32xf32, #tpu.memory_space<vmem>>, %arg8: memref<32x64xf32, #tpu.memory_space<vmem>>, %arg9: memref<1x64xf32, #tpu.memory_space<vmem>>, %arg10: memref<1024x448xf32, #tpu.memory_space<vmem>>) attributes {dimension_semantics = [#tpu.dimension_semantics<arbitrary>], iteration_bounds = array<i64: 16>, scalar_prefetch = 0 : i64, scratch_operands = 0 : i64, tpu.core_type = #tpu.core_type<tc>, window_params = [{transform_indices = @transform_0, window_bounds = array<i64: 1024, 128>}, {transform_indices = @transform_1, window_bounds = array<i64: 1024, 128>}, {transform_indices = @transform_2, window_bounds = array<i64: 1024, 128>}, {transform_indices = @transform_3, window_bounds = array<i64: 1024, 1>}, {transform_indices = @transform_4, window_bounds = array<i64: 1024, 1>}, {pipeline_mode = #tpu.pipeline_mode<synchronous>, transform_indices = @transform_5, window_bounds = array<i64: 2, 32>}, {pipeline_mode = #tpu.pipeline_mode<synchronous>, transform_indices = @transform_6, window_bounds = array<i64: 1, 32>}, {pipeline_mode = #tpu.pipeline_mode<synchronous>, transform_indices = @transform_7, window_bounds = array<i64: 32, 64>}, {pipeline_mode = #tpu.pipeline_mode<synchronous>, transform_indices = @transform_8, window_bounds = array<i64: 1, 64>}, {transform_indices = @transform_9, window_bounds = array<i64: 1024, 448>}]} {
    %get3A = arith.constant 0 : index
    %get3A_0 = arith.constant 0 : index
    %get3A_1 = vector.load %arg1[%get3A, %get3A_0] : memref<1024x128xf32, #tpu.memory_space<vmem>>, vector<1024x128xf32>
    %swap3A = arith.constant 0 : index
    %swap3A_2 = arith.constant 0 : index
    %swap3A_3 = vector.load %arg10[%swap3A, %swap3A_2] : memref<1024x448xf32, #tpu.memory_space<vmem>>, vector<1024x128xf32>
    tpu.vector_store %arg10[%swap3A, %swap3A_2], %get3A_1 {strides = array<i32>} : memref<1024x448xf32, #tpu.memory_space<vmem>>, vector<1024x128xf32>,
    %get3A_4 = arith.constant 0 : index
    %get3A_5 = arith.constant 0 : index
    %get3A_6 = vector.load %arg2[%get3A_4, %get3A_5] : memref<1024x128xf32, #tpu.memory_space<vmem>>, vector<1024x128xf32>
    %swap3A_7 = arith.constant 0 : index
    %swap3A_8 = arith.constant 128 : index
    %swap3A_9 = vector.load %arg10[%swap3A_7, %swap3A_8] : memref<1024x448xf32, #tpu.memory_space<vmem>>, vector<1024x128xf32>
    tpu.vector_store %arg10[%swap3A_7, %swap3A_8], %get3A_6 {strides = array<i32>} : memref<1024x448xf32, #tpu.memory_space<vmem>>, vector<1024x128xf32>,
    %get3A_10 = arith.constant 0 : index
    %get3A_11 = arith.constant 0 : index
    %get3A_12 = vector.load %arg3[%get3A_10, %get3A_11] : memref<1024x128xf32, #tpu.memory_space<vmem>>, vector<1024x128xf32>
    %swap3A_13 = arith.constant 0 : index
    %swap3A_14 = arith.constant 256 : index
    %swap3A_15 = vector.load %arg10[%swap3A_13, %swap3A_14] : memref<1024x448xf32, #tpu.memory_space<vmem>>, vector<1024x128xf32>
    tpu.vector_store %arg10[%swap3A_13, %swap3A_14], %get3A_12 {strides = array<i32>} : memref<1024x448xf32, #tpu.memory_space<vmem>>, vector<1024x128xf32>,
    %get3A_16 = arith.constant 0 : index
    %get3A_17 = arith.constant 0 : index
    %get3A_18 = vector.load %arg4[%get3A_16, %get3A_17] : memref<1024x1xf32, #tpu.memory_space<vmem>>, vector<1024x1xf32>
    %get3A_19 = arith.constant 0 : index
    %get3A_20 = arith.constant 0 : index
    %get3A_21 = vector.load %arg6[%get3A_19, %get3A_20] : memref<2x32xf32, #tpu.memory_space<vmem>>, vector<1x32xf32>
    %mul3A = vector.broadcast %get3A_18 : vector<1024x1xf32> to vector<1024x32xf32>
    %mul3A_22 = vector.broadcast %get3A_21 : vector<1x32xf32> to vector<1024x32xf32>
    %mul3A_23 = arith.mulf %mul3A, %mul3A_22 : vector<1024x32xf32>
    %get3A_24 = arith.constant 0 : index
    %get3A_25 = arith.constant 0 : index
    %get3A_26 = vector.load %arg5[%get3A_24, %get3A_25] : memref<1024x1xf32, #tpu.memory_space<vmem>>, vector<1024x1xf32>
    %get3A_27 = arith.constant 1 : index
    %get3A_28 = arith.constant 0 : index
    %get3A_29 = vector.load %arg6[%get3A_27, %get3A_28] : memref<2x32xf32, #tpu.memory_space<vmem>>, vector<1x32xf32>
    %mul3A_30 = vector.broadcast %get3A_26 : vector<1024x1xf32> to vector<1024x32xf32>
    %mul3A_31 = vector.broadcast %get3A_29 : vector<1x32xf32> to vector<1024x32xf32>
    %mul3A_32 = arith.mulf %mul3A_30, %mul3A_31 : vector<1024x32xf32>
    %add3A = arith.addf %mul3A_23, %mul3A_32 : vector<1024x32xf32>
    %get3A_33 = arith.constant 0 : index
    %get3A_34 = arith.constant 0 : index
    %get3A_35 = vector.load %arg7[%get3A_33, %get3A_34] : memref<1x32xf32, #tpu.memory_space<vmem>>, vector<1x32xf32>
    %add3A_36 = vector.broadcast %get3A_35 : vector<1x32xf32> to vector<1024x32xf32>
    %add3A_37 = arith.addf %add3A, %add3A_36 : vector<1024x32xf32>
    %max3A = arith.constant 0.000000e+00 : f32
    %max3A_38 = vector.broadcast %max3A : f32 to vector<1024x32xf32>
    %max3A_39 = arith.maximumf %add3A_37, %max3A_38 : vector<1024x32xf32>
    %get3A_40 = arith.constant 0 : index
    %get3A_41 = arith.constant 0 : index
    %get3A_42 = vector.load %arg8[%get3A_40, %get3A_41] : memref<32x64xf32, #tpu.memory_space<vmem>>, vector<32x64xf32>
    %dot_general3A = arith.constant dense<0.000000e+00> : vector<1024x64xf32>
    %dot_general3A_43 = tpu.matmul %max3A_39, %get3A_42, %dot_general3A {dimension_numbers = #tpu.dot_dimension_numbers<[1], [0], [0], [1], [0, 0, 1, 1], [], []>, transpose_lhs_hint = false} : vector<1024x32xf32>, vector<32x64xf32>, vector<1024x64xf32> -> vector<1024x64xf32>
    %get3A_44 = arith.constant 0 : index
    %get3A_45 = arith.constant 0 : index
    %get3A_46 = vector.load %arg9[%get3A_44, %get3A_45] : memref<1x64xf32, #tpu.memory_space<vmem>>, vector<1x64xf32>
    %add3A_47 = vector.broadcast %get3A_46 : vector<1x64xf32> to vector<1024x64xf32>
    %add3A_48 = arith.addf %dot_general3A_43, %add3A_47 : vector<1024x64xf32>
    %swap3A_49 = arith.constant 0 : index
    %swap3A_50 = arith.constant 384 : index
    %swap3A_51 = vector.load %arg10[%swap3A_49, %swap3A_50] : memref<1024x448xf32, #tpu.memory_space<vmem>>, vector<1024x64xf32>
    tpu.vector_store %arg10[%swap3A_49, %swap3A_50], %add3A_48 {strides = array<i32>} : memref<1024x448xf32, #tpu.memory_space<vmem>>, vector<1024x64xf32>,
    return
  }
  func.func @transform_0(%arg0: i32) -> (i32, i32) {
    %c0_i32 = arith.constant 0 : i32
    %c0_i32_0 = arith.constant 0 : i32
    return %arg0, %c0_i32 : i32, i32
  }
  func.func @transform_1(%arg0: i32) -> (i32, i32) {
    %c0_i32 = arith.constant 0 : i32
    %c0_i32_0 = arith.constant 0 : i32
    return %arg0, %c0_i32 : i32, i32
  }
  func.func @transform_2(%arg0: i32) -> (i32, i32) {
    %c0_i32 = arith.constant 0 : i32
    %c0_i32_0 = arith.constant 0 : i32
    return %arg0, %c0_i32 : i32, i32
  }
  func.func @transform_3(%arg0: i32) -> (i32, i32) {
    %c0_i32 = arith.constant 0 : i32
    %c0_i32_0 = arith.constant 0 : i32
    return %arg0, %c0_i32 : i32, i32
  }
  func.func @transform_4(%arg0: i32) -> (i32, i32) {
    %c0_i32 = arith.constant 0 : i32
    %c0_i32_0 = arith.constant 0 : i32
    return %arg0, %c0_i32 : i32, i32
  }
  func.func @transform_5(%arg0: i32) -> (i32, i32) {
    %c0_i32 = arith.constant 0 : i32
    %c0_i32_0 = arith.constant 0 : i32
    %c0_i32_1 = arith.constant 0 : i32
    return %c0_i32, %c0_i32_0 : i32, i32
  }
  func.func @transform_6(%arg0: i32) -> (i32, i32) {
    %c0_i32 = arith.constant 0 : i32
    %c0_i32_0 = arith.constant 0 : i32
    %c0_i32_1 = arith.constant 0 : i32
    return %c0_i32, %c0_i32_0 : i32, i32
  }
  func.func @transform_7(%arg0: i32) -> (i32, i32) {
    %c0_i32 = arith.constant 0 : i32
    %c0_i32_0 = arith.constant 0 : i32
    %c0_i32_1 = arith.constant 0 : i32
    return %c0_i32, %c0_i32_0 : i32, i32
  }
  func.func @transform_8(%arg0: i32) -> (i32, i32) {
    %c0_i32 = arith.constant 0 : i32
    %c0_i32_0 = arith.constant 0 : i32
    %c0_i32_1 = arith.constant 0 : i32
    return %c0_i32, %c0_i32_0 : i32, i32
  }
  func.func @transform_9(%arg0: i32) -> (i32, i32) {
    %c0_i32 = arith.constant 0 : i32
    %c0_i32_0 = arith.constant 0 : i32
    return %arg0, %c0_i32 : i32, i32
  }
}

</mosaic_0001>

<sc_bundles>
// kernel: kernel.5.cloned.1.call-start
scs
__scs_entry_jumppad:
0x0: {  	(pc) =	sbr.rel $0x88, $3  }
0x1: {  	(tag) =	ssettag $0x0;
	lr =	simm.s32 $0x1  }
0x2: {  	[smem:$0x3F8F] =	sst lr;
	_ =	strace $0xD0000000  }
0x3: {  	_ = 	snop  }
0x4: {  	_ = 	snop  }
0x5: {  	_ = 	snop  }
0x6: {  	_ = 	snop  }
0x7: {  	_ = 	snop  }
__scs_overlays_trampoline_lowered:
0x8: {  	[smem:$0x3F9E] =	sst s0  }
0x9: {  	[smem:$0x3F9F] =	sst s1  }
0xa: {  	[smem:$0x3FA0] =	sst s2  }
0xb: {  	[smem:$0x3FA1] =	sst s3  }
0xc: {  	[smem:$0x3FA2] =	sst s4  }
0xd: {  	[smem:$0x3FA3] =	sst s5  }
0xe: {  	[smem:$0x3FA4] =	sst s6  }
0xf: {  	[smem:$0x3FA5] =	sst s7  }
0x10: {  	[smem:$0x3FA6] =	sst s8  }
0x11: {  	[smem:$0x3FA7] =	sst s9;
	s0 =	simm.s32 @!p0 $0x0  }
0x12: {  	s1 =	sld [smem:$0x3F8D];
	s0 =	simm.s32 @p0 $0x1  }
0x13: {  	[smem:$0x3FA8] =	sst s0;
	s0 =	simm.s32 @!p1 $0x0  }
0x14: {  	s2 =	sld [smem:$0x3F8C];
	s0 =	simm.s32 @p1 $0x1  }
0x15: {  	[smem:$0x3FA9] =	sst s0;
	s0 =	simm.s32 @!p2 $0x0  }
0x16: {  	s3 =	sld [smem:$0x3FDB];
	s0 =	simm.s32 @p2 $0x1  }
0x17: {  	s4 =	simm.s32 $0x1BF5;
	[smem:$0x3FAB] =	sst s0  }
0x18: {  	s0 =	sld [smem:$0x3F8E];
	_ =	swait.ge [sflag:s4], $0x0  }
0x19: {  	s7 =	sld [smem:$0x3F8F]  }
0x1a: {  	s8 =	sadd.s32 $0xFFFFE003, lr  }
0x1b: {  	s9 =	sadd.s32 $0xFFFFFEF7, lr;
	s5 =	simm.s32 $0xFFFFFFFF;
	p2 =	slt.u32 s8, $0xFFFFF086  }
0x1c: {  	p1 =	slt.u32 s9, $0xF7A;
	s5 =	simm.s32 @!p2 $0x0  }
0x1d: {  	s5 =	simm.s32 @p1 $0x1;
	p0 =	seq.s32 s7, s2  }
0x1e: {  	s7 =	smul.u32 @!p0 $0xF7A, s2;
	p2 =	seq.s32 @!p0 s5, $0x0  }
0x1f: {  	s9 =	smul.u32 $0xF7A, s1;
	s8 =	simm.s32 @!p0 $0x1BF5;
	p2 =	por !p2, p0  }
0x20: {  	[sflag:s8] =	ssyncset.s32 @!p0 $0xFFFFF086;
	s6 =	sadd.s32 @!p0 s3, s7;
	s7 =	simm.s32 @!p0 $0x108  }
0x21: {  	s3 =	sadd.s32 s3, s9;
	s6 =	sadd.s32 @!p0 $0x88, s6;
	s7 =	simm.s32 @p2 $0x1082  }
0x22: {  	[simem:s7], [sflag:s8] =	dma.local @!p0 [hbm:s6], $0xF7A  }
0x23: {  	s9 =	sor.u32 $0xD0000000, s2;
	s6 =	simm.s32 $0x108;
	_ =	swait.ge @!p0 [sflag:s8], $0x0  }
0x24: {  	s3 =	sadd.s32 $0x88, s3;
	s6 =	simm.s32 @!p1 $0x1082;
	[sflag:s4] =	ssyncset.s32 $0xFFFFF086  }
0x25: {  	[simem:s6], [sflag:s4] =	dma.local [hbm:s3], $0xF7A  }
0x26: {  	[smem:$0x3F8F] =	sst s1;
	(tag) =	ssettag s2;
	_ =	strace s9  }
0x27: {  	s1 =	sld [smem:$0x3F9F]  }
0x28: {  	s2 =	sld [smem:$0x3FA0]  }
0x29: {  	s4 =	sld [smem:$0x3FA2]  }
0x2a: {  	p0 =	seq.s32 s5, $0x0;
	s5 =	sld [smem:$0x3FA3]  }
0x2b: {  	s6 =	sld [smem:$0x3FA4]  }
0x2c: {  	s7 =	sld [smem:$0x3FA5]  }
0x2d: {  	s3 =	simm.s32 $0x108;
	s8 =	sld [smem:$0x3FA6]  }
0x2e: {  	s3 =	simm.s32 @!p0 $0x1082;
	s9 =	sld [smem:$0x3FA7]  }
0x2f: {  	lr =	sadd.s32 s0, s3;
	s0 =	sld [smem:$0x3F9E]  }
0x30: {  	s3 =	sld [smem:$0x3FA1]  }
0x31: {  	[smem:$0x3FAA] =	sst s10  }
0x32: {  	s10 =	sld [smem:$0x3FA8];
	_ =	sdelay $0x3  }
0x33: {  	p0 =	seq.s32 s10, $0x1;
	s10 =	sld [smem:$0x3FAA];
	_ =	sdelay $0x3  }
0x34: {  	[smem:$0x3FAA] =	sst s10  }
0x35: {  	s10 =	sld [smem:$0x3FA9];
	_ =	sdelay $0x3  }
0x36: {  	p1 =	seq.s32 s10, $0x1;
	s10 =	sld [smem:$0x3FAA];
	_ =	sdelay $0x3  }
0x37: {  	[smem:$0x3FAA] =	sst s10  }
0x38: {  	s10 =	sld [smem:$0x3FAB]  }
0x39: {  	_ = 	snop;
	(pc) =	sbr.ind lr, $3  }
0x3a: {  	_ = 	snop  }
0x3b: {  	_ = 	snop  }
0x3c: {  	p2 =	seq.s32 s10, $0x1;
	s10 =	sld [smem:$0x3FAA]  }
0x3d: {  	_ =	shalt  }
0x3e: {  	_ =	shalt  }
0x3f: {  	_ =	shalt  }
0x40: {  	_ =	shalt  }
0x41: {  	_ =	shalt  }
0x42: {  	_ =	shalt  }
0x43: {  	_ =	shalt  }
0x44: {  	_ =	shalt  }
0x45: {  	_ =	shalt  }
0x46: {  	_ =	shalt  }
0x47: {  	_ =	shalt  }
0x48: {  	_ =	shalt  }
0x49: {  	_ =	shalt  }
0x4a: {  	_ =	shalt  }
0x4b: {  	_ =	shalt  }
0x4c: {  	_ =	shalt  }
0x4d: {  	_ =	shalt  }
0x4e: {  	_ =	shalt  }
0x4f: {  	_ =	shalt  }
0x50: {  	_ =	shalt  }
0x51: {  	_ =	shalt  }
0x52: {  	_ =	shalt  }
0x53: {  	_ =	shalt  }
0x54: {  	_ =	shalt  }
0x55: {  	_ =	shalt  }
0x56: {  	_ =	shalt  }
0x57: {  	_ =	shalt  }
0x58: {  	_ =	shalt  }
0x59: {  	_ =	shalt  }
0x5a: {  	_ =	shalt  }
0x5b: {  	_ =	shalt  }
0x5c: {  	_ =	shalt  }
0x5d: {  	_ =	shalt  }
0x5e: {  	_ =	shalt  }
0x5f: {  	_ =	shalt  }
0x60: {  	_ =	shalt  }
0x61: {  	_ =	shalt  }
0x62: {  	_ =	shalt  }
0x63: {  	_ =	shalt  }
0x64: {  	_ =	shalt  }
0x65: {  	_ =	shalt  }
0x66: {  	_ =	shalt  }
0x67: {  	_ =	shalt  }
0x68: {  	_ =	shalt  }
0x69: {  	_ =	shalt  }
0x6a: {  	_ =	shalt  }
0x6b: {  	_ =	shalt  }
0x6c: {  	_ =	shalt  }
0x6d: {  	_ =	shalt  }
0x6e: {  	_ =	shalt  }
0x6f: {  	_ =	shalt  }
0x70: {  	_ =	shalt  }
0x71: {  	_ =	shalt  }
0x72: {  	_ =	shalt  }
0x73: {  	_ =	shalt  }
0x74: {  	_ =	shalt  }
0x75: {  	_ =	shalt  }
0x76: {  	_ =	shalt  }
0x77: {  	_ =	shalt  }
0x78: {  	_ =	shalt  }
0x79: {  	_ =	shalt  }
0x7a: {  	_ =	shalt  }
0x7b: {  	_ =	shalt  }
0x7c: {  	_ =	shalt  }
0x7d: {  	_ =	shalt  }
0x7e: {  	_ =	shalt  }
0x7f: {  	_ =	shalt  }
0x80: {  	_ =	shalt  }
0x81: {  	_ =	shalt  }
0x82: {  	_ =	shalt  }
0x83: {  	_ =	shalt  }
0x84: {  	_ =	shalt  }
0x85: {  	_ =	shalt  }
0x86: {  	_ =	shalt  }
0x87: {  	_ =	shalt  }
.Lfunc_end0:
.L_simem_size_0:
called_computation_lowered:
.L_overlay_start_0:
0x88: {  	s2 =	sld [smem:$0x3FD9]  }
0x89: {  	s3 =	sld [smem:$0x3FFE];
	_ =	sdelay $0x1  }
0x8a: {  	s1 =	srdreg.scid  }
0x8b: {  	s0 =	sand.u32 $0x1, s1  }
0x8c: {  	s17 =	sshll.u32 s0, $0xA;
	s2 =	sadd.s32 s3, s2  }
0x8d: {  	s2 =	sadd.s32 s2, s17  }
0x8e: {  	[smem:$0x3FB6] =	sst s2  }
0x8f: {  	_ = 	snop  }
0x90: {  	s2 =	sld [smem:$0x3FC9]  }
0x91: {  	s18 =	sld [smem:$0x3FC8]  }
0x92: {  	s4 =	sld [smem:$0x3FC7]  }
0x93: {  	s5 =	sld [smem:$0x3FC6];
	(tm) =	ssettm $0x1  }
0x94: {  	s6 =	sld [smem:$0x3FFB];
	_ =	sdelay $0x3  }
0x95: {  	_ =	strace s6  }
0x96: {  	s6 =	sld [smem:$0x3FFC];
	_ =	sdelay $0x3  }
0x97: {  	_ =	strace s6  }
0x98: {  	s6 =	sld [smem:$0x3FFD];
	_ =	sdelay $0x3  }
0x99: {  	_ =	strace s6  }
0x9a: {  	_ =	strace $0x8FFFFFFF  }
0x9b: {  	s19 =	sld [smem:$0x3FDB];
	_ =	sdelay $0x1  }
0x9c: {  	s7 =	simm.s32 $_scs_section_size  }
0x9d: {  	s8 =	simm.s32 $_size__tile_overlayer_lowered;
	s9 =	simm.s32 $_tile_overlayer_lowered  }
0x9e: {  	s22 =	simm.s32 $0x1BFF;
	s21 =	sshll.u32 s9, $0x1;
	s6 =	sadd.s32 s7, s19  }
0x9f: {  	s10 =	simm.s32 $0x0;
	s20 =	sshll.u32 s8, $0x1;
	s8 =	sadd.s32 s21, s6  }
0xa0: {  	[timem:s10], [sflag:s22] =	dma.local [hbm:s8], s20  }
0xa1: {  	_ =	swait.ge [sflag:s22], s20  }
0xa2: {  	s7 =	ssub.s32 $0x0, s20;
	[sflag:s22] =	ssyncset.done $0x0  }
0xa3: {  	[sflag:s22] =	ssyncadd.s32 s7;
	_ =	sdelay $0x1  }
0xa4: {  	s23 =	simm.s32 $0x1B8B  }
0xa5: {  	_ =	swait.ge [sflag:s23], $0x1  }
0xa6: {  	[sflag:s23] =	ssyncset.done $0x0  }
0xa7: {  	s25 =	simm.s32 $0x1B8E;
	s24 =	sld [smem:$0x3FFE];
	[sflag:s23] =	ssyncadd.s32 $0xFFFFFFFF  }
0xa8: {  	s26 =	simm.s32 $execute0_lowered;
	[smem:$0x3FD2] =	sst s25  }
0xa9: {  	s8 =	sshll.u32 s26, $0x1;
	_ =	strace $0x80000046;
	[dreg:$0x1] =	wrdreg $0xFFFFFFFF  }
0xaa: {  	s28 =	simm.s32 $_size_execute0_lowered;
	s6 =	sadd.s32 s6, s8;
	[dreg:$0x0] =	wrdreg $0x0  }
0xab: {  	s8 =	sshll.u32 s28, $0x1;
	[dreg:$0x2] =	wrdreg s6  }
0xac: {  	[dreg:$0x3] =	wrdreg s8  }
0xad: {  	[dreg:$0x4] =	wrdreg $0xC0  }
0xae: {  	_ =	task [dreg:s10], $0x5FFFF  }
0xaf: {  	[dreg:$0x1] =	wrdreg $0xFFFFFFFF  }
0xb0: {  	[dreg:$0x0] =	wrdreg $0x60  }
0xb1: {  	[dreg:$0x2] =	wrdreg s2  }
0xb2: {  	[dreg:$0x3] =	wrdreg s18  }
0xb3: {  	[dreg:$0x4] =	wrdreg s4  }
0xb4: {  	[dreg:$0x5] =	wrdreg s5  }
0xb5: {  	[dreg:$0x6] =	wrdreg s24  }
0xb6: {  	[dreg:$0x7] =	wrdreg $0x9  }
0xb7: {  	_ =	task.clear_ibuf [dreg:s10], $0x8FFFF;
	_ =	strace $0x90000046  }
0xb8: {  	s29 =	simm.s32 $0x9;
	_ =	strace $0x80000048  }
0xb9: {  	_ =	swait.ge [sflag:s29], $0x1  }
0xba: {  	[sflag:s29] =	ssyncadd.s32 $0xFFFFFFFF  }
0xbb: {  	_ =	strace $0x90000048  }
0xbc: {  	_ =	sfence  }
0xbd: {  	s30 =	sld [smem:$0x0];
	_ =	sdelay $0x2  }
0xbe: {  	s31 =	sshll.u32 s1, $0xD;
	s1 =	sshrl.u32 s1, $0x2  }
0xbf: {  	s3 =	sand.u32 $0x4000, s31;
	s1 =	sadd.s32 s1, s30  }
0xc0: {  	s0 =	sor.u32 s3, s0;
	s1 =	sshll.u32 s1, $0x11  }
0xc1: {  	s0 =	sor.u32 s1, s0  }
0xc2: {  	s0 =	sadd.s32 $0x8F2B, s0  }
0xc3: {  	[sflag:s0] =	ssyncadd.remote.s32 $0x1  }
0xc4: {  	_ =	sfence.sel $0xFFFF  }
0xc5: {  	[dreg:$0x0] =	wrdreg $0xFFFFFFFF;
	(pc) =	sbr.abs _section_cstart, $3  }
0xc6: {  	[dreg:$0x1] =	wrdreg $0xFFFFFFFF  }
0xc7: {  	_ =	task.clear_ibuf [dreg:s10], $0x2FFFF;
	_ =	strace $0x9FFFFFFF  }
0xc8: {  	(tm) =	ssettm $0x7FFFFFFF  }
0xc9: {  	_ =	shalt  }
tec
execute0_lowered:
.L_overlay_start_1:
0x0: {  	(tag) =	ssettag $0x1  }
0x1: {  	s0 =	rddreg [dreg:$0x0]  }
0x2: {  	s1 =	rddreg [dreg:$0x1]  }
0x3: {  	s5 =	rddreg [dreg:$0x2]  }
0x4: {  	s10 =	rddreg [dreg:$0x3]  }
0x5: {  	s7 =	rddreg [dreg:$0x4];
	s2 =	simm.s32 $0x0;
	s3 =	srdreg.scid  }
0x6: {  	s4 =	stileid.u32;
	s21 =	simm.s32 $0x200;
	s28 =	simm.s32 $0x80  }
0x7: {  	s29 =	simm.s32 $0x800;
	s30 =	simm.s32 $0x2800;
	s31 =	simm.s32 $0x40  }
0x8: {  	s22 =	simm.s32 $0x4;
	[smem:$0x7FF] =	sst s2;
	s8 =	sand.u32 $0x1, s3  }
0x9: {  	s3 =	sadd.s32 $0x1E00, s7;
	s6 =	sshll.u32 s4, $0xA;
	s11 =	sadd.s32 $0x6000, s7  }
0xa: {  	s23 =	sadd.s32 $0x5E00, s7;
	_ =	strace $0x80000047;
	[dreg:$0x6] =	wrdreg s11  }
0xb: {  	s4 =	sadd.s32 $0x3E00, s7;
	s9 =	sshll.u32 s8, $0x9;
	[dreg:$0x7] =	wrdreg s23  }
0xc: {  	s8 =	ssub.s32 $0x2, s8;
	s23 =	simm.s32 $0x5;
	s9 =	sor.u32 s9, s6  }
0xd: {  	s25 =	sshrl.u32 s8, $0x1;
	s24 =	sshll.u32 s9, $0x4;
	s26 =	sshrl.u32 s9, $0x3  }
0xe: {  	s20 =	ssub.s32 s8, s25;
	s19 =	sadd.s32 s24, s7;
	s0 =	sadd.s32 s0, s26  }
0xf: {  	s8 =	sadd.s32 s1, s26;
	s9 =	sadd.s32 s5, s26;
	s10 =	sadd.s32 s10, s26  }
0x10: {  	s20 =	smax.u32 s20, $0x1;
	s26 =	simm.s32 $0x1;
	s1 =	simm.s32 $0x2  }
0x11: {  	s24 =	simm.s32 $0x0;
	[dreg:$0x8] =	wrdreg s0;
	s11 =	sadd.s32 $0x6200, s19  }
0x12: {  	s12 =	sadd.s32 $0x6208, s19;
	s13 =	sadd.s32 $0x6A00, s19;
	s14 =	sadd.s32 $0x6A08, s19  }
0x13: {  	s15 =	sadd.s32 $0x7200, s19;
	s16 =	sadd.s32 $0x7208, s19;
	s17 =	sadd.s32 $0x7A00, s19  }
0x14: {  	s18 =	sadd.s32 $0x7A08, s19;
	s19 =	sadd.s32 $0x46200, s19;
	s0 =	simm.s32 $0x3  }
.LBB2_1:
0x15: {  	s5 =	rddreg [dreg:$0x8]  }
0x16: {  	[tilespmem:s2], [sflag:$0x1] =	stream.linear.gather [hbm4b:s5+s2], $0x200, $0x38;
	[tilespmem:$0x15100] =	vst v63  }
0x17: {  	_ = 	snop  }
0x18: {  	[tilespmem:s21], [sflag:$0x1] =	stream.linear.gather [hbm4b:s8+s2], $0x200, $0x38;
	[tilespmem:$0x15100] =	vst v63  }
0x19: {  	s6 =	simm.s32 $0x400  }
0x1a: {  	[tilespmem:s6], [sflag:$0x1] =	stream.linear.gather [hbm4b:s9+s2], $0x200, $0x38;
	[tilespmem:$0x15100] =	vst v63  }
0x1b: {  	s7 =	simm.s32 $0x600  }
0x1c: {  	[tilespmem:s7], [sflag:$0x1] =	stream.linear.gather [hbm4b:s10+s2], $0x200, $0x38;
	[tilespmem:$0x15100] =	vst v63  }
0x1d: {  	s25 =	rddreg [dreg:$0x6];
	s6 =	simm.s32 $0x14800  }
0x1e: {  	[tilespmem:s6], [sflag:$0x1] =	stream.linear.gather [hbm4b:s25+s2], $0x300, $0x38;
	[tilespmem:$0x15100] =	vst v63  }
0x1f: {  	s7 =	rddreg [dreg:$0x7];
	s25 =	simm.s32 $0x14B00  }
0x20: {  	[tilespmem:s25], [sflag:$0x1] =	stream.linear.gather [hbm4b:s7+s2], $0x600, $0x38;
	[tilespmem:$0x15100] =	vst v63  }
0x21: {  	_ =	swait.ge [sflag:s26], $0x200  }
0x22: {  	[sflag:s26] =	ssyncset.done $0x0  }
0x23: {  	[sflag:s26] =	ssyncadd.s32 $0xFFFFFE00  }
0x24: {  	_ =	swait.ge [sflag:s26], $0x200  }
0x25: {  	[sflag:s26] =	ssyncset.done $0x0  }
0x26: {  	[sflag:s26] =	ssyncadd.s32 $0xFFFFFE00  }
0x27: {  	_ =	swait.ge [sflag:s26], $0x200  }
0x28: {  	[sflag:s26] =	ssyncset.done $0x0  }
0x29: {  	[sflag:s26] =	ssyncadd.s32 $0xFFFFFE00  }
0x2a: {  	_ =	swait.ge [sflag:s26], $0x200  }
0x2b: {  	[sflag:s26] =	ssyncset.done $0x0  }
0x2c: {  	[sflag:s26] =	ssyncadd.s32 $0xFFFFFE00  }
0x2d: {  	_ =	swait.ge [sflag:s26], $0x300  }
0x2e: {  	[sflag:s26] =	ssyncset.done $0x0  }
0x2f: {  	[sflag:s26] =	ssyncadd.s32 $0xFFFFFD00  }
0x30: {  	_ =	swait.ge [sflag:s26], $0x600  }
0x31: {  	[sflag:s26] =	ssyncset.done $0x0  }
0x32: {  	s5 =	simm.s32 $0x0;
	s25 =	simm.s32 $0x4C00;
	[sflag:s26] =	ssyncadd.s32 $0xFFFFFA00  }
0x33: {  	[tilespmem:s29], [sflag:$0x1] =	stream.indirect.gather [hbm4b:s3+s28], $0x40, s2, s28, $0xb8;
	[tilespmem:$0x15100] =	vst v63  }
.LBB2_2:
0x34: {  	s6 =	sshra.s32 s5, $0x2  }
0x35: {  	v0 =	vld [tilespmem:s6+$0x400];
	_ =	sdelay $0x4  }
0x36: {  	v0 =	vshll.u32 v0, $0x8  }
0x37: {  	v1 =	vld [tilespmem:s6+$0x600];
	v0 =	vshra.s32 v0, $0x2  }
0x38: {  	(v2sf) =	vpush v0, $0x0;
	_ =	sdelay $0x3  }
0x39: {  	v1 =	vshll.u32 v1, $0x8  }
0x3a: {  	v1 =	vshra.s32 v1, $0x2  }
0x3b: {  	(v2sf) =	vpush v1, $0x0;
	_ =	sdelay $0x8  }
0x3c: {  	s6 =	spop (v2sf)  }
0x3d: {  	v2 =	vld [tilespmem:s6+$0x14800];
	_ =	sdelay $0x4  }
0x3e: {  	s7 =	spop (v2sf);
	[tilespmem:s25+$0xFFFFFC00] =	vst v2  }
0x3f: {  	v2 =	vld [tilespmem:s7+$0x14B00];
	_ =	sdelay $0x4  }
0x40: {  	[tilespmem:s25+$0xFFFFFC40] =	vst v2  }
0x41: {  	v2 =	vld [tilespmem:s6+$0x14810];
	_ =	sdelay $0x4  }
0x42: {  	[tilespmem:s25+$0xFFFFFC10] =	vst v2  }
0x43: {  	v2 =	vld [tilespmem:s7+$0x14B10];
	_ =	sdelay $0x4  }
0x44: {  	[tilespmem:s25+$0xFFFFFC50] =	vst v2  }
0x45: {  	v2 =	vld [tilespmem:s6+$0x14820];
	_ =	sdelay $0x4  }
0x46: {  	[tilespmem:s25+$0xFFFFFC20] =	vst v2  }
0x47: {  	v2 =	vld [tilespmem:s7+$0x14B20];
	_ =	sdelay $0x1  }
0x48: {  	(v2sf) =	vpush v0, $0x1;
	_ =	sdelay $0x2  }
0x49: {  	[tilespmem:s25+$0xFFFFFC60] =	vst v2  }
0x4a: {  	v2 =	vld [tilespmem:s6+$0x14830];
	_ =	sdelay $0x1  }
0x4b: {  	(v2sf) =	vpush v1, $0x1;
	_ =	sdelay $0x2  }
0x4c: {  	[tilespmem:s25+$0xFFFFFC30] =	vst v2  }
0x4d: {  	v2 =	vld [tilespmem:s7+$0x14B30];
	_ =	sdelay $0x4  }
0x4e: {  	s6 =	spop (v2sf);
	[tilespmem:s25+$0xFFFFFC70] =	vst v2  }
0x4f: {  	v2 =	vld [tilespmem:s6+$0x14800];
	_ =	sdelay $0x4  }
0x50: {  	s7 =	spop (v2sf);
	[tilespmem:s25+$0xFFFFFC80] =	vst v2  }
0x51: {  	v2 =	vld [tilespmem:s7+$0x14B00];
	_ =	sdelay $0x4  }
0x52: {  	[tilespmem:s25+$0xFFFFFCC0] =	vst v2  }
0x53: {  	v2 =	vld [tilespmem:s6+$0x14810];
	_ =	sdelay $0x4  }
0x54: {  	[tilespmem:s25+$0xFFFFFC90] =	vst v2  }
0x55: {  	v2 =	vld [tilespmem:s7+$0x14B10];
	_ =	sdelay $0x4  }
0x56: {  	[tilespmem:s25+$0xFFFFFCD0] =	vst v2  }
0x57: {  	v2 =	vld [tilespmem:s6+$0x14820];
	_ =	sdelay $0x4  }
0x58: {  	[tilespmem:s25+$0xFFFFFCA0] =	vst v2  }
0x59: {  	v2 =	vld [tilespmem:s7+$0x14B20];
	_ =	sdelay $0x1  }
0x5a: {  	(v2sf) =	vpush v0, $0x2;
	_ =	sdelay $0x2  }
0x5b: {  	[tilespmem:s25+$0xFFFFFCE0] =	vst v2  }
0x5c: {  	v2 =	vld [tilespmem:s6+$0x14830];
	_ =	sdelay $0x1  }
0x5d: {  	(v2sf) =	vpush v1, $0x2;
	_ =	sdelay $0x2  }
0x5e: {  	[tilespmem:s25+$0xFFFFFCB0] =	vst v2  }
0x5f: {  	v2 =	vld [tilespmem:s7+$0x14B30];
	_ =	sdelay $0x4  }
0x60: {  	s6 =	spop (v2sf);
	[tilespmem:s25+$0xFFFFFCF0] =	vst v2  }
0x61: {  	v2 =	vld [tilespmem:s6+$0x14800];
	_ =	sdelay $0x4  }
0x62: {  	s7 =	spop (v2sf);
	[tilespmem:s25+$0xFFFFFD00] =	vst v2  }
0x63: {  	v2 =	vld [tilespmem:s7+$0x14B00];
	_ =	sdelay $0x4  }
0x64: {  	[tilespmem:s25+$0xFFFFFD40] =	vst v2  }
0x65: {  	v2 =	vld [tilespmem:s6+$0x14810];
	_ =	sdelay $0x4  }
0x66: {  	[tilespmem:s25+$0xFFFFFD10] =	vst v2  }
0x67: {  	v2 =	vld [tilespmem:s7+$0x14B10];
	_ =	sdelay $0x4  }
0x68: {  	[tilespmem:s25+$0xFFFFFD50] =	vst v2  }
0x69: {  	v2 =	vld [tilespmem:s6+$0x14820];
	_ =	sdelay $0x4  }
0x6a: {  	[tilespmem:s25+$0xFFFFFD20] =	vst v2  }
0x6b: {  	v2 =	vld [tilespmem:s7+$0x14B20];
	_ =	sdelay $0x1  }
0x6c: {  	(v2sf) =	vpush v0, $0x3;
	_ =	sdelay $0x2  }
0x6d: {  	[tilespmem:s25+$0xFFFFFD60] =	vst v2  }
0x6e: {  	v2 =	vld [tilespmem:s6+$0x14830];
	_ =	sdelay $0x1  }
0x6f: {  	(v2sf) =	vpush v1, $0x3;
	_ =	sdelay $0x2  }
0x70: {  	[tilespmem:s25+$0xFFFFFD30] =	vst v2  }
0x71: {  	v2 =	vld [tilespmem:s7+$0x14B30];
	_ =	sdelay $0x4  }
0x72: {  	s6 =	spop (v2sf);
	[tilespmem:s25+$0xFFFFFD70] =	vst v2  }
0x73: {  	v2 =	vld [tilespmem:s6+$0x14800];
	_ =	sdelay $0x4  }
0x74: {  	s7 =	spop (v2sf);
	[tilespmem:s25+$0xFFFFFD80] =	vst v2  }
0x75: {  	v2 =	vld [tilespmem:s7+$0x14B00];
	_ =	sdelay $0x4  }
0x76: {  	[tilespmem:s25+$0xFFFFFDC0] =	vst v2  }
0x77: {  	v2 =	vld [tilespmem:s6+$0x14810];
	_ =	sdelay $0x4  }
0x78: {  	[tilespmem:s25+$0xFFFFFD90] =	vst v2  }
0x79: {  	v2 =	vld [tilespmem:s7+$0x14B10];
	_ =	sdelay $0x4  }
0x7a: {  	[tilespmem:s25+$0xFFFFFDD0] =	vst v2  }
0x7b: {  	v2 =	vld [tilespmem:s6+$0x14820];
	_ =	sdelay $0x4  }
0x7c: {  	[tilespmem:s25+$0xFFFFFDA0] =	vst v2  }
0x7d: {  	v2 =	vld [tilespmem:s7+$0x14B20];
	_ =	sdelay $0x1  }
0x7e: {  	(v2sf) =	vpush v0, $0x4;
	_ =	sdelay $0x2  }
0x7f: {  	[tilespmem:s25+$0xFFFFFDE0] =	vst v2  }
0x80: {  	v2 =	vld [tilespmem:s6+$0x14830];
	_ =	sdelay $0x1  }
0x81: {  	(v2sf) =	vpush v1, $0x4;
	_ =	sdelay $0x2  }
0x82: {  	[tilespmem:s25+$0xFFFFFDB0] =	vst v2  }
0x83: {  	v2 =	vld [tilespmem:s7+$0x14B30];
	_ =	sdelay $0x4  }
0x84: {  	s6 =	spop (v2sf);
	[tilespmem:s25+$0xFFFFFDF0] =	vst v2  }
0x85: {  	v2 =	vld [tilespmem:s6+$0x14800];
	_ =	sdelay $0x4  }
0x86: {  	s7 =	spop (v2sf);
	[tilespmem:s25+$0xFFFFFE00] =	vst v2  }
0x87: {  	v2 =	vld [tilespmem:s7+$0x14B00];
	_ =	sdelay $0x4  }
0x88: {  	[tilespmem:s25+$0xFFFFFE40] =	vst v2  }
0x89: {  	v2 =	vld [tilespmem:s6+$0x14810];
	_ =	sdelay $0x4  }
0x8a: {  	[tilespmem:s25+$0xFFFFFE10] =	vst v2  }
0x8b: {  	v2 =	vld [tilespmem:s7+$0x14B10];
	_ =	sdelay $0x4  }
0x8c: {  	[tilespmem:s25+$0xFFFFFE50] =	vst v2  }
0x8d: {  	v2 =	vld [tilespmem:s6+$0x14820];
	_ =	sdelay $0x4  }
0x8e: {  	[tilespmem:s25+$0xFFFFFE20] =	vst v2  }
0x8f: {  	v2 =	vld [tilespmem:s7+$0x14B20];
	_ =	sdelay $0x1  }
0x90: {  	(v2sf) =	vpush v0, $0x5;
	_ =	sdelay $0x2  }
0x91: {  	[tilespmem:s25+$0xFFFFFE60] =	vst v2  }
0x92: {  	v2 =	vld [tilespmem:s6+$0x14830];
	_ =	sdelay $0x1  }
0x93: {  	(v2sf) =	vpush v1, $0x5;
	_ =	sdelay $0x2  }
0x94: {  	[tilespmem:s25+$0xFFFFFE30] =	vst v2  }
0x95: {  	v2 =	vld [tilespmem:s7+$0x14B30];
	_ =	sdelay $0x4  }
0x96: {  	s6 =	spop (v2sf);
	[tilespmem:s25+$0xFFFFFE70] =	vst v2  }
0x97: {  	v2 =	vld [tilespmem:s6+$0x14800];
	_ =	sdelay $0x4  }
0x98: {  	s7 =	spop (v2sf);
	[tilespmem:s25+$0xFFFFFE80] =	vst v2  }
0x99: {  	v2 =	vld [tilespmem:s7+$0x14B00];
	_ =	sdelay $0x4  }
0x9a: {  	[tilespmem:s25+$0xFFFFFEC0] =	vst v2  }
0x9b: {  	v2 =	vld [tilespmem:s6+$0x14810];
	_ =	sdelay $0x4  }
0x9c: {  	[tilespmem:s25+$0xFFFFFE90] =	vst v2  }
0x9d: {  	v2 =	vld [tilespmem:s7+$0x14B10];
	_ =	sdelay $0x4  }
0x9e: {  	[tilespmem:s25+$0xFFFFFED0] =	vst v2  }
0x9f: {  	v2 =	vld [tilespmem:s6+$0x14820];
	_ =	sdelay $0x4  }
0xa0: {  	[tilespmem:s25+$0xFFFFFEA0] =	vst v2  }
0xa1: {  	v2 =	vld [tilespmem:s7+$0x14B20];
	_ =	sdelay $0x1  }
0xa2: {  	(v2sf) =	vpush v0, $0x6;
	_ =	sdelay $0x2  }
0xa3: {  	[tilespmem:s25+$0xFFFFFEE0] =	vst v2  }
0xa4: {  	v2 =	vld [tilespmem:s6+$0x14830];
	_ =	sdelay $0x1  }
0xa5: {  	(v2sf) =	vpush v1, $0x6;
	_ =	sdelay $0x2  }
0xa6: {  	[tilespmem:s25+$0xFFFFFEB0] =	vst v2  }
0xa7: {  	v2 =	vld [tilespmem:s7+$0x14B30];
	_ =	sdelay $0x4  }
0xa8: {  	s6 =	spop (v2sf);
	[tilespmem:s25+$0xFFFFFEF0] =	vst v2  }
0xa9: {  	v2 =	vld [tilespmem:s6+$0x14800];
	_ =	sdelay $0x4  }
0xaa: {  	s7 =	spop (v2sf);
	[tilespmem:s25+$0xFFFFFF00] =	vst v2  }
0xab: {  	v2 =	vld [tilespmem:s7+$0x14B00];
	_ =	sdelay $0x4  }
0xac: {  	[tilespmem:s25+$0xFFFFFF40] =	vst v2  }
0xad: {  	v2 =	vld [tilespmem:s6+$0x14810];
	_ =	sdelay $0x4  }
0xae: {  	[tilespmem:s25+$0xFFFFFF10] =	vst v2  }
0xaf: {  	v2 =	vld [tilespmem:s7+$0x14B10];
	_ =	sdelay $0x4  }
0xb0: {  	[tilespmem:s25+$0xFFFFFF50] =	vst v2  }
0xb1: {  	v2 =	vld [tilespmem:s6+$0x14820];
	_ =	sdelay $0x4  }
0xb2: {  	[tilespmem:s25+$0xFFFFFF20] =	vst v2  }
0xb3: {  	v2 =	vld [tilespmem:s7+$0x14B20];
	_ =	sdelay $0x1  }
0xb4: {  	(v2sf) =	vpush v0, $0x7;
	_ =	sdelay $0x2  }
0xb5: {  	[tilespmem:s25+$0xFFFFFF60] =	vst v2  }
0xb6: {  	v2 =	vld [tilespmem:s6+$0x14830];
	_ =	sdelay $0x1  }
0xb7: {  	(v2sf) =	vpush v1, $0x7;
	_ =	sdelay $0x2  }
0xb8: {  	[tilespmem:s25+$0xFFFFFF30] =	vst v2  }
0xb9: {  	v2 =	vld [tilespmem:s7+$0x14B30];
	_ =	sdelay $0x4  }
0xba: {  	s6 =	spop (v2sf);
	[tilespmem:s25+$0xFFFFFF70] =	vst v2  }
0xbb: {  	v2 =	vld [tilespmem:s6+$0x14800];
	_ =	sdelay $0x4  }
0xbc: {  	s7 =	spop (v2sf);
	[tilespmem:s25+$0xFFFFFF80] =	vst v2  }
0xbd: {  	v2 =	vld [tilespmem:s7+$0x14B00];
	_ =	sdelay $0x4  }
0xbe: {  	[tilespmem:s25+$0xFFFFFFC0] =	vst v2  }
0xbf: {  	v2 =	vld [tilespmem:s6+$0x14810];
	_ =	sdelay $0x4  }
0xc0: {  	[tilespmem:s25+$0xFFFFFF90] =	vst v2  }
0xc1: {  	v2 =	vld [tilespmem:s7+$0x14B10];
	_ =	sdelay $0x4  }
0xc2: {  	[tilespmem:s25+$0xFFFFFFD0] =	vst v2  }
0xc3: {  	v2 =	vld [tilespmem:s6+$0x14820];
	_ =	sdelay $0x4  }
0xc4: {  	[tilespmem:s25+$0xFFFFFFA0] =	vst v2  }
0xc5: {  	v2 =	vld [tilespmem:s7+$0x14B20];
	_ =	sdelay $0x1  }
0xc6: {  	(v2sf) =	vpush v0, $0x8;
	_ =	sdelay $0x2  }
0xc7: {  	[tilespmem:s25+$0xFFFFFFE0] =	vst v2  }
0xc8: {  	v2 =	vld [tilespmem:s6+$0x14830];
	_ =	sdelay $0x1  }
0xc9: {  	(v2sf) =	vpush v1, $0x8;
	_ =	sdelay $0x2  }
0xca: {  	[tilespmem:s25+$0xFFFFFFB0] =	vst v2  }
0xcb: {  	v2 =	vld [tilespmem:s7+$0x14B30];
	_ =	sdelay $0x4  }
0xcc: {  	s6 =	spop (v2sf);
	[tilespmem:s25+$0xFFFFFFF0] =	vst v2  }
0xcd: {  	v2 =	vld [tilespmem:s6+$0x14800];
	_ =	sdelay $0x4  }
0xce: {  	s7 =	spop (v2sf);
	[tilespmem:s25+$0x0] =	vst v2  }
0xcf: {  	v2 =	vld [tilespmem:s7+$0x14B00];
	_ =	sdelay $0x4  }
0xd0: {  	[tilespmem:s25+$0x40] =	vst v2  }
0xd1: {  	v2 =	vld [tilespmem:s6+$0x14810];
	_ =	sdelay $0x4  }
0xd2: {  	[tilespmem:s25+$0x10] =	vst v2  }
0xd3: {  	v2 =	vld [tilespmem:s7+$0x14B10];
	_ =	sdelay $0x4  }
0xd4: {  	[tilespmem:s25+$0x50] =	vst v2  }
0xd5: {  	v2 =	vld [tilespmem:s6+$0x14820];
	_ =	sdelay $0x4  }
0xd6: {  	[tilespmem:s25+$0x20] =	vst v2  }
0xd7: {  	v2 =	vld [tilespmem:s7+$0x14B20];
	_ =	sdelay $0x1  }
0xd8: {  	(v2sf) =	vpush v0, $0x9;
	_ =	sdelay $0x2  }
0xd9: {  	[tilespmem:s25+$0x60] =	vst v2  }
0xda: {  	v2 =	vld [tilespmem:s6+$0x14830];
	_ =	sdelay $0x1  }
0xdb: {  	(v2sf) =	vpush v1, $0x9;
	_ =	sdelay $0x2  }
0xdc: {  	[tilespmem:s25+$0x30] =	vst v2  }
0xdd: {  	v2 =	vld [tilespmem:s7+$0x14B30];
	_ =	sdelay $0x4  }
0xde: {  	s6 =	spop (v2sf);
	[tilespmem:s25+$0x70] =	vst v2  }
0xdf: {  	v2 =	vld [tilespmem:s6+$0x14800];
	_ =	sdelay $0x4  }
0xe0: {  	s7 =	spop (v2sf);
	[tilespmem:s25+$0x80] =	vst v2  }
0xe1: {  	v2 =	vld [tilespmem:s7+$0x14B00];
	_ =	sdelay $0x4  }
0xe2: {  	[tilespmem:s25+$0xC0] =	vst v2  }
0xe3: {  	v2 =	vld [tilespmem:s6+$0x14810];
	_ =	sdelay $0x4  }
0xe4: {  	[tilespmem:s25+$0x90] =	vst v2  }
0xe5: {  	v2 =	vld [tilespmem:s7+$0x14B10];
	_ =	sdelay $0x4  }
0xe6: {  	[tilespmem:s25+$0xD0] =	vst v2  }
0xe7: {  	v2 =	vld [tilespmem:s6+$0x14820];
	_ =	sdelay $0x4  }
0xe8: {  	[tilespmem:s25+$0xA0] =	vst v2  }
0xe9: {  	v2 =	vld [tilespmem:s7+$0x14B20];
	_ =	sdelay $0x1  }
0xea: {  	(v2sf) =	vpush v0, $0xA;
	_ =	sdelay $0x2  }
0xeb: {  	[tilespmem:s25+$0xE0] =	vst v2  }
0xec: {  	v2 =	vld [tilespmem:s6+$0x14830];
	_ =	sdelay $0x1  }
0xed: {  	(v2sf) =	vpush v1, $0xA;
	_ =	sdelay $0x2  }
0xee: {  	[tilespmem:s25+$0xB0] =	vst v2  }
0xef: {  	v2 =	vld [tilespmem:s7+$0x14B30];
	_ =	sdelay $0x4  }
0xf0: {  	s6 =	spop (v2sf);
	[tilespmem:s25+$0xF0] =	vst v2  }
0xf1: {  	v2 =	vld [tilespmem:s6+$0x14800];
	_ =	sdelay $0x4  }
0xf2: {  	s7 =	spop (v2sf);
	[tilespmem:s25+$0x100] =	vst v2  }
0xf3: {  	v2 =	vld [tilespmem:s7+$0x14B00];
	_ =	sdelay $0x4  }
0xf4: {  	[tilespmem:s25+$0x140] =	vst v2  }
0xf5: {  	v2 =	vld [tilespmem:s6+$0x14810];
	_ =	sdelay $0x4  }
0xf6: {  	[tilespmem:s25+$0x110] =	vst v2  }
0xf7: {  	v2 =	vld [tilespmem:s7+$0x14B10];
	_ =	sdelay $0x4  }
0xf8: {  	[tilespmem:s25+$0x150] =	vst v2  }
0xf9: {  	v2 =	vld [tilespmem:s6+$0x14820];
	_ =	sdelay $0x4  }
0xfa: {  	[tilespmem:s25+$0x120] =	vst v2  }
0xfb: {  	v2 =	vld [tilespmem:s7+$0x14B20];
	_ =	sdelay $0x1  }
0xfc: {  	(v2sf) =	vpush v0, $0xB;
	_ =	sdelay $0x2  }
0xfd: {  	[tilespmem:s25+$0x160] =	vst v2  }
0xfe: {  	v2 =	vld [tilespmem:s6+$0x14830];
	_ =	sdelay $0x1  }
0xff: {  	(v2sf) =	vpush v1, $0xB;
	_ =	sdelay $0x2  }
0x100: {  	[tilespmem:s25+$0x130] =	vst v2  }
0x101: {  	v2 =	vld [tilespmem:s7+$0x14B30];
	_ =	sdelay $0x4  }
0x102: {  	s6 =	spop (v2sf);
	[tilespmem:s25+$0x170] =	vst v2  }
0x103: {  	v2 =	vld [tilespmem:s6+$0x14800];
	_ =	sdelay $0x4  }
0x104: {  	s7 =	spop (v2sf);
	[tilespmem:s25+$0x180] =	vst v2  }
0x105: {  	v2 =	vld [tilespmem:s7+$0x14B00];
	_ =	sdelay $0x4  }
0x106: {  	[tilespmem:s25+$0x1C0] =	vst v2  }
0x107: {  	v2 =	vld [tilespmem:s6+$0x14810];
	_ =	sdelay $0x4  }
0x108: {  	[tilespmem:s25+$0x190] =	vst v2  }
0x109: {  	v2 =	vld [tilespmem:s7+$0x14B10];
	_ =	sdelay $0x4  }
0x10a: {  	[tilespmem:s25+$0x1D0] =	vst v2  }
0x10b: {  	v2 =	vld [tilespmem:s6+$0x14820];
	_ =	sdelay $0x4  }
0x10c: {  	[tilespmem:s25+$0x1A0] =	vst v2  }
0x10d: {  	v2 =	vld [tilespmem:s7+$0x14B20];
	_ =	sdelay $0x1  }
0x10e: {  	(v2sf) =	vpush v0, $0xC;
	_ =	sdelay $0x2  }
0x10f: {  	[tilespmem:s25+$0x1E0] =	vst v2  }
0x110: {  	v2 =	vld [tilespmem:s6+$0x14830];
	_ =	sdelay $0x1  }
0x111: {  	(v2sf) =	vpush v1, $0xC;
	_ =	sdelay $0x2  }
0x112: {  	[tilespmem:s25+$0x1B0] =	vst v2  }
0x113: {  	v2 =	vld [tilespmem:s7+$0x14B30];
	_ =	sdelay $0x4  }
0x114: {  	s6 =	spop (v2sf);
	[tilespmem:s25+$0x1F0] =	vst v2  }
0x115: {  	v2 =	vld [tilespmem:s6+$0x14800];
	_ =	sdelay $0x4  }
0x116: {  	s7 =	spop (v2sf);
	[tilespmem:s25+$0x200] =	vst v2  }
0x117: {  	v2 =	vld [tilespmem:s7+$0x14B00];
	_ =	sdelay $0x4  }
0x118: {  	[tilespmem:s25+$0x240] =	vst v2  }
0x119: {  	v2 =	vld [tilespmem:s6+$0x14810];
	_ =	sdelay $0x4  }
0x11a: {  	[tilespmem:s25+$0x210] =	vst v2  }
0x11b: {  	v2 =	vld [tilespmem:s7+$0x14B10];
	_ =	sdelay $0x4  }
0x11c: {  	[tilespmem:s25+$0x250] =	vst v2  }
0x11d: {  	v2 =	vld [tilespmem:s6+$0x14820];
	_ =	sdelay $0x4  }
0x11e: {  	[tilespmem:s25+$0x220] =	vst v2  }
0x11f: {  	v2 =	vld [tilespmem:s7+$0x14B20];
	_ =	sdelay $0x1  }
0x120: {  	(v2sf) =	vpush v0, $0xD;
	_ =	sdelay $0x2  }
0x121: {  	[tilespmem:s25+$0x260] =	vst v2  }
0x122: {  	v2 =	vld [tilespmem:s6+$0x14830];
	_ =	sdelay $0x1  }
0x123: {  	(v2sf) =	vpush v1, $0xD;
	_ =	sdelay $0x2  }
0x124: {  	[tilespmem:s25+$0x230] =	vst v2  }
0x125: {  	v2 =	vld [tilespmem:s7+$0x14B30];
	_ =	sdelay $0x4  }
0x126: {  	s6 =	spop (v2sf);
	[tilespmem:s25+$0x270] =	vst v2  }
0x127: {  	v2 =	vld [tilespmem:s6+$0x14800];
	_ =	sdelay $0x4  }
0x128: {  	s7 =	spop (v2sf);
	[tilespmem:s25+$0x280] =	vst v2  }
0x129: {  	v2 =	vld [tilespmem:s7+$0x14B00];
	_ =	sdelay $0x4  }
0x12a: {  	[tilespmem:s25+$0x2C0] =	vst v2  }
0x12b: {  	v2 =	vld [tilespmem:s6+$0x14810];
	_ =	sdelay $0x4  }
0x12c: {  	[tilespmem:s25+$0x290] =	vst v2  }
0x12d: {  	v2 =	vld [tilespmem:s7+$0x14B10];
	_ =	sdelay $0x4  }
0x12e: {  	[tilespmem:s25+$0x2D0] =	vst v2  }
0x12f: {  	v2 =	vld [tilespmem:s6+$0x14820];
	_ =	sdelay $0x4  }
0x130: {  	[tilespmem:s25+$0x2A0] =	vst v2  }
0x131: {  	v2 =	vld [tilespmem:s7+$0x14B20];
	_ =	sdelay $0x1  }
0x132: {  	(v2sf) =	vpush v0, $0xE;
	_ =	sdelay $0x2  }
0x133: {  	[tilespmem:s25+$0x2E0] =	vst v2  }
0x134: {  	v2 =	vld [tilespmem:s6+$0x14830];
	_ =	sdelay $0x1  }
0x135: {  	(v2sf) =	vpush v1, $0xE;
	_ =	sdelay $0x2  }
0x136: {  	[tilespmem:s25+$0x2B0] =	vst v2  }
0x137: {  	v2 =	vld [tilespmem:s7+$0x14B30];
	_ =	sdelay $0x4  }
0x138: {  	s6 =	spop (v2sf);
	[tilespmem:s25+$0x2F0] =	vst v2  }
0x139: {  	v2 =	vld [tilespmem:s6+$0x14800];
	_ =	sdelay $0x4  }
0x13a: {  	s7 =	spop (v2sf);
	[tilespmem:s25+$0x300] =	vst v2  }
0x13b: {  	v2 =	vld [tilespmem:s7+$0x14B00];
	_ =	sdelay $0x4  }
0x13c: {  	[tilespmem:s25+$0x340] =	vst v2  }
0x13d: {  	v2 =	vld [tilespmem:s6+$0x14810];
	_ =	sdelay $0x4  }
0x13e: {  	[tilespmem:s25+$0x310] =	vst v2  }
0x13f: {  	v2 =	vld [tilespmem:s7+$0x14B10];
	_ =	sdelay $0x4  }
0x140: {  	[tilespmem:s25+$0x350] =	vst v2  }
0x141: {  	v2 =	vld [tilespmem:s6+$0x14820];
	_ =	sdelay $0x4  }
0x142: {  	[tilespmem:s25+$0x320] =	vst v2  }
0x143: {  	v2 =	vld [tilespmem:s7+$0x14B20];
	_ =	sdelay $0x1  }
0x144: {  	(v2sf) =	vpush v0, $0xF;
	_ =	sdelay $0x2  }
0x145: {  	[tilespmem:s25+$0x360] =	vst v2  }
0x146: {  	v63 =	vld [tilespmem:s6+$0x14830];
	_ =	sdelay $0x1  }
0x147: {  	(v2sf) =	vpush v1, $0xF;
	_ =	sdelay $0x2  }
0x148: {  	[tilespmem:s25+$0x330] =	vst v63  }
0x149: {  	v0 =	vld [tilespmem:s7+$0x14B30];
	_ =	sdelay $0x4  }
0x14a: {  	s6 =	spop (v2sf);
	[tilespmem:s25+$0x370] =	vst v0  }
0x14b: {  	v0 =	vld [tilespmem:s6+$0x14800];
	_ =	sdelay $0x4  }
0x14c: {  	s7 =	spop (v2sf);
	[tilespmem:s25+$0x380] =	vst v0  }
0x14d: {  	v0 =	vld [tilespmem:s7+$0x14B00];
	_ =	sdelay $0x4  }
0x14e: {  	[tilespmem:s25+$0x3C0] =	vst v0  }
0x14f: {  	v0 =	vld [tilespmem:s6+$0x14810];
	_ =	sdelay $0x4  }
0x150: {  	[tilespmem:s25+$0x390] =	vst v0  }
0x151: {  	v0 =	vld [tilespmem:s7+$0x14B10];
	_ =	sdelay $0x4  }
0x152: {  	[tilespmem:s25+$0x3D0] =	vst v0  }
0x153: {  	v0 =	vld [tilespmem:s6+$0x14820];
	_ =	sdelay $0x4  }
0x154: {  	[tilespmem:s25+$0x3A0] =	vst v0  }
0x155: {  	v0 =	vld [tilespmem:s7+$0x14B20];
	_ =	sdelay $0x4  }
0x156: {  	[tilespmem:s25+$0x3E0] =	vst v0  }
0x157: {  	v0 =	vld [tilespmem:s6+$0x14830];
	_ =	sdelay $0x4  }
0x158: {  	[tilespmem:s25+$0x3B0] =	vst v0  }
0x159: {  	p0 =	sne.s32 s5, $0x7C0;
	v0 =	vld [tilespmem:s7+$0x14B30]  }
.Ltmp0:
0x15a: {  	_ = 	snop;
	(pc) =	sbr.rel @p0 .LBB2_2-.Ltmp0, $2  }
0x15b: {  	_ =	sdelay $0x2  }
0x15c: {  	s5 =	sadd.s32 $0x40, s5;
	[tilespmem:s25+$0x3F0] =	vst v0;
	s25 =	sadd.s32 $0x800, s25  }
0x15d: {  	[tilespmem:s30], [sflag:$0x2] =	stream.indirect.gather [hbm4b:s4+s28], $0x40, s21, s28, $0xb8;
	[tilespmem:$0x15100] =	vst v63  }
0x15e: {  	_ =	swait.ge [sflag:s26], $0x2000  }
0x15f: {  	[sflag:s26] =	ssyncset.done $0x0  }
0x160: {  	[sflag:s26] =	ssyncadd.s32 $0xFFFFE000  }
0x161: {  	[hbm4b:s11+s31] =	stream.strided.scatter [tilespmem:s29], [sflag:$0x3], $0x2000, s28, s31, $0x38;
	[tilespmem:$0x15100] =	vst v63  }
0x162: {  	_ =	swait.ge [sflag:s0], $0x2000  }
0x163: {  	[sflag:s0] =	ssyncset.done $0x0  }
0x164: {  	[sflag:s0] =	ssyncadd.s32 $0xFFFFE000  }
0x165: {  	[tilespmem:s29], [sflag:$0x1] =	stream.indirect.gather [hbm4b:s3+s28], $0x40, s28, s28, $0xb8;
	[tilespmem:$0x15100] =	vst v63  }
0x166: {  	_ =	swait.ge [sflag:s1], $0x2000  }
0x167: {  	[sflag:s1] =	ssyncset.done $0x0  }
0x168: {  	[sflag:s1] =	ssyncadd.s32 $0xFFFFE000  }
0x169: {  	[hbm4b:s12+s31] =	stream.strided.scatter [tilespmem:s30], [sflag:$0x4], $0x2000, s28, s31, $0x38;
	[tilespmem:$0x15100] =	vst v63  }
0x16a: {  	_ =	swait.ge [sflag:s22], $0x2000  }
0x16b: {  	[sflag:s22] =	ssyncset.done $0x0  }
0x16c: {  	s5 =	simm.s32 $0x280;
	[sflag:s22] =	ssyncadd.s32 $0xFFFFE000  }
0x16d: {  	[tilespmem:s30], [sflag:$0x2] =	stream.indirect.gather [hbm4b:s4+s28], $0x40, s5, s28, $0xb8;
	[tilespmem:$0x15100] =	vst v63  }
0x16e: {  	_ =	swait.ge [sflag:s26], $0x2000  }
0x16f: {  	[sflag:s26] =	ssyncset.done $0x0  }
0x170: {  	[sflag:s26] =	ssyncadd.s32 $0xFFFFE000  }
0x171: {  	[hbm4b:s13+s31] =	stream.strided.scatter [tilespmem:s29], [sflag:$0x3], $0x2000, s28, s31, $0x38;
	[tilespmem:$0x15100] =	vst v63  }
0x172: {  	_ =	swait.ge [sflag:s0], $0x2000  }
0x173: {  	[sflag:s0] =	ssyncset.done $0x0  }
0x174: {  	s7 =	simm.s32 $0x100;
	[sflag:s0] =	ssyncadd.s32 $0xFFFFE000  }
0x175: {  	[tilespmem:s29], [sflag:$0x1] =	stream.indirect.gather [hbm4b:s3+s28], $0x40, s7, s28, $0xb8;
	[tilespmem:$0x15100] =	vst v63  }
0x176: {  	_ =	swait.ge [sflag:s1], $0x2000  }
0x177: {  	[sflag:s1] =	ssyncset.done $0x0  }
0x178: {  	[sflag:s1] =	ssyncadd.s32 $0xFFFFE000  }
0x179: {  	[hbm4b:s14+s31] =	stream.strided.scatter [tilespmem:s30], [sflag:$0x4], $0x2000, s28, s31, $0x38;
	[tilespmem:$0x15100] =	vst v63  }
0x17a: {  	_ =	swait.ge [sflag:s22], $0x2000  }
0x17b: {  	[sflag:s22] =	ssyncset.done $0x0  }
0x17c: {  	s25 =	simm.s32 $0x300;
	[sflag:s22] =	ssyncadd.s32 $0xFFFFE000  }
0x17d: {  	[tilespmem:s30], [sflag:$0x2] =	stream.indirect.gather [hbm4b:s4+s28], $0x40, s25, s28, $0xb8;
	[tilespmem:$0x15100] =	vst v63  }
0x17e: {  	_ =	swait.ge [sflag:s26], $0x2000  }
0x17f: {  	[sflag:s26] =	ssyncset.done $0x0  }
0x180: {  	[sflag:s26] =	ssyncadd.s32 $0xFFFFE000  }
0x181: {  	[hbm4b:s15+s31] =	stream.strided.scatter [tilespmem:s29], [sflag:$0x3], $0x2000, s28, s31, $0x38;
	[tilespmem:$0x15100] =	vst v63  }
0x182: {  	_ =	swait.ge [sflag:s0], $0x2000  }
0x183: {  	[sflag:s0] =	ssyncset.done $0x0  }
0x184: {  	s6 =	simm.s32 $0x180;
	[sflag:s0] =	ssyncadd.s32 $0xFFFFE000  }
0x185: {  	[tilespmem:s29], [sflag:$0x1] =	stream.indirect.gather [hbm4b:s3+s28], $0x40, s6, s28, $0xb8;
	[tilespmem:$0x15100] =	vst v63  }
0x186: {  	_ =	swait.ge [sflag:s1], $0x2000  }
0x187: {  	[sflag:s1] =	ssyncset.done $0x0  }
0x188: {  	[sflag:s1] =	ssyncadd.s32 $0xFFFFE000  }
0x189: {  	[hbm4b:s16+s31] =	stream.strided.scatter [tilespmem:s30], [sflag:$0x4], $0x2000, s28, s31, $0x38;
	[tilespmem:$0x15100] =	vst v63  }
0x18a: {  	_ =	swait.ge [sflag:s22], $0x2000  }
0x18b: {  	[sflag:s22] =	ssyncset.done $0x0  }
0x18c: {  	s7 =	simm.s32 $0x380;
	[sflag:s22] =	ssyncadd.s32 $0xFFFFE000  }
0x18d: {  	[tilespmem:s30], [sflag:$0x2] =	stream.indirect.gather [hbm4b:s4+s28], $0x40, s7, s28, $0xb8;
	[tilespmem:$0x15100] =	vst v63  }
0x18e: {  	_ =	swait.ge [sflag:s26], $0x2000  }
0x18f: {  	[sflag:s26] =	ssyncset.done $0x0  }
0x190: {  	[sflag:s26] =	ssyncadd.s32 $0xFFFFE000  }
0x191: {  	[hbm4b:s17+s31] =	stream.strided.scatter [tilespmem:s29], [sflag:$0x3], $0x2000, s28, s31, $0x38;
	[tilespmem:$0x15100] =	vst v63  }
0x192: {  	_ =	swait.ge [sflag:s1], $0x2000  }
0x193: {  	[sflag:s1] =	ssyncset.done $0x0  }
0x194: {  	[sflag:s1] =	ssyncadd.s32 $0xFFFFE000  }
0x195: {  	[hbm4b:s18+s31] =	stream.strided.scatter [tilespmem:s30], [sflag:$0x4], $0x2000, s28, s31, $0x38;
	[tilespmem:$0x15100] =	vst v63  }
0x196: {  	s25 =	simm.s32 $0x4800  }
0x197: {  	[hbm4b:s19+s2] =	stream.linear.scatter [tilespmem:s25], [sflag:$0x5], $0x10000, $0x38;
	[tilespmem:$0x15100] =	vst v63  }
0x198: {  	_ =	swait.ge [sflag:s23], $0x10000  }
0x199: {  	[sflag:s23] =	ssyncset.done $0x0  }
0x19a: {  	s24 =	sadd.s32 $0x1, s24;
	[sflag:s23] =	ssyncadd.s32 $0xFFFF0000  }
0x19b: {  	p0 =	sne.s32 s24, s20;
	_ =	swait.ge [sflag:s0], $0x2000  }
.Ltmp1:
0x19c: {  	[sflag:s0] =	ssyncset.done $0x0;
	(pc) =	sbr.rel @p0 .LBB2_1-.Ltmp1, $4  }
0x19d: {  	[sflag:s0] =	ssyncadd.s32 $0xFFFFE000  }
0x19e: {  	_ =	swait.ge [sflag:s22], $0x2000  }
0x19f: {  	[sflag:s22] =	ssyncset.done $0x0  }
0x1a0: {  	[sflag:s22] =	ssyncadd.s32 $0xFFFFE000  }
0x1a1: {  	_ =	sfence.sel $0x180000  }
0x1a2: {  	[bflag:$0x0] =	sbarrier.arrive $0xFFFF  }
0x1a3: {  	_ =	strace $0x90000047  }
0x1a4: {  	s0 =	stileid.u32;
	[bflag:$0x2] =	sbarrier.arrive $0xFFFF  }
0x1a5: {  	p0 =	sne.s32 s0, $0x0;
	s0 =	rddreg [dreg:$0x5]  }
0x1a6: {  	s0 =	sadd.s32 @!p0 $0x100000, s0  }
0x1a7: {  	[sflag:s0] =	ssyncadd.tile.s32 @!p0 $0x1;
	_ =	shalt  }
.Lfunc_end2:
_tile_overlayer_lowered:
.L_overlay_start_2:
0x1a8: {  	(tag) =	ssettag $0x2  }
0x1a9: {  	s0 =	rddreg [dreg:$0x0];
	s2 =	stileid.u32  }
0x1aa: {  	s1 =	rddreg [dreg:$0x1];
	p0 =	sne.s32 s2, $0x0  }
0x1ab: {  	s3 =	rddreg [dreg:$0x2];
	[bflag:$0x3] =	sbarrier.arrive $0xFFFF;
	s2 =	simm.s32 @!p0 $0x1C05  }
0x1ac: {  	[timem:s3], [sflag:s2] =	dma.local @!p0 [hbm:s0], s1  }
0x1ad: {  	s0 =	simm.s32 @!p0 $0x5  }
0x1ae: {  	_ =	swait.ge @!p0 [sflag:s0], s1  }
0x1af: {  	s1 =	ssub.s32 @!p0 $0x0, s1;
	[sflag:s0] =	ssyncset.done @!p0 $0x0  }
0x1b0: {  	[sflag:s0] =	ssyncadd.s32 @!p0 s1  }
0x1b1: {  	[bflag:$0x3] =	sbarrier.arrive $0xFFFF  }
0x1b2: {  	_ =	shalt  }

// kernel: kernel.8.cloned.1.call-start
scs
__scs_entry_jumppad:
0x0: {  	(pc) =	sbr.rel $0x88, $3  }
0x1: {  	(tag) =	ssettag $0x0;
	lr =	simm.s32 $0x1  }
0x2: {  	[smem:$0x3F8F] =	sst lr;
	_ =	strace $0xD0000000  }
0x3: {  	_ = 	snop  }
0x4: {  	_ = 	snop  }
0x5: {  	_ = 	snop  }
0x6: {  	_ = 	snop  }
0x7: {  	_ = 	snop  }
__scs_overlays_trampoline_lowered:
0x8: {  	[smem:$0x3F9E] =	sst s0  }
0x9: {  	[smem:$0x3F9F] =	sst s1  }
0xa: {  	[smem:$0x3FA0] =	sst s2  }
0xb: {  	[smem:$0x3FA1] =	sst s3  }
0xc: {  	[smem:$0x3FA2] =	sst s4  }
0xd: {  	[smem:$0x3FA3] =	sst s5  }
0xe: {  	[smem:$0x3FA4] =	sst s6  }
0xf: {  	[smem:$0x3FA5] =	sst s7  }
0x10: {  	[smem:$0x3FA6] =	sst s8  }
0x11: {  	[smem:$0x3FA7] =	sst s9;
	s0 =	simm.s32 @!p0 $0x0  }
0x12: {  	s1 =	sld [smem:$0x3F8D];
	s0 =	simm.s32 @p0 $0x1  }
0x13: {  	[smem:$0x3FA8] =	sst s0;
	s0 =	simm.s32 @!p1 $0x0  }
0x14: {  	s2 =	sld [smem:$0x3F8C];
	s0 =	simm.s32 @p1 $0x1  }
0x15: {  	[smem:$0x3FA9] =	sst s0;
	s0 =	simm.s32 @!p2 $0x0  }
0x16: {  	s3 =	sld [smem:$0x3FDB];
	s0 =	simm.s32 @p2 $0x1  }
0x17: {  	s4 =	simm.s32 $0x1BF5;
	[smem:$0x3FAB] =	sst s0  }
0x18: {  	s0 =	sld [smem:$0x3F8E];
	_ =	swait.ge [sflag:s4], $0x0  }
0x19: {  	s7 =	sld [smem:$0x3F8F]  }
0x1a: {  	s8 =	sadd.s32 $0xFFFFE003, lr  }
0x1b: {  	s9 =	sadd.s32 $0xFFFFFEF7, lr;
	s5 =	simm.s32 $0xFFFFFFFF;
	p2 =	slt.u32 s8, $0xFFFFF086  }
0x1c: {  	p1 =	slt.u32 s9, $0xF7A;
	s5 =	simm.s32 @!p2 $0x0  }
0x1d: {  	s5 =	simm.s32 @p1 $0x1;
	p0 =	seq.s32 s7, s2  }
0x1e: {  	s7 =	smul.u32 @!p0 $0xF7A, s2;
	p2 =	seq.s32 @!p0 s5, $0x0  }
0x1f: {  	s9 =	smul.u32 $0xF7A, s1;
	s8 =	simm.s32 @!p0 $0x1BF5;
	p2 =	por !p2, p0  }
0x20: {  	[sflag:s8] =	ssyncset.s32 @!p0 $0xFFFFF086;
	s6 =	sadd.s32 @!p0 s3, s7;
	s7 =	simm.s32 @!p0 $0x108  }
0x21: {  	s3 =	sadd.s32 s3, s9;
	s6 =	sadd.s32 @!p0 $0x88, s6;
	s7 =	simm.s32 @p2 $0x1082  }
0x22: {  	[simem:s7], [sflag:s8] =	dma.local @!p0 [hbm:s6], $0xF7A  }
0x23: {  	s9 =	sor.u32 $0xD0000000, s2;
	s6 =	simm.s32 $0x108;
	_ =	swait.ge @!p0 [sflag:s8], $0x0  }
0x24: {  	s3 =	sadd.s32 $0x88, s3;
	s6 =	simm.s32 @!p1 $0x1082;
	[sflag:s4] =	ssyncset.s32 $0xFFFFF086  }
0x25: {  	[simem:s6], [sflag:s4] =	dma.local [hbm:s3], $0xF7A  }
0x26: {  	[smem:$0x3F8F] =	sst s1;
	(tag) =	ssettag s2;
	_ =	strace s9  }
0x27: {  	s1 =	sld [smem:$0x3F9F]  }
0x28: {  	s2 =	sld [smem:$0x3FA0]  }
0x29: {  	s4 =	sld [smem:$0x3FA2]  }
0x2a: {  	p0 =	seq.s32 s5, $0x0;
	s5 =	sld [smem:$0x3FA3]  }
0x2b: {  	s6 =	sld [smem:$0x3FA4]  }
0x2c: {  	s7 =	sld [smem:$0x3FA5]  }
0x2d: {  	s3 =	simm.s32 $0x108;
	s8 =	sld [smem:$0x3FA6]  }
0x2e: {  	s3 =	simm.s32 @!p0 $0x1082;
	s9 =	sld [smem:$0x3FA7]  }
0x2f: {  	lr =	sadd.s32 s0, s3;
	s0 =	sld [smem:$0x3F9E]  }
0x30: {  	s3 =	sld [smem:$0x3FA1]  }
0x31: {  	[smem:$0x3FAA] =	sst s10  }
0x32: {  	s10 =	sld [smem:$0x3FA8];
	_ =	sdelay $0x3  }
0x33: {  	p0 =	seq.s32 s10, $0x1;
	s10 =	sld [smem:$0x3FAA];
	_ =	sdelay $0x3  }
0x34: {  	[smem:$0x3FAA] =	sst s10  }
0x35: {  	s10 =	sld [smem:$0x3FA9];
	_ =	sdelay $0x3  }
0x36: {  	p1 =	seq.s32 s10, $0x1;
	s10 =	sld [smem:$0x3FAA];
	_ =	sdelay $0x3  }
0x37: {  	[smem:$0x3FAA] =	sst s10  }
0x38: {  	s10 =	sld [smem:$0x3FAB]  }
0x39: {  	_ = 	snop;
	(pc) =	sbr.ind lr, $3  }
0x3a: {  	_ = 	snop  }
0x3b: {  	_ = 	snop  }
0x3c: {  	p2 =	seq.s32 s10, $0x1;
	s10 =	sld [smem:$0x3FAA]  }
0x3d: {  	_ =	shalt  }
0x3e: {  	_ =	shalt  }
0x3f: {  	_ =	shalt  }
0x40: {  	_ =	shalt  }
0x41: {  	_ =	shalt  }
0x42: {  	_ =	shalt  }
0x43: {  	_ =	shalt  }
0x44: {  	_ =	shalt  }
0x45: {  	_ =	shalt  }
0x46: {  	_ =	shalt  }
0x47: {  	_ =	shalt  }
0x48: {  	_ =	shalt  }
0x49: {  	_ =	shalt  }
0x4a: {  	_ =	shalt  }
0x4b: {  	_ =	shalt  }
0x4c: {  	_ =	shalt  }
0x4d: {  	_ =	shalt  }
0x4e: {  	_ =	shalt  }
0x4f: {  	_ =	shalt  }
0x50: {  	_ =	shalt  }
0x51: {  	_ =	shalt  }
0x52: {  	_ =	shalt  }
0x53: {  	_ =	shalt  }
0x54: {  	_ =	shalt  }
0x55: {  	_ =	shalt  }
0x56: {  	_ =	shalt  }
0x57: {  	_ =	shalt  }
0x58: {  	_ =	shalt  }
0x59: {  	_ =	shalt  }
0x5a: {  	_ =	shalt  }
0x5b: {  	_ =	shalt  }
0x5c: {  	_ =	shalt  }
0x5d: {  	_ =	shalt  }
0x5e: {  	_ =	shalt  }
0x5f: {  	_ =	shalt  }
0x60: {  	_ =	shalt  }
0x61: {  	_ =	shalt  }
0x62: {  	_ =	shalt  }
0x63: {  	_ =	shalt  }
0x64: {  	_ =	shalt  }
0x65: {  	_ =	shalt  }
0x66: {  	_ =	shalt  }
0x67: {  	_ =	shalt  }
0x68: {  	_ =	shalt  }
0x69: {  	_ =	shalt  }
0x6a: {  	_ =	shalt  }
0x6b: {  	_ =	shalt  }
0x6c: {  	_ =	shalt  }
0x6d: {  	_ =	shalt  }
0x6e: {  	_ =	shalt  }
0x6f: {  	_ =	shalt  }
0x70: {  	_ =	shalt  }
0x71: {  	_ =	shalt  }
0x72: {  	_ =	shalt  }
0x73: {  	_ =	shalt  }
0x74: {  	_ =	shalt  }
0x75: {  	_ =	shalt  }
0x76: {  	_ =	shalt  }
0x77: {  	_ =	shalt  }
0x78: {  	_ =	shalt  }
0x79: {  	_ =	shalt  }
0x7a: {  	_ =	shalt  }
0x7b: {  	_ =	shalt  }
0x7c: {  	_ =	shalt  }
0x7d: {  	_ =	shalt  }
0x7e: {  	_ =	shalt  }
0x7f: {  	_ =	shalt  }
0x80: {  	_ =	shalt  }
0x81: {  	_ =	shalt  }
0x82: {  	_ =	shalt  }
0x83: {  	_ =	shalt  }
0x84: {  	_ =	shalt  }
0x85: {  	_ =	shalt  }
0x86: {  	_ =	shalt  }
0x87: {  	_ =	shalt  }
.Lfunc_end0:
.L_simem_size_0:
called_computation.1_lowered:
.L_overlay_start_0:
0x88: {  	s2 =	sld [smem:$0x3FD9]  }
0x89: {  	s3 =	sld [smem:$0x3FFE];
	_ =	sdelay $0x1  }
0x8a: {  	s1 =	srdreg.scid  }
0x8b: {  	s0 =	sand.u32 $0x1, s1  }
0x8c: {  	s17 =	sshll.u32 s0, $0xA;
	s2 =	sadd.s32 s3, s2  }
0x8d: {  	s2 =	sadd.s32 s2, s17  }
0x8e: {  	[smem:$0x3FB6] =	sst s2  }
0x8f: {  	_ = 	snop  }
0x90: {  	s18 =	sld [smem:$0x3FC5]  }
0x91: {  	s4 =	sld [smem:$0x3FC4]  }
0x92: {  	s5 =	sld [smem:$0x3FD0];
	(tm) =	ssettm $0x1  }
0x93: {  	s19 =	sld [smem:$0x3FFB];
	_ =	sdelay $0x3  }
0x94: {  	_ =	strace s19  }
0x95: {  	s2 =	sld [smem:$0x3FFC];
	_ =	sdelay $0x3  }
0x96: {  	_ =	strace s2  }
0x97: {  	s2 =	sld [smem:$0x3FFD];
	_ =	sdelay $0x3  }
0x98: {  	_ =	strace s2  }
0x99: {  	_ =	strace $0x8FFFFFFF  }
0x9a: {  	s20 =	sld [smem:$0x3FDB];
	_ =	sdelay $0x1  }
0x9b: {  	s6 =	simm.s32 $_scs_section_size  }
0x9c: {  	s7 =	simm.s32 $_size__tile_overlayer_lowered;
	s8 =	simm.s32 $_tile_overlayer_lowered  }
0x9d: {  	s9 =	simm.s32 $0x1BFF;
	s21 =	sshll.u32 s8, $0x1;
	s6 =	sadd.s32 s6, s20  }
0x9e: {  	s22 =	simm.s32 $0x0;
	s7 =	sshll.u32 s7, $0x1;
	s8 =	sadd.s32 s21, s6  }
0x9f: {  	[timem:s22], [sflag:s9] =	dma.local [hbm:s8], s7  }
0xa0: {  	_ =	swait.ge [sflag:s9], s7  }
0xa1: {  	s7 =	ssub.s32 $0x0, s7;
	[sflag:s9] =	ssyncset.done $0x0  }
0xa2: {  	[sflag:s9] =	ssyncadd.s32 s7;
	_ =	sdelay $0x1  }
0xa3: {  	s23 =	simm.s32 $0x1B8B  }
0xa4: {  	_ =	swait.ge [sflag:s23], $0x1  }
0xa5: {  	[sflag:s23] =	ssyncset.done $0x0  }
0xa6: {  	[sflag:s23] =	ssyncadd.s32 $0xFFFFFFFF  }
0xa7: {  	s7 =	sld [smem:$0x0]  }
0xa8: {  	s8 =	sand.u32 $0xFFFFFFFE, s1  }
0xa9: {  	p0 =	sne.s32 s1, s8  }
0xaa: {  	s8 =	sshll.u32 @p0 s8, $0xE  }
0xab: {  	s8 =	sadd.s32 @p0 $0x11B8D, s8;
	s9 =	sshll.u32 @p0 s7, $0x11  }
0xac: {  	s8 =	sor.u32 @p0 s9, s8  }
0xad: {  	[sflag:s8] =	ssyncadd.remote.s32 @p0 $0x1;
	_ =	sdelay $0x1  }
0xae: {  	s8 =	simm.s32 @p0 $0x1B8D  }
0xaf: {  	_ =	swait.eq @p0 [sflag:s8], $0x1  }
0xb0: {  	[sflag:s8] =	ssyncadd.s32 @p0 $0xFFFFFFFF  }
0xb1: {  	s9 =	sshll.u32 @!p0 s1, $0xE  }
0xb2: {  	s9 =	sor.u32 @!p0 $0x4000, s9;
	s8 =	simm.s32 @!p0 $0x1B8D  }
0xb3: {  	s7 =	sshll.u32 @!p0 s7, $0x11;
	s9 =	sadd.s32 @!p0 $0x11B8D, s9;
	_ =	swait.eq @!p0 [sflag:s8], $0x1  }
0xb4: {  	s7 =	sor.u32 @!p0 s7, s9;
	[sflag:s8] =	ssyncadd.s32 @!p0 $0xFFFFFFFF  }
0xb5: {  	s25 =	simm.s32 $0x1B8E;
	s24 =	sld [smem:$0x3FFE];
	[sflag:s7] =	ssyncadd.remote.s32 @!p0 $0x1  }
0xb6: {  	s26 =	simm.s32 $execute0_lowered;
	[smem:$0x3FD2] =	sst s25  }
0xb7: {  	s8 =	sshll.u32 s26, $0x1;
	_ =	strace $0x80000049;
	[dreg:$0x1] =	wrdreg $0xFFFFFFFF  }
0xb8: {  	s28 =	simm.s32 $_size_execute0_lowered;
	s6 =	sadd.s32 s6, s8;
	[dreg:$0x0] =	wrdreg $0x0  }
0xb9: {  	s8 =	sshll.u32 s28, $0x1;
	[dreg:$0x2] =	wrdreg s6  }
0xba: {  	[dreg:$0x3] =	wrdreg s8  }
0xbb: {  	[dreg:$0x4] =	wrdreg $0xC0  }
0xbc: {  	_ =	task [dreg:s22], $0x5FFFF  }
0xbd: {  	[dreg:$0x1] =	wrdreg $0xFFFFFFFF  }
0xbe: {  	[dreg:$0x0] =	wrdreg $0x60  }
0xbf: {  	[dreg:$0x2] =	wrdreg s18  }
0xc0: {  	[dreg:$0x3] =	wrdreg s4  }
0xc1: {  	[dreg:$0x4] =	wrdreg s5  }
0xc2: {  	[dreg:$0x5] =	wrdreg s24  }
0xc3: {  	[dreg:$0x6] =	wrdreg $0xA  }
0xc4: {  	_ =	task.clear_ibuf [dreg:s22], $0x7FFFF;
	_ =	strace $0x90000049  }
0xc5: {  	s29 =	simm.s32 $0xA;
	_ =	strace $0x8000004B  }
0xc6: {  	_ =	swait.ge [sflag:s29], $0x1  }
0xc7: {  	[sflag:s29] =	ssyncadd.s32 $0xFFFFFFFF  }
0xc8: {  	_ =	strace $0x9000004B  }
0xc9: {  	_ =	sfence  }
0xca: {  	s30 =	sld [smem:$0x0];
	_ =	sdelay $0x2  }
0xcb: {  	s31 =	sshll.u32 s1, $0xD;
	s1 =	sshrl.u32 s1, $0x2  }
0xcc: {  	s4 =	sand.u32 $0x4000, s31;
	s1 =	sadd.s32 s1, s30  }
0xcd: {  	s0 =	sor.u32 s4, s0;
	s1 =	sshll.u32 s1, $0x11  }
0xce: {  	s0 =	sor.u32 s1, s0  }
0xcf: {  	s0 =	sadd.s32 $0x8F2B, s0  }
0xd0: {  	[sflag:s0] =	ssyncadd.remote.s32 $0x1  }
0xd1: {  	_ =	sfence.sel $0xFFFF  }
0xd2: {  	[dreg:$0x0] =	wrdreg $0xFFFFFFFF;
	(pc) =	sbr.abs _section_cstart, $3  }
0xd3: {  	[dreg:$0x1] =	wrdreg $0xFFFFFFFF  }
0xd4: {  	_ =	task.clear_ibuf [dreg:s22], $0x2FFFF;
	_ =	strace $0x9FFFFFFF  }
0xd5: {  	(tm) =	ssettm $0x7FFFFFFF  }
tec
execute0_lowered:
.L_overlay_start_1:
0x0: {  	(tag) =	ssettag $0x1  }
0x1: {  	s4 =	rddreg [dreg:$0x0];
	s1 =	srdreg.scid  }
0x2: {  	s5 =	rddreg [dreg:$0x1];
	s0 =	stileid.u32;
	s29 =	sand.u32 $0x1, s1  }
0x3: {  	s2 =	rddreg [dreg:$0x2];
	s6 =	sshll.u32 s0, $0xA;
	s7 =	sshll.u32 s29, $0x9  }
0x4: {  	s12 =	rddreg [dreg:$0x3];
	s3 =	simm.s32 $0x0;
	s11 =	sor.u32 s7, s6  }
0x5: {  	[smem:$0x7FF] =	sst s3;
	s6 =	sshrl.u32 s11, $0x3  }
0x6: {  	s1 =	rddreg [dreg:$0x4];
	_ =	strace $0x8000004A;
	s4 =	sadd.s32 s4, s6  }
0x7: {  	[tilespmem:s3], [sflag:$0x1] =	stream.linear.gather [hbm4b:s4+s3], $0x200, $0x38;
	[tilespmem:$0x4400] =	vst v63  }
0x8: {  	s7 =	simm.s32 $0x1;
	s5 =	sadd.s32 s5, s6;
	s6 =	simm.s32 $0x200  }
0x9: {  	[tilespmem:s6], [sflag:$0x1] =	stream.linear.gather [hbm4b:s5+s3], $0x200, $0x38;
	[tilespmem:$0x4400] =	vst v63  }
0xa: {  	_ =	swait.ge [sflag:s7], $0x200  }
0xb: {  	[sflag:s7] =	ssyncset.done $0x0  }
0xc: {  	[sflag:s7] =	ssyncadd.s32 $0xFFFFFE00  }
0xd: {  	_ =	swait.ge [sflag:s7], $0x200  }
0xe: {  	[sflag:s7] =	ssyncset.done $0x0  }
0xf: {  	s8 =	simm.s32 $0x80;
	s9 =	simm.s32 $0x400;
	[sflag:s7] =	ssyncadd.s32 $0xFFFFFE00  }
0x10: {  	[tilespmem:s9], [sflag:$0x1] =	stream.indirect.gather [hbm4b:s2+s8], $0x40, s3, s8, $0xb8;
	[tilespmem:$0x4400] =	vst v63  }
0x11: {  	s10 =	sadd.s32 $0x86200, s12;
	s13 =	sshll.u32 s11, $0x4;
	s11 =	simm.s32 $0x2400  }
0x12: {  	[tilespmem:s11], [sflag:$0x2] =	stream.indirect.gather [hbm4b:s10+s8], $0x40, s6, s8, $0xb8;
	[tilespmem:$0x4400] =	vst v63  }
0x13: {  	_ =	swait.ge [sflag:s7], $0x2000  }
0x14: {  	s14 =	simm.s32 $0x3;
	s30 =	sadd.s32 s13, s12;
	[sflag:s7] =	ssyncset.done $0x0  }
0x15: {  	s13 =	simm.s32 $0x40;
	s12 =	sadd.s32 $0x88200, s30;
	[sflag:s7] =	ssyncadd.s32 $0xFFFFE000  }
0x16: {  	[hbm4b:s12+s13] =	stream.strided.scatter [tilespmem:s9], [sflag:$0x3], $0x2000, s8, s13, $0x38;
	[tilespmem:$0x4400] =	vst v63  }
0x17: {  	_ =	swait.ge [sflag:s14], $0x2000  }
0x18: {  	[sflag:s14] =	ssyncset.done $0x0  }
0x19: {  	s15 =	simm.s32 $0x2;
	[sflag:s14] =	ssyncadd.s32 $0xFFFFE000  }
0x1a: {  	[tilespmem:s9], [sflag:$0x1] =	stream.indirect.gather [hbm4b:s2+s8], $0x40, s8, s8, $0xb8;
	[tilespmem:$0x4400] =	vst v63  }
0x1b: {  	_ =	swait.ge [sflag:s15], $0x2000  }
0x1c: {  	[sflag:s15] =	ssyncset.done $0x0  }
0x1d: {  	s16 =	simm.s32 $0x4;
	s17 =	sadd.s32 $0x88208, s30;
	[sflag:s15] =	ssyncadd.s32 $0xFFFFE000  }
0x1e: {  	[hbm4b:s17+s13] =	stream.strided.scatter [tilespmem:s11], [sflag:$0x4], $0x2000, s8, s13, $0x38;
	[tilespmem:$0x4400] =	vst v63  }
0x1f: {  	_ =	swait.ge [sflag:s16], $0x2000  }
0x20: {  	[sflag:s16] =	ssyncset.done $0x0  }
0x21: {  	s18 =	simm.s32 $0x280;
	[sflag:s16] =	ssyncadd.s32 $0xFFFFE000  }
0x22: {  	[tilespmem:s11], [sflag:$0x2] =	stream.indirect.gather [hbm4b:s10+s8], $0x40, s18, s8, $0xb8;
	[tilespmem:$0x4400] =	vst v63  }
0x23: {  	_ =	swait.ge [sflag:s7], $0x2000  }
0x24: {  	[sflag:s7] =	ssyncset.done $0x0  }
0x25: {  	s19 =	sadd.s32 $0x88A00, s30;
	[sflag:s7] =	ssyncadd.s32 $0xFFFFE000  }
0x26: {  	[hbm4b:s19+s13] =	stream.strided.scatter [tilespmem:s9], [sflag:$0x3], $0x2000, s8, s13, $0x38;
	[tilespmem:$0x4400] =	vst v63  }
0x27: {  	_ =	swait.ge [sflag:s14], $0x2000  }
0x28: {  	[sflag:s14] =	ssyncset.done $0x0  }
0x29: {  	s20 =	simm.s32 $0x100;
	[sflag:s14] =	ssyncadd.s32 $0xFFFFE000  }
0x2a: {  	[tilespmem:s9], [sflag:$0x1] =	stream.indirect.gather [hbm4b:s2+s8], $0x40, s20, s8, $0xb8;
	[tilespmem:$0x4400] =	vst v63  }
0x2b: {  	_ =	swait.ge [sflag:s15], $0x2000  }
0x2c: {  	[sflag:s15] =	ssyncset.done $0x0  }
0x2d: {  	s21 =	sadd.s32 $0x88A08, s30;
	[sflag:s15] =	ssyncadd.s32 $0xFFFFE000  }
0x2e: {  	[hbm4b:s21+s13] =	stream.strided.scatter [tilespmem:s11], [sflag:$0x4], $0x2000, s8, s13, $0x38;
	[tilespmem:$0x4400] =	vst v63  }
0x2f: {  	_ =	swait.ge [sflag:s16], $0x2000  }
0x30: {  	[sflag:s16] =	ssyncset.done $0x0  }
0x31: {  	s22 =	simm.s32 $0x300;
	[sflag:s16] =	ssyncadd.s32 $0xFFFFE000  }
0x32: {  	[tilespmem:s11], [sflag:$0x2] =	stream.indirect.gather [hbm4b:s10+s8], $0x40, s22, s8, $0xb8;
	[tilespmem:$0x4400] =	vst v63  }
0x33: {  	_ =	swait.ge [sflag:s7], $0x2000  }
0x34: {  	[sflag:s7] =	ssyncset.done $0x0  }
0x35: {  	s23 =	sadd.s32 $0x89200, s30;
	[sflag:s7] =	ssyncadd.s32 $0xFFFFE000  }
0x36: {  	[hbm4b:s23+s13] =	stream.strided.scatter [tilespmem:s9], [sflag:$0x3], $0x2000, s8, s13, $0x38;
	[tilespmem:$0x4400] =	vst v63  }
0x37: {  	_ =	swait.ge [sflag:s14], $0x2000  }
0x38: {  	[sflag:s14] =	ssyncset.done $0x0  }
0x39: {  	s24 =	simm.s32 $0x180;
	[sflag:s14] =	ssyncadd.s32 $0xFFFFE000  }
0x3a: {  	[tilespmem:s9], [sflag:$0x1] =	stream.indirect.gather [hbm4b:s2+s8], $0x40, s24, s8, $0xb8;
	[tilespmem:$0x4400] =	vst v63  }
0x3b: {  	_ =	swait.ge [sflag:s15], $0x2000  }
0x3c: {  	[sflag:s15] =	ssyncset.done $0x0  }
0x3d: {  	s25 =	sadd.s32 $0x89208, s30;
	[sflag:s15] =	ssyncadd.s32 $0xFFFFE000  }
0x3e: {  	[hbm4b:s25+s13] =	stream.strided.scatter [tilespmem:s11], [sflag:$0x4], $0x2000, s8, s13, $0x38;
	[tilespmem:$0x4400] =	vst v63  }
0x3f: {  	_ =	swait.ge [sflag:s16], $0x2000  }
0x40: {  	[sflag:s16] =	ssyncset.done $0x0  }
0x41: {  	s26 =	simm.s32 $0x380;
	[sflag:s16] =	ssyncadd.s32 $0xFFFFE000  }
0x42: {  	[tilespmem:s11], [sflag:$0x2] =	stream.indirect.gather [hbm4b:s10+s8], $0x40, s26, s8, $0xb8;
	[tilespmem:$0x4400] =	vst v63  }
0x43: {  	_ =	swait.ge [sflag:s7], $0x2000  }
0x44: {  	s31 =	ssub.s32 $0x2, s29;
	s28 =	sadd.s32 $0x89A00, s30;
	[sflag:s7] =	ssyncset.done $0x0  }
0x45: {  	s29 =	sadd.s32 $0x89A08, s30;
	s30 =	sshrl.u32 s31, $0x1;
	[sflag:s7] =	ssyncadd.s32 $0xFFFFE000  }
0x46: {  	[hbm4b:s28+s13] =	stream.strided.scatter [tilespmem:s9], [sflag:$0x3], $0x2000, s8, s13, $0x38;
	[tilespmem:$0x4400] =	vst v63  }
0x47: {  	s30 =	ssub.s32 s31, s30;
	_ =	swait.ge [sflag:s15], $0x2000  }
0x48: {  	s30 =	smax.u32 s30, $0x1;
	[sflag:s15] =	ssyncset.done $0x0  }
0x49: {  	p0 =	sne.s32 s30, $0x1;
	[sflag:s15] =	ssyncadd.s32 $0xFFFFE000  }
0x4a: {  	[hbm4b:s29+s13] =	stream.strided.scatter [tilespmem:s11], [sflag:$0x4], $0x2000, s8, s13, $0x38;
	[tilespmem:$0x4400] =	vst v63  }
.Ltmp0:
0x4b: {  	_ =	swait.ge [sflag:s14], $0x2000;
	(pc) =	sbr.rel @!p0 .LBB2_2-.Ltmp0, $4  }
0x4c: {  	[sflag:s14] =	ssyncset.done $0x0  }
0x4d: {  	[sflag:s14] =	ssyncadd.s32 $0xFFFFE000  }
0x4e: {  	_ =	swait.ge [sflag:s16], $0x2000  }
0x4f: {  	s30 =	sadd.s32 $0xFFFFFFFF, s30;
	[sflag:s16] =	ssyncset.done $0x0  }
.LBB2_1:
0x50: {  	p0 =	sne.s32 s30, $0x1;
	s30 =	sadd.s32 $0xFFFFFFFF, s30;
	[sflag:s16] =	ssyncadd.s32 $0xFFFFE000  }
0x51: {  	[tilespmem:s3], [sflag:$0x1] =	stream.linear.gather [hbm4b:s4+s3], $0x200, $0x38;
	[tilespmem:$0x4400] =	vst v63  }
0x52: {  	_ = 	snop  }
0x53: {  	[tilespmem:s6], [sflag:$0x1] =	stream.linear.gather [hbm4b:s5+s3], $0x200, $0x38;
	[tilespmem:$0x4400] =	vst v63  }
0x54: {  	_ =	swait.ge [sflag:s7], $0x200  }
0x55: {  	[sflag:s7] =	ssyncset.done $0x0  }
0x56: {  	[sflag:s7] =	ssyncadd.s32 $0xFFFFFE00  }
0x57: {  	_ =	swait.ge [sflag:s7], $0x200  }
0x58: {  	[sflag:s7] =	ssyncset.done $0x0  }
0x59: {  	[sflag:s7] =	ssyncadd.s32 $0xFFFFFE00  }
0x5a: {  	[tilespmem:s9], [sflag:$0x1] =	stream.indirect.gather [hbm4b:s2+s8], $0x40, s3, s8, $0xb8;
	[tilespmem:$0x4400] =	vst v63  }
0x5b: {  	_ = 	snop  }
0x5c: {  	[tilespmem:s11], [sflag:$0x2] =	stream.indirect.gather [hbm4b:s10+s8], $0x40, s6, s8, $0xb8;
	[tilespmem:$0x4400] =	vst v63  }
0x5d: {  	_ =	swait.ge [sflag:s7], $0x2000  }
0x5e: {  	[sflag:s7] =	ssyncset.done $0x0  }
0x5f: {  	[sflag:s7] =	ssyncadd.s32 $0xFFFFE000  }
0x60: {  	[hbm4b:s12+s13] =	stream.strided.scatter [tilespmem:s9], [sflag:$0x3], $0x2000, s8, s13, $0x38;
	[tilespmem:$0x4400] =	vst v63  }
0x61: {  	_ =	swait.ge [sflag:s14], $0x2000  }
0x62: {  	[sflag:s14] =	ssyncset.done $0x0  }
0x63: {  	[sflag:s14] =	ssyncadd.s32 $0xFFFFE000  }
0x64: {  	[tilespmem:s9], [sflag:$0x1] =	stream.indirect.gather [hbm4b:s2+s8], $0x40, s8, s8, $0xb8;
	[tilespmem:$0x4400] =	vst v63  }
0x65: {  	_ =	swait.ge [sflag:s15], $0x2000  }
0x66: {  	[sflag:s15] =	ssyncset.done $0x0  }
0x67: {  	[sflag:s15] =	ssyncadd.s32 $0xFFFFE000  }
0x68: {  	[hbm4b:s17+s13] =	stream.strided.scatter [tilespmem:s11], [sflag:$0x4], $0x2000, s8, s13, $0x38;
	[tilespmem:$0x4400] =	vst v63  }
0x69: {  	_ =	swait.ge [sflag:s16], $0x2000  }
0x6a: {  	[sflag:s16] =	ssyncset.done $0x0  }
0x6b: {  	[sflag:s16] =	ssyncadd.s32 $0xFFFFE000  }
0x6c: {  	[tilespmem:s11], [sflag:$0x2] =	stream.indirect.gather [hbm4b:s10+s8], $0x40, s18, s8, $0xb8;
	[tilespmem:$0x4400] =	vst v63  }
0x6d: {  	_ =	swait.ge [sflag:s7], $0x2000  }
0x6e: {  	[sflag:s7] =	ssyncset.done $0x0  }
0x6f: {  	[sflag:s7] =	ssyncadd.s32 $0xFFFFE000  }
0x70: {  	[hbm4b:s19+s13] =	stream.strided.scatter [tilespmem:s9], [sflag:$0x3], $0x2000, s8, s13, $0x38;
	[tilespmem:$0x4400] =	vst v63  }
0x71: {  	_ =	swait.ge [sflag:s14], $0x2000  }
0x72: {  	[sflag:s14] =	ssyncset.done $0x0  }
0x73: {  	[sflag:s14] =	ssyncadd.s32 $0xFFFFE000  }
0x74: {  	[tilespmem:s9], [sflag:$0x1] =	stream.indirect.gather [hbm4b:s2+s8], $0x40, s20, s8, $0xb8;
	[tilespmem:$0x4400] =	vst v63  }
0x75: {  	_ =	swait.ge [sflag:s15], $0x2000  }
0x76: {  	[sflag:s15] =	ssyncset.done $0x0  }
0x77: {  	[sflag:s15] =	ssyncadd.s32 $0xFFFFE000  }
0x78: {  	[hbm4b:s21+s13] =	stream.strided.scatter [tilespmem:s11], [sflag:$0x4], $0x2000, s8, s13, $0x38;
	[tilespmem:$0x4400] =	vst v63  }
0x79: {  	_ =	swait.ge [sflag:s16], $0x2000  }
0x7a: {  	[sflag:s16] =	ssyncset.done $0x0  }
0x7b: {  	[sflag:s16] =	ssyncadd.s32 $0xFFFFE000  }
0x7c: {  	[tilespmem:s11], [sflag:$0x2] =	stream.indirect.gather [hbm4b:s10+s8], $0x40, s22, s8, $0xb8;
	[tilespmem:$0x4400] =	vst v63  }
0x7d: {  	_ =	swait.ge [sflag:s7], $0x2000  }
0x7e: {  	[sflag:s7] =	ssyncset.done $0x0  }
0x7f: {  	[sflag:s7] =	ssyncadd.s32 $0xFFFFE000  }
0x80: {  	[hbm4b:s23+s13] =	stream.strided.scatter [tilespmem:s9], [sflag:$0x3], $0x2000, s8, s13, $0x38;
	[tilespmem:$0x4400] =	vst v63  }
0x81: {  	_ =	swait.ge [sflag:s14], $0x2000  }
0x82: {  	[sflag:s14] =	ssyncset.done $0x0  }
0x83: {  	[sflag:s14] =	ssyncadd.s32 $0xFFFFE000  }
0x84: {  	[tilespmem:s9], [sflag:$0x1] =	stream.indirect.gather [hbm4b:s2+s8], $0x40, s24, s8, $0xb8;
	[tilespmem:$0x4400] =	vst v63  }
0x85: {  	_ =	swait.ge [sflag:s15], $0x2000  }
0x86: {  	[sflag:s15] =	ssyncset.done $0x0  }
0x87: {  	[sflag:s15] =	ssyncadd.s32 $0xFFFFE000  }
0x88: {  	[hbm4b:s25+s13] =	stream.strided.scatter [tilespmem:s11], [sflag:$0x4], $0x2000, s8, s13, $0x38;
	[tilespmem:$0x4400] =	vst v63  }
0x89: {  	_ =	swait.ge [sflag:s16], $0x2000  }
0x8a: {  	[sflag:s16] =	ssyncset.done $0x0  }
0x8b: {  	[sflag:s16] =	ssyncadd.s32 $0xFFFFE000  }
0x8c: {  	[tilespmem:s11], [sflag:$0x2] =	stream.indirect.gather [hbm4b:s10+s8], $0x40, s26, s8, $0xb8;
	[tilespmem:$0x4400] =	vst v63  }
0x8d: {  	_ =	swait.ge [sflag:s7], $0x2000  }
0x8e: {  	[sflag:s7] =	ssyncset.done $0x0  }
0x8f: {  	[sflag:s7] =	ssyncadd.s32 $0xFFFFE000  }
0x90: {  	[hbm4b:s28+s13] =	stream.strided.scatter [tilespmem:s9], [sflag:$0x3], $0x2000, s8, s13, $0x38;
	[tilespmem:$0x4400] =	vst v63  }
0x91: {  	_ =	swait.ge [sflag:s15], $0x2000  }
0x92: {  	[sflag:s15] =	ssyncset.done $0x0  }
0x93: {  	[sflag:s15] =	ssyncadd.s32 $0xFFFFE000  }
0x94: {  	[hbm4b:s29+s13] =	stream.strided.scatter [tilespmem:s11], [sflag:$0x4], $0x2000, s8, s13, $0x38;
	[tilespmem:$0x4400] =	vst v63  }
.Ltmp1:
0x95: {  	_ =	swait.ge [sflag:s14], $0x2000;
	(pc) =	sbr.rel @p0 .LBB2_1-.Ltmp1, $4  }
0x96: {  	[sflag:s14] =	ssyncset.done $0x0  }
0x97: {  	[sflag:s14] =	ssyncadd.s32 $0xFFFFE000  }
0x98: {  	_ =	swait.ge [sflag:s16], $0x2000  }
0x99: {  	[sflag:s16] =	ssyncset.done $0x0  }
.LBB2_2:
0x9a: {  	[sflag:s16] =	ssyncadd.s32 $0xFFFFE000  }
0x9b: {  	_ =	sfence.sel $0x180000  }
0x9c: {  	[bflag:$0x0] =	sbarrier.arrive $0xFFFF  }
0x9d: {  	p0 =	sne.s32 s0, $0x0;
	_ =	strace $0x9000004A  }
0x9e: {  	s0 =	sadd.s32 @!p0 $0x100000, s1;
	[bflag:$0x2] =	sbarrier.arrive $0xFFFF  }
0x9f: {  	[sflag:s0] =	ssyncadd.tile.s32 @!p0 $0x1;
	_ =	shalt  }
.Lfunc_end2:
_tile_overlayer_lowered:
.L_overlay_start_2:
0xa0: {  	(tag) =	ssettag $0x2  }
0xa1: {  	s0 =	rddreg [dreg:$0x0];
	s2 =	stileid.u32  }
0xa2: {  	s1 =	rddreg [dreg:$0x1];
	p0 =	sne.s32 s2, $0x0  }
0xa3: {  	s3 =	rddreg [dreg:$0x2];
	[bflag:$0x3] =	sbarrier.arrive $0xFFFF;
	s2 =	simm.s32 @!p0 $0x1C05  }
0xa4: {  	[timem:s3], [sflag:s2] =	dma.local @!p0 [hbm:s0], s1  }
0xa5: {  	s0 =	simm.s32 @!p0 $0x5  }
0xa6: {  	_ =	swait.ge @!p0 [sflag:s0], s1  }
0xa7: {  	s1 =	ssub.s32 @!p0 $0x0, s1;
	[sflag:s0] =	ssyncset.done @!p0 $0x0  }
0xa8: {  	[sflag:s0] =	ssyncadd.s32 @!p0 s1  }
0xa9: {  	[bflag:$0x3] =	sbarrier.arrive $0xFFFF  }
0xaa: {  	_ =	shalt  }

</sc_bundles>
